<compile_context>
chip_gen: v7x
topology: tpu7x:2x2x1
jax: 0.10.2.dev20260603
libtpu: 0.0.44.dev20260713+nightly
codegen_flags: <defaults>
</compile_context>

<pallas_src>
import functools

import jax
import jax.numpy as jnp
from jax import lax
from jax.experimental import pallas as pl
from jax.experimental.pallas import tpu as pltpu
from jax.experimental.pallas import tpu_sc as plsc

N = 10000
E = 320000
NB = 64
HD = 128
KTOP = 30
TOT = 513
PADW = 640
NPAD = 10240
SENT = 10000

NC = 2
NS = 16
NW = NC * NS
EW = E // NW
CH = 128
NCHUNK = EW // CH
REM = EW - NCHUNK * CH
RPT = NPAD // NS

GN = NB * 32
GPW = GN // NW

RB = 1000
NGRID = N // RB


def _sc_mesh():
  return plsc.VectorSubcoreMesh(core_axis_name="c", subcore_axis_name="s",
                                num_cores=NC, num_subcores=NS)


def _make_sc_agg(width):

  @functools.partial(
      pl.kernel,
      out_type=jax.ShapeDtypeStruct((NC, NPAD, width), jnp.float32),
      mesh=_sc_mesh(),
      scratch_types=[
          pltpu.VMEM((CH,), jnp.int32),
          pltpu.VMEM((CH,), jnp.int32),
          pltpu.VMEM((CH, width), jnp.float32),
          pltpu.VMEM((REM,), jnp.int32),
          pltpu.VMEM((REM,), jnp.int32),
          pltpu.VMEM((REM, width), jnp.float32),
          pltpu.VMEM_SHARED((NPAD, width), jnp.float32),
          pltpu.SemaphoreType.DMA,
      ],
  )
  def agg(table, src, dst, zeros, out, sidx, didx, rows, sidx_r, didx_r,
          rows_r, acc, sem):
    cid = lax.axis_index("c")
    sid = lax.axis_index("s")
    wid = sid * NC + cid

    @pl.when(cid == 0)
    def _():
      pltpu.sync_copy(table.at[pl.ds(sid * RPT, RPT)],
                      acc.at[pl.ds(sid * RPT, RPT)])

    @pl.when(cid != 0)
    def _():
      pltpu.sync_copy(zeros.at[pl.ds(sid * RPT, RPT)],
                      acc.at[pl.ds(sid * RPT, RPT)])

    plsc.subcore_barrier()

    ebase = wid * EW

    def body(i, carry):
      base = ebase + i * CH
      pltpu.sync_copy(src.at[pl.ds(base, CH)], sidx)
      pltpu.sync_copy(dst.at[pl.ds(base, CH)], didx)
      pltpu.async_copy(table.at[sidx], rows, sem).wait()
      pltpu.sync_copy(rows, acc.at[didx], add=True)
      return carry

    lax.fori_loop(0, NCHUNK, body, 0)

    if REM:
      base = ebase + NCHUNK * CH
      pltpu.sync_copy(src.at[pl.ds(base, REM)], sidx_r)
      pltpu.sync_copy(dst.at[pl.ds(base, REM)], didx_r)
      pltpu.async_copy(table.at[sidx_r], rows_r, sem).wait()
      pltpu.sync_copy(rows_r, acc.at[didx_r], add=True)

    plsc.subcore_barrier()
    pltpu.sync_copy(acc.at[pl.ds(sid * RPT, RPT)],
                    out.at[cid, pl.ds(sid * RPT, RPT)])

  return agg


@functools.lru_cache(maxsize=None)
def _get_sc_agg(width):
  return _make_sc_agg(width)


@functools.lru_cache(maxsize=None)
def _get_sc_gather():
  @functools.partial(
      pl.kernel,
      out_type=jax.ShapeDtypeStruct((GN, PADW), jnp.float32),
      mesh=_sc_mesh(),
      scratch_types=[
          pltpu.VMEM((GPW,), jnp.int32),
          pltpu.VMEM((GPW, PADW), jnp.float32),
          pltpu.SemaphoreType.DMA,
      ],
  )
  def gather(zt, idx, out, idxv, rows, sem):
    cid = lax.axis_index("c")
    sid = lax.axis_index("s")
    wid = sid * NC + cid
    base = wid * GPW
    pltpu.sync_copy(idx.at[pl.ds(base, GPW)], idxv)
    pltpu.async_copy(zt.at[idxv], rows, sem).wait()
    pltpu.sync_copy(rows, out.at[pl.ds(base, GPW)])

  return gather


EG = E + N
EGPAD = 330240
GPW2 = EGPAD // NW


@functools.lru_cache(maxsize=None)
def _get_sc_gather_xw():
  nch = GPW2 // CH
  rem = GPW2 - nch * CH

  @functools.partial(
      pl.kernel,
      out_type=jax.ShapeDtypeStruct((EGPAD, HD), jnp.float32),
      mesh=_sc_mesh(),
      scratch_types=[
          pltpu.VMEM((CH,), jnp.int32),
          pltpu.VMEM((CH, HD), jnp.float32),
          pltpu.VMEM((rem,), jnp.int32),
          pltpu.VMEM((rem, HD), jnp.float32),
          pltpu.SemaphoreType.DMA,
      ],
  )
  def gather(xt, idx, out, idxv, rows, idxr, rowsr, sem):
    cid = lax.axis_index("c")
    sid = lax.axis_index("s")
    wid = sid * NC + cid
    base = wid * GPW2

    def body(i, carry):
      o = base + i * CH
      pltpu.sync_copy(idx.at[pl.ds(o, CH)], idxv)
      pltpu.async_copy(xt.at[idxv], rows, sem).wait()
      pltpu.sync_copy(rows, out.at[pl.ds(o, CH)])
      return carry

    lax.fori_loop(0, nch, body, 0)
    o = base + nch * CH
    pltpu.sync_copy(idx.at[pl.ds(o, rem)], idxr)
    pltpu.async_copy(xt.at[idxr], rowsr, sem).wait()
    pltpu.sync_copy(rowsr, out.at[pl.ds(o, rem)])

  return gather


def _prep_body(deg2_ref, x_ref, w_ref, dinv_ref, xw_ref):
  deg = deg2_ref[0] + deg2_ref[1]
  dinv = lax.rsqrt(deg[:, 0:1])
  dinv_ref[...] = jnp.broadcast_to(dinv, (RB, 8))
  xw_ref[...] = jnp.dot(x_ref[...], w_ref[...],
                        preferred_element_type=jnp.float32)


def _tc_prep(deg2, x, w0):
  return pl.pallas_call(
      _prep_body,
      grid=(NGRID,),
      in_specs=[
          pl.BlockSpec((NC, RB, HD), lambda i: (0, i, 0)),
          pl.BlockSpec((RB, HD), lambda i: (i, 0)),
          pl.BlockSpec((HD, HD), lambda i: (0, 0)),
      ],
      out_specs=[
          pl.BlockSpec((RB, 8), lambda i: (i, 0)),
          pl.BlockSpec((RB, HD), lambda i: (i, 0)),
      ],
      out_shape=[
          jax.ShapeDtypeStruct((N, 8), jnp.float32),
          jax.ShapeDtypeStruct((N, HD), jnp.float32),
      ],
  )(deg2, x, w0)


def _combine_body(agg_ref, b_ref, w_ref, h_ref, xw_ref):
  h = jnp.tanh(agg_ref[...] + b_ref[...])
  h_ref[...] = h
  xw_ref[...] = jnp.dot(h, w_ref[...], preferred_element_type=jnp.float32)


def _tc_combine(agg, b_prev, w_next):
  return pl.pallas_call(
      _combine_body,
      grid=(NGRID,),
      in_specs=[
          pl.BlockSpec((RB, HD), lambda i: (i, 0)),
          pl.BlockSpec((1, HD), lambda i: (0, 0)),
          pl.BlockSpec((HD, HD), lambda i: (0, 0)),
      ],
      out_specs=[
          pl.BlockSpec((RB, HD), lambda i: (i, 0)),
          pl.BlockSpec((RB, HD), lambda i: (i, 0)),
      ],
      out_shape=[
          jax.ShapeDtypeStruct((N, HD), jnp.float32),
          jax.ShapeDtypeStruct((N, HD), jnp.float32),
      ],
  )(agg, b_prev.reshape(1, HD), w_next)


def _tanh_add_body(agg_ref, b_ref, h_ref):
  h_ref[...] = jnp.tanh(agg_ref[...] + b_ref[...])


def _tc_tanh_add(agg, b_prev):
  return pl.pallas_call(
      _tanh_add_body,
      grid=(NGRID,),
      in_specs=[
          pl.BlockSpec((RB, HD), lambda i: (i, 0)),
          pl.BlockSpec((1, HD), lambda i: (0, 0)),
      ],
      out_specs=pl.BlockSpec((RB, HD), lambda i: (i, 0)),
      out_shape=jax.ShapeDtypeStruct((N, HD), jnp.float32),
  )(agg, b_prev.reshape(1, HD))


KROWS = NPAD // HD


def _topk_body(key_ref, batch_ref, out_ref):
  b = pl.program_id(0)
  kv = key_ref[...]
  mask = batch_ref[...] == b
  cnt = jnp.sum(mask.astype(jnp.int32))
  wk = jnp.where(mask, kv, -jnp.inf)
  gidx = (lax.broadcasted_iota(jnp.int32, (KROWS, HD), 0) * HD
          + lax.broadcasted_iota(jnp.int32, (KROWS, HD), 1))
  ids = []
  for j in range(KTOP):
    m = jnp.max(wk)
    am = jnp.min(jnp.where(wk == m, gidx, jnp.int32(2**30)))
    ids.append(jnp.where(j < cnt, am, SENT))
    wk = jnp.where(gidx == am, -jnp.inf, wk)
  lanes = lax.broadcasted_iota(jnp.int32, (1, 1, 32), 2)
  acc = jnp.full((1, 1, 32), SENT, jnp.int32)
  for j, v in enumerate(ids):
    acc = jnp.where(lanes == j, v, acc)
  out_ref[...] = acc


def _tc_topk(key2d, batch2d):
  return pl.pallas_call(
      _topk_body,
      grid=(NB,),
      in_specs=[
          pl.BlockSpec((KROWS, HD), lambda b: (0, 0)),
          pl.BlockSpec((KROWS, HD), lambda b: (0, 0)),
      ],
      out_specs=pl.BlockSpec((1, 1, 32), lambda b: (b, 0, 0)),
      out_shape=jax.ShapeDtypeStruct((NB, 1, 32), jnp.int32),
  )(key2d, batch2d)


C1 = 16
C2 = 32
KS = 5
L1 = KTOP - KS + 1
LP = L1 // 2
L2 = LP - KS + 1
DH = 128


def _cnn_body(p_ref, w1_ref, cb1_ref, w2_ref, cb2_ref, d1_ref, db1_ref,
              d2_ref, db2_ref, out_ref):
  P = p_ref[0]
  o1 = cb1_ref[...]
  acc1 = jnp.zeros((L1, C1), jnp.float32)
  for k in range(KS):
    acc1 = acc1 + jnp.dot(P[k:k + L1, :], w1_ref[k],
                          preferred_element_type=jnp.float32)
  o1 = jax.nn.relu(acc1 + o1)
  rows = [jnp.maximum(o1[2 * t:2 * t + 1, :], o1[2 * t + 1:2 * t + 2, :])
          for t in range(LP)]
  p1 = jnp.concatenate(rows, axis=0)
  acc2 = jnp.zeros((L2, C2), jnp.float32)
  for k in range(KS):
    acc2 = acc2 + jnp.dot(p1[k:k + L2, :], w2_ref[k],
                          preferred_element_type=jnp.float32)
  o2 = jax.nn.relu(acc2 + cb2_ref[...])
  accd = jnp.zeros((1, DH), jnp.float32)
  for t in range(L2):
    accd = accd + jnp.dot(o2[t:t + 1, :], d1_ref[t * C2:(t + 1) * C2, :],
                          preferred_element_type=jnp.float32)
  h = jax.nn.relu(accd + db1_ref[...])
  out_ref[0] = jnp.dot(h, d2_ref[...],
                       preferred_element_type=jnp.float32) + db2_ref[...]


def _tc_cnn(pooled, w1m, cb1, w2m, cb2, dw1p, db1, dw2p, db2p):
  return pl.pallas_call(
      _cnn_body,
      grid=(NB,),
      in_specs=[
          pl.BlockSpec((1, 32, PADW), lambda b: (b, 0, 0)),
          pl.BlockSpec((KS, PADW, C1), lambda b: (0, 0, 0)),
          pl.BlockSpec((1, C1), lambda b: (0, 0)),
          pl.BlockSpec((KS, C1, C2), lambda b: (0, 0, 0)),
          pl.BlockSpec((1, C2), lambda b: (0, 0)),
          pl.BlockSpec((L2 * C2, DH), lambda b: (0, 0)),
          pl.BlockSpec((1, DH), lambda b: (0, 0)),
          pl.BlockSpec((DH, 16), lambda b: (0, 0)),
          pl.BlockSpec((1, 16), lambda b: (0, 0)),
      ],
      out_specs=pl.BlockSpec((1, 1, 16), lambda b: (b, 0, 0)),
      out_shape=jax.ShapeDtypeStruct((NB, 1, 16), jnp.float32),
  )(pooled, w1m, cb1, w2m, cb2, dw1p, db1, dw2p, db2p)


def _pad_nodes(a):
  return jnp.pad(a, ((0, NPAD - N), (0, 0)))


def kernel(x, edge_index, batch, W0, b0, W1, b1, W2, b2, W3, b3, cw1, cb1,
           cw2, cb2, dw1, db1, dw2, db2):
  src = edge_index[0]
  dst = edge_index[1]
  loop = jnp.arange(N, dtype=src.dtype)
  s_full = jnp.concatenate([src, loop])
  d_full = jnp.concatenate([dst, loop])
  s_pad = jnp.pad(s_full, (0, EGPAD - EG))

  zeros128 = jnp.zeros((NPAD, HD), jnp.float32)
  ones128 = jnp.pad(jnp.ones((N, HD), jnp.float32), ((0, NPAD - N), (0, 0)))

  sc_agg128 = _get_sc_agg(HD)
  sc_gxw = _get_sc_gather_xw()

  deg2 = sc_agg128(ones128, src, dst, zeros128)[:, :N]

  dinv8, xw = _tc_prep(deg2, x, W0)
  dinv = dinv8[:, 0]
  norm = dinv[s_full] * dinv[d_full]

  hs = []
  bs = [b0, b1, b2]
  ws = [W1, W2]
  for i in range(3):
    hg = sc_gxw(_pad_nodes(xw), s_pad)[:EG]
    msgs = hg * norm[:, None]
    agg = jax.ops.segment_sum(msgs, d_full, num_segments=N)
    if i < 2:
      h, xw = _tc_combine(agg, bs[i], ws[i])
    else:
      h = _tc_tanh_add(agg, bs[i])
    hs.append(h)
  h1, h2, h3 = hs

  xw3 = (h3 @ W3)[:, 0]
  key = jax.ops.segment_sum(xw3[s_full] * norm, d_full,
                            num_segments=N) + b3[0]

  z = jnp.concatenate(
      [x, h1, h2, h3, key[:, None],
       jnp.zeros((N, PADW - TOT), jnp.float32)], axis=1)
  zp = _pad_nodes(z)

  keyp = jnp.pad(key, (0, NPAD - N)).reshape(KROWS, HD)
  batchp = jnp.pad(batch, (0, NPAD - N),
                   constant_values=NB).reshape(KROWS, HD)
  idx = _tc_topk(keyp, batchp).reshape(GN)

  pooled = _get_sc_gather()(zp, idx).reshape(NB, 32, PADW)

  w1m = jnp.pad(jnp.transpose(cw1, (2, 1, 0)),
                ((0, 0), (0, PADW - TOT), (0, 0)))
  w2m = jnp.transpose(cw2, (2, 1, 0))
  dw1p = dw1.reshape(C2, L2, DH).swapaxes(0, 1).reshape(L2 * C2, DH)
  dw2p = jnp.pad(dw2, ((0, 0), (0, 6)))
  db2p = jnp.pad(db2, (0, 6))

  out = _tc_cnn(pooled, w1m, cb1.reshape(1, C1), w2m, cb2.reshape(1, C2),
                dw1p, db1.reshape(1, DH), dw2p, db2p.reshape(1, 16))
  return out[:, 0, :10]

# --- scband reference (transcript-rebuilt; emitter-appended) ---
"""Pipeline reference for scband-dgcnn-sort-pool-58076547776811 (READ-ONLY COPY).

The authoritative reference and input builder live on the scoring server;
editing this copy changes nothing except your own understanding.
"""

import jax, jax.numpy as jnp
import numpy as np

N = 10000
E = 320000
B = 64
C_IN = 128
H = 128
K = 30
OUT = 10
CONV1_CH = 16
KS = 5
DENSE_H = 128
TOTAL = C_IN + 3 * H + 1  # 513


def _gcn(x, src, dst, W, b):
    n = x.shape[0]
    loop = jnp.arange(n, dtype=src.dtype)
    s = jnp.concatenate([src, loop])
    d = jnp.concatenate([dst, loop])
    ew = jnp.ones(s.shape[0], dtype=x.dtype)
    deg = jax.ops.segment_sum(ew, d, num_segments=n)
    dinv = jnp.where(deg > 0, 1.0 / jnp.sqrt(deg), 0.0)
    norm = dinv[s] * dinv[d]
    xw = x @ W
    msg = xw[s] * norm[:, None]
    return jax.ops.segment_sum(msg, d, num_segments=n) + b


def _conv1d(x, w, b):
    out = jax.lax.conv_general_dilated(x, w, (1,), 'VALID', dimension_numbers=('NCH', 'OIH', 'NCH'))
    return out + b[None, :, None]


def setup_inputs(seed: int = 0) -> dict:
    key = jax.random.key(seed)
    ks = jax.random.split(key, 16)
    x = jax.random.normal(ks[0], (N, C_IN), dtype=jnp.float32)
    edge_index = jax.random.randint(ks[1], (2, E), 0, N, dtype=jnp.int32)
    batch = jnp.sort(jax.random.randint(ks[2], (N,), 0, B, dtype=jnp.int32))
    inp = {"x": x, "edge_index": edge_index, "batch": batch}
    dims = [(C_IN, H), (H, H), (H, H), (H, 1)]
    for i, (di, do) in enumerate(dims):
        inp[f"W{i}"] = jax.random.normal(ks[3 + i], (di, do), dtype=jnp.float32) * 0.05
        inp[f"b{i}"] = jnp.zeros((do,), dtype=jnp.float32)
    inp["cw1"] = jax.random.normal(ks[10], (CONV1_CH, TOTAL, KS), dtype=jnp.float32) * 0.05
    inp["cb1"] = jnp.zeros((CONV1_CH,), dtype=jnp.float32)
    inp["cw2"] = jax.random.normal(ks[11], (CONV1_CH * 2, CONV1_CH, KS), dtype=jnp.float32) * 0.05
    inp["cb2"] = jnp.zeros((CONV1_CH * 2,), dtype=jnp.float32)
    conv1_len = K - KS + 1
    pool1_len = conv1_len // 2
    conv2_len = pool1_len - KS + 1
    dense_in = CONV1_CH * 2 * conv2_len  # 288
    inp["dw1"] = jax.random.normal(ks[12], (dense_in, DENSE_H), dtype=jnp.float32) * 0.05
    inp["db1"] = jnp.zeros((DENSE_H,), dtype=jnp.float32)
    inp["dw2"] = jax.random.normal(ks[13], (DENSE_H, OUT), dtype=jnp.float32) * 0.05
    inp["db2"] = jnp.zeros((OUT,), dtype=jnp.float32)
    return inp


def reference(x, edge_index, batch, W0, b0, W1, b1, W2, b2, W3, b3, cw1, cb1, cw2, cb2, dw1, db1, dw2, db2):
    src, dst = edge_index[0], edge_index[1]
    Ws = [W0, W1, W2, W3]
    bs = [b0, b1, b2, b3]
    outs = [x]
    h = x
    for i in range(4):
        h = _gcn(h, src, dst, Ws[i], bs[i])
        if i < 3:
            h = jnp.tanh(h)
        outs.append(h)
    z = jnp.concatenate(outs, axis=-1)  # [N, 513]
    # SortPooling
    counts = jnp.bincount(batch, length=B)
    starts = jnp.cumsum(counts) - counts
    pos = jnp.arange(N) - starts[batch]
    max_nodes = x.shape[0]
    dense_x = jnp.zeros((B, max_nodes, z.shape[-1]), z.dtype).at[batch, pos].set(z)
    dense_key = jnp.full((B, max_nodes), -1e10, z.dtype).at[batch, pos].set(z[:, -1])
    perm = jnp.argsort(-dense_key, axis=-1)
    if max_nodes >= K:
        pooled = jnp.take_along_axis(dense_x, perm[:, :K, None], axis=1)
    else:
        sorted_x = jnp.take_along_axis(dense_x, perm[:, :, None], axis=1)
        pooled = jnp.pad(sorted_x, ((0, 0), (0, K - max_nodes), (0, 0)))
    cnn = jnp.transpose(pooled, (0, 2, 1))  # [B, 513, K]
    o = jax.nn.relu(_conv1d(cnn, cw1, cb1))
    o = jax.lax.reduce_window(o, -jnp.inf, jax.lax.max, (1, 1, 2), (1, 1, 2), 'VALID')
    o = jax.nn.relu(_conv1d(o, cw2, cb2))
    o = o.reshape(o.shape[0], -1)
    o = jax.nn.relu(o @ dw1 + db1)
    return o @ dw2 + db2

if __name__ == "__main__":
    import jax
    _d = setup_inputs()
    print(jax.jit(kernel)(*tuple(_d.values())))

</pallas_src>

<mosaic_0001>
#map = affine_map<(d0, d1) -> (0, 0)>
#map1 = affine_map<(d0, d1) -> (0)>
module attributes {stable_mosaic.version = 14 : i64} {
  func.func @gather(%arg0: i32, %arg1: i32, %arg2: memref<10240x128xf32, #tpu.memory_space<hbm>>, %arg3: memref<330240xi32, #tpu.memory_space<hbm>>, %arg4: memref<330240x128xf32, #tpu.memory_space<hbm>>, %arg5: memref<128xi32, #tpu.memory_space<vmem>>, %arg6: memref<128x128xf32, #tpu.memory_space<vmem>>, %arg7: memref<80xi32, #tpu.memory_space<vmem>>, %arg8: memref<80x128xf32, #tpu.memory_space<vmem>>, %arg9: memref<!tpu.dma_semaphore, #tpu.memory_space<semaphore_mem>>) attributes {dimension_semantics = [#tpu.dimension_semantics<core_parallel>, #tpu.dimension_semantics<subcore_parallel>], iteration_bounds = array<i64: 2, 16>, scalar_prefetch = 0 : i64, scratch_operands = 5 : i64, tpu.core_type = #tpu.core_type<sc_vector_subcore>, window_params = [{transform_indices = #map}, {transform_indices = #map1}, {transform_indices = #map}]} {
    %mul3A = arith.constant 2 : i32
    %mul3A_0 = arith.muli %arg1, %mul3A : i32
    %add3A = arith.addi %mul3A_0, %arg0 : i32
    %mul3A_1 = arith.constant 10320 : i32
    %mul3A_2 = arith.muli %add3A, %mul3A_1 : i32
    %scan3A = arith.constant 0 : i32
    %scan3A_3 = arith.constant 0 : i32
    %scan3A_4 = arith.constant 80 : i32
    %scan3A_5 = arith.addi %scan3A_3, %scan3A_4 : i32
    %scan3A_6 = arith.constant 1 : i32
    scf.for %scan3A_14 = %scan3A_3 to %scan3A_5 step %scan3A_6  : i32 {
      %mul3A_15 = arith.constant 128 : i32
      %mul3A_16 = arith.muli %scan3A_14, %mul3A_15 : i32
      %add3A_17 = arith.addi %mul3A_2, %mul3A_16 : i32
      "tpu.region"() ({
        %run_scoped3A = tpu.sem_alloc : memref<!tpu.dma_semaphore, #tpu.memory_space<semaphore_mem>>
        %dma_start3A_24 = tpu.memref_slice %arg3[%add3A_17] : memref<330240xi32, #tpu.memory_space<hbm>> -> memref<128xi32, #tpu.memory_space<hbm>>
        %dma_start3A_25 = tpu.memref_slice %arg3[%add3A_17] : memref<330240xi32, #tpu.memory_space<hbm>> -> memref<128xi32, #tpu.memory_space<hbm>>
        tpu.enqueue_dma source(%dma_start3A_25 : memref<128xi32, #tpu.memory_space<hbm>>) target(%arg5 : memref<128xi32, #tpu.memory_space<vmem>>) target_semaphore(%run_scoped3A : memref<!tpu.dma_semaphore, #tpu.memory_space<semaphore_mem>>)
        %dma_wait3A_26 = tpu.memref_slice %arg3[%add3A_17] : memref<330240xi32, #tpu.memory_space<hbm>> -> memref<128xi32, #tpu.memory_space<hbm>>
        %dma_wait3A_27 = tpu.memref_slice %arg3[%add3A_17] : memref<330240xi32, #tpu.memory_space<hbm>> -> memref<128xi32, #tpu.memory_space<hbm>>
        tpu.wait_dma2 semaphore(%run_scoped3A : memref<!tpu.dma_semaphore, #tpu.memory_space<semaphore_mem>>) src(%dma_wait3A_27 : memref<128xi32, #tpu.memory_space<hbm>>) dst(%arg5 : memref<128xi32, #tpu.memory_space<vmem>>)
        tpu.yield
      }) : () -> ()
      %dma_start3A_18 = arith.constant 0 : i32
      %dma_start3A_19 = arith.constant 0 : i32
      %dma_start3A_20 = tpu.memref_slice %arg2[%dma_start3A_18, %dma_start3A_19] : memref<10240x128xf32, #tpu.memory_space<hbm>> -> memref<10240x128xf32, #tpu.memory_space<hbm>>
      tpu.enqueue_indirect_dma source(%dma_start3A_20 : memref<10240x128xf32, #tpu.memory_space<hbm>>) target(%arg6 : memref<128x128xf32, #tpu.memory_space<vmem>>) offsets(%arg5 : memref<128xi32, #tpu.memory_space<vmem>>) semaphore(%arg9 : memref<!tpu.dma_semaphore, #tpu.memory_space<semaphore_mem>>)
      %dma_wait3A_21 = arith.constant 0 : i32
      %dma_wait3A_22 = arith.constant 0 : i32
      %dma_wait3A_23 = tpu.memref_slice %arg2[%dma_wait3A_21, %dma_wait3A_22] : memref<10240x128xf32, #tpu.memory_space<hbm>> -> memref<10240x128xf32, #tpu.memory_space<hbm>>
      tpu.wait_indirect_dma semaphore(%arg9 : memref<!tpu.dma_semaphore, #tpu.memory_space<semaphore_mem>>) src(%dma_wait3A_23 : memref<10240x128xf32, #tpu.memory_space<hbm>>) dst(%arg6 : memref<128x128xf32, #tpu.memory_space<vmem>>)
      "tpu.region"() ({
        %run_scoped3A = tpu.sem_alloc : memref<!tpu.dma_semaphore, #tpu.memory_space<semaphore_mem>>
        %dma_start3A_24 = arith.constant 0 : i32
        %dma_start3A_25 = tpu.memref_slice %arg4[%add3A_17, %dma_start3A_24] : memref<330240x128xf32, #tpu.memory_space<hbm>> -> memref<128x128xf32, #tpu.memory_space<hbm>>
        %dma_start3A_26 = arith.constant 0 : i32
        %dma_start3A_27 = tpu.memref_slice %arg4[%add3A_17, %dma_start3A_26] : memref<330240x128xf32, #tpu.memory_space<hbm>> -> memref<128x128xf32, #tpu.memory_space<hbm>>
        tpu.enqueue_dma source(%arg6 : memref<128x128xf32, #tpu.memory_space<vmem>>) target(%dma_start3A_27 : memref<128x128xf32, #tpu.memory_space<hbm>>) target_semaphore(%run_scoped3A : memref<!tpu.dma_semaphore, #tpu.memory_space<semaphore_mem>>)
        %dma_wait3A_28 = arith.constant 0 : i32
        %dma_wait3A_29 = tpu.memref_slice %arg4[%add3A_17, %dma_wait3A_28] : memref<330240x128xf32, #tpu.memory_space<hbm>> -> memref<128x128xf32, #tpu.memory_space<hbm>>
        %dma_wait3A_30 = arith.constant 0 : i32
        %dma_wait3A_31 = tpu.memref_slice %arg4[%add3A_17, %dma_wait3A_30] : memref<330240x128xf32, #tpu.memory_space<hbm>> -> memref<128x128xf32, #tpu.memory_space<hbm>>
        tpu.wait_dma2 semaphore(%run_scoped3A : memref<!tpu.dma_semaphore, #tpu.memory_space<semaphore_mem>>) src(%arg6 : memref<128x128xf32, #tpu.memory_space<vmem>>) dst(%dma_wait3A_31 : memref<128x128xf32, #tpu.memory_space<hbm>>)
        tpu.yield
      }) : () -> ()
    }
    %scan3A_7 = arith.constant 80 : i32
    %add3A_8 = arith.constant 10240 : i32
    %add3A_9 = arith.addi %mul3A_2, %add3A_8 : i32
    "tpu.region"() ({
      %run_scoped3A = tpu.sem_alloc : memref<!tpu.dma_semaphore, #tpu.memory_space<semaphore_mem>>
      %dma_start3A_14 = tpu.memref_slice %arg3[%add3A_9] : memref<330240xi32, #tpu.memory_space<hbm>> -> memref<80xi32, #tpu.memory_space<hbm>>
      %dma_start3A_15 = tpu.memref_slice %arg3[%add3A_9] : memref<330240xi32, #tpu.memory_space<hbm>> -> memref<80xi32, #tpu.memory_space<hbm>>
      tpu.enqueue_dma source(%dma_start3A_15 : memref<80xi32, #tpu.memory_space<hbm>>) target(%arg7 : memref<80xi32, #tpu.memory_space<vmem>>) target_semaphore(%run_scoped3A : memref<!tpu.dma_semaphore, #tpu.memory_space<semaphore_mem>>)
      %dma_wait3A_16 = tpu.memref_slice %arg3[%add3A_9] : memref<330240xi32, #tpu.memory_space<hbm>> -> memref<80xi32, #tpu.memory_space<hbm>>
      %dma_wait3A_17 = tpu.memref_slice %arg3[%add3A_9] : memref<330240xi32, #tpu.memory_space<hbm>> -> memref<80xi32, #tpu.memory_space<hbm>>
      tpu.wait_dma2 semaphore(%run_scoped3A : memref<!tpu.dma_semaphore, #tpu.memory_space<semaphore_mem>>) src(%dma_wait3A_17 : memref<80xi32, #tpu.memory_space<hbm>>) dst(%arg7 : memref<80xi32, #tpu.memory_space<vmem>>)
      tpu.yield
    }) : () -> ()
    %dma_start3A = arith.constant 0 : i32
    %dma_start3A_10 = arith.constant 0 : i32
    %dma_start3A_11 = tpu.memref_slice %arg2[%dma_start3A, %dma_start3A_10] : memref<10240x128xf32, #tpu.memory_space<hbm>> -> memref<10240x128xf32, #tpu.memory_space<hbm>>
    tpu.enqueue_indirect_dma source(%dma_start3A_11 : memref<10240x128xf32, #tpu.memory_space<hbm>>) target(%arg8 : memref<80x128xf32, #tpu.memory_space<vmem>>) offsets(%arg7 : memref<80xi32, #tpu.memory_space<vmem>>) semaphore(%arg9 : memref<!tpu.dma_semaphore, #tpu.memory_space<semaphore_mem>>)
    %dma_wait3A = arith.constant 0 : i32
    %dma_wait3A_12 = arith.constant 0 : i32
    %dma_wait3A_13 = tpu.memref_slice %arg2[%dma_wait3A, %dma_wait3A_12] : memref<10240x128xf32, #tpu.memory_space<hbm>> -> memref<10240x128xf32, #tpu.memory_space<hbm>>
    tpu.wait_indirect_dma semaphore(%arg9 : memref<!tpu.dma_semaphore, #tpu.memory_space<semaphore_mem>>) src(%dma_wait3A_13 : memref<10240x128xf32, #tpu.memory_space<hbm>>) dst(%arg8 : memref<80x128xf32, #tpu.memory_space<vmem>>)
    "tpu.region"() ({
      %run_scoped3A = tpu.sem_alloc : memref<!tpu.dma_semaphore, #tpu.memory_space<semaphore_mem>>
      %dma_start3A_14 = arith.constant 0 : i32
      %dma_start3A_15 = tpu.memref_slice %arg4[%add3A_9, %dma_start3A_14] : memref<330240x128xf32, #tpu.memory_space<hbm>> -> memref<80x128xf32, #tpu.memory_space<hbm>>
      %dma_start3A_16 = arith.constant 0 : i32
      %dma_start3A_17 = tpu.memref_slice %arg4[%add3A_9, %dma_start3A_16] : memref<330240x128xf32, #tpu.memory_space<hbm>> -> memref<80x128xf32, #tpu.memory_space<hbm>>
      tpu.enqueue_dma source(%arg8 : memref<80x128xf32, #tpu.memory_space<vmem>>) target(%dma_start3A_17 : memref<80x128xf32, #tpu.memory_space<hbm>>) target_semaphore(%run_scoped3A : memref<!tpu.dma_semaphore, #tpu.memory_space<semaphore_mem>>)
      %dma_wait3A_18 = arith.constant 0 : i32
      %dma_wait3A_19 = tpu.memref_slice %arg4[%add3A_9, %dma_wait3A_18] : memref<330240x128xf32, #tpu.memory_space<hbm>> -> memref<80x128xf32, #tpu.memory_space<hbm>>
      %dma_wait3A_20 = arith.constant 0 : i32
      %dma_wait3A_21 = tpu.memref_slice %arg4[%add3A_9, %dma_wait3A_20] : memref<330240x128xf32, #tpu.memory_space<hbm>> -> memref<80x128xf32, #tpu.memory_space<hbm>>
      tpu.wait_dma2 semaphore(%run_scoped3A : memref<!tpu.dma_semaphore, #tpu.memory_space<semaphore_mem>>) src(%arg8 : memref<80x128xf32, #tpu.memory_space<vmem>>) dst(%dma_wait3A_21 : memref<80x128xf32, #tpu.memory_space<hbm>>)
      tpu.yield
    }) : () -> ()
    return
  }
}

#map = affine_map<(d0, d1) -> (0, 0)>
#map1 = affine_map<(d0, d1) -> (0)>
#map2 = affine_map<(d0, d1) -> (0, 0, 0)>
module attributes {stable_mosaic.version = 14 : i64} {
  func.func @agg(%arg0: i32, %arg1: i32, %arg2: memref<10240x128xf32, #tpu.memory_space<hbm>>, %arg3: memref<320000xi32, #tpu.memory_space<hbm>>, %arg4: memref<320000xi32, #tpu.memory_space<hbm>>, %arg5: memref<10240x128xf32, #tpu.memory_space<hbm>>, %arg6: memref<2x10240x128xf32, #tpu.memory_space<hbm>>, %arg7: memref<128xi32, #tpu.memory_space<vmem>>, %arg8: memref<128xi32, #tpu.memory_space<vmem>>, %arg9: memref<128x128xf32, #tpu.memory_space<vmem>>, %arg10: memref<16xi32, #tpu.memory_space<vmem>>, %arg11: memref<16xi32, #tpu.memory_space<vmem>>, %arg12: memref<16x128xf32, #tpu.memory_space<vmem>>, %arg13: memref<10240x128xf32, #tpu.memory_space<vmem_shared>>, %arg14: memref<!tpu.dma_semaphore, #tpu.memory_space<semaphore_mem>>) attributes {dimension_semantics = [#tpu.dimension_semantics<core_parallel>, #tpu.dimension_semantics<subcore_parallel>], iteration_bounds = array<i64: 2, 16>, scalar_prefetch = 0 : i64, scratch_operands = 8 : i64, tpu.core_type = #tpu.core_type<sc_vector_subcore>, window_params = [{transform_indices = #map}, {transform_indices = #map1}, {transform_indices = #map1}, {transform_indices = #map}, {transform_indices = #map2}]} {
    %mul3A = arith.constant 2 : i32
    %mul3A_0 = arith.muli %arg1, %mul3A : i32
    %add3A = arith.addi %mul3A_0, %arg0 : i32
    %eq3A = arith.constant 0 : i32
    %eq3A_1 = arith.cmpi eq, %arg0, %eq3A : i32
    %convert_element_type3A = arith.extui %eq3A_1 : i1 to i32
    %cond3A = arith.constant 0 : i32
    %cond3A_2 = arith.cmpi ne, %convert_element_type3A, %cond3A : i32
    scf.if %cond3A_2 {
      %mul3A_25 = arith.constant 640 : i32
      %mul3A_26 = arith.muli %arg1, %mul3A_25 : i32
      %mul3A_27 = arith.constant 640 : i32
      %mul3A_28 = arith.muli %arg1, %mul3A_27 : i32
      "tpu.region"() ({
        %run_scoped3A = tpu.sem_alloc : memref<!tpu.dma_semaphore, #tpu.memory_space<semaphore_mem>>
        %dma_start3A_29 = arith.constant 0 : i32
        %dma_start3A_30 = tpu.memref_slice %arg13[%mul3A_28, %dma_start3A_29] : memref<10240x128xf32, #tpu.memory_space<vmem_shared>> -> memref<640x128xf32, #tpu.memory_space<vmem_shared>>
        %dma_start3A_31 = arith.constant 0 : i32
        %dma_start3A_32 = tpu.memref_slice %arg2[%mul3A_26, %dma_start3A_31] : memref<10240x128xf32, #tpu.memory_space<hbm>> -> memref<640x128xf32, #tpu.memory_space<hbm>>
        tpu.enqueue_dma source(%dma_start3A_32 : memref<640x128xf32, #tpu.memory_space<hbm>>) target(%dma_start3A_30 : memref<640x128xf32, #tpu.memory_space<vmem_shared>>) target_semaphore(%run_scoped3A : memref<!tpu.dma_semaphore, #tpu.memory_space<semaphore_mem>>)
        %dma_wait3A_33 = arith.constant 0 : i32
        %dma_wait3A_34 = tpu.memref_slice %arg13[%mul3A_28, %dma_wait3A_33] : memref<10240x128xf32, #tpu.memory_space<vmem_shared>> -> memref<640x128xf32, #tpu.memory_space<vmem_shared>>
        %dma_wait3A_35 = arith.constant 0 : i32
        %dma_wait3A_36 = tpu.memref_slice %arg2[%mul3A_26, %dma_wait3A_35] : memref<10240x128xf32, #tpu.memory_space<hbm>> -> memref<640x128xf32, #tpu.memory_space<hbm>>
        tpu.wait_dma2 semaphore(%run_scoped3A : memref<!tpu.dma_semaphore, #tpu.memory_space<semaphore_mem>>) src(%dma_wait3A_36 : memref<640x128xf32, #tpu.memory_space<hbm>>) dst(%dma_wait3A_34 : memref<640x128xf32, #tpu.memory_space<vmem_shared>>)
        tpu.yield
      }) : () -> ()
    } else {
    }
    %ne3A = arith.constant 0 : i32
    %ne3A_3 = arith.cmpi ne, %arg0, %ne3A : i32
    %convert_element_type3A_4 = arith.extui %ne3A_3 : i1 to i32
    %cond3A_5 = arith.constant 0 : i32
    %cond3A_6 = arith.cmpi ne, %convert_element_type3A_4, %cond3A_5 : i32
    scf.if %cond3A_6 {
      %mul3A_25 = arith.constant 640 : i32
      %mul3A_26 = arith.muli %arg1, %mul3A_25 : i32
      %mul3A_27 = arith.constant 640 : i32
      %mul3A_28 = arith.muli %arg1, %mul3A_27 : i32
      "tpu.region"() ({
        %run_scoped3A = tpu.sem_alloc : memref<!tpu.dma_semaphore, #tpu.memory_space<semaphore_mem>>
        %dma_start3A_29 = arith.constant 0 : i32
        %dma_start3A_30 = tpu.memref_slice %arg13[%mul3A_28, %dma_start3A_29] : memref<10240x128xf32, #tpu.memory_space<vmem_shared>> -> memref<640x128xf32, #tpu.memory_space<vmem_shared>>
        %dma_start3A_31 = arith.constant 0 : i32
        %dma_start3A_32 = tpu.memref_slice %arg5[%mul3A_26, %dma_start3A_31] : memref<10240x128xf32, #tpu.memory_space<hbm>> -> memref<640x128xf32, #tpu.memory_space<hbm>>
        tpu.enqueue_dma source(%dma_start3A_32 : memref<640x128xf32, #tpu.memory_space<hbm>>) target(%dma_start3A_30 : memref<640x128xf32, #tpu.memory_space<vmem_shared>>) target_semaphore(%run_scoped3A : memref<!tpu.dma_semaphore, #tpu.memory_space<semaphore_mem>>)
        %dma_wait3A_33 = arith.constant 0 : i32
        %dma_wait3A_34 = tpu.memref_slice %arg13[%mul3A_28, %dma_wait3A_33] : memref<10240x128xf32, #tpu.memory_space<vmem_shared>> -> memref<640x128xf32, #tpu.memory_space<vmem_shared>>
        %dma_wait3A_35 = arith.constant 0 : i32
        %dma_wait3A_36 = tpu.memref_slice %arg5[%mul3A_26, %dma_wait3A_35] : memref<10240x128xf32, #tpu.memory_space<hbm>> -> memref<640x128xf32, #tpu.memory_space<hbm>>
        tpu.wait_dma2 semaphore(%run_scoped3A : memref<!tpu.dma_semaphore, #tpu.memory_space<semaphore_mem>>) src(%dma_wait3A_36 : memref<640x128xf32, #tpu.memory_space<hbm>>) dst(%dma_wait3A_34 : memref<640x128xf32, #tpu.memory_space<vmem_shared>>)
        tpu.yield
      }) : () -> ()
    } else {
    }
    %barrier3A = arith.constant 0 : index
    tpu.barrier barrier_id(%barrier3A)
    %mul3A_7 = arith.constant 10000 : i32
    %mul3A_8 = arith.muli %add3A, %mul3A_7 : i32
    %scan3A = arith.constant 0 : i32
    %scan3A_9 = arith.constant 0 : i32
    %scan3A_10 = arith.constant 78 : i32
    %scan3A_11 = arith.addi %scan3A_9, %scan3A_10 : i32
    %scan3A_12 = arith.constant 1 : i32
    scf.for %scan3A_25 = %scan3A_9 to %scan3A_11 step %scan3A_12  : i32 {
      %mul3A_26 = arith.constant 128 : i32
      %mul3A_27 = arith.muli %scan3A_25, %mul3A_26 : i32
      %add3A_28 = arith.addi %mul3A_8, %mul3A_27 : i32
      "tpu.region"() ({
        %run_scoped3A = tpu.sem_alloc : memref<!tpu.dma_semaphore, #tpu.memory_space<semaphore_mem>>
        %dma_start3A_35 = tpu.memref_slice %arg3[%add3A_28] : memref<320000xi32, #tpu.memory_space<hbm>> -> memref<128xi32, #tpu.memory_space<hbm>>
        %dma_start3A_36 = tpu.memref_slice %arg3[%add3A_28] : memref<320000xi32, #tpu.memory_space<hbm>> -> memref<128xi32, #tpu.memory_space<hbm>>
        tpu.enqueue_dma source(%dma_start3A_36 : memref<128xi32, #tpu.memory_space<hbm>>) target(%arg7 : memref<128xi32, #tpu.memory_space<vmem>>) target_semaphore(%run_scoped3A : memref<!tpu.dma_semaphore, #tpu.memory_space<semaphore_mem>>)
        %dma_wait3A_37 = tpu.memref_slice %arg3[%add3A_28] : memref<320000xi32, #tpu.memory_space<hbm>> -> memref<128xi32, #tpu.memory_space<hbm>>
        %dma_wait3A_38 = tpu.memref_slice %arg3[%add3A_28] : memref<320000xi32, #tpu.memory_space<hbm>> -> memref<128xi32, #tpu.memory_space<hbm>>
        tpu.wait_dma2 semaphore(%run_scoped3A : memref<!tpu.dma_semaphore, #tpu.memory_space<semaphore_mem>>) src(%dma_wait3A_38 : memref<128xi32, #tpu.memory_space<hbm>>) dst(%arg7 : memref<128xi32, #tpu.memory_space<vmem>>)
        tpu.yield
      }) : () -> ()
      "tpu.region"() ({
        %run_scoped3A = tpu.sem_alloc : memref<!tpu.dma_semaphore, #tpu.memory_space<semaphore_mem>>
        %dma_start3A_35 = tpu.memref_slice %arg4[%add3A_28] : memref<320000xi32, #tpu.memory_space<hbm>> -> memref<128xi32, #tpu.memory_space<hbm>>
        %dma_start3A_36 = tpu.memref_slice %arg4[%add3A_28] : memref<320000xi32, #tpu.memory_space<hbm>> -> memref<128xi32, #tpu.memory_space<hbm>>
        tpu.enqueue_dma source(%dma_start3A_36 : memref<128xi32, #tpu.memory_space<hbm>>) target(%arg8 : memref<128xi32, #tpu.memory_space<vmem>>) target_semaphore(%run_scoped3A : memref<!tpu.dma_semaphore, #tpu.memory_space<semaphore_mem>>)
        %dma_wait3A_37 = tpu.memref_slice %arg4[%add3A_28] : memref<320000xi32, #tpu.memory_space<hbm>> -> memref<128xi32, #tpu.memory_space<hbm>>
        %dma_wait3A_38 = tpu.memref_slice %arg4[%add3A_28] : memref<320000xi32, #tpu.memory_space<hbm>> -> memref<128xi32, #tpu.memory_space<hbm>>
        tpu.wait_dma2 semaphore(%run_scoped3A : memref<!tpu.dma_semaphore, #tpu.memory_space<semaphore_mem>>) src(%dma_wait3A_38 : memref<128xi32, #tpu.memory_space<hbm>>) dst(%arg8 : memref<128xi32, #tpu.memory_space<vmem>>)
        tpu.yield
      }) : () -> ()
      %dma_start3A_29 = arith.constant 0 : i32
      %dma_start3A_30 = arith.constant 0 : i32
      %dma_start3A_31 = tpu.memref_slice %arg2[%dma_start3A_29, %dma_start3A_30] : memref<10240x128xf32, #tpu.memory_space<hbm>> -> memref<10240x128xf32, #tpu.memory_space<hbm>>
      tpu.enqueue_indirect_dma source(%dma_start3A_31 : memref<10240x128xf32, #tpu.memory_space<hbm>>) target(%arg9 : memref<128x128xf32, #tpu.memory_space<vmem>>) offsets(%arg7 : memref<128xi32, #tpu.memory_space<vmem>>) semaphore(%arg14 : memref<!tpu.dma_semaphore, #tpu.memory_space<semaphore_mem>>)
      %dma_wait3A_32 = arith.constant 0 : i32
      %dma_wait3A_33 = arith.constant 0 : i32
      %dma_wait3A_34 = tpu.memref_slice %arg2[%dma_wait3A_32, %dma_wait3A_33] : memref<10240x128xf32, #tpu.memory_space<hbm>> -> memref<10240x128xf32, #tpu.memory_space<hbm>>
      tpu.wait_indirect_dma semaphore(%arg14 : memref<!tpu.dma_semaphore, #tpu.memory_space<semaphore_mem>>) src(%dma_wait3A_34 : memref<10240x128xf32, #tpu.memory_space<hbm>>) dst(%arg9 : memref<128x128xf32, #tpu.memory_space<vmem>>)
      "tpu.region"() ({
        %run_scoped3A = tpu.sem_alloc : memref<!tpu.dma_semaphore, #tpu.memory_space<semaphore_mem>>
        %dma_start3A_35 = arith.constant 0 : i32
        %dma_start3A_36 = arith.constant 0 : i32
        %dma_start3A_37 = tpu.memref_slice %arg13[%dma_start3A_35, %dma_start3A_36] : memref<10240x128xf32, #tpu.memory_space<vmem_shared>> -> memref<10240x128xf32, #tpu.memory_space<vmem_shared>>
        tpu.enqueue_indirect_dma source(%arg9 : memref<128x128xf32, #tpu.memory_space<vmem>>) target(%dma_start3A_37 : memref<10240x128xf32, #tpu.memory_space<vmem_shared>>) offsets(%arg8 : memref<128xi32, #tpu.memory_space<vmem>>) semaphore(%run_scoped3A : memref<!tpu.dma_semaphore, #tpu.memory_space<semaphore_mem>>) {add = true}
        %dma_wait3A_38 = arith.constant 0 : i32
        %dma_wait3A_39 = arith.constant 0 : i32
        %dma_wait3A_40 = tpu.memref_slice %arg13[%dma_wait3A_38, %dma_wait3A_39] : memref<10240x128xf32, #tpu.memory_space<vmem_shared>> -> memref<10240x128xf32, #tpu.memory_space<vmem_shared>>
        tpu.wait_indirect_dma semaphore(%run_scoped3A : memref<!tpu.dma_semaphore, #tpu.memory_space<semaphore_mem>>) src(%arg9 : memref<128x128xf32, #tpu.memory_space<vmem>>) dst(%dma_wait3A_40 : memref<10240x128xf32, #tpu.memory_space<vmem_shared>>)
        tpu.yield
      }) : () -> ()
    }
    %scan3A_13 = arith.constant 78 : i32
    %add3A_14 = arith.constant 9984 : i32
    %add3A_15 = arith.addi %mul3A_8, %add3A_14 : i32
    "tpu.region"() ({
      %run_scoped3A = tpu.sem_alloc : memref<!tpu.dma_semaphore, #tpu.memory_space<semaphore_mem>>
      %dma_start3A_25 = tpu.memref_slice %arg3[%add3A_15] : memref<320000xi32, #tpu.memory_space<hbm>> -> memref<16xi32, #tpu.memory_space<hbm>>
      %dma_start3A_26 = tpu.memref_slice %arg3[%add3A_15] : memref<320000xi32, #tpu.memory_space<hbm>> -> memref<16xi32, #tpu.memory_space<hbm>>
      tpu.enqueue_dma source(%dma_start3A_26 : memref<16xi32, #tpu.memory_space<hbm>>) target(%arg10 : memref<16xi32, #tpu.memory_space<vmem>>) target_semaphore(%run_scoped3A : memref<!tpu.dma_semaphore, #tpu.memory_space<semaphore_mem>>)
      %dma_wait3A_27 = tpu.memref_slice %arg3[%add3A_15] : memref<320000xi32, #tpu.memory_space<hbm>> -> memref<16xi32, #tpu.memory_space<hbm>>
      %dma_wait3A_28 = tpu.memref_slice %arg3[%add3A_15] : memref<320000xi32, #tpu.memory_space<hbm>> -> memref<16xi32, #tpu.memory_space<hbm>>
      tpu.wait_dma2 semaphore(%run_scoped3A : memref<!tpu.dma_semaphore, #tpu.memory_space<semaphore_mem>>) src(%dma_wait3A_28 : memref<16xi32, #tpu.memory_space<hbm>>) dst(%arg10 : memref<16xi32, #tpu.memory_space<vmem>>)
      tpu.yield
    }) : () -> ()
    "tpu.region"() ({
      %run_scoped3A = tpu.sem_alloc : memref<!tpu.dma_semaphore, #tpu.memory_space<semaphore_mem>>
      %dma_start3A_25 = tpu.memref_slice %arg4[%add3A_15] : memref<320000xi32, #tpu.memory_space<hbm>> -> memref<16xi32, #tpu.memory_space<hbm>>
      %dma_start3A_26 = tpu.memref_slice %arg4[%add3A_15] : memref<320000xi32, #tpu.memory_space<hbm>> -> memref<16xi32, #tpu.memory_space<hbm>>
      tpu.enqueue_dma source(%dma_start3A_26 : memref<16xi32, #tpu.memory_space<hbm>>) target(%arg11 : memref<16xi32, #tpu.memory_space<vmem>>) target_semaphore(%run_scoped3A : memref<!tpu.dma_semaphore, #tpu.memory_space<semaphore_mem>>)
      %dma_wait3A_27 = tpu.memref_slice %arg4[%add3A_15] : memref<320000xi32, #tpu.memory_space<hbm>> -> memref<16xi32, #tpu.memory_space<hbm>>
      %dma_wait3A_28 = tpu.memref_slice %arg4[%add3A_15] : memref<320000xi32, #tpu.memory_space<hbm>> -> memref<16xi32, #tpu.memory_space<hbm>>
      tpu.wait_dma2 semaphore(%run_scoped3A : memref<!tpu.dma_semaphore, #tpu.memory_space<semaphore_mem>>) src(%dma_wait3A_28 : memref<16xi32, #tpu.memory_space<hbm>>) dst(%arg11 : memref<16xi32, #tpu.memory_space<vmem>>)
      tpu.yield
    }) : () -> ()
    %dma_start3A = arith.constant 0 : i32
    %dma_start3A_16 = arith.constant 0 : i32
    %dma_start3A_17 = tpu.memref_slice %arg2[%dma_start3A, %dma_start3A_16] : memref<10240x128xf32, #tpu.memory_space<hbm>> -> memref<10240x128xf32, #tpu.memory_space<hbm>>
    tpu.enqueue_indirect_dma source(%dma_start3A_17 : memref<10240x128xf32, #tpu.memory_space<hbm>>) target(%arg12 : memref<16x128xf32, #tpu.memory_space<vmem>>) offsets(%arg10 : memref<16xi32, #tpu.memory_space<vmem>>) semaphore(%arg14 : memref<!tpu.dma_semaphore, #tpu.memory_space<semaphore_mem>>)
    %dma_wait3A = arith.constant 0 : i32
    %dma_wait3A_18 = arith.constant 0 : i32
    %dma_wait3A_19 = tpu.memref_slice %arg2[%dma_wait3A, %dma_wait3A_18] : memref<10240x128xf32, #tpu.memory_space<hbm>> -> memref<10240x128xf32, #tpu.memory_space<hbm>>
    tpu.wait_indirect_dma semaphore(%arg14 : memref<!tpu.dma_semaphore, #tpu.memory_space<semaphore_mem>>) src(%dma_wait3A_19 : memref<10240x128xf32, #tpu.memory_space<hbm>>) dst(%arg12 : memref<16x128xf32, #tpu.memory_space<vmem>>)
    "tpu.region"() ({
      %run_scoped3A = tpu.sem_alloc : memref<!tpu.dma_semaphore, #tpu.memory_space<semaphore_mem>>
      %dma_start3A_25 = arith.constant 0 : i32
      %dma_start3A_26 = arith.constant 0 : i32
      %dma_start3A_27 = tpu.memref_slice %arg13[%dma_start3A_25, %dma_start3A_26] : memref<10240x128xf32, #tpu.memory_space<vmem_shared>> -> memref<10240x128xf32, #tpu.memory_space<vmem_shared>>
      tpu.enqueue_indirect_dma source(%arg12 : memref<16x128xf32, #tpu.memory_space<vmem>>) target(%dma_start3A_27 : memref<10240x128xf32, #tpu.memory_space<vmem_shared>>) offsets(%arg11 : memref<16xi32, #tpu.memory_space<vmem>>) semaphore(%run_scoped3A : memref<!tpu.dma_semaphore, #tpu.memory_space<semaphore_mem>>) {add = true}
      %dma_wait3A_28 = arith.constant 0 : i32
      %dma_wait3A_29 = arith.constant 0 : i32
      %dma_wait3A_30 = tpu.memref_slice %arg13[%dma_wait3A_28, %dma_wait3A_29] : memref<10240x128xf32, #tpu.memory_space<vmem_shared>> -> memref<10240x128xf32, #tpu.memory_space<vmem_shared>>
      tpu.wait_indirect_dma semaphore(%run_scoped3A : memref<!tpu.dma_semaphore, #tpu.memory_space<semaphore_mem>>) src(%arg12 : memref<16x128xf32, #tpu.memory_space<vmem>>) dst(%dma_wait3A_30 : memref<10240x128xf32, #tpu.memory_space<vmem_shared>>)
      tpu.yield
    }) : () -> ()
    %barrier3A_20 = arith.constant 0 : index
    tpu.barrier barrier_id(%barrier3A_20)
    %mul3A_21 = arith.constant 640 : i32
    %mul3A_22 = arith.muli %arg1, %mul3A_21 : i32
    %mul3A_23 = arith.constant 640 : i32
    %mul3A_24 = arith.muli %arg1, %mul3A_23 : i32
    "tpu.region"() ({
      %run_scoped3A = tpu.sem_alloc : memref<!tpu.dma_semaphore, #tpu.memory_space<semaphore_mem>>
      %dma_start3A_25 = arith.constant 0 : i32
      %dma_start3A_26 = tpu.memref_slice %arg6[%arg0, %mul3A_24, %dma_start3A_25] : memref<2x10240x128xf32, #tpu.memory_space<hbm>> -> memref<1x640x128xf32, #tpu.memory_space<hbm>>
      %dma_start3A_27 = tpu.memref_squeeze %dma_start3A_26 : memref<1x640x128xf32, #tpu.memory_space<hbm>> -> memref<640x128xf32, #tpu.memory_space<hbm>>
      %dma_start3A_28 = arith.constant 0 : i32
      %dma_start3A_29 = tpu.memref_slice %arg13[%mul3A_22, %dma_start3A_28] : memref<10240x128xf32, #tpu.memory_space<vmem_shared>> -> memref<640x128xf32, #tpu.memory_space<vmem_shared>>
      tpu.enqueue_dma source(%dma_start3A_29 : memref<640x128xf32, #tpu.memory_space<vmem_shared>>) target(%dma_start3A_27 : memref<640x128xf32, #tpu.memory_space<hbm>>) target_semaphore(%run_scoped3A : memref<!tpu.dma_semaphore, #tpu.memory_space<semaphore_mem>>)
      %dma_wait3A_30 = arith.constant 0 : i32
      %dma_wait3A_31 = tpu.memref_slice %arg6[%arg0, %mul3A_24, %dma_wait3A_30] : memref<2x10240x128xf32, #tpu.memory_space<hbm>> -> memref<1x640x128xf32, #tpu.memory_space<hbm>>
      %dma_wait3A_32 = tpu.memref_squeeze %dma_wait3A_31 : memref<1x640x128xf32, #tpu.memory_space<hbm>> -> memref<640x128xf32, #tpu.memory_space<hbm>>
      %dma_wait3A_33 = arith.constant 0 : i32
      %dma_wait3A_34 = tpu.memref_slice %arg13[%mul3A_22, %dma_wait3A_33] : memref<10240x128xf32, #tpu.memory_space<vmem_shared>> -> memref<640x128xf32, #tpu.memory_space<vmem_shared>>
      tpu.wait_dma2 semaphore(%run_scoped3A : memref<!tpu.dma_semaphore, #tpu.memory_space<semaphore_mem>>) src(%dma_wait3A_34 : memref<640x128xf32, #tpu.memory_space<vmem_shared>>) dst(%dma_wait3A_32 : memref<640x128xf32, #tpu.memory_space<hbm>>)
      tpu.yield
    }) : () -> ()
    return
  }
}

#map = affine_map<(d0, d1) -> (0, 0)>
#map1 = affine_map<(d0, d1) -> (0)>
module attributes {stable_mosaic.version = 14 : i64} {
  func.func @gather(%arg0: i32, %arg1: i32, %arg2: memref<10240x128xf32, #tpu.memory_space<hbm>>, %arg3: memref<330240xi32, #tpu.memory_space<hbm>>, %arg4: memref<330240x128xf32, #tpu.memory_space<hbm>>, %arg5: memref<128xi32, #tpu.memory_space<vmem>>, %arg6: memref<128x128xf32, #tpu.memory_space<vmem>>, %arg7: memref<80xi32, #tpu.memory_space<vmem>>, %arg8: memref<80x128xf32, #tpu.memory_space<vmem>>, %arg9: memref<!tpu.dma_semaphore, #tpu.memory_space<semaphore_mem>>) attributes {dimension_semantics = [#tpu.dimension_semantics<core_parallel>, #tpu.dimension_semantics<subcore_parallel>], iteration_bounds = array<i64: 2, 16>, scalar_prefetch = 0 : i64, scratch_operands = 5 : i64, tpu.core_type = #tpu.core_type<sc_vector_subcore>, window_params = [{transform_indices = #map}, {transform_indices = #map1}, {transform_indices = #map}]} {
    %mul3A = arith.constant 2 : i32
    %mul3A_0 = arith.muli %arg1, %mul3A : i32
    %add3A = arith.addi %mul3A_0, %arg0 : i32
    %mul3A_1 = arith.constant 10320 : i32
    %mul3A_2 = arith.muli %add3A, %mul3A_1 : i32
    %scan3A = arith.constant 0 : i32
    %scan3A_3 = arith.constant 0 : i32
    %scan3A_4 = arith.constant 80 : i32
    %scan3A_5 = arith.addi %scan3A_3, %scan3A_4 : i32
    %scan3A_6 = arith.constant 1 : i32
    scf.for %scan3A_14 = %scan3A_3 to %scan3A_5 step %scan3A_6  : i32 {
      %mul3A_15 = arith.constant 128 : i32
      %mul3A_16 = arith.muli %scan3A_14, %mul3A_15 : i32
      %add3A_17 = arith.addi %mul3A_2, %mul3A_16 : i32
      "tpu.region"() ({
        %run_scoped3A = tpu.sem_alloc : memref<!tpu.dma_semaphore, #tpu.memory_space<semaphore_mem>>
        %dma_start3A_24 = tpu.memref_slice %arg3[%add3A_17] : memref<330240xi32, #tpu.memory_space<hbm>> -> memref<128xi32, #tpu.memory_space<hbm>>
        %dma_start3A_25 = tpu.memref_slice %arg3[%add3A_17] : memref<330240xi32, #tpu.memory_space<hbm>> -> memref<128xi32, #tpu.memory_space<hbm>>
        tpu.enqueue_dma source(%dma_start3A_25 : memref<128xi32, #tpu.memory_space<hbm>>) target(%arg5 : memref<128xi32, #tpu.memory_space<vmem>>) target_semaphore(%run_scoped3A : memref<!tpu.dma_semaphore, #tpu.memory_space<semaphore_mem>>)
        %dma_wait3A_26 = tpu.memref_slice %arg3[%add3A_17] : memref<330240xi32, #tpu.memory_space<hbm>> -> memref<128xi32, #tpu.memory_space<hbm>>
        %dma_wait3A_27 = tpu.memref_slice %arg3[%add3A_17] : memref<330240xi32, #tpu.memory_space<hbm>> -> memref<128xi32, #tpu.memory_space<hbm>>
        tpu.wait_dma2 semaphore(%run_scoped3A : memref<!tpu.dma_semaphore, #tpu.memory_space<semaphore_mem>>) src(%dma_wait3A_27 : memref<128xi32, #tpu.memory_space<hbm>>) dst(%arg5 : memref<128xi32, #tpu.memory_space<vmem>>)
        tpu.yield
      }) : () -> ()
      %dma_start3A_18 = arith.constant 0 : i32
      %dma_start3A_19 = arith.constant 0 : i32
      %dma_start3A_20 = tpu.memref_slice %arg2[%dma_start3A_18, %dma_start3A_19] : memref<10240x128xf32, #tpu.memory_space<hbm>> -> memref<10240x128xf32, #tpu.memory_space<hbm>>
      tpu.enqueue_indirect_dma source(%dma_start3A_20 : memref<10240x128xf32, #tpu.memory_space<hbm>>) target(%arg6 : memref<128x128xf32, #tpu.memory_space<vmem>>) offsets(%arg5 : memref<128xi32, #tpu.memory_space<vmem>>) semaphore(%arg9 : memref<!tpu.dma_semaphore, #tpu.memory_space<semaphore_mem>>)
      %dma_wait3A_21 = arith.constant 0 : i32
      %dma_wait3A_22 = arith.constant 0 : i32
      %dma_wait3A_23 = tpu.memref_slice %arg2[%dma_wait3A_21, %dma_wait3A_22] : memref<10240x128xf32, #tpu.memory_space<hbm>> -> memref<10240x128xf32, #tpu.memory_space<hbm>>
      tpu.wait_indirect_dma semaphore(%arg9 : memref<!tpu.dma_semaphore, #tpu.memory_space<semaphore_mem>>) src(%dma_wait3A_23 : memref<10240x128xf32, #tpu.memory_space<hbm>>) dst(%arg6 : memref<128x128xf32, #tpu.memory_space<vmem>>)
      "tpu.region"() ({
        %run_scoped3A = tpu.sem_alloc : memref<!tpu.dma_semaphore, #tpu.memory_space<semaphore_mem>>
        %dma_start3A_24 = arith.constant 0 : i32
        %dma_start3A_25 = tpu.memref_slice %arg4[%add3A_17, %dma_start3A_24] : memref<330240x128xf32, #tpu.memory_space<hbm>> -> memref<128x128xf32, #tpu.memory_space<hbm>>
        %dma_start3A_26 = arith.constant 0 : i32
        %dma_start3A_27 = tpu.memref_slice %arg4[%add3A_17, %dma_start3A_26] : memref<330240x128xf32, #tpu.memory_space<hbm>> -> memref<128x128xf32, #tpu.memory_space<hbm>>
        tpu.enqueue_dma source(%arg6 : memref<128x128xf32, #tpu.memory_space<vmem>>) target(%dma_start3A_27 : memref<128x128xf32, #tpu.memory_space<hbm>>) target_semaphore(%run_scoped3A : memref<!tpu.dma_semaphore, #tpu.memory_space<semaphore_mem>>)
        %dma_wait3A_28 = arith.constant 0 : i32
        %dma_wait3A_29 = tpu.memref_slice %arg4[%add3A_17, %dma_wait3A_28] : memref<330240x128xf32, #tpu.memory_space<hbm>> -> memref<128x128xf32, #tpu.memory_space<hbm>>
        %dma_wait3A_30 = arith.constant 0 : i32
        %dma_wait3A_31 = tpu.memref_slice %arg4[%add3A_17, %dma_wait3A_30] : memref<330240x128xf32, #tpu.memory_space<hbm>> -> memref<128x128xf32, #tpu.memory_space<hbm>>
        tpu.wait_dma2 semaphore(%run_scoped3A : memref<!tpu.dma_semaphore, #tpu.memory_space<semaphore_mem>>) src(%arg6 : memref<128x128xf32, #tpu.memory_space<vmem>>) dst(%dma_wait3A_31 : memref<128x128xf32, #tpu.memory_space<hbm>>)
        tpu.yield
      }) : () -> ()
    }
    %scan3A_7 = arith.constant 80 : i32
    %add3A_8 = arith.constant 10240 : i32
    %add3A_9 = arith.addi %mul3A_2, %add3A_8 : i32
    "tpu.region"() ({
      %run_scoped3A = tpu.sem_alloc : memref<!tpu.dma_semaphore, #tpu.memory_space<semaphore_mem>>
      %dma_start3A_14 = tpu.memref_slice %arg3[%add3A_9] : memref<330240xi32, #tpu.memory_space<hbm>> -> memref<80xi32, #tpu.memory_space<hbm>>
      %dma_start3A_15 = tpu.memref_slice %arg3[%add3A_9] : memref<330240xi32, #tpu.memory_space<hbm>> -> memref<80xi32, #tpu.memory_space<hbm>>
      tpu.enqueue_dma source(%dma_start3A_15 : memref<80xi32, #tpu.memory_space<hbm>>) target(%arg7 : memref<80xi32, #tpu.memory_space<vmem>>) target_semaphore(%run_scoped3A : memref<!tpu.dma_semaphore, #tpu.memory_space<semaphore_mem>>)
      %dma_wait3A_16 = tpu.memref_slice %arg3[%add3A_9] : memref<330240xi32, #tpu.memory_space<hbm>> -> memref<80xi32, #tpu.memory_space<hbm>>
      %dma_wait3A_17 = tpu.memref_slice %arg3[%add3A_9] : memref<330240xi32, #tpu.memory_space<hbm>> -> memref<80xi32, #tpu.memory_space<hbm>>
      tpu.wait_dma2 semaphore(%run_scoped3A : memref<!tpu.dma_semaphore, #tpu.memory_space<semaphore_mem>>) src(%dma_wait3A_17 : memref<80xi32, #tpu.memory_space<hbm>>) dst(%arg7 : memref<80xi32, #tpu.memory_space<vmem>>)
      tpu.yield
    }) : () -> ()
    %dma_start3A = arith.constant 0 : i32
    %dma_start3A_10 = arith.constant 0 : i32
    %dma_start3A_11 = tpu.memref_slice %arg2[%dma_start3A, %dma_start3A_10] : memref<10240x128xf32, #tpu.memory_space<hbm>> -> memref<10240x128xf32, #tpu.memory_space<hbm>>
    tpu.enqueue_indirect_dma source(%dma_start3A_11 : memref<10240x128xf32, #tpu.memory_space<hbm>>) target(%arg8 : memref<80x128xf32, #tpu.memory_space<vmem>>) offsets(%arg7 : memref<80xi32, #tpu.memory_space<vmem>>) semaphore(%arg9 : memref<!tpu.dma_semaphore, #tpu.memory_space<semaphore_mem>>)
    %dma_wait3A = arith.constant 0 : i32
    %dma_wait3A_12 = arith.constant 0 : i32
    %dma_wait3A_13 = tpu.memref_slice %arg2[%dma_wait3A, %dma_wait3A_12] : memref<10240x128xf32, #tpu.memory_space<hbm>> -> memref<10240x128xf32, #tpu.memory_space<hbm>>
    tpu.wait_indirect_dma semaphore(%arg9 : memref<!tpu.dma_semaphore, #tpu.memory_space<semaphore_mem>>) src(%dma_wait3A_13 : memref<10240x128xf32, #tpu.memory_space<hbm>>) dst(%arg8 : memref<80x128xf32, #tpu.memory_space<vmem>>)
    "tpu.region"() ({
      %run_scoped3A = tpu.sem_alloc : memref<!tpu.dma_semaphore, #tpu.memory_space<semaphore_mem>>
      %dma_start3A_14 = arith.constant 0 : i32
      %dma_start3A_15 = tpu.memref_slice %arg4[%add3A_9, %dma_start3A_14] : memref<330240x128xf32, #tpu.memory_space<hbm>> -> memref<80x128xf32, #tpu.memory_space<hbm>>
      %dma_start3A_16 = arith.constant 0 : i32
      %dma_start3A_17 = tpu.memref_slice %arg4[%add3A_9, %dma_start3A_16] : memref<330240x128xf32, #tpu.memory_space<hbm>> -> memref<80x128xf32, #tpu.memory_space<hbm>>
      tpu.enqueue_dma source(%arg8 : memref<80x128xf32, #tpu.memory_space<vmem>>) target(%dma_start3A_17 : memref<80x128xf32, #tpu.memory_space<hbm>>) target_semaphore(%run_scoped3A : memref<!tpu.dma_semaphore, #tpu.memory_space<semaphore_mem>>)
      %dma_wait3A_18 = arith.constant 0 : i32
      %dma_wait3A_19 = tpu.memref_slice %arg4[%add3A_9, %dma_wait3A_18] : memref<330240x128xf32, #tpu.memory_space<hbm>> -> memref<80x128xf32, #tpu.memory_space<hbm>>
      %dma_wait3A_20 = arith.constant 0 : i32
      %dma_wait3A_21 = tpu.memref_slice %arg4[%add3A_9, %dma_wait3A_20] : memref<330240x128xf32, #tpu.memory_space<hbm>> -> memref<80x128xf32, #tpu.memory_space<hbm>>
      tpu.wait_dma2 semaphore(%run_scoped3A : memref<!tpu.dma_semaphore, #tpu.memory_space<semaphore_mem>>) src(%arg8 : memref<80x128xf32, #tpu.memory_space<vmem>>) dst(%dma_wait3A_21 : memref<80x128xf32, #tpu.memory_space<hbm>>)
      tpu.yield
    }) : () -> ()
    return
  }
}

#map = affine_map<(d0, d1) -> (0, 0)>
#map1 = affine_map<(d0, d1) -> (0)>
module attributes {stable_mosaic.version = 14 : i64} {
  func.func @gather(%arg0: i32, %arg1: i32, %arg2: memref<10240x128xf32, #tpu.memory_space<hbm>>, %arg3: memref<330240xi32, #tpu.memory_space<hbm>>, %arg4: memref<330240x128xf32, #tpu.memory_space<hbm>>, %arg5: memref<128xi32, #tpu.memory_space<vmem>>, %arg6: memref<128x128xf32, #tpu.memory_space<vmem>>, %arg7: memref<80xi32, #tpu.memory_space<vmem>>, %arg8: memref<80x128xf32, #tpu.memory_space<vmem>>, %arg9: memref<!tpu.dma_semaphore, #tpu.memory_space<semaphore_mem>>) attributes {dimension_semantics = [#tpu.dimension_semantics<core_parallel>, #tpu.dimension_semantics<subcore_parallel>], iteration_bounds = array<i64: 2, 16>, scalar_prefetch = 0 : i64, scratch_operands = 5 : i64, tpu.core_type = #tpu.core_type<sc_vector_subcore>, window_params = [{transform_indices = #map}, {transform_indices = #map1}, {transform_indices = #map}]} {
    %mul3A = arith.constant 2 : i32
    %mul3A_0 = arith.muli %arg1, %mul3A : i32
    %add3A = arith.addi %mul3A_0, %arg0 : i32
    %mul3A_1 = arith.constant 10320 : i32
    %mul3A_2 = arith.muli %add3A, %mul3A_1 : i32
    %scan3A = arith.constant 0 : i32
    %scan3A_3 = arith.constant 0 : i32
    %scan3A_4 = arith.constant 80 : i32
    %scan3A_5 = arith.addi %scan3A_3, %scan3A_4 : i32
    %scan3A_6 = arith.constant 1 : i32
    scf.for %scan3A_14 = %scan3A_3 to %scan3A_5 step %scan3A_6  : i32 {
      %mul3A_15 = arith.constant 128 : i32
      %mul3A_16 = arith.muli %scan3A_14, %mul3A_15 : i32
      %add3A_17 = arith.addi %mul3A_2, %mul3A_16 : i32
      "tpu.region"() ({
        %run_scoped3A = tpu.sem_alloc : memref<!tpu.dma_semaphore, #tpu.memory_space<semaphore_mem>>
        %dma_start3A_24 = tpu.memref_slice %arg3[%add3A_17] : memref<330240xi32, #tpu.memory_space<hbm>> -> memref<128xi32, #tpu.memory_space<hbm>>
        %dma_start3A_25 = tpu.memref_slice %arg3[%add3A_17] : memref<330240xi32, #tpu.memory_space<hbm>> -> memref<128xi32, #tpu.memory_space<hbm>>
        tpu.enqueue_dma source(%dma_start3A_25 : memref<128xi32, #tpu.memory_space<hbm>>) target(%arg5 : memref<128xi32, #tpu.memory_space<vmem>>) target_semaphore(%run_scoped3A : memref<!tpu.dma_semaphore, #tpu.memory_space<semaphore_mem>>)
        %dma_wait3A_26 = tpu.memref_slice %arg3[%add3A_17] : memref<330240xi32, #tpu.memory_space<hbm>> -> memref<128xi32, #tpu.memory_space<hbm>>
        %dma_wait3A_27 = tpu.memref_slice %arg3[%add3A_17] : memref<330240xi32, #tpu.memory_space<hbm>> -> memref<128xi32, #tpu.memory_space<hbm>>
        tpu.wait_dma2 semaphore(%run_scoped3A : memref<!tpu.dma_semaphore, #tpu.memory_space<semaphore_mem>>) src(%dma_wait3A_27 : memref<128xi32, #tpu.memory_space<hbm>>) dst(%arg5 : memref<128xi32, #tpu.memory_space<vmem>>)
        tpu.yield
      }) : () -> ()
      %dma_start3A_18 = arith.constant 0 : i32
      %dma_start3A_19 = arith.constant 0 : i32
      %dma_start3A_20 = tpu.memref_slice %arg2[%dma_start3A_18, %dma_start3A_19] : memref<10240x128xf32, #tpu.memory_space<hbm>> -> memref<10240x128xf32, #tpu.memory_space<hbm>>
      tpu.enqueue_indirect_dma source(%dma_start3A_20 : memref<10240x128xf32, #tpu.memory_space<hbm>>) target(%arg6 : memref<128x128xf32, #tpu.memory_space<vmem>>) offsets(%arg5 : memref<128xi32, #tpu.memory_space<vmem>>) semaphore(%arg9 : memref<!tpu.dma_semaphore, #tpu.memory_space<semaphore_mem>>)
      %dma_wait3A_21 = arith.constant 0 : i32
      %dma_wait3A_22 = arith.constant 0 : i32
      %dma_wait3A_23 = tpu.memref_slice %arg2[%dma_wait3A_21, %dma_wait3A_22] : memref<10240x128xf32, #tpu.memory_space<hbm>> -> memref<10240x128xf32, #tpu.memory_space<hbm>>
      tpu.wait_indirect_dma semaphore(%arg9 : memref<!tpu.dma_semaphore, #tpu.memory_space<semaphore_mem>>) src(%dma_wait3A_23 : memref<10240x128xf32, #tpu.memory_space<hbm>>) dst(%arg6 : memref<128x128xf32, #tpu.memory_space<vmem>>)
      "tpu.region"() ({
        %run_scoped3A = tpu.sem_alloc : memref<!tpu.dma_semaphore, #tpu.memory_space<semaphore_mem>>
        %dma_start3A_24 = arith.constant 0 : i32
        %dma_start3A_25 = tpu.memref_slice %arg4[%add3A_17, %dma_start3A_24] : memref<330240x128xf32, #tpu.memory_space<hbm>> -> memref<128x128xf32, #tpu.memory_space<hbm>>
        %dma_start3A_26 = arith.constant 0 : i32
        %dma_start3A_27 = tpu.memref_slice %arg4[%add3A_17, %dma_start3A_26] : memref<330240x128xf32, #tpu.memory_space<hbm>> -> memref<128x128xf32, #tpu.memory_space<hbm>>
        tpu.enqueue_dma source(%arg6 : memref<128x128xf32, #tpu.memory_space<vmem>>) target(%dma_start3A_27 : memref<128x128xf32, #tpu.memory_space<hbm>>) target_semaphore(%run_scoped3A : memref<!tpu.dma_semaphore, #tpu.memory_space<semaphore_mem>>)
        %dma_wait3A_28 = arith.constant 0 : i32
        %dma_wait3A_29 = tpu.memref_slice %arg4[%add3A_17, %dma_wait3A_28] : memref<330240x128xf32, #tpu.memory_space<hbm>> -> memref<128x128xf32, #tpu.memory_space<hbm>>
        %dma_wait3A_30 = arith.constant 0 : i32
        %dma_wait3A_31 = tpu.memref_slice %arg4[%add3A_17, %dma_wait3A_30] : memref<330240x128xf32, #tpu.memory_space<hbm>> -> memref<128x128xf32, #tpu.memory_space<hbm>>
        tpu.wait_dma2 semaphore(%run_scoped3A : memref<!tpu.dma_semaphore, #tpu.memory_space<semaphore_mem>>) src(%arg6 : memref<128x128xf32, #tpu.memory_space<vmem>>) dst(%dma_wait3A_31 : memref<128x128xf32, #tpu.memory_space<hbm>>)
        tpu.yield
      }) : () -> ()
    }
    %scan3A_7 = arith.constant 80 : i32
    %add3A_8 = arith.constant 10240 : i32
    %add3A_9 = arith.addi %mul3A_2, %add3A_8 : i32
    "tpu.region"() ({
      %run_scoped3A = tpu.sem_alloc : memref<!tpu.dma_semaphore, #tpu.memory_space<semaphore_mem>>
      %dma_start3A_14 = tpu.memref_slice %arg3[%add3A_9] : memref<330240xi32, #tpu.memory_space<hbm>> -> memref<80xi32, #tpu.memory_space<hbm>>
      %dma_start3A_15 = tpu.memref_slice %arg3[%add3A_9] : memref<330240xi32, #tpu.memory_space<hbm>> -> memref<80xi32, #tpu.memory_space<hbm>>
      tpu.enqueue_dma source(%dma_start3A_15 : memref<80xi32, #tpu.memory_space<hbm>>) target(%arg7 : memref<80xi32, #tpu.memory_space<vmem>>) target_semaphore(%run_scoped3A : memref<!tpu.dma_semaphore, #tpu.memory_space<semaphore_mem>>)
      %dma_wait3A_16 = tpu.memref_slice %arg3[%add3A_9] : memref<330240xi32, #tpu.memory_space<hbm>> -> memref<80xi32, #tpu.memory_space<hbm>>
      %dma_wait3A_17 = tpu.memref_slice %arg3[%add3A_9] : memref<330240xi32, #tpu.memory_space<hbm>> -> memref<80xi32, #tpu.memory_space<hbm>>
      tpu.wait_dma2 semaphore(%run_scoped3A : memref<!tpu.dma_semaphore, #tpu.memory_space<semaphore_mem>>) src(%dma_wait3A_17 : memref<80xi32, #tpu.memory_space<hbm>>) dst(%arg7 : memref<80xi32, #tpu.memory_space<vmem>>)
      tpu.yield
    }) : () -> ()
    %dma_start3A = arith.constant 0 : i32
    %dma_start3A_10 = arith.constant 0 : i32
    %dma_start3A_11 = tpu.memref_slice %arg2[%dma_start3A, %dma_start3A_10] : memref<10240x128xf32, #tpu.memory_space<hbm>> -> memref<10240x128xf32, #tpu.memory_space<hbm>>
    tpu.enqueue_indirect_dma source(%dma_start3A_11 : memref<10240x128xf32, #tpu.memory_space<hbm>>) target(%arg8 : memref<80x128xf32, #tpu.memory_space<vmem>>) offsets(%arg7 : memref<80xi32, #tpu.memory_space<vmem>>) semaphore(%arg9 : memref<!tpu.dma_semaphore, #tpu.memory_space<semaphore_mem>>)
    %dma_wait3A = arith.constant 0 : i32
    %dma_wait3A_12 = arith.constant 0 : i32
    %dma_wait3A_13 = tpu.memref_slice %arg2[%dma_wait3A, %dma_wait3A_12] : memref<10240x128xf32, #tpu.memory_space<hbm>> -> memref<10240x128xf32, #tpu.memory_space<hbm>>
    tpu.wait_indirect_dma semaphore(%arg9 : memref<!tpu.dma_semaphore, #tpu.memory_space<semaphore_mem>>) src(%dma_wait3A_13 : memref<10240x128xf32, #tpu.memory_space<hbm>>) dst(%arg8 : memref<80x128xf32, #tpu.memory_space<vmem>>)
    "tpu.region"() ({
      %run_scoped3A = tpu.sem_alloc : memref<!tpu.dma_semaphore, #tpu.memory_space<semaphore_mem>>
      %dma_start3A_14 = arith.constant 0 : i32
      %dma_start3A_15 = tpu.memref_slice %arg4[%add3A_9, %dma_start3A_14] : memref<330240x128xf32, #tpu.memory_space<hbm>> -> memref<80x128xf32, #tpu.memory_space<hbm>>
      %dma_start3A_16 = arith.constant 0 : i32
      %dma_start3A_17 = tpu.memref_slice %arg4[%add3A_9, %dma_start3A_16] : memref<330240x128xf32, #tpu.memory_space<hbm>> -> memref<80x128xf32, #tpu.memory_space<hbm>>
      tpu.enqueue_dma source(%arg8 : memref<80x128xf32, #tpu.memory_space<vmem>>) target(%dma_start3A_17 : memref<80x128xf32, #tpu.memory_space<hbm>>) target_semaphore(%run_scoped3A : memref<!tpu.dma_semaphore, #tpu.memory_space<semaphore_mem>>)
      %dma_wait3A_18 = arith.constant 0 : i32
      %dma_wait3A_19 = tpu.memref_slice %arg4[%add3A_9, %dma_wait3A_18] : memref<330240x128xf32, #tpu.memory_space<hbm>> -> memref<80x128xf32, #tpu.memory_space<hbm>>
      %dma_wait3A_20 = arith.constant 0 : i32
      %dma_wait3A_21 = tpu.memref_slice %arg4[%add3A_9, %dma_wait3A_20] : memref<330240x128xf32, #tpu.memory_space<hbm>> -> memref<80x128xf32, #tpu.memory_space<hbm>>
      tpu.wait_dma2 semaphore(%run_scoped3A : memref<!tpu.dma_semaphore, #tpu.memory_space<semaphore_mem>>) src(%arg8 : memref<80x128xf32, #tpu.memory_space<vmem>>) dst(%dma_wait3A_21 : memref<80x128xf32, #tpu.memory_space<hbm>>)
      tpu.yield
    }) : () -> ()
    return
  }
}

#map = affine_map<(d0, d1) -> (0, 0)>
#map1 = affine_map<(d0, d1) -> (0)>
module attributes {stable_mosaic.version = 14 : i64} {
  func.func @gather(%arg0: i32, %arg1: i32, %arg2: memref<10240x640xf32, #tpu.memory_space<hbm>>, %arg3: memref<2048xi32, #tpu.memory_space<hbm>>, %arg4: memref<2048x640xf32, #tpu.memory_space<hbm>>, %arg5: memref<64xi32, #tpu.memory_space<vmem>>, %arg6: memref<64x640xf32, #tpu.memory_space<vmem>>, %arg7: memref<!tpu.dma_semaphore, #tpu.memory_space<semaphore_mem>>) attributes {dimension_semantics = [#tpu.dimension_semantics<core_parallel>, #tpu.dimension_semantics<subcore_parallel>], iteration_bounds = array<i64: 2, 16>, scalar_prefetch = 0 : i64, scratch_operands = 3 : i64, tpu.core_type = #tpu.core_type<sc_vector_subcore>, window_params = [{transform_indices = #map}, {transform_indices = #map1}, {transform_indices = #map}]} {
    %mul3A = arith.constant 2 : i32
    %mul3A_0 = arith.muli %arg1, %mul3A : i32
    %add3A = arith.addi %mul3A_0, %arg0 : i32
    %mul3A_1 = arith.constant 64 : i32
    %mul3A_2 = arith.muli %add3A, %mul3A_1 : i32
    "tpu.region"() ({
      %run_scoped3A = tpu.sem_alloc : memref<!tpu.dma_semaphore, #tpu.memory_space<semaphore_mem>>
      %dma_start3A_7 = tpu.memref_slice %arg3[%mul3A_2] : memref<2048xi32, #tpu.memory_space<hbm>> -> memref<64xi32, #tpu.memory_space<hbm>>
      %dma_start3A_8 = tpu.memref_slice %arg3[%mul3A_2] : memref<2048xi32, #tpu.memory_space<hbm>> -> memref<64xi32, #tpu.memory_space<hbm>>
      tpu.enqueue_dma source(%dma_start3A_8 : memref<64xi32, #tpu.memory_space<hbm>>) target(%arg5 : memref<64xi32, #tpu.memory_space<vmem>>) target_semaphore(%run_scoped3A : memref<!tpu.dma_semaphore, #tpu.memory_space<semaphore_mem>>)
      %dma_wait3A_9 = tpu.memref_slice %arg3[%mul3A_2] : memref<2048xi32, #tpu.memory_space<hbm>> -> memref<64xi32, #tpu.memory_space<hbm>>
      %dma_wait3A_10 = tpu.memref_slice %arg3[%mul3A_2] : memref<2048xi32, #tpu.memory_space<hbm>> -> memref<64xi32, #tpu.memory_space<hbm>>
      tpu.wait_dma2 semaphore(%run_scoped3A : memref<!tpu.dma_semaphore, #tpu.memory_space<semaphore_mem>>) src(%dma_wait3A_10 : memref<64xi32, #tpu.memory_space<hbm>>) dst(%arg5 : memref<64xi32, #tpu.memory_space<vmem>>)
      tpu.yield
    }) : () -> ()
    %dma_start3A = arith.constant 0 : i32
    %dma_start3A_3 = arith.constant 0 : i32
    %dma_start3A_4 = tpu.memref_slice %arg2[%dma_start3A, %dma_start3A_3] : memref<10240x640xf32, #tpu.memory_space<hbm>> -> memref<10240x640xf32, #tpu.memory_space<hbm>>
    tpu.enqueue_indirect_dma source(%dma_start3A_4 : memref<10240x640xf32, #tpu.memory_space<hbm>>) target(%arg6 : memref<64x640xf32, #tpu.memory_space<vmem>>) offsets(%arg5 : memref<64xi32, #tpu.memory_space<vmem>>) semaphore(%arg7 : memref<!tpu.dma_semaphore, #tpu.memory_space<semaphore_mem>>)
    %dma_wait3A = arith.constant 0 : i32
    %dma_wait3A_5 = arith.constant 0 : i32
    %dma_wait3A_6 = tpu.memref_slice %arg2[%dma_wait3A, %dma_wait3A_5] : memref<10240x640xf32, #tpu.memory_space<hbm>> -> memref<10240x640xf32, #tpu.memory_space<hbm>>
    tpu.wait_indirect_dma semaphore(%arg7 : memref<!tpu.dma_semaphore, #tpu.memory_space<semaphore_mem>>) src(%dma_wait3A_6 : memref<10240x640xf32, #tpu.memory_space<hbm>>) dst(%arg6 : memref<64x640xf32, #tpu.memory_space<vmem>>)
    "tpu.region"() ({
      %run_scoped3A = tpu.sem_alloc : memref<!tpu.dma_semaphore, #tpu.memory_space<semaphore_mem>>
      %dma_start3A_7 = arith.constant 0 : i32
      %dma_start3A_8 = tpu.memref_slice %arg4[%mul3A_2, %dma_start3A_7] : memref<2048x640xf32, #tpu.memory_space<hbm>> -> memref<64x640xf32, #tpu.memory_space<hbm>>
      %dma_start3A_9 = arith.constant 0 : i32
      %dma_start3A_10 = tpu.memref_slice %arg4[%mul3A_2, %dma_start3A_9] : memref<2048x640xf32, #tpu.memory_space<hbm>> -> memref<64x640xf32, #tpu.memory_space<hbm>>
      tpu.enqueue_dma source(%arg6 : memref<64x640xf32, #tpu.memory_space<vmem>>) target(%dma_start3A_10 : memref<64x640xf32, #tpu.memory_space<hbm>>) target_semaphore(%run_scoped3A : memref<!tpu.dma_semaphore, #tpu.memory_space<semaphore_mem>>)
      %dma_wait3A_11 = arith.constant 0 : i32
      %dma_wait3A_12 = tpu.memref_slice %arg4[%mul3A_2, %dma_wait3A_11] : memref<2048x640xf32, #tpu.memory_space<hbm>> -> memref<64x640xf32, #tpu.memory_space<hbm>>
      %dma_wait3A_13 = arith.constant 0 : i32
      %dma_wait3A_14 = tpu.memref_slice %arg4[%mul3A_2, %dma_wait3A_13] : memref<2048x640xf32, #tpu.memory_space<hbm>> -> memref<64x640xf32, #tpu.memory_space<hbm>>
      tpu.wait_dma2 semaphore(%run_scoped3A : memref<!tpu.dma_semaphore, #tpu.memory_space<semaphore_mem>>) src(%arg6 : memref<64x640xf32, #tpu.memory_space<vmem>>) dst(%dma_wait3A_14 : memref<64x640xf32, #tpu.memory_space<hbm>>)
      tpu.yield
    }) : () -> ()
    return
  }
}

module attributes {stable_mosaic.version = 14 : i64} {
  func.func @_prep_body(%arg0: i32, %arg1: memref<2x1000x128xf32, #tpu.memory_space<vmem>>, %arg2: memref<1000x128xf32, #tpu.memory_space<vmem>>, %arg3: memref<128x128xf32, #tpu.memory_space<vmem>>, %arg4: memref<1000x8xf32, #tpu.memory_space<vmem>>, %arg5: memref<1000x128xf32, #tpu.memory_space<vmem>>) attributes {dimension_semantics = [#tpu.dimension_semantics<arbitrary>], iteration_bounds = array<i64: 10>, scalar_prefetch = 0 : i64, scratch_operands = 0 : i64, tpu.core_type = #tpu.core_type<tc>, window_params = [{transform_indices = @transform_0, window_bounds = array<i64: 2, 1000, 128>}, {transform_indices = @transform_1, window_bounds = array<i64: 1000, 128>}, {pipeline_mode = #tpu.pipeline_mode<synchronous>, transform_indices = @transform_2, window_bounds = array<i64: 128, 128>}, {transform_indices = @transform_3, window_bounds = array<i64: 1000, 8>}, {transform_indices = @transform_4, window_bounds = array<i64: 1000, 128>}]} {
    %get3A = arith.constant 0 : index
    %get3A_0 = arith.constant 0 : index
    %get3A_1 = arith.constant 0 : index
    %get3A_2 = vector.load %arg1[%get3A, %get3A_0, %get3A_1] : memref<2x1000x128xf32, #tpu.memory_space<vmem>>, vector<1x1000x128xf32>
    %get3A_3 = vector.shape_cast %get3A_2 : vector<1x1000x128xf32> to vector<1000x128xf32>
    %get3A_4 = arith.constant 1 : index
    %get3A_5 = arith.constant 0 : index
    %get3A_6 = arith.constant 0 : index
    %get3A_7 = vector.load %arg1[%get3A_4, %get3A_5, %get3A_6] : memref<2x1000x128xf32, #tpu.memory_space<vmem>>, vector<1x1000x128xf32>
    %get3A_8 = vector.shape_cast %get3A_7 : vector<1x1000x128xf32> to vector<1000x128xf32>
    %add3A = arith.addf %get3A_3, %get3A_8 : vector<1000x128xf32>
    %slice3A = vector.extract_strided_slice %add3A {offsets = [0, 0], sizes = [1000, 1], strides = [1, 1]} : vector<1000x128xf32> to vector<1000x1xf32>
    %rsqrt3A = math.rsqrt %slice3A : vector<1000x1xf32>
    %broadcast_in_dim3A = vector.shape_cast %rsqrt3A : vector<1000x1xf32> to vector<1000x1xf32>
    %broadcast_in_dim3A_9 = vector.broadcast %broadcast_in_dim3A : vector<1000x1xf32> to vector<1000x8xf32>
    %swap3A = arith.constant 0 : index
    %swap3A_10 = arith.constant 0 : index
    %swap3A_11 = vector.load %arg4[%swap3A, %swap3A_10] : memref<1000x8xf32, #tpu.memory_space<vmem>>, vector<1000x8xf32>
    tpu.vector_store %arg4[%swap3A, %swap3A_10], %broadcast_in_dim3A_9 {strides = array<i32>} : memref<1000x8xf32, #tpu.memory_space<vmem>>, vector<1000x8xf32>,
    %get3A_12 = arith.constant 0 : index
    %get3A_13 = arith.constant 0 : index
    %get3A_14 = vector.load %arg2[%get3A_12, %get3A_13] : memref<1000x128xf32, #tpu.memory_space<vmem>>, vector<1000x128xf32>
    %get3A_15 = arith.constant 0 : index
    %get3A_16 = arith.constant 0 : index
    %get3A_17 = vector.load %arg3[%get3A_15, %get3A_16] : memref<128x128xf32, #tpu.memory_space<vmem>>, vector<128x128xf32>
    %dot_general3A = arith.constant dense<0.000000e+00> : vector<1000x128xf32>
    %dot_general3A_18 = tpu.matmul %get3A_14, %get3A_17, %dot_general3A {dimension_numbers = #tpu.dot_dimension_numbers<[1], [0], [0], [1], [0, 0, 1, 1], [], []>, transpose_lhs_hint = false} : vector<1000x128xf32>, vector<128x128xf32>, vector<1000x128xf32> -> vector<1000x128xf32>
    %swap3A_19 = arith.constant 0 : index
    %swap3A_20 = arith.constant 0 : index
    %swap3A_21 = vector.load %arg5[%swap3A_19, %swap3A_20] : memref<1000x128xf32, #tpu.memory_space<vmem>>, vector<1000x128xf32>
    tpu.vector_store %arg5[%swap3A_19, %swap3A_20], %dot_general3A_18 {strides = array<i32>} : memref<1000x128xf32, #tpu.memory_space<vmem>>, vector<1000x128xf32>,
    return
  }
  func.func @transform_0(%arg0: i32) -> (i32, i32, i32) {
    %c0_i32 = arith.constant 0 : i32
    %c0_i32_0 = arith.constant 0 : i32
    %c0_i32_1 = arith.constant 0 : i32
    return %c0_i32, %arg0, %c0_i32_0 : i32, i32, i32
  }
  func.func @transform_1(%arg0: i32) -> (i32, i32) {
    %c0_i32 = arith.constant 0 : i32
    %c0_i32_0 = arith.constant 0 : i32
    return %arg0, %c0_i32 : i32, i32
  }
  func.func @transform_2(%arg0: i32) -> (i32, i32) {
    %c0_i32 = arith.constant 0 : i32
    %c0_i32_0 = arith.constant 0 : i32
    %c0_i32_1 = arith.constant 0 : i32
    return %c0_i32, %c0_i32_0 : i32, i32
  }
  func.func @transform_3(%arg0: i32) -> (i32, i32) {
    %c0_i32 = arith.constant 0 : i32
    %c0_i32_0 = arith.constant 0 : i32
    return %arg0, %c0_i32 : i32, i32
  }
  func.func @transform_4(%arg0: i32) -> (i32, i32) {
    %c0_i32 = arith.constant 0 : i32
    %c0_i32_0 = arith.constant 0 : i32
    return %arg0, %c0_i32 : i32, i32
  }
}

module attributes {stable_mosaic.version = 14 : i64} {
  func.func @_combine_body(%arg0: i32, %arg1: memref<1000x128xf32, #tpu.memory_space<vmem>>, %arg2: memref<1x128xf32, #tpu.memory_space<vmem>>, %arg3: memref<128x128xf32, #tpu.memory_space<vmem>>, %arg4: memref<1000x128xf32, #tpu.memory_space<vmem>>, %arg5: memref<1000x128xf32, #tpu.memory_space<vmem>>) attributes {dimension_semantics = [#tpu.dimension_semantics<arbitrary>], iteration_bounds = array<i64: 10>, scalar_prefetch = 0 : i64, scratch_operands = 0 : i64, tpu.core_type = #tpu.core_type<tc>, window_params = [{transform_indices = @transform_0, window_bounds = array<i64: 1000, 128>}, {pipeline_mode = #tpu.pipeline_mode<synchronous>, transform_indices = @transform_1, window_bounds = array<i64: 1, 128>}, {pipeline_mode = #tpu.pipeline_mode<synchronous>, transform_indices = @transform_2, window_bounds = array<i64: 128, 128>}, {transform_indices = @transform_3, window_bounds = array<i64: 1000, 128>}, {transform_indices = @transform_4, window_bounds = array<i64: 1000, 128>}]} {
    %get3A = arith.constant 0 : index
    %get3A_0 = arith.constant 0 : index
    %get3A_1 = vector.load %arg1[%get3A, %get3A_0] : memref<1000x128xf32, #tpu.memory_space<vmem>>, vector<1000x128xf32>
    %get3A_2 = arith.constant 0 : index
    %get3A_3 = arith.constant 0 : index
    %get3A_4 = vector.load %arg2[%get3A_2, %get3A_3] : memref<1x128xf32, #tpu.memory_space<vmem>>, vector<1x128xf32>
    %add3A = vector.broadcast %get3A_4 : vector<1x128xf32> to vector<1000x128xf32>
    %add3A_5 = arith.addf %get3A_1, %add3A : vector<1000x128xf32>
    %tanh3A = math.tanh %add3A_5 : vector<1000x128xf32>
    %swap3A = arith.constant 0 : index
    %swap3A_6 = arith.constant 0 : index
    %swap3A_7 = vector.load %arg4[%swap3A, %swap3A_6] : memref<1000x128xf32, #tpu.memory_space<vmem>>, vector<1000x128xf32>
    tpu.vector_store %arg4[%swap3A, %swap3A_6], %tanh3A {strides = array<i32>} : memref<1000x128xf32, #tpu.memory_space<vmem>>, vector<1000x128xf32>,
    %get3A_8 = arith.constant 0 : index
    %get3A_9 = arith.constant 0 : index
    %get3A_10 = vector.load %arg3[%get3A_8, %get3A_9] : memref<128x128xf32, #tpu.memory_space<vmem>>, vector<128x128xf32>
    %dot_general3A = arith.constant dense<0.000000e+00> : vector<1000x128xf32>
    %dot_general3A_11 = tpu.matmul %tanh3A, %get3A_10, %dot_general3A {dimension_numbers = #tpu.dot_dimension_numbers<[1], [0], [0], [1], [0, 0, 1, 1], [], []>, transpose_lhs_hint = false} : vector<1000x128xf32>, vector<128x128xf32>, vector<1000x128xf32> -> vector<1000x128xf32>
    %swap3A_12 = arith.constant 0 : index
    %swap3A_13 = arith.constant 0 : index
    %swap3A_14 = vector.load %arg5[%swap3A_12, %swap3A_13] : memref<1000x128xf32, #tpu.memory_space<vmem>>, vector<1000x128xf32>
    tpu.vector_store %arg5[%swap3A_12, %swap3A_13], %dot_general3A_11 {strides = array<i32>} : memref<1000x128xf32, #tpu.memory_space<vmem>>, vector<1000x128xf32>,
    return
  }
  func.func @transform_0(%arg0: i32) -> (i32, i32) {
    %c0_i32 = arith.constant 0 : i32
    %c0_i32_0 = arith.constant 0 : i32
    return %arg0, %c0_i32 : i32, i32
  }
  func.func @transform_1(%arg0: i32) -> (i32, i32) {
    %c0_i32 = arith.constant 0 : i32
    %c0_i32_0 = arith.constant 0 : i32
    %c0_i32_1 = arith.constant 0 : i32
    return %c0_i32, %c0_i32_0 : i32, i32
  }
  func.func @transform_2(%arg0: i32) -> (i32, i32) {
    %c0_i32 = arith.constant 0 : i32
    %c0_i32_0 = arith.constant 0 : i32
    %c0_i32_1 = arith.constant 0 : i32
    return %c0_i32, %c0_i32_0 : i32, i32
  }
  func.func @transform_3(%arg0: i32) -> (i32, i32) {
    %c0_i32 = arith.constant 0 : i32
    %c0_i32_0 = arith.constant 0 : i32
    return %arg0, %c0_i32 : i32, i32
  }
  func.func @transform_4(%arg0: i32) -> (i32, i32) {
    %c0_i32 = arith.constant 0 : i32
    %c0_i32_0 = arith.constant 0 : i32
    return %arg0, %c0_i32 : i32, i32
  }
}

module attributes {stable_mosaic.version = 14 : i64} {
  func.func @_tanh_add_body(%arg0: i32, %arg1: memref<1000x128xf32, #tpu.memory_space<vmem>>, %arg2: memref<1x128xf32, #tpu.memory_space<vmem>>, %arg3: memref<1000x128xf32, #tpu.memory_space<vmem>>) attributes {dimension_semantics = [#tpu.dimension_semantics<arbitrary>], iteration_bounds = array<i64: 10>, scalar_prefetch = 0 : i64, scratch_operands = 0 : i64, tpu.core_type = #tpu.core_type<tc>, window_params = [{transform_indices = @transform_0, window_bounds = array<i64: 1000, 128>}, {pipeline_mode = #tpu.pipeline_mode<synchronous>, transform_indices = @transform_1, window_bounds = array<i64: 1, 128>}, {transform_indices = @transform_2, window_bounds = array<i64: 1000, 128>}]} {
    %get3A = arith.constant 0 : index
    %get3A_0 = arith.constant 0 : index
    %get3A_1 = vector.load %arg1[%get3A, %get3A_0] : memref<1000x128xf32, #tpu.memory_space<vmem>>, vector<1000x128xf32>
    %get3A_2 = arith.constant 0 : index
    %get3A_3 = arith.constant 0 : index
    %get3A_4 = vector.load %arg2[%get3A_2, %get3A_3] : memref<1x128xf32, #tpu.memory_space<vmem>>, vector<1x128xf32>
    %add3A = vector.broadcast %get3A_4 : vector<1x128xf32> to vector<1000x128xf32>
    %add3A_5 = arith.addf %get3A_1, %add3A : vector<1000x128xf32>
    %tanh3A = math.tanh %add3A_5 : vector<1000x128xf32>
    %swap3A = arith.constant 0 : index
    %swap3A_6 = arith.constant 0 : index
    %swap3A_7 = vector.load %arg3[%swap3A, %swap3A_6] : memref<1000x128xf32, #tpu.memory_space<vmem>>, vector<1000x128xf32>
    tpu.vector_store %arg3[%swap3A, %swap3A_6], %tanh3A {strides = array<i32>} : memref<1000x128xf32, #tpu.memory_space<vmem>>, vector<1000x128xf32>,
    return
  }
  func.func @transform_0(%arg0: i32) -> (i32, i32) {
    %c0_i32 = arith.constant 0 : i32
    %c0_i32_0 = arith.constant 0 : i32
    return %arg0, %c0_i32 : i32, i32
  }
  func.func @transform_1(%arg0: i32) -> (i32, i32) {
    %c0_i32 = arith.constant 0 : i32
    %c0_i32_0 = arith.constant 0 : i32
    %c0_i32_1 = arith.constant 0 : i32
    return %c0_i32, %c0_i32_0 : i32, i32
  }
  func.func @transform_2(%arg0: i32) -> (i32, i32) {
    %c0_i32 = arith.constant 0 : i32
    %c0_i32_0 = arith.constant 0 : i32
    return %arg0, %c0_i32 : i32, i32
  }
}

module attributes {stable_mosaic.version = 14 : i64} {
  func.func @_topk_body(%arg0: i32, %arg1: memref<80x128xf32, #tpu.memory_space<vmem>>, %arg2: memref<80x128xi32, #tpu.memory_space<vmem>>, %arg3: memref<1x1x32xi32, #tpu.memory_space<vmem>>) attributes {dimension_semantics = [#tpu.dimension_semantics<arbitrary>], iteration_bounds = array<i64: 64>, scalar_prefetch = 0 : i64, scratch_operands = 0 : i64, tpu.core_type = #tpu.core_type<tc>, window_params = [{pipeline_mode = #tpu.pipeline_mode<synchronous>, transform_indices = @transform_0, window_bounds = array<i64: 80, 128>}, {pipeline_mode = #tpu.pipeline_mode<synchronous>, transform_indices = @transform_1, window_bounds = array<i64: 80, 128>}, {transform_indices = @transform_2, window_bounds = array<i64: 1, 1, 32>}]} {
    %get3A = arith.constant 0 : index
    %get3A_0 = arith.constant 0 : index
    %get3A_1 = vector.load %arg1[%get3A, %get3A_0] : memref<80x128xf32, #tpu.memory_space<vmem>>, vector<80x128xf32>
    %get3A_2 = arith.constant 0 : index
    %get3A_3 = arith.constant 0 : index
    %get3A_4 = vector.load %arg2[%get3A_2, %get3A_3] : memref<80x128xi32, #tpu.memory_space<vmem>>, vector<80x128xi32>
    %eq3A = vector.broadcast %arg0 : i32 to vector<80x128xi32>
    %eq3A_5 = arith.cmpi eq, %get3A_4, %eq3A : vector<80x128xi32>
    %convert_element_type3A = arith.extui %eq3A_5 : vector<80x128xi1> to vector<80x128xi32>
    %reduce_sum3A = vector.shape_cast %convert_element_type3A : vector<80x128xi32> to vector<1x80x128xi32>
    %reduce_sum3A_6 = arith.constant dense<0> : vector<1xi32>
    %reduce_sum3A_7 = vector.multi_reduction <add>, %reduce_sum3A, %reduce_sum3A_6 [1, 2] : vector<1x80x128xi32> to vector<1xi32>
    %reduce_sum3A_8 = vector.shape_cast %reduce_sum3A_7 : vector<1xi32> to vector<1x1x1xi32>
    %reduce_sum3A_9 = vector.extract %reduce_sum3A_8[0, 0, 0] : i32 from vector<1x1x1xi32>
    %jit3A = arith.constant 0xFF800000 : f32
    %broadcast_in_dim3A = vector.broadcast %jit3A : f32 to vector<80x128xf32>
    %select_n3A = arith.select %eq3A_5, %get3A_1, %broadcast_in_dim3A : vector<80x128xi1>, vector<80x128xf32>
    %iota3A = tpu.iota {dimensions = array<i32: 0>} : vector<80x128xi32>
    %mul3A = arith.constant 128 : i32
    %mul3A_10 = vector.broadcast %mul3A : i32 to vector<80x128xi32>
    %mul3A_11 = arith.muli %iota3A, %mul3A_10 : vector<80x128xi32>
    %iota3A_12 = tpu.iota {dimensions = array<i32: 1>} : vector<80x128xi32>
    %add3A = arith.addi %mul3A_11, %iota3A_12 : vector<80x128xi32>
    %reduce_max3A = vector.shape_cast %select_n3A : vector<80x128xf32> to vector<1x80x128xf32>
    %reduce_max3A_13 = arith.constant dense<0xFF800000> : vector<1xf32>
    %reduce_max3A_14 = vector.multi_reduction <maximumf>, %reduce_max3A, %reduce_max3A_13 [1, 2] : vector<1x80x128xf32> to vector<1xf32>
    %reduce_max3A_15 = vector.shape_cast %reduce_max3A_14 : vector<1xf32> to vector<1x1x1xf32>
    %reduce_max3A_16 = vector.extract %reduce_max3A_15[0, 0, 0] : f32 from vector<1x1x1xf32>
    %eq3A_17 = vector.broadcast %reduce_max3A_16 : f32 to vector<80x128xf32>
    %eq3A_18 = arith.cmpf oeq, %select_n3A, %eq3A_17 : vector<80x128xf32>
    %jit3A_19 = arith.constant 1073741824 : i32
    %broadcast_in_dim3A_20 = vector.broadcast %jit3A_19 : i32 to vector<80x128xi32>
    %select_n3A_21 = arith.select %eq3A_18, %add3A, %broadcast_in_dim3A_20 : vector<80x128xi1>, vector<80x128xi32>
    %reduce_min3A = vector.shape_cast %select_n3A_21 : vector<80x128xi32> to vector<1x80x128xi32>
    %reduce_min3A_22 = arith.constant dense<2147483647> : vector<1xi32>
    %reduce_min3A_23 = vector.multi_reduction <minsi>, %reduce_min3A, %reduce_min3A_22 [1, 2] : vector<1x80x128xi32> to vector<1xi32>
    %reduce_min3A_24 = vector.shape_cast %reduce_min3A_23 : vector<1xi32> to vector<1x1x1xi32>
    %reduce_min3A_25 = vector.extract %reduce_min3A_24[0, 0, 0] : i32 from vector<1x1x1xi32>
    %gt3A = arith.constant 0 : i32
    %gt3A_26 = arith.cmpi sgt, %reduce_sum3A_9, %gt3A : i32
    %jit3A_27 = arith.constant 10000 : i32
    %select_n3A_28 = arith.select %gt3A_26, %reduce_min3A_25, %jit3A_27 : i32
    %eq3A_29 = vector.broadcast %reduce_min3A_25 : i32 to vector<80x128xi32>
    %eq3A_30 = arith.cmpi eq, %add3A, %eq3A_29 : vector<80x128xi32>
    %jit3A_31 = arith.constant 0xFF800000 : f32
    %broadcast_in_dim3A_32 = vector.broadcast %jit3A_31 : f32 to vector<80x128xf32>
    %select_n3A_33 = arith.select %eq3A_30, %broadcast_in_dim3A_32, %select_n3A : vector<80x128xi1>, vector<80x128xf32>
    %reduce_max3A_34 = vector.shape_cast %select_n3A_33 : vector<80x128xf32> to vector<1x80x128xf32>
    %reduce_max3A_35 = arith.constant dense<0xFF800000> : vector<1xf32>
    %reduce_max3A_36 = vector.multi_reduction <maximumf>, %reduce_max3A_34, %reduce_max3A_35 [1, 2] : vector<1x80x128xf32> to vector<1xf32>
    %reduce_max3A_37 = vector.shape_cast %reduce_max3A_36 : vector<1xf32> to vector<1x1x1xf32>
    %reduce_max3A_38 = vector.extract %reduce_max3A_37[0, 0, 0] : f32 from vector<1x1x1xf32>
    %eq3A_39 = vector.broadcast %reduce_max3A_38 : f32 to vector<80x128xf32>
    %eq3A_40 = arith.cmpf oeq, %select_n3A_33, %eq3A_39 : vector<80x128xf32>
    %jit3A_41 = arith.constant 1073741824 : i32
    %broadcast_in_dim3A_42 = vector.broadcast %jit3A_41 : i32 to vector<80x128xi32>
    %select_n3A_43 = arith.select %eq3A_40, %add3A, %broadcast_in_dim3A_42 : vector<80x128xi1>, vector<80x128xi32>
    %reduce_min3A_44 = vector.shape_cast %select_n3A_43 : vector<80x128xi32> to vector<1x80x128xi32>
    %reduce_min3A_45 = arith.constant dense<2147483647> : vector<1xi32>
    %reduce_min3A_46 = vector.multi_reduction <minsi>, %reduce_min3A_44, %reduce_min3A_45 [1, 2] : vector<1x80x128xi32> to vector<1xi32>
    %reduce_min3A_47 = vector.shape_cast %reduce_min3A_46 : vector<1xi32> to vector<1x1x1xi32>
    %reduce_min3A_48 = vector.extract %reduce_min3A_47[0, 0, 0] : i32 from vector<1x1x1xi32>
    %gt3A_49 = arith.constant 1 : i32
    %gt3A_50 = arith.cmpi sgt, %reduce_sum3A_9, %gt3A_49 : i32
    %jit3A_51 = arith.constant 10000 : i32
    %select_n3A_52 = arith.select %gt3A_50, %reduce_min3A_48, %jit3A_51 : i32
    %eq3A_53 = vector.broadcast %reduce_min3A_48 : i32 to vector<80x128xi32>
    %eq3A_54 = arith.cmpi eq, %add3A, %eq3A_53 : vector<80x128xi32>
    %jit3A_55 = arith.constant 0xFF800000 : f32
    %broadcast_in_dim3A_56 = vector.broadcast %jit3A_55 : f32 to vector<80x128xf32>
    %select_n3A_57 = arith.select %eq3A_54, %broadcast_in_dim3A_56, %select_n3A_33 : vector<80x128xi1>, vector<80x128xf32>
    %reduce_max3A_58 = vector.shape_cast %select_n3A_57 : vector<80x128xf32> to vector<1x80x128xf32>
    %reduce_max3A_59 = arith.constant dense<0xFF800000> : vector<1xf32>
    %reduce_max3A_60 = vector.multi_reduction <maximumf>, %reduce_max3A_58, %reduce_max3A_59 [1, 2] : vector<1x80x128xf32> to vector<1xf32>
    %reduce_max3A_61 = vector.shape_cast %reduce_max3A_60 : vector<1xf32> to vector<1x1x1xf32>
    %reduce_max3A_62 = vector.extract %reduce_max3A_61[0, 0, 0] : f32 from vector<1x1x1xf32>
    %eq3A_63 = vector.broadcast %reduce_max3A_62 : f32 to vector<80x128xf32>
    %eq3A_64 = arith.cmpf oeq, %select_n3A_57, %eq3A_63 : vector<80x128xf32>
    %jit3A_65 = arith.constant 1073741824 : i32
    %broadcast_in_dim3A_66 = vector.broadcast %jit3A_65 : i32 to vector<80x128xi32>
    %select_n3A_67 = arith.select %eq3A_64, %add3A, %broadcast_in_dim3A_66 : vector<80x128xi1>, vector<80x128xi32>
    %reduce_min3A_68 = vector.shape_cast %select_n3A_67 : vector<80x128xi32> to vector<1x80x128xi32>
    %reduce_min3A_69 = arith.constant dense<2147483647> : vector<1xi32>
    %reduce_min3A_70 = vector.multi_reduction <minsi>, %reduce_min3A_68, %reduce_min3A_69 [1, 2] : vector<1x80x128xi32> to vector<1xi32>
    %reduce_min3A_71 = vector.shape_cast %reduce_min3A_70 : vector<1xi32> to vector<1x1x1xi32>
    %reduce_min3A_72 = vector.extract %reduce_min3A_71[0, 0, 0] : i32 from vector<1x1x1xi32>
    %gt3A_73 = arith.constant 2 : i32
    %gt3A_74 = arith.cmpi sgt, %reduce_sum3A_9, %gt3A_73 : i32
    %jit3A_75 = arith.constant 10000 : i32
    %select_n3A_76 = arith.select %gt3A_74, %reduce_min3A_72, %jit3A_75 : i32
    %eq3A_77 = vector.broadcast %reduce_min3A_72 : i32 to vector<80x128xi32>
    %eq3A_78 = arith.cmpi eq, %add3A, %eq3A_77 : vector<80x128xi32>
    %jit3A_79 = arith.constant 0xFF800000 : f32
    %broadcast_in_dim3A_80 = vector.broadcast %jit3A_79 : f32 to vector<80x128xf32>
    %select_n3A_81 = arith.select %eq3A_78, %broadcast_in_dim3A_80, %select_n3A_57 : vector<80x128xi1>, vector<80x128xf32>
    %reduce_max3A_82 = vector.shape_cast %select_n3A_81 : vector<80x128xf32> to vector<1x80x128xf32>
    %reduce_max3A_83 = arith.constant dense<0xFF800000> : vector<1xf32>
    %reduce_max3A_84 = vector.multi_reduction <maximumf>, %reduce_max3A_82, %reduce_max3A_83 [1, 2] : vector<1x80x128xf32> to vector<1xf32>
    %reduce_max3A_85 = vector.shape_cast %reduce_max3A_84 : vector<1xf32> to vector<1x1x1xf32>
    %reduce_max3A_86 = vector.extract %reduce_max3A_85[0, 0, 0] : f32 from vector<1x1x1xf32>
    %eq3A_87 = vector.broadcast %reduce_max3A_86 : f32 to vector<80x128xf32>
    %eq3A_88 = arith.cmpf oeq, %select_n3A_81, %eq3A_87 : vector<80x128xf32>
    %jit3A_89 = arith.constant 1073741824 : i32
    %broadcast_in_dim3A_90 = vector.broadcast %jit3A_89 : i32 to vector<80x128xi32>
    %select_n3A_91 = arith.select %eq3A_88, %add3A, %broadcast_in_dim3A_90 : vector<80x128xi1>, vector<80x128xi32>
    %reduce_min3A_92 = vector.shape_cast %select_n3A_91 : vector<80x128xi32> to vector<1x80x128xi32>
    %reduce_min3A_93 = arith.constant dense<2147483647> : vector<1xi32>
    %reduce_min3A_94 = vector.multi_reduction <minsi>, %reduce_min3A_92, %reduce_min3A_93 [1, 2] : vector<1x80x128xi32> to vector<1xi32>
    %reduce_min3A_95 = vector.shape_cast %reduce_min3A_94 : vector<1xi32> to vector<1x1x1xi32>
    %reduce_min3A_96 = vector.extract %reduce_min3A_95[0, 0, 0] : i32 from vector<1x1x1xi32>
    %gt3A_97 = arith.constant 3 : i32
    %gt3A_98 = arith.cmpi sgt, %reduce_sum3A_9, %gt3A_97 : i32
    %jit3A_99 = arith.constant 10000 : i32
    %select_n3A_100 = arith.select %gt3A_98, %reduce_min3A_96, %jit3A_99 : i32
    %eq3A_101 = vector.broadcast %reduce_min3A_96 : i32 to vector<80x128xi32>
    %eq3A_102 = arith.cmpi eq, %add3A, %eq3A_101 : vector<80x128xi32>
    %jit3A_103 = arith.constant 0xFF800000 : f32
    %broadcast_in_dim3A_104 = vector.broadcast %jit3A_103 : f32 to vector<80x128xf32>
    %select_n3A_105 = arith.select %eq3A_102, %broadcast_in_dim3A_104, %select_n3A_81 : vector<80x128xi1>, vector<80x128xf32>
    %reduce_max3A_106 = vector.shape_cast %select_n3A_105 : vector<80x128xf32> to vector<1x80x128xf32>
    %reduce_max3A_107 = arith.constant dense<0xFF800000> : vector<1xf32>
    %reduce_max3A_108 = vector.multi_reduction <maximumf>, %reduce_max3A_106, %reduce_max3A_107 [1, 2] : vector<1x80x128xf32> to vector<1xf32>
    %reduce_max3A_109 = vector.shape_cast %reduce_max3A_108 : vector<1xf32> to vector<1x1x1xf32>
    %reduce_max3A_110 = vector.extract %reduce_max3A_109[0, 0, 0] : f32 from vector<1x1x1xf32>
    %eq3A_111 = vector.broadcast %reduce_max3A_110 : f32 to vector<80x128xf32>
    %eq3A_112 = arith.cmpf oeq, %select_n3A_105, %eq3A_111 : vector<80x128xf32>
    %jit3A_113 = arith.constant 1073741824 : i32
    %broadcast_in_dim3A_114 = vector.broadcast %jit3A_113 : i32 to vector<80x128xi32>
    %select_n3A_115 = arith.select %eq3A_112, %add3A, %broadcast_in_dim3A_114 : vector<80x128xi1>, vector<80x128xi32>
    %reduce_min3A_116 = vector.shape_cast %select_n3A_115 : vector<80x128xi32> to vector<1x80x128xi32>
    %reduce_min3A_117 = arith.constant dense<2147483647> : vector<1xi32>
    %reduce_min3A_118 = vector.multi_reduction <minsi>, %reduce_min3A_116, %reduce_min3A_117 [1, 2] : vector<1x80x128xi32> to vector<1xi32>
    %reduce_min3A_119 = vector.shape_cast %reduce_min3A_118 : vector<1xi32> to vector<1x1x1xi32>
    %reduce_min3A_120 = vector.extract %reduce_min3A_119[0, 0, 0] : i32 from vector<1x1x1xi32>
    %gt3A_121 = arith.constant 4 : i32
    %gt3A_122 = arith.cmpi sgt, %reduce_sum3A_9, %gt3A_121 : i32
    %jit3A_123 = arith.constant 10000 : i32
    %select_n3A_124 = arith.select %gt3A_122, %reduce_min3A_120, %jit3A_123 : i32
    %eq3A_125 = vector.broadcast %reduce_min3A_120 : i32 to vector<80x128xi32>
    %eq3A_126 = arith.cmpi eq, %add3A, %eq3A_125 : vector<80x128xi32>
    %jit3A_127 = arith.constant 0xFF800000 : f32
    %broadcast_in_dim3A_128 = vector.broadcast %jit3A_127 : f32 to vector<80x128xf32>
    %select_n3A_129 = arith.select %eq3A_126, %broadcast_in_dim3A_128, %select_n3A_105 : vector<80x128xi1>, vector<80x128xf32>
    %reduce_max3A_130 = vector.shape_cast %select_n3A_129 : vector<80x128xf32> to vector<1x80x128xf32>
    %reduce_max3A_131 = arith.constant dense<0xFF800000> : vector<1xf32>
    %reduce_max3A_132 = vector.multi_reduction <maximumf>, %reduce_max3A_130, %reduce_max3A_131 [1, 2] : vector<1x80x128xf32> to vector<1xf32>
    %reduce_max3A_133 = vector.shape_cast %reduce_max3A_132 : vector<1xf32> to vector<1x1x1xf32>
    %reduce_max3A_134 = vector.extract %reduce_max3A_133[0, 0, 0] : f32 from vector<1x1x1xf32>
    %eq3A_135 = vector.broadcast %reduce_max3A_134 : f32 to vector<80x128xf32>
    %eq3A_136 = arith.cmpf oeq, %select_n3A_129, %eq3A_135 : vector<80x128xf32>
    %jit3A_137 = arith.constant 1073741824 : i32
    %broadcast_in_dim3A_138 = vector.broadcast %jit3A_137 : i32 to vector<80x128xi32>
    %select_n3A_139 = arith.select %eq3A_136, %add3A, %broadcast_in_dim3A_138 : vector<80x128xi1>, vector<80x128xi32>
    %reduce_min3A_140 = vector.shape_cast %select_n3A_139 : vector<80x128xi32> to vector<1x80x128xi32>
    %reduce_min3A_141 = arith.constant dense<2147483647> : vector<1xi32>
    %reduce_min3A_142 = vector.multi_reduction <minsi>, %reduce_min3A_140, %reduce_min3A_141 [1, 2] : vector<1x80x128xi32> to vector<1xi32>
    %reduce_min3A_143 = vector.shape_cast %reduce_min3A_142 : vector<1xi32> to vector<1x1x1xi32>
    %reduce_min3A_144 = vector.extract %reduce_min3A_143[0, 0, 0] : i32 from vector<1x1x1xi32>
    %gt3A_145 = arith.constant 5 : i32
    %gt3A_146 = arith.cmpi sgt, %reduce_sum3A_9, %gt3A_145 : i32
    %jit3A_147 = arith.constant 10000 : i32
    %select_n3A_148 = arith.select %gt3A_146, %reduce_min3A_144, %jit3A_147 : i32
    %eq3A_149 = vector.broadcast %reduce_min3A_144 : i32 to vector<80x128xi32>
    %eq3A_150 = arith.cmpi eq, %add3A, %eq3A_149 : vector<80x128xi32>
    %jit3A_151 = arith.constant 0xFF800000 : f32
    %broadcast_in_dim3A_152 = vector.broadcast %jit3A_151 : f32 to vector<80x128xf32>
    %select_n3A_153 = arith.select %eq3A_150, %broadcast_in_dim3A_152, %select_n3A_129 : vector<80x128xi1>, vector<80x128xf32>
    %reduce_max3A_154 = vector.shape_cast %select_n3A_153 : vector<80x128xf32> to vector<1x80x128xf32>
    %reduce_max3A_155 = arith.constant dense<0xFF800000> : vector<1xf32>
    %reduce_max3A_156 = vector.multi_reduction <maximumf>, %reduce_max3A_154, %reduce_max3A_155 [1, 2] : vector<1x80x128xf32> to vector<1xf32>
    %reduce_max3A_157 = vector.shape_cast %reduce_max3A_156 : vector<1xf32> to vector<1x1x1xf32>
    %reduce_max3A_158 = vector.extract %reduce_max3A_157[0, 0, 0] : f32 from vector<1x1x1xf32>
    %eq3A_159 = vector.broadcast %reduce_max3A_158 : f32 to vector<80x128xf32>
    %eq3A_160 = arith.cmpf oeq, %select_n3A_153, %eq3A_159 : vector<80x128xf32>
    %jit3A_161 = arith.constant 1073741824 : i32
    %broadcast_in_dim3A_162 = vector.broadcast %jit3A_161 : i32 to vector<80x128xi32>
    %select_n3A_163 = arith.select %eq3A_160, %add3A, %broadcast_in_dim3A_162 : vector<80x128xi1>, vector<80x128xi32>
    %reduce_min3A_164 = vector.shape_cast %select_n3A_163 : vector<80x128xi32> to vector<1x80x128xi32>
    %reduce_min3A_165 = arith.constant dense<2147483647> : vector<1xi32>
    %reduce_min3A_166 = vector.multi_reduction <minsi>, %reduce_min3A_164, %reduce_min3A_165 [1, 2] : vector<1x80x128xi32> to vector<1xi32>
    %reduce_min3A_167 = vector.shape_cast %reduce_min3A_166 : vector<1xi32> to vector<1x1x1xi32>
    %reduce_min3A_168 = vector.extract %reduce_min3A_167[0, 0, 0] : i32 from vector<1x1x1xi32>
    %gt3A_169 = arith.constant 6 : i32
    %gt3A_170 = arith.cmpi sgt, %reduce_sum3A_9, %gt3A_169 : i32
    %jit3A_171 = arith.constant 10000 : i32
    %select_n3A_172 = arith.select %gt3A_170, %reduce_min3A_168, %jit3A_171 : i32
    %eq3A_173 = vector.broadcast %reduce_min3A_168 : i32 to vector<80x128xi32>
    %eq3A_174 = arith.cmpi eq, %add3A, %eq3A_173 : vector<80x128xi32>
    %jit3A_175 = arith.constant 0xFF800000 : f32
    %broadcast_in_dim3A_176 = vector.broadcast %jit3A_175 : f32 to vector<80x128xf32>
    %select_n3A_177 = arith.select %eq3A_174, %broadcast_in_dim3A_176, %select_n3A_153 : vector<80x128xi1>, vector<80x128xf32>
    %reduce_max3A_178 = vector.shape_cast %select_n3A_177 : vector<80x128xf32> to vector<1x80x128xf32>
    %reduce_max3A_179 = arith.constant dense<0xFF800000> : vector<1xf32>
    %reduce_max3A_180 = vector.multi_reduction <maximumf>, %reduce_max3A_178, %reduce_max3A_179 [1, 2] : vector<1x80x128xf32> to vector<1xf32>
    %reduce_max3A_181 = vector.shape_cast %reduce_max3A_180 : vector<1xf32> to vector<1x1x1xf32>
    %reduce_max3A_182 = vector.extract %reduce_max3A_181[0, 0, 0] : f32 from vector<1x1x1xf32>
    %eq3A_183 = vector.broadcast %reduce_max3A_182 : f32 to vector<80x128xf32>
    %eq3A_184 = arith.cmpf oeq, %select_n3A_177, %eq3A_183 : vector<80x128xf32>
    %jit3A_185 = arith.constant 1073741824 : i32
    %broadcast_in_dim3A_186 = vector.broadcast %jit3A_185 : i32 to vector<80x128xi32>
    %select_n3A_187 = arith.select %eq3A_184, %add3A, %broadcast_in_dim3A_186 : vector<80x128xi1>, vector<80x128xi32>
    %reduce_min3A_188 = vector.shape_cast %select_n3A_187 : vector<80x128xi32> to vector<1x80x128xi32>
    %reduce_min3A_189 = arith.constant dense<2147483647> : vector<1xi32>
    %reduce_min3A_190 = vector.multi_reduction <minsi>, %reduce_min3A_188, %reduce_min3A_189 [1, 2] : vector<1x80x128xi32> to vector<1xi32>
    %reduce_min3A_191 = vector.shape_cast %reduce_min3A_190 : vector<1xi32> to vector<1x1x1xi32>
    %reduce_min3A_192 = vector.extract %reduce_min3A_191[0, 0, 0] : i32 from vector<1x1x1xi32>
    %gt3A_193 = arith.constant 7 : i32
    %gt3A_194 = arith.cmpi sgt, %reduce_sum3A_9, %gt3A_193 : i32
    %jit3A_195 = arith.constant 10000 : i32
    %select_n3A_196 = arith.select %gt3A_194, %reduce_min3A_192, %jit3A_195 : i32
    %eq3A_197 = vector.broadcast %reduce_min3A_192 : i32 to vector<80x128xi32>
    %eq3A_198 = arith.cmpi eq, %add3A, %eq3A_197 : vector<80x128xi32>
    %jit3A_199 = arith.constant 0xFF800000 : f32
    %broadcast_in_dim3A_200 = vector.broadcast %jit3A_199 : f32 to vector<80x128xf32>
    %select_n3A_201 = arith.select %eq3A_198, %broadcast_in_dim3A_200, %select_n3A_177 : vector<80x128xi1>, vector<80x128xf32>
    %reduce_max3A_202 = vector.shape_cast %select_n3A_201 : vector<80x128xf32> to vector<1x80x128xf32>
    %reduce_max3A_203 = arith.constant dense<0xFF800000> : vector<1xf32>
    %reduce_max3A_204 = vector.multi_reduction <maximumf>, %reduce_max3A_202, %reduce_max3A_203 [1, 2] : vector<1x80x128xf32> to vector<1xf32>
    %reduce_max3A_205 = vector.shape_cast %reduce_max3A_204 : vector<1xf32> to vector<1x1x1xf32>
    %reduce_max3A_206 = vector.extract %reduce_max3A_205[0, 0, 0] : f32 from vector<1x1x1xf32>
    %eq3A_207 = vector.broadcast %reduce_max3A_206 : f32 to vector<80x128xf32>
    %eq3A_208 = arith.cmpf oeq, %select_n3A_201, %eq3A_207 : vector<80x128xf32>
    %jit3A_209 = arith.constant 1073741824 : i32
    %broadcast_in_dim3A_210 = vector.broadcast %jit3A_209 : i32 to vector<80x128xi32>
    %select_n3A_211 = arith.select %eq3A_208, %add3A, %broadcast_in_dim3A_210 : vector<80x128xi1>, vector<80x128xi32>
    %reduce_min3A_212 = vector.shape_cast %select_n3A_211 : vector<80x128xi32> to vector<1x80x128xi32>
    %reduce_min3A_213 = arith.constant dense<2147483647> : vector<1xi32>
    %reduce_min3A_214 = vector.multi_reduction <minsi>, %reduce_min3A_212, %reduce_min3A_213 [1, 2] : vector<1x80x128xi32> to vector<1xi32>
    %reduce_min3A_215 = vector.shape_cast %reduce_min3A_214 : vector<1xi32> to vector<1x1x1xi32>
    %reduce_min3A_216 = vector.extract %reduce_min3A_215[0, 0, 0] : i32 from vector<1x1x1xi32>
    %gt3A_217 = arith.constant 8 : i32
    %gt3A_218 = arith.cmpi sgt, %reduce_sum3A_9, %gt3A_217 : i32
    %jit3A_219 = arith.constant 10000 : i32
    %select_n3A_220 = arith.select %gt3A_218, %reduce_min3A_216, %jit3A_219 : i32
    %eq3A_221 = vector.broadcast %reduce_min3A_216 : i32 to vector<80x128xi32>
    %eq3A_222 = arith.cmpi eq, %add3A, %eq3A_221 : vector<80x128xi32>
    %jit3A_223 = arith.constant 0xFF800000 : f32
    %broadcast_in_dim3A_224 = vector.broadcast %jit3A_223 : f32 to vector<80x128xf32>
    %select_n3A_225 = arith.select %eq3A_222, %broadcast_in_dim3A_224, %select_n3A_201 : vector<80x128xi1>, vector<80x128xf32>
    %reduce_max3A_226 = vector.shape_cast %select_n3A_225 : vector<80x128xf32> to vector<1x80x128xf32>
    %reduce_max3A_227 = arith.constant dense<0xFF800000> : vector<1xf32>
    %reduce_max3A_228 = vector.multi_reduction <maximumf>, %reduce_max3A_226, %reduce_max3A_227 [1, 2] : vector<1x80x128xf32> to vector<1xf32>
    %reduce_max3A_229 = vector.shape_cast %reduce_max3A_228 : vector<1xf32> to vector<1x1x1xf32>
    %reduce_max3A_230 = vector.extract %reduce_max3A_229[0, 0, 0] : f32 from vector<1x1x1xf32>
    %eq3A_231 = vector.broadcast %reduce_max3A_230 : f32 to vector<80x128xf32>
    %eq3A_232 = arith.cmpf oeq, %select_n3A_225, %eq3A_231 : vector<80x128xf32>
    %jit3A_233 = arith.constant 1073741824 : i32
    %broadcast_in_dim3A_234 = vector.broadcast %jit3A_233 : i32 to vector<80x128xi32>
    %select_n3A_235 = arith.select %eq3A_232, %add3A, %broadcast_in_dim3A_234 : vector<80x128xi1>, vector<80x128xi32>
    %reduce_min3A_236 = vector.shape_cast %select_n3A_235 : vector<80x128xi32> to vector<1x80x128xi32>
    %reduce_min3A_237 = arith.constant dense<2147483647> : vector<1xi32>
    %reduce_min3A_238 = vector.multi_reduction <minsi>, %reduce_min3A_236, %reduce_min3A_237 [1, 2] : vector<1x80x128xi32> to vector<1xi32>
    %reduce_min3A_239 = vector.shape_cast %reduce_min3A_238 : vector<1xi32> to vector<1x1x1xi32>
    %reduce_min3A_240 = vector.extract %reduce_min3A_239[0, 0, 0] : i32 from vector<1x1x1xi32>
    %gt3A_241 = arith.constant 9 : i32
    %gt3A_242 = arith.cmpi sgt, %reduce_sum3A_9, %gt3A_241 : i32
    %jit3A_243 = arith.constant 10000 : i32
    %select_n3A_244 = arith.select %gt3A_242, %reduce_min3A_240, %jit3A_243 : i32
    %eq3A_245 = vector.broadcast %reduce_min3A_240 : i32 to vector<80x128xi32>
    %eq3A_246 = arith.cmpi eq, %add3A, %eq3A_245 : vector<80x128xi32>
    %jit3A_247 = arith.constant 0xFF800000 : f32
    %broadcast_in_dim3A_248 = vector.broadcast %jit3A_247 : f32 to vector<80x128xf32>
    %select_n3A_249 = arith.select %eq3A_246, %broadcast_in_dim3A_248, %select_n3A_225 : vector<80x128xi1>, vector<80x128xf32>
    %reduce_max3A_250 = vector.shape_cast %select_n3A_249 : vector<80x128xf32> to vector<1x80x128xf32>
    %reduce_max3A_251 = arith.constant dense<0xFF800000> : vector<1xf32>
    %reduce_max3A_252 = vector.multi_reduction <maximumf>, %reduce_max3A_250, %reduce_max3A_251 [1, 2] : vector<1x80x128xf32> to vector<1xf32>
    %reduce_max3A_253 = vector.shape_cast %reduce_max3A_252 : vector<1xf32> to vector<1x1x1xf32>
    %reduce_max3A_254 = vector.extract %reduce_max3A_253[0, 0, 0] : f32 from vector<1x1x1xf32>
    %eq3A_255 = vector.broadcast %reduce_max3A_254 : f32 to vector<80x128xf32>
    %eq3A_256 = arith.cmpf oeq, %select_n3A_249, %eq3A_255 : vector<80x128xf32>
    %jit3A_257 = arith.constant 1073741824 : i32
    %broadcast_in_dim3A_258 = vector.broadcast %jit3A_257 : i32 to vector<80x128xi32>
    %select_n3A_259 = arith.select %eq3A_256, %add3A, %broadcast_in_dim3A_258 : vector<80x128xi1>, vector<80x128xi32>
    %reduce_min3A_260 = vector.shape_cast %select_n3A_259 : vector<80x128xi32> to vector<1x80x128xi32>
    %reduce_min3A_261 = arith.constant dense<2147483647> : vector<1xi32>
    %reduce_min3A_262 = vector.multi_reduction <minsi>, %reduce_min3A_260, %reduce_min3A_261 [1, 2] : vector<1x80x128xi32> to vector<1xi32>
    %reduce_min3A_263 = vector.shape_cast %reduce_min3A_262 : vector<1xi32> to vector<1x1x1xi32>
    %reduce_min3A_264 = vector.extract %reduce_min3A_263[0, 0, 0] : i32 from vector<1x1x1xi32>
    %gt3A_265 = arith.constant 10 : i32
    %gt3A_266 = arith.cmpi sgt, %reduce_sum3A_9, %gt3A_265 : i32
    %jit3A_267 = arith.constant 10000 : i32
    %select_n3A_268 = arith.select %gt3A_266, %reduce_min3A_264, %jit3A_267 : i32
    %eq3A_269 = vector.broadcast %reduce_min3A_264 : i32 to vector<80x128xi32>
    %eq3A_270 = arith.cmpi eq, %add3A, %eq3A_269 : vector<80x128xi32>
    %jit3A_271 = arith.constant 0xFF800000 : f32
    %broadcast_in_dim3A_272 = vector.broadcast %jit3A_271 : f32 to vector<80x128xf32>
    %select_n3A_273 = arith.select %eq3A_270, %broadcast_in_dim3A_272, %select_n3A_249 : vector<80x128xi1>, vector<80x128xf32>
    %reduce_max3A_274 = vector.shape_cast %select_n3A_273 : vector<80x128xf32> to vector<1x80x128xf32>
    %reduce_max3A_275 = arith.constant dense<0xFF800000> : vector<1xf32>
    %reduce_max3A_276 = vector.multi_reduction <maximumf>, %reduce_max3A_274, %reduce_max3A_275 [1, 2] : vector<1x80x128xf32> to vector<1xf32>
    %reduce_max3A_277 = vector.shape_cast %reduce_max3A_276 : vector<1xf32> to vector<1x1x1xf32>
    %reduce_max3A_278 = vector.extract %reduce_max3A_277[0, 0, 0] : f32 from vector<1x1x1xf32>
    %eq3A_279 = vector.broadcast %reduce_max3A_278 : f32 to vector<80x128xf32>
    %eq3A_280 = arith.cmpf oeq, %select_n3A_273, %eq3A_279 : vector<80x128xf32>
    %jit3A_281 = arith.constant 1073741824 : i32
    %broadcast_in_dim3A_282 = vector.broadcast %jit3A_281 : i32 to vector<80x128xi32>
    %select_n3A_283 = arith.select %eq3A_280, %add3A, %broadcast_in_dim3A_282 : vector<80x128xi1>, vector<80x128xi32>
    %reduce_min3A_284 = vector.shape_cast %select_n3A_283 : vector<80x128xi32> to vector<1x80x128xi32>
    %reduce_min3A_285 = arith.constant dense<2147483647> : vector<1xi32>
    %reduce_min3A_286 = vector.multi_reduction <minsi>, %reduce_min3A_284, %reduce_min3A_285 [1, 2] : vector<1x80x128xi32> to vector<1xi32>
    %reduce_min3A_287 = vector.shape_cast %reduce_min3A_286 : vector<1xi32> to vector<1x1x1xi32>
    %reduce_min3A_288 = vector.extract %reduce_min3A_287[0, 0, 0] : i32 from vector<1x1x1xi32>
    %gt3A_289 = arith.constant 11 : i32
    %gt3A_290 = arith.cmpi sgt, %reduce_sum3A_9, %gt3A_289 : i32
    %jit3A_291 = arith.constant 10000 : i32
    %select_n3A_292 = arith.select %gt3A_290, %reduce_min3A_288, %jit3A_291 : i32
    %eq3A_293 = vector.broadcast %reduce_min3A_288 : i32 to vector<80x128xi32>
    %eq3A_294 = arith.cmpi eq, %add3A, %eq3A_293 : vector<80x128xi32>
    %jit3A_295 = arith.constant 0xFF800000 : f32
    %broadcast_in_dim3A_296 = vector.broadcast %jit3A_295 : f32 to vector<80x128xf32>
    %select_n3A_297 = arith.select %eq3A_294, %broadcast_in_dim3A_296, %select_n3A_273 : vector<80x128xi1>, vector<80x128xf32>
    %reduce_max3A_298 = vector.shape_cast %select_n3A_297 : vector<80x128xf32> to vector<1x80x128xf32>
    %reduce_max3A_299 = arith.constant dense<0xFF800000> : vector<1xf32>
    %reduce_max3A_300 = vector.multi_reduction <maximumf>, %reduce_max3A_298, %reduce_max3A_299 [1, 2] : vector<1x80x128xf32> to vector<1xf32>
    %reduce_max3A_301 = vector.shape_cast %reduce_max3A_300 : vector<1xf32> to vector<1x1x1xf32>
    %reduce_max3A_302 = vector.extract %reduce_max3A_301[0, 0, 0] : f32 from vector<1x1x1xf32>
    %eq3A_303 = vector.broadcast %reduce_max3A_302 : f32 to vector<80x128xf32>
    %eq3A_304 = arith.cmpf oeq, %select_n3A_297, %eq3A_303 : vector<80x128xf32>
    %jit3A_305 = arith.constant 1073741824 : i32
    %broadcast_in_dim3A_306 = vector.broadcast %jit3A_305 : i32 to vector<80x128xi32>
    %select_n3A_307 = arith.select %eq3A_304, %add3A, %broadcast_in_dim3A_306 : vector<80x128xi1>, vector<80x128xi32>
    %reduce_min3A_308 = vector.shape_cast %select_n3A_307 : vector<80x128xi32> to vector<1x80x128xi32>
    %reduce_min3A_309 = arith.constant dense<2147483647> : vector<1xi32>
    %reduce_min3A_310 = vector.multi_reduction <minsi>, %reduce_min3A_308, %reduce_min3A_309 [1, 2] : vector<1x80x128xi32> to vector<1xi32>
    %reduce_min3A_311 = vector.shape_cast %reduce_min3A_310 : vector<1xi32> to vector<1x1x1xi32>
    %reduce_min3A_312 = vector.extract %reduce_min3A_311[0, 0, 0] : i32 from vector<1x1x1xi32>
    %gt3A_313 = arith.constant 12 : i32
    %gt3A_314 = arith.cmpi sgt, %reduce_sum3A_9, %gt3A_313 : i32
    %jit3A_315 = arith.constant 10000 : i32
    %select_n3A_316 = arith.select %gt3A_314, %reduce_min3A_312, %jit3A_315 : i32
    %eq3A_317 = vector.broadcast %reduce_min3A_312 : i32 to vector<80x128xi32>
    %eq3A_318 = arith.cmpi eq, %add3A, %eq3A_317 : vector<80x128xi32>
    %jit3A_319 = arith.constant 0xFF800000 : f32
    %broadcast_in_dim3A_320 = vector.broadcast %jit3A_319 : f32 to vector<80x128xf32>
    %select_n3A_321 = arith.select %eq3A_318, %broadcast_in_dim3A_320, %select_n3A_297 : vector<80x128xi1>, vector<80x128xf32>
    %reduce_max3A_322 = vector.shape_cast %select_n3A_321 : vector<80x128xf32> to vector<1x80x128xf32>
    %reduce_max3A_323 = arith.constant dense<0xFF800000> : vector<1xf32>
    %reduce_max3A_324 = vector.multi_reduction <maximumf>, %reduce_max3A_322, %reduce_max3A_323 [1, 2] : vector<1x80x128xf32> to vector<1xf32>
    %reduce_max3A_325 = vector.shape_cast %reduce_max3A_324 : vector<1xf32> to vector<1x1x1xf32>
    %reduce_max3A_326 = vector.extract %reduce_max3A_325[0, 0, 0] : f32 from vector<1x1x1xf32>
    %eq3A_327 = vector.broadcast %reduce_max3A_326 : f32 to vector<80x128xf32>
    %eq3A_328 = arith.cmpf oeq, %select_n3A_321, %eq3A_327 : vector<80x128xf32>
    %jit3A_329 = arith.constant 1073741824 : i32
    %broadcast_in_dim3A_330 = vector.broadcast %jit3A_329 : i32 to vector<80x128xi32>
    %select_n3A_331 = arith.select %eq3A_328, %add3A, %broadcast_in_dim3A_330 : vector<80x128xi1>, vector<80x128xi32>
    %reduce_min3A_332 = vector.shape_cast %select_n3A_331 : vector<80x128xi32> to vector<1x80x128xi32>
    %reduce_min3A_333 = arith.constant dense<2147483647> : vector<1xi32>
    %reduce_min3A_334 = vector.multi_reduction <minsi>, %reduce_min3A_332, %reduce_min3A_333 [1, 2] : vector<1x80x128xi32> to vector<1xi32>
    %reduce_min3A_335 = vector.shape_cast %reduce_min3A_334 : vector<1xi32> to vector<1x1x1xi32>
    %reduce_min3A_336 = vector.extract %reduce_min3A_335[0, 0, 0] : i32 from vector<1x1x1xi32>
    %gt3A_337 = arith.constant 13 : i32
    %gt3A_338 = arith.cmpi sgt, %reduce_sum3A_9, %gt3A_337 : i32
    %jit3A_339 = arith.constant 10000 : i32
    %select_n3A_340 = arith.select %gt3A_338, %reduce_min3A_336, %jit3A_339 : i32
    %eq3A_341 = vector.broadcast %reduce_min3A_336 : i32 to vector<80x128xi32>
    %eq3A_342 = arith.cmpi eq, %add3A, %eq3A_341 : vector<80x128xi32>
    %jit3A_343 = arith.constant 0xFF800000 : f32
    %broadcast_in_dim3A_344 = vector.broadcast %jit3A_343 : f32 to vector<80x128xf32>
    %select_n3A_345 = arith.select %eq3A_342, %broadcast_in_dim3A_344, %select_n3A_321 : vector<80x128xi1>, vector<80x128xf32>
    %reduce_max3A_346 = vector.shape_cast %select_n3A_345 : vector<80x128xf32> to vector<1x80x128xf32>
    %reduce_max3A_347 = arith.constant dense<0xFF800000> : vector<1xf32>
    %reduce_max3A_348 = vector.multi_reduction <maximumf>, %reduce_max3A_346, %reduce_max3A_347 [1, 2] : vector<1x80x128xf32> to vector<1xf32>
    %reduce_max3A_349 = vector.shape_cast %reduce_max3A_348 : vector<1xf32> to vector<1x1x1xf32>
    %reduce_max3A_350 = vector.extract %reduce_max3A_349[0, 0, 0] : f32 from vector<1x1x1xf32>
    %eq3A_351 = vector.broadcast %reduce_max3A_350 : f32 to vector<80x128xf32>
    %eq3A_352 = arith.cmpf oeq, %select_n3A_345, %eq3A_351 : vector<80x128xf32>
    %jit3A_353 = arith.constant 1073741824 : i32
    %broadcast_in_dim3A_354 = vector.broadcast %jit3A_353 : i32 to vector<80x128xi32>
    %select_n3A_355 = arith.select %eq3A_352, %add3A, %broadcast_in_dim3A_354 : vector<80x128xi1>, vector<80x128xi32>
    %reduce_min3A_356 = vector.shape_cast %select_n3A_355 : vector<80x128xi32> to vector<1x80x128xi32>
    %reduce_min3A_357 = arith.constant dense<2147483647> : vector<1xi32>
    %reduce_min3A_358 = vector.multi_reduction <minsi>, %reduce_min3A_356, %reduce_min3A_357 [1, 2] : vector<1x80x128xi32> to vector<1xi32>
    %reduce_min3A_359 = vector.shape_cast %reduce_min3A_358 : vector<1xi32> to vector<1x1x1xi32>
    %reduce_min3A_360 = vector.extract %reduce_min3A_359[0, 0, 0] : i32 from vector<1x1x1xi32>
    %gt3A_361 = arith.constant 14 : i32
    %gt3A_362 = arith.cmpi sgt, %reduce_sum3A_9, %gt3A_361 : i32
    %jit3A_363 = arith.constant 10000 : i32
    %select_n3A_364 = arith.select %gt3A_362, %reduce_min3A_360, %jit3A_363 : i32
    %eq3A_365 = vector.broadcast %reduce_min3A_360 : i32 to vector<80x128xi32>
    %eq3A_366 = arith.cmpi eq, %add3A, %eq3A_365 : vector<80x128xi32>
    %jit3A_367 = arith.constant 0xFF800000 : f32
    %broadcast_in_dim3A_368 = vector.broadcast %jit3A_367 : f32 to vector<80x128xf32>
    %select_n3A_369 = arith.select %eq3A_366, %broadcast_in_dim3A_368, %select_n3A_345 : vector<80x128xi1>, vector<80x128xf32>
    %reduce_max3A_370 = vector.shape_cast %select_n3A_369 : vector<80x128xf32> to vector<1x80x128xf32>
    %reduce_max3A_371 = arith.constant dense<0xFF800000> : vector<1xf32>
    %reduce_max3A_372 = vector.multi_reduction <maximumf>, %reduce_max3A_370, %reduce_max3A_371 [1, 2] : vector<1x80x128xf32> to vector<1xf32>
    %reduce_max3A_373 = vector.shape_cast %reduce_max3A_372 : vector<1xf32> to vector<1x1x1xf32>
    %reduce_max3A_374 = vector.extract %reduce_max3A_373[0, 0, 0] : f32 from vector<1x1x1xf32>
    %eq3A_375 = vector.broadcast %reduce_max3A_374 : f32 to vector<80x128xf32>
    %eq3A_376 = arith.cmpf oeq, %select_n3A_369, %eq3A_375 : vector<80x128xf32>
    %jit3A_377 = arith.constant 1073741824 : i32
    %broadcast_in_dim3A_378 = vector.broadcast %jit3A_377 : i32 to vector<80x128xi32>
    %select_n3A_379 = arith.select %eq3A_376, %add3A, %broadcast_in_dim3A_378 : vector<80x128xi1>, vector<80x128xi32>
    %reduce_min3A_380 = vector.shape_cast %select_n3A_379 : vector<80x128xi32> to vector<1x80x128xi32>
    %reduce_min3A_381 = arith.constant dense<2147483647> : vector<1xi32>
    %reduce_min3A_382 = vector.multi_reduction <minsi>, %reduce_min3A_380, %reduce_min3A_381 [1, 2] : vector<1x80x128xi32> to vector<1xi32>
    %reduce_min3A_383 = vector.shape_cast %reduce_min3A_382 : vector<1xi32> to vector<1x1x1xi32>
    %reduce_min3A_384 = vector.extract %reduce_min3A_383[0, 0, 0] : i32 from vector<1x1x1xi32>
    %gt3A_385 = arith.constant 15 : i32
    %gt3A_386 = arith.cmpi sgt, %reduce_sum3A_9, %gt3A_385 : i32
    %jit3A_387 = arith.constant 10000 : i32
    %select_n3A_388 = arith.select %gt3A_386, %reduce_min3A_384, %jit3A_387 : i32
    %eq3A_389 = vector.broadcast %reduce_min3A_384 : i32 to vector<80x128xi32>
    %eq3A_390 = arith.cmpi eq, %add3A, %eq3A_389 : vector<80x128xi32>
    %jit3A_391 = arith.constant 0xFF800000 : f32
    %broadcast_in_dim3A_392 = vector.broadcast %jit3A_391 : f32 to vector<80x128xf32>
    %select_n3A_393 = arith.select %eq3A_390, %broadcast_in_dim3A_392, %select_n3A_369 : vector<80x128xi1>, vector<80x128xf32>
    %reduce_max3A_394 = vector.shape_cast %select_n3A_393 : vector<80x128xf32> to vector<1x80x128xf32>
    %reduce_max3A_395 = arith.constant dense<0xFF800000> : vector<1xf32>
    %reduce_max3A_396 = vector.multi_reduction <maximumf>, %reduce_max3A_394, %reduce_max3A_395 [1, 2] : vector<1x80x128xf32> to vector<1xf32>
    %reduce_max3A_397 = vector.shape_cast %reduce_max3A_396 : vector<1xf32> to vector<1x1x1xf32>
    %reduce_max3A_398 = vector.extract %reduce_max3A_397[0, 0, 0] : f32 from vector<1x1x1xf32>
    %eq3A_399 = vector.broadcast %reduce_max3A_398 : f32 to vector<80x128xf32>
    %eq3A_400 = arith.cmpf oeq, %select_n3A_393, %eq3A_399 : vector<80x128xf32>
    %jit3A_401 = arith.constant 1073741824 : i32
    %broadcast_in_dim3A_402 = vector.broadcast %jit3A_401 : i32 to vector<80x128xi32>
    %select_n3A_403 = arith.select %eq3A_400, %add3A, %broadcast_in_dim3A_402 : vector<80x128xi1>, vector<80x128xi32>
    %reduce_min3A_404 = vector.shape_cast %select_n3A_403 : vector<80x128xi32> to vector<1x80x128xi32>
    %reduce_min3A_405 = arith.constant dense<2147483647> : vector<1xi32>
    %reduce_min3A_406 = vector.multi_reduction <minsi>, %reduce_min3A_404, %reduce_min3A_405 [1, 2] : vector<1x80x128xi32> to vector<1xi32>
    %reduce_min3A_407 = vector.shape_cast %reduce_min3A_406 : vector<1xi32> to vector<1x1x1xi32>
    %reduce_min3A_408 = vector.extract %reduce_min3A_407[0, 0, 0] : i32 from vector<1x1x1xi32>
    %gt3A_409 = arith.constant 16 : i32
    %gt3A_410 = arith.cmpi sgt, %reduce_sum3A_9, %gt3A_409 : i32
    %jit3A_411 = arith.constant 10000 : i32
    %select_n3A_412 = arith.select %gt3A_410, %reduce_min3A_408, %jit3A_411 : i32
    %eq3A_413 = vector.broadcast %reduce_min3A_408 : i32 to vector<80x128xi32>
    %eq3A_414 = arith.cmpi eq, %add3A, %eq3A_413 : vector<80x128xi32>
    %jit3A_415 = arith.constant 0xFF800000 : f32
    %broadcast_in_dim3A_416 = vector.broadcast %jit3A_415 : f32 to vector<80x128xf32>
    %select_n3A_417 = arith.select %eq3A_414, %broadcast_in_dim3A_416, %select_n3A_393 : vector<80x128xi1>, vector<80x128xf32>
    %reduce_max3A_418 = vector.shape_cast %select_n3A_417 : vector<80x128xf32> to vector<1x80x128xf32>
    %reduce_max3A_419 = arith.constant dense<0xFF800000> : vector<1xf32>
    %reduce_max3A_420 = vector.multi_reduction <maximumf>, %reduce_max3A_418, %reduce_max3A_419 [1, 2] : vector<1x80x128xf32> to vector<1xf32>
    %reduce_max3A_421 = vector.shape_cast %reduce_max3A_420 : vector<1xf32> to vector<1x1x1xf32>
    %reduce_max3A_422 = vector.extract %reduce_max3A_421[0, 0, 0] : f32 from vector<1x1x1xf32>
    %eq3A_423 = vector.broadcast %reduce_max3A_422 : f32 to vector<80x128xf32>
    %eq3A_424 = arith.cmpf oeq, %select_n3A_417, %eq3A_423 : vector<80x128xf32>
    %jit3A_425 = arith.constant 1073741824 : i32
    %broadcast_in_dim3A_426 = vector.broadcast %jit3A_425 : i32 to vector<80x128xi32>
    %select_n3A_427 = arith.select %eq3A_424, %add3A, %broadcast_in_dim3A_426 : vector<80x128xi1>, vector<80x128xi32>
    %reduce_min3A_428 = vector.shape_cast %select_n3A_427 : vector<80x128xi32> to vector<1x80x128xi32>
    %reduce_min3A_429 = arith.constant dense<2147483647> : vector<1xi32>
    %reduce_min3A_430 = vector.multi_reduction <minsi>, %reduce_min3A_428, %reduce_min3A_429 [1, 2] : vector<1x80x128xi32> to vector<1xi32>
    %reduce_min3A_431 = vector.shape_cast %reduce_min3A_430 : vector<1xi32> to vector<1x1x1xi32>
    %reduce_min3A_432 = vector.extract %reduce_min3A_431[0, 0, 0] : i32 from vector<1x1x1xi32>
    %gt3A_433 = arith.constant 17 : i32
    %gt3A_434 = arith.cmpi sgt, %reduce_sum3A_9, %gt3A_433 : i32
    %jit3A_435 = arith.constant 10000 : i32
    %select_n3A_436 = arith.select %gt3A_434, %reduce_min3A_432, %jit3A_435 : i32
    %eq3A_437 = vector.broadcast %reduce_min3A_432 : i32 to vector<80x128xi32>
    %eq3A_438 = arith.cmpi eq, %add3A, %eq3A_437 : vector<80x128xi32>
    %jit3A_439 = arith.constant 0xFF800000 : f32
    %broadcast_in_dim3A_440 = vector.broadcast %jit3A_439 : f32 to vector<80x128xf32>
    %select_n3A_441 = arith.select %eq3A_438, %broadcast_in_dim3A_440, %select_n3A_417 : vector<80x128xi1>, vector<80x128xf32>
    %reduce_max3A_442 = vector.shape_cast %select_n3A_441 : vector<80x128xf32> to vector<1x80x128xf32>
    %reduce_max3A_443 = arith.constant dense<0xFF800000> : vector<1xf32>
    %reduce_max3A_444 = vector.multi_reduction <maximumf>, %reduce_max3A_442, %reduce_max3A_443 [1, 2] : vector<1x80x128xf32> to vector<1xf32>
    %reduce_max3A_445 = vector.shape_cast %reduce_max3A_444 : vector<1xf32> to vector<1x1x1xf32>
    %reduce_max3A_446 = vector.extract %reduce_max3A_445[0, 0, 0] : f32 from vector<1x1x1xf32>
    %eq3A_447 = vector.broadcast %reduce_max3A_446 : f32 to vector<80x128xf32>
    %eq3A_448 = arith.cmpf oeq, %select_n3A_441, %eq3A_447 : vector<80x128xf32>
    %jit3A_449 = arith.constant 1073741824 : i32
    %broadcast_in_dim3A_450 = vector.broadcast %jit3A_449 : i32 to vector<80x128xi32>
    %select_n3A_451 = arith.select %eq3A_448, %add3A, %broadcast_in_dim3A_450 : vector<80x128xi1>, vector<80x128xi32>
    %reduce_min3A_452 = vector.shape_cast %select_n3A_451 : vector<80x128xi32> to vector<1x80x128xi32>
    %reduce_min3A_453 = arith.constant dense<2147483647> : vector<1xi32>
    %reduce_min3A_454 = vector.multi_reduction <minsi>, %reduce_min3A_452, %reduce_min3A_453 [1, 2] : vector<1x80x128xi32> to vector<1xi32>
    %reduce_min3A_455 = vector.shape_cast %reduce_min3A_454 : vector<1xi32> to vector<1x1x1xi32>
    %reduce_min3A_456 = vector.extract %reduce_min3A_455[0, 0, 0] : i32 from vector<1x1x1xi32>
    %gt3A_457 = arith.constant 18 : i32
    %gt3A_458 = arith.cmpi sgt, %reduce_sum3A_9, %gt3A_457 : i32
    %jit3A_459 = arith.constant 10000 : i32
    %select_n3A_460 = arith.select %gt3A_458, %reduce_min3A_456, %jit3A_459 : i32
    %eq3A_461 = vector.broadcast %reduce_min3A_456 : i32 to vector<80x128xi32>
    %eq3A_462 = arith.cmpi eq, %add3A, %eq3A_461 : vector<80x128xi32>
    %jit3A_463 = arith.constant 0xFF800000 : f32
    %broadcast_in_dim3A_464 = vector.broadcast %jit3A_463 : f32 to vector<80x128xf32>
    %select_n3A_465 = arith.select %eq3A_462, %broadcast_in_dim3A_464, %select_n3A_441 : vector<80x128xi1>, vector<80x128xf32>
    %reduce_max3A_466 = vector.shape_cast %select_n3A_465 : vector<80x128xf32> to vector<1x80x128xf32>
    %reduce_max3A_467 = arith.constant dense<0xFF800000> : vector<1xf32>
    %reduce_max3A_468 = vector.multi_reduction <maximumf>, %reduce_max3A_466, %reduce_max3A_467 [1, 2] : vector<1x80x128xf32> to vector<1xf32>
    %reduce_max3A_469 = vector.shape_cast %reduce_max3A_468 : vector<1xf32> to vector<1x1x1xf32>
    %reduce_max3A_470 = vector.extract %reduce_max3A_469[0, 0, 0] : f32 from vector<1x1x1xf32>
    %eq3A_471 = vector.broadcast %reduce_max3A_470 : f32 to vector<80x128xf32>
    %eq3A_472 = arith.cmpf oeq, %select_n3A_465, %eq3A_471 : vector<80x128xf32>
    %jit3A_473 = arith.constant 1073741824 : i32
    %broadcast_in_dim3A_474 = vector.broadcast %jit3A_473 : i32 to vector<80x128xi32>
    %select_n3A_475 = arith.select %eq3A_472, %add3A, %broadcast_in_dim3A_474 : vector<80x128xi1>, vector<80x128xi32>
    %reduce_min3A_476 = vector.shape_cast %select_n3A_475 : vector<80x128xi32> to vector<1x80x128xi32>
    %reduce_min3A_477 = arith.constant dense<2147483647> : vector<1xi32>
    %reduce_min3A_478 = vector.multi_reduction <minsi>, %reduce_min3A_476, %reduce_min3A_477 [1, 2] : vector<1x80x128xi32> to vector<1xi32>
    %reduce_min3A_479 = vector.shape_cast %reduce_min3A_478 : vector<1xi32> to vector<1x1x1xi32>
    %reduce_min3A_480 = vector.extract %reduce_min3A_479[0, 0, 0] : i32 from vector<1x1x1xi32>
    %gt3A_481 = arith.constant 19 : i32
    %gt3A_482 = arith.cmpi sgt, %reduce_sum3A_9, %gt3A_481 : i32
    %jit3A_483 = arith.constant 10000 : i32
    %select_n3A_484 = arith.select %gt3A_482, %reduce_min3A_480, %jit3A_483 : i32
    %eq3A_485 = vector.broadcast %reduce_min3A_480 : i32 to vector<80x128xi32>
    %eq3A_486 = arith.cmpi eq, %add3A, %eq3A_485 : vector<80x128xi32>
    %jit3A_487 = arith.constant 0xFF800000 : f32
    %broadcast_in_dim3A_488 = vector.broadcast %jit3A_487 : f32 to vector<80x128xf32>
    %select_n3A_489 = arith.select %eq3A_486, %broadcast_in_dim3A_488, %select_n3A_465 : vector<80x128xi1>, vector<80x128xf32>
    %reduce_max3A_490 = vector.shape_cast %select_n3A_489 : vector<80x128xf32> to vector<1x80x128xf32>
    %reduce_max3A_491 = arith.constant dense<0xFF800000> : vector<1xf32>
    %reduce_max3A_492 = vector.multi_reduction <maximumf>, %reduce_max3A_490, %reduce_max3A_491 [1, 2] : vector<1x80x128xf32> to vector<1xf32>
    %reduce_max3A_493 = vector.shape_cast %reduce_max3A_492 : vector<1xf32> to vector<1x1x1xf32>
    %reduce_max3A_494 = vector.extract %reduce_max3A_493[0, 0, 0] : f32 from vector<1x1x1xf32>
    %eq3A_495 = vector.broadcast %reduce_max3A_494 : f32 to vector<80x128xf32>
    %eq3A_496 = arith.cmpf oeq, %select_n3A_489, %eq3A_495 : vector<80x128xf32>
    %jit3A_497 = arith.constant 1073741824 : i32
    %broadcast_in_dim3A_498 = vector.broadcast %jit3A_497 : i32 to vector<80x128xi32>
    %select_n3A_499 = arith.select %eq3A_496, %add3A, %broadcast_in_dim3A_498 : vector<80x128xi1>, vector<80x128xi32>
    %reduce_min3A_500 = vector.shape_cast %select_n3A_499 : vector<80x128xi32> to vector<1x80x128xi32>
    %reduce_min3A_501 = arith.constant dense<2147483647> : vector<1xi32>
    %reduce_min3A_502 = vector.multi_reduction <minsi>, %reduce_min3A_500, %reduce_min3A_501 [1, 2] : vector<1x80x128xi32> to vector<1xi32>
    %reduce_min3A_503 = vector.shape_cast %reduce_min3A_502 : vector<1xi32> to vector<1x1x1xi32>
    %reduce_min3A_504 = vector.extract %reduce_min3A_503[0, 0, 0] : i32 from vector<1x1x1xi32>
    %gt3A_505 = arith.constant 20 : i32
    %gt3A_506 = arith.cmpi sgt, %reduce_sum3A_9, %gt3A_505 : i32
    %jit3A_507 = arith.constant 10000 : i32
    %select_n3A_508 = arith.select %gt3A_506, %reduce_min3A_504, %jit3A_507 : i32
    %eq3A_509 = vector.broadcast %reduce_min3A_504 : i32 to vector<80x128xi32>
    %eq3A_510 = arith.cmpi eq, %add3A, %eq3A_509 : vector<80x128xi32>
    %jit3A_511 = arith.constant 0xFF800000 : f32
    %broadcast_in_dim3A_512 = vector.broadcast %jit3A_511 : f32 to vector<80x128xf32>
    %select_n3A_513 = arith.select %eq3A_510, %broadcast_in_dim3A_512, %select_n3A_489 : vector<80x128xi1>, vector<80x128xf32>
    %reduce_max3A_514 = vector.shape_cast %select_n3A_513 : vector<80x128xf32> to vector<1x80x128xf32>
    %reduce_max3A_515 = arith.constant dense<0xFF800000> : vector<1xf32>
    %reduce_max3A_516 = vector.multi_reduction <maximumf>, %reduce_max3A_514, %reduce_max3A_515 [1, 2] : vector<1x80x128xf32> to vector<1xf32>
    %reduce_max3A_517 = vector.shape_cast %reduce_max3A_516 : vector<1xf32> to vector<1x1x1xf32>
    %reduce_max3A_518 = vector.extract %reduce_max3A_517[0, 0, 0] : f32 from vector<1x1x1xf32>
    %eq3A_519 = vector.broadcast %reduce_max3A_518 : f32 to vector<80x128xf32>
    %eq3A_520 = arith.cmpf oeq, %select_n3A_513, %eq3A_519 : vector<80x128xf32>
    %jit3A_521 = arith.constant 1073741824 : i32
    %broadcast_in_dim3A_522 = vector.broadcast %jit3A_521 : i32 to vector<80x128xi32>
    %select_n3A_523 = arith.select %eq3A_520, %add3A, %broadcast_in_dim3A_522 : vector<80x128xi1>, vector<80x128xi32>
    %reduce_min3A_524 = vector.shape_cast %select_n3A_523 : vector<80x128xi32> to vector<1x80x128xi32>
    %reduce_min3A_525 = arith.constant dense<2147483647> : vector<1xi32>
    %reduce_min3A_526 = vector.multi_reduction <minsi>, %reduce_min3A_524, %reduce_min3A_525 [1, 2] : vector<1x80x128xi32> to vector<1xi32>
    %reduce_min3A_527 = vector.shape_cast %reduce_min3A_526 : vector<1xi32> to vector<1x1x1xi32>
    %reduce_min3A_528 = vector.extract %reduce_min3A_527[0, 0, 0] : i32 from vector<1x1x1xi32>
    %gt3A_529 = arith.constant 21 : i32
    %gt3A_530 = arith.cmpi sgt, %reduce_sum3A_9, %gt3A_529 : i32
    %jit3A_531 = arith.constant 10000 : i32
    %select_n3A_532 = arith.select %gt3A_530, %reduce_min3A_528, %jit3A_531 : i32
    %eq3A_533 = vector.broadcast %reduce_min3A_528 : i32 to vector<80x128xi32>
    %eq3A_534 = arith.cmpi eq, %add3A, %eq3A_533 : vector<80x128xi32>
    %jit3A_535 = arith.constant 0xFF800000 : f32
    %broadcast_in_dim3A_536 = vector.broadcast %jit3A_535 : f32 to vector<80x128xf32>
    %select_n3A_537 = arith.select %eq3A_534, %broadcast_in_dim3A_536, %select_n3A_513 : vector<80x128xi1>, vector<80x128xf32>
    %reduce_max3A_538 = vector.shape_cast %select_n3A_537 : vector<80x128xf32> to vector<1x80x128xf32>
    %reduce_max3A_539 = arith.constant dense<0xFF800000> : vector<1xf32>
    %reduce_max3A_540 = vector.multi_reduction <maximumf>, %reduce_max3A_538, %reduce_max3A_539 [1, 2] : vector<1x80x128xf32> to vector<1xf32>
    %reduce_max3A_541 = vector.shape_cast %reduce_max3A_540 : vector<1xf32> to vector<1x1x1xf32>
    %reduce_max3A_542 = vector.extract %reduce_max3A_541[0, 0, 0] : f32 from vector<1x1x1xf32>
    %eq3A_543 = vector.broadcast %reduce_max3A_542 : f32 to vector<80x128xf32>
    %eq3A_544 = arith.cmpf oeq, %select_n3A_537, %eq3A_543 : vector<80x128xf32>
    %jit3A_545 = arith.constant 1073741824 : i32
    %broadcast_in_dim3A_546 = vector.broadcast %jit3A_545 : i32 to vector<80x128xi32>
    %select_n3A_547 = arith.select %eq3A_544, %add3A, %broadcast_in_dim3A_546 : vector<80x128xi1>, vector<80x128xi32>
    %reduce_min3A_548 = vector.shape_cast %select_n3A_547 : vector<80x128xi32> to vector<1x80x128xi32>
    %reduce_min3A_549 = arith.constant dense<2147483647> : vector<1xi32>
    %reduce_min3A_550 = vector.multi_reduction <minsi>, %reduce_min3A_548, %reduce_min3A_549 [1, 2] : vector<1x80x128xi32> to vector<1xi32>
    %reduce_min3A_551 = vector.shape_cast %reduce_min3A_550 : vector<1xi32> to vector<1x1x1xi32>
    %reduce_min3A_552 = vector.extract %reduce_min3A_551[0, 0, 0] : i32 from vector<1x1x1xi32>
    %gt3A_553 = arith.constant 22 : i32
    %gt3A_554 = arith.cmpi sgt, %reduce_sum3A_9, %gt3A_553 : i32
    %jit3A_555 = arith.constant 10000 : i32
    %select_n3A_556 = arith.select %gt3A_554, %reduce_min3A_552, %jit3A_555 : i32
    %eq3A_557 = vector.broadcast %reduce_min3A_552 : i32 to vector<80x128xi32>
    %eq3A_558 = arith.cmpi eq, %add3A, %eq3A_557 : vector<80x128xi32>
    %jit3A_559 = arith.constant 0xFF800000 : f32
    %broadcast_in_dim3A_560 = vector.broadcast %jit3A_559 : f32 to vector<80x128xf32>
    %select_n3A_561 = arith.select %eq3A_558, %broadcast_in_dim3A_560, %select_n3A_537 : vector<80x128xi1>, vector<80x128xf32>
    %reduce_max3A_562 = vector.shape_cast %select_n3A_561 : vector<80x128xf32> to vector<1x80x128xf32>
    %reduce_max3A_563 = arith.constant dense<0xFF800000> : vector<1xf32>
    %reduce_max3A_564 = vector.multi_reduction <maximumf>, %reduce_max3A_562, %reduce_max3A_563 [1, 2] : vector<1x80x128xf32> to vector<1xf32>
    %reduce_max3A_565 = vector.shape_cast %reduce_max3A_564 : vector<1xf32> to vector<1x1x1xf32>
    %reduce_max3A_566 = vector.extract %reduce_max3A_565[0, 0, 0] : f32 from vector<1x1x1xf32>
    %eq3A_567 = vector.broadcast %reduce_max3A_566 : f32 to vector<80x128xf32>
    %eq3A_568 = arith.cmpf oeq, %select_n3A_561, %eq3A_567 : vector<80x128xf32>
    %jit3A_569 = arith.constant 1073741824 : i32
    %broadcast_in_dim3A_570 = vector.broadcast %jit3A_569 : i32 to vector<80x128xi32>
    %select_n3A_571 = arith.select %eq3A_568, %add3A, %broadcast_in_dim3A_570 : vector<80x128xi1>, vector<80x128xi32>
    %reduce_min3A_572 = vector.shape_cast %select_n3A_571 : vector<80x128xi32> to vector<1x80x128xi32>
    %reduce_min3A_573 = arith.constant dense<2147483647> : vector<1xi32>
    %reduce_min3A_574 = vector.multi_reduction <minsi>, %reduce_min3A_572, %reduce_min3A_573 [1, 2] : vector<1x80x128xi32> to vector<1xi32>
    %reduce_min3A_575 = vector.shape_cast %reduce_min3A_574 : vector<1xi32> to vector<1x1x1xi32>
    %reduce_min3A_576 = vector.extract %reduce_min3A_575[0, 0, 0] : i32 from vector<1x1x1xi32>
    %gt3A_577 = arith.constant 23 : i32
    %gt3A_578 = arith.cmpi sgt, %reduce_sum3A_9, %gt3A_577 : i32
    %jit3A_579 = arith.constant 10000 : i32
    %select_n3A_580 = arith.select %gt3A_578, %reduce_min3A_576, %jit3A_579 : i32
    %eq3A_581 = vector.broadcast %reduce_min3A_576 : i32 to vector<80x128xi32>
    %eq3A_582 = arith.cmpi eq, %add3A, %eq3A_581 : vector<80x128xi32>
    %jit3A_583 = arith.constant 0xFF800000 : f32
    %broadcast_in_dim3A_584 = vector.broadcast %jit3A_583 : f32 to vector<80x128xf32>
    %select_n3A_585 = arith.select %eq3A_582, %broadcast_in_dim3A_584, %select_n3A_561 : vector<80x128xi1>, vector<80x128xf32>
    %reduce_max3A_586 = vector.shape_cast %select_n3A_585 : vector<80x128xf32> to vector<1x80x128xf32>
    %reduce_max3A_587 = arith.constant dense<0xFF800000> : vector<1xf32>
    %reduce_max3A_588 = vector.multi_reduction <maximumf>, %reduce_max3A_586, %reduce_max3A_587 [1, 2] : vector<1x80x128xf32> to vector<1xf32>
    %reduce_max3A_589 = vector.shape_cast %reduce_max3A_588 : vector<1xf32> to vector<1x1x1xf32>
    %reduce_max3A_590 = vector.extract %reduce_max3A_589[0, 0, 0] : f32 from vector<1x1x1xf32>
    %eq3A_591 = vector.broadcast %reduce_max3A_590 : f32 to vector<80x128xf32>
    %eq3A_592 = arith.cmpf oeq, %select_n3A_585, %eq3A_591 : vector<80x128xf32>
    %jit3A_593 = arith.constant 1073741824 : i32
    %broadcast_in_dim3A_594 = vector.broadcast %jit3A_593 : i32 to vector<80x128xi32>
    %select_n3A_595 = arith.select %eq3A_592, %add3A, %broadcast_in_dim3A_594 : vector<80x128xi1>, vector<80x128xi32>
    %reduce_min3A_596 = vector.shape_cast %select_n3A_595 : vector<80x128xi32> to vector<1x80x128xi32>
    %reduce_min3A_597 = arith.constant dense<2147483647> : vector<1xi32>
    %reduce_min3A_598 = vector.multi_reduction <minsi>, %reduce_min3A_596, %reduce_min3A_597 [1, 2] : vector<1x80x128xi32> to vector<1xi32>
    %reduce_min3A_599 = vector.shape_cast %reduce_min3A_598 : vector<1xi32> to vector<1x1x1xi32>
    %reduce_min3A_600 = vector.extract %reduce_min3A_599[0, 0, 0] : i32 from vector<1x1x1xi32>
    %gt3A_601 = arith.constant 24 : i32
    %gt3A_602 = arith.cmpi sgt, %reduce_sum3A_9, %gt3A_601 : i32
    %jit3A_603 = arith.constant 10000 : i32
    %select_n3A_604 = arith.select %gt3A_602, %reduce_min3A_600, %jit3A_603 : i32
    %eq3A_605 = vector.broadcast %reduce_min3A_600 : i32 to vector<80x128xi32>
    %eq3A_606 = arith.cmpi eq, %add3A, %eq3A_605 : vector<80x128xi32>
    %jit3A_607 = arith.constant 0xFF800000 : f32
    %broadcast_in_dim3A_608 = vector.broadcast %jit3A_607 : f32 to vector<80x128xf32>
    %select_n3A_609 = arith.select %eq3A_606, %broadcast_in_dim3A_608, %select_n3A_585 : vector<80x128xi1>, vector<80x128xf32>
    %reduce_max3A_610 = vector.shape_cast %select_n3A_609 : vector<80x128xf32> to vector<1x80x128xf32>
    %reduce_max3A_611 = arith.constant dense<0xFF800000> : vector<1xf32>
    %reduce_max3A_612 = vector.multi_reduction <maximumf>, %reduce_max3A_610, %reduce_max3A_611 [1, 2] : vector<1x80x128xf32> to vector<1xf32>
    %reduce_max3A_613 = vector.shape_cast %reduce_max3A_612 : vector<1xf32> to vector<1x1x1xf32>
    %reduce_max3A_614 = vector.extract %reduce_max3A_613[0, 0, 0] : f32 from vector<1x1x1xf32>
    %eq3A_615 = vector.broadcast %reduce_max3A_614 : f32 to vector<80x128xf32>
    %eq3A_616 = arith.cmpf oeq, %select_n3A_609, %eq3A_615 : vector<80x128xf32>
    %jit3A_617 = arith.constant 1073741824 : i32
    %broadcast_in_dim3A_618 = vector.broadcast %jit3A_617 : i32 to vector<80x128xi32>
    %select_n3A_619 = arith.select %eq3A_616, %add3A, %broadcast_in_dim3A_618 : vector<80x128xi1>, vector<80x128xi32>
    %reduce_min3A_620 = vector.shape_cast %select_n3A_619 : vector<80x128xi32> to vector<1x80x128xi32>
    %reduce_min3A_621 = arith.constant dense<2147483647> : vector<1xi32>
    %reduce_min3A_622 = vector.multi_reduction <minsi>, %reduce_min3A_620, %reduce_min3A_621 [1, 2] : vector<1x80x128xi32> to vector<1xi32>
    %reduce_min3A_623 = vector.shape_cast %reduce_min3A_622 : vector<1xi32> to vector<1x1x1xi32>
    %reduce_min3A_624 = vector.extract %reduce_min3A_623[0, 0, 0] : i32 from vector<1x1x1xi32>
    %gt3A_625 = arith.constant 25 : i32
    %gt3A_626 = arith.cmpi sgt, %reduce_sum3A_9, %gt3A_625 : i32
    %jit3A_627 = arith.constant 10000 : i32
    %select_n3A_628 = arith.select %gt3A_626, %reduce_min3A_624, %jit3A_627 : i32
    %eq3A_629 = vector.broadcast %reduce_min3A_624 : i32 to vector<80x128xi32>
    %eq3A_630 = arith.cmpi eq, %add3A, %eq3A_629 : vector<80x128xi32>
    %jit3A_631 = arith.constant 0xFF800000 : f32
    %broadcast_in_dim3A_632 = vector.broadcast %jit3A_631 : f32 to vector<80x128xf32>
    %select_n3A_633 = arith.select %eq3A_630, %broadcast_in_dim3A_632, %select_n3A_609 : vector<80x128xi1>, vector<80x128xf32>
    %reduce_max3A_634 = vector.shape_cast %select_n3A_633 : vector<80x128xf32> to vector<1x80x128xf32>
    %reduce_max3A_635 = arith.constant dense<0xFF800000> : vector<1xf32>
    %reduce_max3A_636 = vector.multi_reduction <maximumf>, %reduce_max3A_634, %reduce_max3A_635 [1, 2] : vector<1x80x128xf32> to vector<1xf32>
    %reduce_max3A_637 = vector.shape_cast %reduce_max3A_636 : vector<1xf32> to vector<1x1x1xf32>
    %reduce_max3A_638 = vector.extract %reduce_max3A_637[0, 0, 0] : f32 from vector<1x1x1xf32>
    %eq3A_639 = vector.broadcast %reduce_max3A_638 : f32 to vector<80x128xf32>
    %eq3A_640 = arith.cmpf oeq, %select_n3A_633, %eq3A_639 : vector<80x128xf32>
    %jit3A_641 = arith.constant 1073741824 : i32
    %broadcast_in_dim3A_642 = vector.broadcast %jit3A_641 : i32 to vector<80x128xi32>
    %select_n3A_643 = arith.select %eq3A_640, %add3A, %broadcast_in_dim3A_642 : vector<80x128xi1>, vector<80x128xi32>
    %reduce_min3A_644 = vector.shape_cast %select_n3A_643 : vector<80x128xi32> to vector<1x80x128xi32>
    %reduce_min3A_645 = arith.constant dense<2147483647> : vector<1xi32>
    %reduce_min3A_646 = vector.multi_reduction <minsi>, %reduce_min3A_644, %reduce_min3A_645 [1, 2] : vector<1x80x128xi32> to vector<1xi32>
    %reduce_min3A_647 = vector.shape_cast %reduce_min3A_646 : vector<1xi32> to vector<1x1x1xi32>
    %reduce_min3A_648 = vector.extract %reduce_min3A_647[0, 0, 0] : i32 from vector<1x1x1xi32>
    %gt3A_649 = arith.constant 26 : i32
    %gt3A_650 = arith.cmpi sgt, %reduce_sum3A_9, %gt3A_649 : i32
    %jit3A_651 = arith.constant 10000 : i32
    %select_n3A_652 = arith.select %gt3A_650, %reduce_min3A_648, %jit3A_651 : i32
    %eq3A_653 = vector.broadcast %reduce_min3A_648 : i32 to vector<80x128xi32>
    %eq3A_654 = arith.cmpi eq, %add3A, %eq3A_653 : vector<80x128xi32>
    %jit3A_655 = arith.constant 0xFF800000 : f32
    %broadcast_in_dim3A_656 = vector.broadcast %jit3A_655 : f32 to vector<80x128xf32>
    %select_n3A_657 = arith.select %eq3A_654, %broadcast_in_dim3A_656, %select_n3A_633 : vector<80x128xi1>, vector<80x128xf32>
    %reduce_max3A_658 = vector.shape_cast %select_n3A_657 : vector<80x128xf32> to vector<1x80x128xf32>
    %reduce_max3A_659 = arith.constant dense<0xFF800000> : vector<1xf32>
    %reduce_max3A_660 = vector.multi_reduction <maximumf>, %reduce_max3A_658, %reduce_max3A_659 [1, 2] : vector<1x80x128xf32> to vector<1xf32>
    %reduce_max3A_661 = vector.shape_cast %reduce_max3A_660 : vector<1xf32> to vector<1x1x1xf32>
    %reduce_max3A_662 = vector.extract %reduce_max3A_661[0, 0, 0] : f32 from vector<1x1x1xf32>
    %eq3A_663 = vector.broadcast %reduce_max3A_662 : f32 to vector<80x128xf32>
    %eq3A_664 = arith.cmpf oeq, %select_n3A_657, %eq3A_663 : vector<80x128xf32>
    %jit3A_665 = arith.constant 1073741824 : i32
    %broadcast_in_dim3A_666 = vector.broadcast %jit3A_665 : i32 to vector<80x128xi32>
    %select_n3A_667 = arith.select %eq3A_664, %add3A, %broadcast_in_dim3A_666 : vector<80x128xi1>, vector<80x128xi32>
    %reduce_min3A_668 = vector.shape_cast %select_n3A_667 : vector<80x128xi32> to vector<1x80x128xi32>
    %reduce_min3A_669 = arith.constant dense<2147483647> : vector<1xi32>
    %reduce_min3A_670 = vector.multi_reduction <minsi>, %reduce_min3A_668, %reduce_min3A_669 [1, 2] : vector<1x80x128xi32> to vector<1xi32>
    %reduce_min3A_671 = vector.shape_cast %reduce_min3A_670 : vector<1xi32> to vector<1x1x1xi32>
    %reduce_min3A_672 = vector.extract %reduce_min3A_671[0, 0, 0] : i32 from vector<1x1x1xi32>
    %gt3A_673 = arith.constant 27 : i32
    %gt3A_674 = arith.cmpi sgt, %reduce_sum3A_9, %gt3A_673 : i32
    %jit3A_675 = arith.constant 10000 : i32
    %select_n3A_676 = arith.select %gt3A_674, %reduce_min3A_672, %jit3A_675 : i32
    %eq3A_677 = vector.broadcast %reduce_min3A_672 : i32 to vector<80x128xi32>
    %eq3A_678 = arith.cmpi eq, %add3A, %eq3A_677 : vector<80x128xi32>
    %jit3A_679 = arith.constant 0xFF800000 : f32
    %broadcast_in_dim3A_680 = vector.broadcast %jit3A_679 : f32 to vector<80x128xf32>
    %select_n3A_681 = arith.select %eq3A_678, %broadcast_in_dim3A_680, %select_n3A_657 : vector<80x128xi1>, vector<80x128xf32>
    %reduce_max3A_682 = vector.shape_cast %select_n3A_681 : vector<80x128xf32> to vector<1x80x128xf32>
    %reduce_max3A_683 = arith.constant dense<0xFF800000> : vector<1xf32>
    %reduce_max3A_684 = vector.multi_reduction <maximumf>, %reduce_max3A_682, %reduce_max3A_683 [1, 2] : vector<1x80x128xf32> to vector<1xf32>
    %reduce_max3A_685 = vector.shape_cast %reduce_max3A_684 : vector<1xf32> to vector<1x1x1xf32>
    %reduce_max3A_686 = vector.extract %reduce_max3A_685[0, 0, 0] : f32 from vector<1x1x1xf32>
    %eq3A_687 = vector.broadcast %reduce_max3A_686 : f32 to vector<80x128xf32>
    %eq3A_688 = arith.cmpf oeq, %select_n3A_681, %eq3A_687 : vector<80x128xf32>
    %jit3A_689 = arith.constant 1073741824 : i32
    %broadcast_in_dim3A_690 = vector.broadcast %jit3A_689 : i32 to vector<80x128xi32>
    %select_n3A_691 = arith.select %eq3A_688, %add3A, %broadcast_in_dim3A_690 : vector<80x128xi1>, vector<80x128xi32>
    %reduce_min3A_692 = vector.shape_cast %select_n3A_691 : vector<80x128xi32> to vector<1x80x128xi32>
    %reduce_min3A_693 = arith.constant dense<2147483647> : vector<1xi32>
    %reduce_min3A_694 = vector.multi_reduction <minsi>, %reduce_min3A_692, %reduce_min3A_693 [1, 2] : vector<1x80x128xi32> to vector<1xi32>
    %reduce_min3A_695 = vector.shape_cast %reduce_min3A_694 : vector<1xi32> to vector<1x1x1xi32>
    %reduce_min3A_696 = vector.extract %reduce_min3A_695[0, 0, 0] : i32 from vector<1x1x1xi32>
    %gt3A_697 = arith.constant 28 : i32
    %gt3A_698 = arith.cmpi sgt, %reduce_sum3A_9, %gt3A_697 : i32
    %jit3A_699 = arith.constant 10000 : i32
    %select_n3A_700 = arith.select %gt3A_698, %reduce_min3A_696, %jit3A_699 : i32
    %eq3A_701 = vector.broadcast %reduce_min3A_696 : i32 to vector<80x128xi32>
    %eq3A_702 = arith.cmpi eq, %add3A, %eq3A_701 : vector<80x128xi32>
    %jit3A_703 = arith.constant 0xFF800000 : f32
    %broadcast_in_dim3A_704 = vector.broadcast %jit3A_703 : f32 to vector<80x128xf32>
    %select_n3A_705 = arith.select %eq3A_702, %broadcast_in_dim3A_704, %select_n3A_681 : vector<80x128xi1>, vector<80x128xf32>
    %reduce_max3A_706 = vector.shape_cast %select_n3A_705 : vector<80x128xf32> to vector<1x80x128xf32>
    %reduce_max3A_707 = arith.constant dense<0xFF800000> : vector<1xf32>
    %reduce_max3A_708 = vector.multi_reduction <maximumf>, %reduce_max3A_706, %reduce_max3A_707 [1, 2] : vector<1x80x128xf32> to vector<1xf32>
    %reduce_max3A_709 = vector.shape_cast %reduce_max3A_708 : vector<1xf32> to vector<1x1x1xf32>
    %reduce_max3A_710 = vector.extract %reduce_max3A_709[0, 0, 0] : f32 from vector<1x1x1xf32>
    %eq3A_711 = vector.broadcast %reduce_max3A_710 : f32 to vector<80x128xf32>
    %eq3A_712 = arith.cmpf oeq, %select_n3A_705, %eq3A_711 : vector<80x128xf32>
    %jit3A_713 = arith.constant 1073741824 : i32
    %broadcast_in_dim3A_714 = vector.broadcast %jit3A_713 : i32 to vector<80x128xi32>
    %select_n3A_715 = arith.select %eq3A_712, %add3A, %broadcast_in_dim3A_714 : vector<80x128xi1>, vector<80x128xi32>
    %reduce_min3A_716 = vector.shape_cast %select_n3A_715 : vector<80x128xi32> to vector<1x80x128xi32>
    %reduce_min3A_717 = arith.constant dense<2147483647> : vector<1xi32>
    %reduce_min3A_718 = vector.multi_reduction <minsi>, %reduce_min3A_716, %reduce_min3A_717 [1, 2] : vector<1x80x128xi32> to vector<1xi32>
    %reduce_min3A_719 = vector.shape_cast %reduce_min3A_718 : vector<1xi32> to vector<1x1x1xi32>
    %reduce_min3A_720 = vector.extract %reduce_min3A_719[0, 0, 0] : i32 from vector<1x1x1xi32>
    %gt3A_721 = arith.constant 29 : i32
    %gt3A_722 = arith.cmpi sgt, %reduce_sum3A_9, %gt3A_721 : i32
    %jit3A_723 = arith.constant 10000 : i32
    %select_n3A_724 = arith.select %gt3A_722, %reduce_min3A_720, %jit3A_723 : i32
    %iota3A_725 = tpu.iota {dimensions = array<i32: 2>} : vector<1x1x32xi32>
    %broadcast_in_dim3A_726 = arith.constant 10000 : i32
    %broadcast_in_dim3A_727 = vector.broadcast %broadcast_in_dim3A_726 : i32 to vector<1x1x32xi32>
    %eq3A_728 = arith.constant 0 : i32
    %eq3A_729 = vector.broadcast %eq3A_728 : i32 to vector<1x1x32xi32>
    %eq3A_730 = arith.cmpi eq, %iota3A_725, %eq3A_729 : vector<1x1x32xi32>
    %broadcast_in_dim3A_731 = vector.broadcast %select_n3A_28 : i32 to vector<1x1x32xi32>
    %select_n3A_732 = arith.select %eq3A_730, %broadcast_in_dim3A_731, %broadcast_in_dim3A_727 : vector<1x1x32xi1>, vector<1x1x32xi32>
    %eq3A_733 = arith.constant 1 : i32
    %eq3A_734 = vector.broadcast %eq3A_733 : i32 to vector<1x1x32xi32>
    %eq3A_735 = arith.cmpi eq, %iota3A_725, %eq3A_734 : vector<1x1x32xi32>
    %broadcast_in_dim3A_736 = vector.broadcast %select_n3A_52 : i32 to vector<1x1x32xi32>
    %select_n3A_737 = arith.select %eq3A_735, %broadcast_in_dim3A_736, %select_n3A_732 : vector<1x1x32xi1>, vector<1x1x32xi32>
    %eq3A_738 = arith.constant 2 : i32
    %eq3A_739 = vector.broadcast %eq3A_738 : i32 to vector<1x1x32xi32>
    %eq3A_740 = arith.cmpi eq, %iota3A_725, %eq3A_739 : vector<1x1x32xi32>
    %broadcast_in_dim3A_741 = vector.broadcast %select_n3A_76 : i32 to vector<1x1x32xi32>
    %select_n3A_742 = arith.select %eq3A_740, %broadcast_in_dim3A_741, %select_n3A_737 : vector<1x1x32xi1>, vector<1x1x32xi32>
    %eq3A_743 = arith.constant 3 : i32
    %eq3A_744 = vector.broadcast %eq3A_743 : i32 to vector<1x1x32xi32>
    %eq3A_745 = arith.cmpi eq, %iota3A_725, %eq3A_744 : vector<1x1x32xi32>
    %broadcast_in_dim3A_746 = vector.broadcast %select_n3A_100 : i32 to vector<1x1x32xi32>
    %select_n3A_747 = arith.select %eq3A_745, %broadcast_in_dim3A_746, %select_n3A_742 : vector<1x1x32xi1>, vector<1x1x32xi32>
    %eq3A_748 = arith.constant 4 : i32
    %eq3A_749 = vector.broadcast %eq3A_748 : i32 to vector<1x1x32xi32>
    %eq3A_750 = arith.cmpi eq, %iota3A_725, %eq3A_749 : vector<1x1x32xi32>
    %broadcast_in_dim3A_751 = vector.broadcast %select_n3A_124 : i32 to vector<1x1x32xi32>
    %select_n3A_752 = arith.select %eq3A_750, %broadcast_in_dim3A_751, %select_n3A_747 : vector<1x1x32xi1>, vector<1x1x32xi32>
    %eq3A_753 = arith.constant 5 : i32
    %eq3A_754 = vector.broadcast %eq3A_753 : i32 to vector<1x1x32xi32>
    %eq3A_755 = arith.cmpi eq, %iota3A_725, %eq3A_754 : vector<1x1x32xi32>
    %broadcast_in_dim3A_756 = vector.broadcast %select_n3A_148 : i32 to vector<1x1x32xi32>
    %select_n3A_757 = arith.select %eq3A_755, %broadcast_in_dim3A_756, %select_n3A_752 : vector<1x1x32xi1>, vector<1x1x32xi32>
    %eq3A_758 = arith.constant 6 : i32
    %eq3A_759 = vector.broadcast %eq3A_758 : i32 to vector<1x1x32xi32>
    %eq3A_760 = arith.cmpi eq, %iota3A_725, %eq3A_759 : vector<1x1x32xi32>
    %broadcast_in_dim3A_761 = vector.broadcast %select_n3A_172 : i32 to vector<1x1x32xi32>
    %select_n3A_762 = arith.select %eq3A_760, %broadcast_in_dim3A_761, %select_n3A_757 : vector<1x1x32xi1>, vector<1x1x32xi32>
    %eq3A_763 = arith.constant 7 : i32
    %eq3A_764 = vector.broadcast %eq3A_763 : i32 to vector<1x1x32xi32>
    %eq3A_765 = arith.cmpi eq, %iota3A_725, %eq3A_764 : vector<1x1x32xi32>
    %broadcast_in_dim3A_766 = vector.broadcast %select_n3A_196 : i32 to vector<1x1x32xi32>
    %select_n3A_767 = arith.select %eq3A_765, %broadcast_in_dim3A_766, %select_n3A_762 : vector<1x1x32xi1>, vector<1x1x32xi32>
    %eq3A_768 = arith.constant 8 : i32
    %eq3A_769 = vector.broadcast %eq3A_768 : i32 to vector<1x1x32xi32>
    %eq3A_770 = arith.cmpi eq, %iota3A_725, %eq3A_769 : vector<1x1x32xi32>
    %broadcast_in_dim3A_771 = vector.broadcast %select_n3A_220 : i32 to vector<1x1x32xi32>
    %select_n3A_772 = arith.select %eq3A_770, %broadcast_in_dim3A_771, %select_n3A_767 : vector<1x1x32xi1>, vector<1x1x32xi32>
    %eq3A_773 = arith.constant 9 : i32
    %eq3A_774 = vector.broadcast %eq3A_773 : i32 to vector<1x1x32xi32>
    %eq3A_775 = arith.cmpi eq, %iota3A_725, %eq3A_774 : vector<1x1x32xi32>
    %broadcast_in_dim3A_776 = vector.broadcast %select_n3A_244 : i32 to vector<1x1x32xi32>
    %select_n3A_777 = arith.select %eq3A_775, %broadcast_in_dim3A_776, %select_n3A_772 : vector<1x1x32xi1>, vector<1x1x32xi32>
    %eq3A_778 = arith.constant 10 : i32
    %eq3A_779 = vector.broadcast %eq3A_778 : i32 to vector<1x1x32xi32>
    %eq3A_780 = arith.cmpi eq, %iota3A_725, %eq3A_779 : vector<1x1x32xi32>
    %broadcast_in_dim3A_781 = vector.broadcast %select_n3A_268 : i32 to vector<1x1x32xi32>
    %select_n3A_782 = arith.select %eq3A_780, %broadcast_in_dim3A_781, %select_n3A_777 : vector<1x1x32xi1>, vector<1x1x32xi32>
    %eq3A_783 = arith.constant 11 : i32
    %eq3A_784 = vector.broadcast %eq3A_783 : i32 to vector<1x1x32xi32>
    %eq3A_785 = arith.cmpi eq, %iota3A_725, %eq3A_784 : vector<1x1x32xi32>
    %broadcast_in_dim3A_786 = vector.broadcast %select_n3A_292 : i32 to vector<1x1x32xi32>
    %select_n3A_787 = arith.select %eq3A_785, %broadcast_in_dim3A_786, %select_n3A_782 : vector<1x1x32xi1>, vector<1x1x32xi32>
    %eq3A_788 = arith.constant 12 : i32
    %eq3A_789 = vector.broadcast %eq3A_788 : i32 to vector<1x1x32xi32>
    %eq3A_790 = arith.cmpi eq, %iota3A_725, %eq3A_789 : vector<1x1x32xi32>
    %broadcast_in_dim3A_791 = vector.broadcast %select_n3A_316 : i32 to vector<1x1x32xi32>
    %select_n3A_792 = arith.select %eq3A_790, %broadcast_in_dim3A_791, %select_n3A_787 : vector<1x1x32xi1>, vector<1x1x32xi32>
    %eq3A_793 = arith.constant 13 : i32
    %eq3A_794 = vector.broadcast %eq3A_793 : i32 to vector<1x1x32xi32>
    %eq3A_795 = arith.cmpi eq, %iota3A_725, %eq3A_794 : vector<1x1x32xi32>
    %broadcast_in_dim3A_796 = vector.broadcast %select_n3A_340 : i32 to vector<1x1x32xi32>
    %select_n3A_797 = arith.select %eq3A_795, %broadcast_in_dim3A_796, %select_n3A_792 : vector<1x1x32xi1>, vector<1x1x32xi32>
    %eq3A_798 = arith.constant 14 : i32
    %eq3A_799 = vector.broadcast %eq3A_798 : i32 to vector<1x1x32xi32>
    %eq3A_800 = arith.cmpi eq, %iota3A_725, %eq3A_799 : vector<1x1x32xi32>
    %broadcast_in_dim3A_801 = vector.broadcast %select_n3A_364 : i32 to vector<1x1x32xi32>
    %select_n3A_802 = arith.select %eq3A_800, %broadcast_in_dim3A_801, %select_n3A_797 : vector<1x1x32xi1>, vector<1x1x32xi32>
    %eq3A_803 = arith.constant 15 : i32
    %eq3A_804 = vector.broadcast %eq3A_803 : i32 to vector<1x1x32xi32>
    %eq3A_805 = arith.cmpi eq, %iota3A_725, %eq3A_804 : vector<1x1x32xi32>
    %broadcast_in_dim3A_806 = vector.broadcast %select_n3A_388 : i32 to vector<1x1x32xi32>
    %select_n3A_807 = arith.select %eq3A_805, %broadcast_in_dim3A_806, %select_n3A_802 : vector<1x1x32xi1>, vector<1x1x32xi32>
    %eq3A_808 = arith.constant 16 : i32
    %eq3A_809 = vector.broadcast %eq3A_808 : i32 to vector<1x1x32xi32>
    %eq3A_810 = arith.cmpi eq, %iota3A_725, %eq3A_809 : vector<1x1x32xi32>
    %broadcast_in_dim3A_811 = vector.broadcast %select_n3A_412 : i32 to vector<1x1x32xi32>
    %select_n3A_812 = arith.select %eq3A_810, %broadcast_in_dim3A_811, %select_n3A_807 : vector<1x1x32xi1>, vector<1x1x32xi32>
    %eq3A_813 = arith.constant 17 : i32
    %eq3A_814 = vector.broadcast %eq3A_813 : i32 to vector<1x1x32xi32>
    %eq3A_815 = arith.cmpi eq, %iota3A_725, %eq3A_814 : vector<1x1x32xi32>
    %broadcast_in_dim3A_816 = vector.broadcast %select_n3A_436 : i32 to vector<1x1x32xi32>
    %select_n3A_817 = arith.select %eq3A_815, %broadcast_in_dim3A_816, %select_n3A_812 : vector<1x1x32xi1>, vector<1x1x32xi32>
    %eq3A_818 = arith.constant 18 : i32
    %eq3A_819 = vector.broadcast %eq3A_818 : i32 to vector<1x1x32xi32>
    %eq3A_820 = arith.cmpi eq, %iota3A_725, %eq3A_819 : vector<1x1x32xi32>
    %broadcast_in_dim3A_821 = vector.broadcast %select_n3A_460 : i32 to vector<1x1x32xi32>
    %select_n3A_822 = arith.select %eq3A_820, %broadcast_in_dim3A_821, %select_n3A_817 : vector<1x1x32xi1>, vector<1x1x32xi32>
    %eq3A_823 = arith.constant 19 : i32
    %eq3A_824 = vector.broadcast %eq3A_823 : i32 to vector<1x1x32xi32>
    %eq3A_825 = arith.cmpi eq, %iota3A_725, %eq3A_824 : vector<1x1x32xi32>
    %broadcast_in_dim3A_826 = vector.broadcast %select_n3A_484 : i32 to vector<1x1x32xi32>
    %select_n3A_827 = arith.select %eq3A_825, %broadcast_in_dim3A_826, %select_n3A_822 : vector<1x1x32xi1>, vector<1x1x32xi32>
    %eq3A_828 = arith.constant 20 : i32
    %eq3A_829 = vector.broadcast %eq3A_828 : i32 to vector<1x1x32xi32>
    %eq3A_830 = arith.cmpi eq, %iota3A_725, %eq3A_829 : vector<1x1x32xi32>
    %broadcast_in_dim3A_831 = vector.broadcast %select_n3A_508 : i32 to vector<1x1x32xi32>
    %select_n3A_832 = arith.select %eq3A_830, %broadcast_in_dim3A_831, %select_n3A_827 : vector<1x1x32xi1>, vector<1x1x32xi32>
    %eq3A_833 = arith.constant 21 : i32
    %eq3A_834 = vector.broadcast %eq3A_833 : i32 to vector<1x1x32xi32>
    %eq3A_835 = arith.cmpi eq, %iota3A_725, %eq3A_834 : vector<1x1x32xi32>
    %broadcast_in_dim3A_836 = vector.broadcast %select_n3A_532 : i32 to vector<1x1x32xi32>
    %select_n3A_837 = arith.select %eq3A_835, %broadcast_in_dim3A_836, %select_n3A_832 : vector<1x1x32xi1>, vector<1x1x32xi32>
    %eq3A_838 = arith.constant 22 : i32
    %eq3A_839 = vector.broadcast %eq3A_838 : i32 to vector<1x1x32xi32>
    %eq3A_840 = arith.cmpi eq, %iota3A_725, %eq3A_839 : vector<1x1x32xi32>
    %broadcast_in_dim3A_841 = vector.broadcast %select_n3A_556 : i32 to vector<1x1x32xi32>
    %select_n3A_842 = arith.select %eq3A_840, %broadcast_in_dim3A_841, %select_n3A_837 : vector<1x1x32xi1>, vector<1x1x32xi32>
    %eq3A_843 = arith.constant 23 : i32
    %eq3A_844 = vector.broadcast %eq3A_843 : i32 to vector<1x1x32xi32>
    %eq3A_845 = arith.cmpi eq, %iota3A_725, %eq3A_844 : vector<1x1x32xi32>
    %broadcast_in_dim3A_846 = vector.broadcast %select_n3A_580 : i32 to vector<1x1x32xi32>
    %select_n3A_847 = arith.select %eq3A_845, %broadcast_in_dim3A_846, %select_n3A_842 : vector<1x1x32xi1>, vector<1x1x32xi32>
    %eq3A_848 = arith.constant 24 : i32
    %eq3A_849 = vector.broadcast %eq3A_848 : i32 to vector<1x1x32xi32>
    %eq3A_850 = arith.cmpi eq, %iota3A_725, %eq3A_849 : vector<1x1x32xi32>
    %broadcast_in_dim3A_851 = vector.broadcast %select_n3A_604 : i32 to vector<1x1x32xi32>
    %select_n3A_852 = arith.select %eq3A_850, %broadcast_in_dim3A_851, %select_n3A_847 : vector<1x1x32xi1>, vector<1x1x32xi32>
    %eq3A_853 = arith.constant 25 : i32
    %eq3A_854 = vector.broadcast %eq3A_853 : i32 to vector<1x1x32xi32>
    %eq3A_855 = arith.cmpi eq, %iota3A_725, %eq3A_854 : vector<1x1x32xi32>
    %broadcast_in_dim3A_856 = vector.broadcast %select_n3A_628 : i32 to vector<1x1x32xi32>
    %select_n3A_857 = arith.select %eq3A_855, %broadcast_in_dim3A_856, %select_n3A_852 : vector<1x1x32xi1>, vector<1x1x32xi32>
    %eq3A_858 = arith.constant 26 : i32
    %eq3A_859 = vector.broadcast %eq3A_858 : i32 to vector<1x1x32xi32>
    %eq3A_860 = arith.cmpi eq, %iota3A_725, %eq3A_859 : vector<1x1x32xi32>
    %broadcast_in_dim3A_861 = vector.broadcast %select_n3A_652 : i32 to vector<1x1x32xi32>
    %select_n3A_862 = arith.select %eq3A_860, %broadcast_in_dim3A_861, %select_n3A_857 : vector<1x1x32xi1>, vector<1x1x32xi32>
    %eq3A_863 = arith.constant 27 : i32
    %eq3A_864 = vector.broadcast %eq3A_863 : i32 to vector<1x1x32xi32>
    %eq3A_865 = arith.cmpi eq, %iota3A_725, %eq3A_864 : vector<1x1x32xi32>
    %broadcast_in_dim3A_866 = vector.broadcast %select_n3A_676 : i32 to vector<1x1x32xi32>
    %select_n3A_867 = arith.select %eq3A_865, %broadcast_in_dim3A_866, %select_n3A_862 : vector<1x1x32xi1>, vector<1x1x32xi32>
    %eq3A_868 = arith.constant 28 : i32
    %eq3A_869 = vector.broadcast %eq3A_868 : i32 to vector<1x1x32xi32>
    %eq3A_870 = arith.cmpi eq, %iota3A_725, %eq3A_869 : vector<1x1x32xi32>
    %broadcast_in_dim3A_871 = vector.broadcast %select_n3A_700 : i32 to vector<1x1x32xi32>
    %select_n3A_872 = arith.select %eq3A_870, %broadcast_in_dim3A_871, %select_n3A_867 : vector<1x1x32xi1>, vector<1x1x32xi32>
    %eq3A_873 = arith.constant 29 : i32
    %eq3A_874 = vector.broadcast %eq3A_873 : i32 to vector<1x1x32xi32>
    %eq3A_875 = arith.cmpi eq, %iota3A_725, %eq3A_874 : vector<1x1x32xi32>
    %broadcast_in_dim3A_876 = vector.broadcast %select_n3A_724 : i32 to vector<1x1x32xi32>
    %select_n3A_877 = arith.select %eq3A_875, %broadcast_in_dim3A_876, %select_n3A_872 : vector<1x1x32xi1>, vector<1x1x32xi32>
    %swap3A = arith.constant 0 : index
    %swap3A_878 = arith.constant 0 : index
    %swap3A_879 = arith.constant 0 : index
    %swap3A_880 = vector.load %arg3[%swap3A, %swap3A_878, %swap3A_879] : memref<1x1x32xi32, #tpu.memory_space<vmem>>, vector<1x1x32xi32>
    tpu.vector_store %arg3[%swap3A, %swap3A_878, %swap3A_879], %select_n3A_877 {strides = array<i32>} : memref<1x1x32xi32, #tpu.memory_space<vmem>>, vector<1x1x32xi32>,
    return
  }
  func.func @transform_0(%arg0: i32) -> (i32, i32) {
    %c0_i32 = arith.constant 0 : i32
    %c0_i32_0 = arith.constant 0 : i32
    %c0_i32_1 = arith.constant 0 : i32
    return %c0_i32, %c0_i32_0 : i32, i32
  }
  func.func @transform_1(%arg0: i32) -> (i32, i32) {
    %c0_i32 = arith.constant 0 : i32
    %c0_i32_0 = arith.constant 0 : i32
    %c0_i32_1 = arith.constant 0 : i32
    return %c0_i32, %c0_i32_0 : i32, i32
  }
  func.func @transform_2(%arg0: i32) -> (i32, i32, i32) {
    %c0_i32 = arith.constant 0 : i32
    %c0_i32_0 = arith.constant 0 : i32
    %c0_i32_1 = arith.constant 0 : i32
    return %arg0, %c0_i32, %c0_i32_0 : i32, i32, i32
  }
}

module attributes {stable_mosaic.version = 14 : i64} {
  func.func @_cnn_body(%arg0: i32, %arg1: memref<1x32x640xf32, #tpu.memory_space<vmem>>, %arg2: memref<5x640x16xf32, #tpu.memory_space<vmem>>, %arg3: memref<1x16xf32, #tpu.memory_space<vmem>>, %arg4: memref<5x16x32xf32, #tpu.memory_space<vmem>>, %arg5: memref<1x32xf32, #tpu.memory_space<vmem>>, %arg6: memref<288x128xf32, #tpu.memory_space<vmem>>, %arg7: memref<1x128xf32, #tpu.memory_space<vmem>>, %arg8: memref<128x16xf32, #tpu.memory_space<vmem>>, %arg9: memref<1x16xf32, #tpu.memory_space<vmem>>, %arg10: memref<1x1x16xf32, #tpu.memory_space<vmem>>) attributes {dimension_semantics = [#tpu.dimension_semantics<arbitrary>], iteration_bounds = array<i64: 64>, scalar_prefetch = 0 : i64, scratch_operands = 0 : i64, tpu.core_type = #tpu.core_type<tc>, window_params = [{transform_indices = @transform_0, window_bounds = array<i64: 1, 32, 640>}, {pipeline_mode = #tpu.pipeline_mode<synchronous>, transform_indices = @transform_1, window_bounds = array<i64: 5, 640, 16>}, {pipeline_mode = #tpu.pipeline_mode<synchronous>, transform_indices = @transform_2, window_bounds = array<i64: 1, 16>}, {pipeline_mode = #tpu.pipeline_mode<synchronous>, transform_indices = @transform_3, window_bounds = array<i64: 5, 16, 32>}, {pipeline_mode = #tpu.pipeline_mode<synchronous>, transform_indices = @transform_4, window_bounds = array<i64: 1, 32>}, {pipeline_mode = #tpu.pipeline_mode<synchronous>, transform_indices = @transform_5, window_bounds = array<i64: 288, 128>}, {pipeline_mode = #tpu.pipeline_mode<synchronous>, transform_indices = @transform_6, window_bounds = array<i64: 1, 128>}, {pipeline_mode = #tpu.pipeline_mode<synchronous>, transform_indices = @transform_7, window_bounds = array<i64: 128, 16>}, {pipeline_mode = #tpu.pipeline_mode<synchronous>, transform_indices = @transform_8, window_bounds = array<i64: 1, 16>}, {transform_indices = @transform_9, window_bounds = array<i64: 1, 1, 16>}]} {
    %get3A = arith.constant 0 : index
    %get3A_0 = arith.constant 0 : index
    %get3A_1 = arith.constant 0 : index
    %get3A_2 = vector.load %arg1[%get3A, %get3A_0, %get3A_1] : memref<1x32x640xf32, #tpu.memory_space<vmem>>, vector<1x32x640xf32>
    %get3A_3 = vector.shape_cast %get3A_2 : vector<1x32x640xf32> to vector<32x640xf32>
    %get3A_4 = arith.constant 0 : index
    %get3A_5 = arith.constant 0 : index
    %get3A_6 = vector.load %arg3[%get3A_4, %get3A_5] : memref<1x16xf32, #tpu.memory_space<vmem>>, vector<1x16xf32>
    %broadcast_in_dim3A = arith.constant 0.000000e+00 : f32
    %broadcast_in_dim3A_7 = vector.broadcast %broadcast_in_dim3A : f32 to vector<26x16xf32>
    %slice3A = vector.extract_strided_slice %get3A_3 {offsets = [0, 0], sizes = [26, 640], strides = [1, 1]} : vector<32x640xf32> to vector<26x640xf32>
    %get3A_8 = arith.constant 0 : index
    %get3A_9 = arith.constant 0 : index
    %get3A_10 = arith.constant 0 : index
    %get3A_11 = vector.load %arg2[%get3A_8, %get3A_9, %get3A_10] : memref<5x640x16xf32, #tpu.memory_space<vmem>>, vector<1x640x16xf32>
    %get3A_12 = vector.shape_cast %get3A_11 : vector<1x640x16xf32> to vector<640x16xf32>
    %dot_general3A = arith.constant dense<0.000000e+00> : vector<26x16xf32>
    %dot_general3A_13 = tpu.matmul %slice3A, %get3A_12, %dot_general3A {dimension_numbers = #tpu.dot_dimension_numbers<[1], [0], [0], [1], [0, 0, 1, 1], [], []>, transpose_lhs_hint = false} : vector<26x640xf32>, vector<640x16xf32>, vector<26x16xf32> -> vector<26x16xf32>
    %add3A = arith.addf %broadcast_in_dim3A_7, %dot_general3A_13 : vector<26x16xf32>
    %slice3A_14 = vector.extract_strided_slice %get3A_3 {offsets = [1, 0], sizes = [26, 640], strides = [1, 1]} : vector<32x640xf32> to vector<26x640xf32>
    %get3A_15 = arith.constant 1 : index
    %get3A_16 = arith.constant 0 : index
    %get3A_17 = arith.constant 0 : index
    %get3A_18 = vector.load %arg2[%get3A_15, %get3A_16, %get3A_17] : memref<5x640x16xf32, #tpu.memory_space<vmem>>, vector<1x640x16xf32>
    %get3A_19 = vector.shape_cast %get3A_18 : vector<1x640x16xf32> to vector<640x16xf32>
    %dot_general3A_20 = arith.constant dense<0.000000e+00> : vector<26x16xf32>
    %dot_general3A_21 = tpu.matmul %slice3A_14, %get3A_19, %dot_general3A_20 {dimension_numbers = #tpu.dot_dimension_numbers<[1], [0], [0], [1], [0, 0, 1, 1], [], []>, transpose_lhs_hint = false} : vector<26x640xf32>, vector<640x16xf32>, vector<26x16xf32> -> vector<26x16xf32>
    %add3A_22 = arith.addf %add3A, %dot_general3A_21 : vector<26x16xf32>
    %slice3A_23 = vector.extract_strided_slice %get3A_3 {offsets = [2, 0], sizes = [26, 640], strides = [1, 1]} : vector<32x640xf32> to vector<26x640xf32>
    %get3A_24 = arith.constant 2 : index
    %get3A_25 = arith.constant 0 : index
    %get3A_26 = arith.constant 0 : index
    %get3A_27 = vector.load %arg2[%get3A_24, %get3A_25, %get3A_26] : memref<5x640x16xf32, #tpu.memory_space<vmem>>, vector<1x640x16xf32>
    %get3A_28 = vector.shape_cast %get3A_27 : vector<1x640x16xf32> to vector<640x16xf32>
    %dot_general3A_29 = arith.constant dense<0.000000e+00> : vector<26x16xf32>
    %dot_general3A_30 = tpu.matmul %slice3A_23, %get3A_28, %dot_general3A_29 {dimension_numbers = #tpu.dot_dimension_numbers<[1], [0], [0], [1], [0, 0, 1, 1], [], []>, transpose_lhs_hint = false} : vector<26x640xf32>, vector<640x16xf32>, vector<26x16xf32> -> vector<26x16xf32>
    %add3A_31 = arith.addf %add3A_22, %dot_general3A_30 : vector<26x16xf32>
    %slice3A_32 = vector.extract_strided_slice %get3A_3 {offsets = [3, 0], sizes = [26, 640], strides = [1, 1]} : vector<32x640xf32> to vector<26x640xf32>
    %get3A_33 = arith.constant 3 : index
    %get3A_34 = arith.constant 0 : index
    %get3A_35 = arith.constant 0 : index
    %get3A_36 = vector.load %arg2[%get3A_33, %get3A_34, %get3A_35] : memref<5x640x16xf32, #tpu.memory_space<vmem>>, vector<1x640x16xf32>
    %get3A_37 = vector.shape_cast %get3A_36 : vector<1x640x16xf32> to vector<640x16xf32>
    %dot_general3A_38 = arith.constant dense<0.000000e+00> : vector<26x16xf32>
    %dot_general3A_39 = tpu.matmul %slice3A_32, %get3A_37, %dot_general3A_38 {dimension_numbers = #tpu.dot_dimension_numbers<[1], [0], [0], [1], [0, 0, 1, 1], [], []>, transpose_lhs_hint = false} : vector<26x640xf32>, vector<640x16xf32>, vector<26x16xf32> -> vector<26x16xf32>
    %add3A_40 = arith.addf %add3A_31, %dot_general3A_39 : vector<26x16xf32>
    %slice3A_41 = vector.extract_strided_slice %get3A_3 {offsets = [4, 0], sizes = [26, 640], strides = [1, 1]} : vector<32x640xf32> to vector<26x640xf32>
    %get3A_42 = arith.constant 4 : index
    %get3A_43 = arith.constant 0 : index
    %get3A_44 = arith.constant 0 : index
    %get3A_45 = vector.load %arg2[%get3A_42, %get3A_43, %get3A_44] : memref<5x640x16xf32, #tpu.memory_space<vmem>>, vector<1x640x16xf32>
    %get3A_46 = vector.shape_cast %get3A_45 : vector<1x640x16xf32> to vector<640x16xf32>
    %dot_general3A_47 = arith.constant dense<0.000000e+00> : vector<26x16xf32>
    %dot_general3A_48 = tpu.matmul %slice3A_41, %get3A_46, %dot_general3A_47 {dimension_numbers = #tpu.dot_dimension_numbers<[1], [0], [0], [1], [0, 0, 1, 1], [], []>, transpose_lhs_hint = false} : vector<26x640xf32>, vector<640x16xf32>, vector<26x16xf32> -> vector<26x16xf32>
    %add3A_49 = arith.addf %add3A_40, %dot_general3A_48 : vector<26x16xf32>
    %add3A_50 = vector.broadcast %get3A_6 : vector<1x16xf32> to vector<26x16xf32>
    %add3A_51 = arith.addf %add3A_49, %add3A_50 : vector<26x16xf32>
    %max3A = arith.constant 0.000000e+00 : f32
    %max3A_52 = vector.broadcast %max3A : f32 to vector<26x16xf32>
    %max3A_53 = arith.maximumf %add3A_51, %max3A_52 : vector<26x16xf32>
    %slice3A_54 = vector.extract_strided_slice %max3A_53 {offsets = [0, 0], sizes = [1, 16], strides = [1, 1]} : vector<26x16xf32> to vector<1x16xf32>
    %slice3A_55 = vector.extract_strided_slice %max3A_53 {offsets = [1, 0], sizes = [1, 16], strides = [1, 1]} : vector<26x16xf32> to vector<1x16xf32>
    %max3A_56 = arith.maximumf %slice3A_54, %slice3A_55 : vector<1x16xf32>
    %slice3A_57 = vector.extract_strided_slice %max3A_53 {offsets = [2, 0], sizes = [1, 16], strides = [1, 1]} : vector<26x16xf32> to vector<1x16xf32>
    %slice3A_58 = vector.extract_strided_slice %max3A_53 {offsets = [3, 0], sizes = [1, 16], strides = [1, 1]} : vector<26x16xf32> to vector<1x16xf32>
    %max3A_59 = arith.maximumf %slice3A_57, %slice3A_58 : vector<1x16xf32>
    %slice3A_60 = vector.extract_strided_slice %max3A_53 {offsets = [4, 0], sizes = [1, 16], strides = [1, 1]} : vector<26x16xf32> to vector<1x16xf32>
    %slice3A_61 = vector.extract_strided_slice %max3A_53 {offsets = [5, 0], sizes = [1, 16], strides = [1, 1]} : vector<26x16xf32> to vector<1x16xf32>
    %max3A_62 = arith.maximumf %slice3A_60, %slice3A_61 : vector<1x16xf32>
    %slice3A_63 = vector.extract_strided_slice %max3A_53 {offsets = [6, 0], sizes = [1, 16], strides = [1, 1]} : vector<26x16xf32> to vector<1x16xf32>
    %slice3A_64 = vector.extract_strided_slice %max3A_53 {offsets = [7, 0], sizes = [1, 16], strides = [1, 1]} : vector<26x16xf32> to vector<1x16xf32>
    %max3A_65 = arith.maximumf %slice3A_63, %slice3A_64 : vector<1x16xf32>
    %slice3A_66 = vector.extract_strided_slice %max3A_53 {offsets = [8, 0], sizes = [1, 16], strides = [1, 1]} : vector<26x16xf32> to vector<1x16xf32>
    %slice3A_67 = vector.extract_strided_slice %max3A_53 {offsets = [9, 0], sizes = [1, 16], strides = [1, 1]} : vector<26x16xf32> to vector<1x16xf32>
    %max3A_68 = arith.maximumf %slice3A_66, %slice3A_67 : vector<1x16xf32>
    %slice3A_69 = vector.extract_strided_slice %max3A_53 {offsets = [10, 0], sizes = [1, 16], strides = [1, 1]} : vector<26x16xf32> to vector<1x16xf32>
    %slice3A_70 = vector.extract_strided_slice %max3A_53 {offsets = [11, 0], sizes = [1, 16], strides = [1, 1]} : vector<26x16xf32> to vector<1x16xf32>
    %max3A_71 = arith.maximumf %slice3A_69, %slice3A_70 : vector<1x16xf32>
    %slice3A_72 = vector.extract_strided_slice %max3A_53 {offsets = [12, 0], sizes = [1, 16], strides = [1, 1]} : vector<26x16xf32> to vector<1x16xf32>
    %slice3A_73 = vector.extract_strided_slice %max3A_53 {offsets = [13, 0], sizes = [1, 16], strides = [1, 1]} : vector<26x16xf32> to vector<1x16xf32>
    %max3A_74 = arith.maximumf %slice3A_72, %slice3A_73 : vector<1x16xf32>
    %slice3A_75 = vector.extract_strided_slice %max3A_53 {offsets = [14, 0], sizes = [1, 16], strides = [1, 1]} : vector<26x16xf32> to vector<1x16xf32>
    %slice3A_76 = vector.extract_strided_slice %max3A_53 {offsets = [15, 0], sizes = [1, 16], strides = [1, 1]} : vector<26x16xf32> to vector<1x16xf32>
    %max3A_77 = arith.maximumf %slice3A_75, %slice3A_76 : vector<1x16xf32>
    %slice3A_78 = vector.extract_strided_slice %max3A_53 {offsets = [16, 0], sizes = [1, 16], strides = [1, 1]} : vector<26x16xf32> to vector<1x16xf32>
    %slice3A_79 = vector.extract_strided_slice %max3A_53 {offsets = [17, 0], sizes = [1, 16], strides = [1, 1]} : vector<26x16xf32> to vector<1x16xf32>
    %max3A_80 = arith.maximumf %slice3A_78, %slice3A_79 : vector<1x16xf32>
    %slice3A_81 = vector.extract_strided_slice %max3A_53 {offsets = [18, 0], sizes = [1, 16], strides = [1, 1]} : vector<26x16xf32> to vector<1x16xf32>
    %slice3A_82 = vector.extract_strided_slice %max3A_53 {offsets = [19, 0], sizes = [1, 16], strides = [1, 1]} : vector<26x16xf32> to vector<1x16xf32>
    %max3A_83 = arith.maximumf %slice3A_81, %slice3A_82 : vector<1x16xf32>
    %slice3A_84 = vector.extract_strided_slice %max3A_53 {offsets = [20, 0], sizes = [1, 16], strides = [1, 1]} : vector<26x16xf32> to vector<1x16xf32>
    %slice3A_85 = vector.extract_strided_slice %max3A_53 {offsets = [21, 0], sizes = [1, 16], strides = [1, 1]} : vector<26x16xf32> to vector<1x16xf32>
    %max3A_86 = arith.maximumf %slice3A_84, %slice3A_85 : vector<1x16xf32>
    %slice3A_87 = vector.extract_strided_slice %max3A_53 {offsets = [22, 0], sizes = [1, 16], strides = [1, 1]} : vector<26x16xf32> to vector<1x16xf32>
    %slice3A_88 = vector.extract_strided_slice %max3A_53 {offsets = [23, 0], sizes = [1, 16], strides = [1, 1]} : vector<26x16xf32> to vector<1x16xf32>
    %max3A_89 = arith.maximumf %slice3A_87, %slice3A_88 : vector<1x16xf32>
    %slice3A_90 = vector.extract_strided_slice %max3A_53 {offsets = [24, 0], sizes = [1, 16], strides = [1, 1]} : vector<26x16xf32> to vector<1x16xf32>
    %slice3A_91 = vector.extract_strided_slice %max3A_53 {offsets = [25, 0], sizes = [1, 16], strides = [1, 1]} : vector<26x16xf32> to vector<1x16xf32>
    %max3A_92 = arith.maximumf %slice3A_90, %slice3A_91 : vector<1x16xf32>
    %concatenate3A = tpu.concatenate %max3A_56, %max3A_59, %max3A_62, %max3A_65, %max3A_68, %max3A_71, %max3A_74, %max3A_77, %max3A_80, %max3A_83, %max3A_86, %max3A_89, %max3A_92 in 0 : vector<1x16xf32>, vector<1x16xf32>, vector<1x16xf32>, vector<1x16xf32>, vector<1x16xf32>, vector<1x16xf32>, vector<1x16xf32>, vector<1x16xf32>, vector<1x16xf32>, vector<1x16xf32>, vector<1x16xf32>, vector<1x16xf32>, vector<1x16xf32> -> vector<13x16xf32>
    %broadcast_in_dim3A_93 = arith.constant 0.000000e+00 : f32
    %broadcast_in_dim3A_94 = vector.broadcast %broadcast_in_dim3A_93 : f32 to vector<9x32xf32>
    %slice3A_95 = vector.extract_strided_slice %concatenate3A {offsets = [0, 0], sizes = [9, 16], strides = [1, 1]} : vector<13x16xf32> to vector<9x16xf32>
    %get3A_96 = arith.constant 0 : index
    %get3A_97 = arith.constant 0 : index
    %get3A_98 = arith.constant 0 : index
    %get3A_99 = vector.load %arg4[%get3A_96, %get3A_97, %get3A_98] : memref<5x16x32xf32, #tpu.memory_space<vmem>>, vector<1x16x32xf32>
    %get3A_100 = vector.shape_cast %get3A_99 : vector<1x16x32xf32> to vector<16x32xf32>
    %dot_general3A_101 = arith.constant dense<0.000000e+00> : vector<9x32xf32>
    %dot_general3A_102 = tpu.matmul %slice3A_95, %get3A_100, %dot_general3A_101 {dimension_numbers = #tpu.dot_dimension_numbers<[1], [0], [0], [1], [0, 0, 1, 1], [], []>, transpose_lhs_hint = false} : vector<9x16xf32>, vector<16x32xf32>, vector<9x32xf32> -> vector<9x32xf32>
    %add3A_103 = arith.addf %broadcast_in_dim3A_94, %dot_general3A_102 : vector<9x32xf32>
    %slice3A_104 = vector.extract_strided_slice %concatenate3A {offsets = [1, 0], sizes = [9, 16], strides = [1, 1]} : vector<13x16xf32> to vector<9x16xf32>
    %get3A_105 = arith.constant 1 : index
    %get3A_106 = arith.constant 0 : index
    %get3A_107 = arith.constant 0 : index
    %get3A_108 = vector.load %arg4[%get3A_105, %get3A_106, %get3A_107] : memref<5x16x32xf32, #tpu.memory_space<vmem>>, vector<1x16x32xf32>
    %get3A_109 = vector.shape_cast %get3A_108 : vector<1x16x32xf32> to vector<16x32xf32>
    %dot_general3A_110 = arith.constant dense<0.000000e+00> : vector<9x32xf32>
    %dot_general3A_111 = tpu.matmul %slice3A_104, %get3A_109, %dot_general3A_110 {dimension_numbers = #tpu.dot_dimension_numbers<[1], [0], [0], [1], [0, 0, 1, 1], [], []>, transpose_lhs_hint = false} : vector<9x16xf32>, vector<16x32xf32>, vector<9x32xf32> -> vector<9x32xf32>
    %add3A_112 = arith.addf %add3A_103, %dot_general3A_111 : vector<9x32xf32>
    %slice3A_113 = vector.extract_strided_slice %concatenate3A {offsets = [2, 0], sizes = [9, 16], strides = [1, 1]} : vector<13x16xf32> to vector<9x16xf32>
    %get3A_114 = arith.constant 2 : index
    %get3A_115 = arith.constant 0 : index
    %get3A_116 = arith.constant 0 : index
    %get3A_117 = vector.load %arg4[%get3A_114, %get3A_115, %get3A_116] : memref<5x16x32xf32, #tpu.memory_space<vmem>>, vector<1x16x32xf32>
    %get3A_118 = vector.shape_cast %get3A_117 : vector<1x16x32xf32> to vector<16x32xf32>
    %dot_general3A_119 = arith.constant dense<0.000000e+00> : vector<9x32xf32>
    %dot_general3A_120 = tpu.matmul %slice3A_113, %get3A_118, %dot_general3A_119 {dimension_numbers = #tpu.dot_dimension_numbers<[1], [0], [0], [1], [0, 0, 1, 1], [], []>, transpose_lhs_hint = false} : vector<9x16xf32>, vector<16x32xf32>, vector<9x32xf32> -> vector<9x32xf32>
    %add3A_121 = arith.addf %add3A_112, %dot_general3A_120 : vector<9x32xf32>
    %slice3A_122 = vector.extract_strided_slice %concatenate3A {offsets = [3, 0], sizes = [9, 16], strides = [1, 1]} : vector<13x16xf32> to vector<9x16xf32>
    %get3A_123 = arith.constant 3 : index
    %get3A_124 = arith.constant 0 : index
    %get3A_125 = arith.constant 0 : index
    %get3A_126 = vector.load %arg4[%get3A_123, %get3A_124, %get3A_125] : memref<5x16x32xf32, #tpu.memory_space<vmem>>, vector<1x16x32xf32>
    %get3A_127 = vector.shape_cast %get3A_126 : vector<1x16x32xf32> to vector<16x32xf32>
    %dot_general3A_128 = arith.constant dense<0.000000e+00> : vector<9x32xf32>
    %dot_general3A_129 = tpu.matmul %slice3A_122, %get3A_127, %dot_general3A_128 {dimension_numbers = #tpu.dot_dimension_numbers<[1], [0], [0], [1], [0, 0, 1, 1], [], []>, transpose_lhs_hint = false} : vector<9x16xf32>, vector<16x32xf32>, vector<9x32xf32> -> vector<9x32xf32>
    %add3A_130 = arith.addf %add3A_121, %dot_general3A_129 : vector<9x32xf32>
    %slice3A_131 = vector.extract_strided_slice %concatenate3A {offsets = [4, 0], sizes = [9, 16], strides = [1, 1]} : vector<13x16xf32> to vector<9x16xf32>
    %get3A_132 = arith.constant 4 : index
    %get3A_133 = arith.constant 0 : index
    %get3A_134 = arith.constant 0 : index
    %get3A_135 = vector.load %arg4[%get3A_132, %get3A_133, %get3A_134] : memref<5x16x32xf32, #tpu.memory_space<vmem>>, vector<1x16x32xf32>
    %get3A_136 = vector.shape_cast %get3A_135 : vector<1x16x32xf32> to vector<16x32xf32>
    %dot_general3A_137 = arith.constant dense<0.000000e+00> : vector<9x32xf32>
    %dot_general3A_138 = tpu.matmul %slice3A_131, %get3A_136, %dot_general3A_137 {dimension_numbers = #tpu.dot_dimension_numbers<[1], [0], [0], [1], [0, 0, 1, 1], [], []>, transpose_lhs_hint = false} : vector<9x16xf32>, vector<16x32xf32>, vector<9x32xf32> -> vector<9x32xf32>
    %add3A_139 = arith.addf %add3A_130, %dot_general3A_138 : vector<9x32xf32>
    %get3A_140 = arith.constant 0 : index
    %get3A_141 = arith.constant 0 : index
    %get3A_142 = vector.load %arg5[%get3A_140, %get3A_141] : memref<1x32xf32, #tpu.memory_space<vmem>>, vector<1x32xf32>
    %add3A_143 = vector.broadcast %get3A_142 : vector<1x32xf32> to vector<9x32xf32>
    %add3A_144 = arith.addf %add3A_139, %add3A_143 : vector<9x32xf32>
    %max3A_145 = arith.constant 0.000000e+00 : f32
    %max3A_146 = vector.broadcast %max3A_145 : f32 to vector<9x32xf32>
    %max3A_147 = arith.maximumf %add3A_144, %max3A_146 : vector<9x32xf32>
    %broadcast_in_dim3A_148 = arith.constant 0.000000e+00 : f32
    %broadcast_in_dim3A_149 = vector.broadcast %broadcast_in_dim3A_148 : f32 to vector<1x128xf32>
    %slice3A_150 = vector.extract_strided_slice %max3A_147 {offsets = [0, 0], sizes = [1, 32], strides = [1, 1]} : vector<9x32xf32> to vector<1x32xf32>
    %get3A_151 = arith.constant 0 : index
    %get3A_152 = arith.constant 0 : index
    %get3A_153 = vector.load %arg6[%get3A_151, %get3A_152] : memref<288x128xf32, #tpu.memory_space<vmem>>, vector<32x128xf32>
    %dot_general3A_154 = arith.constant dense<0.000000e+00> : vector<1x128xf32>
    %dot_general3A_155 = tpu.matmul %slice3A_150, %get3A_153, %dot_general3A_154 {dimension_numbers = #tpu.dot_dimension_numbers<[1], [0], [0], [1], [0, 0, 1, 1], [], []>, transpose_lhs_hint = false} : vector<1x32xf32>, vector<32x128xf32>, vector<1x128xf32> -> vector<1x128xf32>
    %add3A_156 = arith.addf %broadcast_in_dim3A_149, %dot_general3A_155 : vector<1x128xf32>
    %slice3A_157 = vector.extract_strided_slice %max3A_147 {offsets = [1, 0], sizes = [1, 32], strides = [1, 1]} : vector<9x32xf32> to vector<1x32xf32>
    %get3A_158 = arith.constant 32 : index
    %get3A_159 = arith.constant 0 : index
    %get3A_160 = vector.load %arg6[%get3A_158, %get3A_159] : memref<288x128xf32, #tpu.memory_space<vmem>>, vector<32x128xf32>
    %dot_general3A_161 = arith.constant dense<0.000000e+00> : vector<1x128xf32>
    %dot_general3A_162 = tpu.matmul %slice3A_157, %get3A_160, %dot_general3A_161 {dimension_numbers = #tpu.dot_dimension_numbers<[1], [0], [0], [1], [0, 0, 1, 1], [], []>, transpose_lhs_hint = false} : vector<1x32xf32>, vector<32x128xf32>, vector<1x128xf32> -> vector<1x128xf32>
    %add3A_163 = arith.addf %add3A_156, %dot_general3A_162 : vector<1x128xf32>
    %slice3A_164 = vector.extract_strided_slice %max3A_147 {offsets = [2, 0], sizes = [1, 32], strides = [1, 1]} : vector<9x32xf32> to vector<1x32xf32>
    %get3A_165 = arith.constant 64 : index
    %get3A_166 = arith.constant 0 : index
    %get3A_167 = vector.load %arg6[%get3A_165, %get3A_166] : memref<288x128xf32, #tpu.memory_space<vmem>>, vector<32x128xf32>
    %dot_general3A_168 = arith.constant dense<0.000000e+00> : vector<1x128xf32>
    %dot_general3A_169 = tpu.matmul %slice3A_164, %get3A_167, %dot_general3A_168 {dimension_numbers = #tpu.dot_dimension_numbers<[1], [0], [0], [1], [0, 0, 1, 1], [], []>, transpose_lhs_hint = false} : vector<1x32xf32>, vector<32x128xf32>, vector<1x128xf32> -> vector<1x128xf32>
    %add3A_170 = arith.addf %add3A_163, %dot_general3A_169 : vector<1x128xf32>
    %slice3A_171 = vector.extract_strided_slice %max3A_147 {offsets = [3, 0], sizes = [1, 32], strides = [1, 1]} : vector<9x32xf32> to vector<1x32xf32>
    %get3A_172 = arith.constant 96 : index
    %get3A_173 = arith.constant 0 : index
    %get3A_174 = vector.load %arg6[%get3A_172, %get3A_173] : memref<288x128xf32, #tpu.memory_space<vmem>>, vector<32x128xf32>
    %dot_general3A_175 = arith.constant dense<0.000000e+00> : vector<1x128xf32>
    %dot_general3A_176 = tpu.matmul %slice3A_171, %get3A_174, %dot_general3A_175 {dimension_numbers = #tpu.dot_dimension_numbers<[1], [0], [0], [1], [0, 0, 1, 1], [], []>, transpose_lhs_hint = false} : vector<1x32xf32>, vector<32x128xf32>, vector<1x128xf32> -> vector<1x128xf32>
    %add3A_177 = arith.addf %add3A_170, %dot_general3A_176 : vector<1x128xf32>
    %slice3A_178 = vector.extract_strided_slice %max3A_147 {offsets = [4, 0], sizes = [1, 32], strides = [1, 1]} : vector<9x32xf32> to vector<1x32xf32>
    %get3A_179 = arith.constant 128 : index
    %get3A_180 = arith.constant 0 : index
    %get3A_181 = vector.load %arg6[%get3A_179, %get3A_180] : memref<288x128xf32, #tpu.memory_space<vmem>>, vector<32x128xf32>
    %dot_general3A_182 = arith.constant dense<0.000000e+00> : vector<1x128xf32>
    %dot_general3A_183 = tpu.matmul %slice3A_178, %get3A_181, %dot_general3A_182 {dimension_numbers = #tpu.dot_dimension_numbers<[1], [0], [0], [1], [0, 0, 1, 1], [], []>, transpose_lhs_hint = false} : vector<1x32xf32>, vector<32x128xf32>, vector<1x128xf32> -> vector<1x128xf32>
    %add3A_184 = arith.addf %add3A_177, %dot_general3A_183 : vector<1x128xf32>
    %slice3A_185 = vector.extract_strided_slice %max3A_147 {offsets = [5, 0], sizes = [1, 32], strides = [1, 1]} : vector<9x32xf32> to vector<1x32xf32>
    %get3A_186 = arith.constant 160 : index
    %get3A_187 = arith.constant 0 : index
    %get3A_188 = vector.load %arg6[%get3A_186, %get3A_187] : memref<288x128xf32, #tpu.memory_space<vmem>>, vector<32x128xf32>
    %dot_general3A_189 = arith.constant dense<0.000000e+00> : vector<1x128xf32>
    %dot_general3A_190 = tpu.matmul %slice3A_185, %get3A_188, %dot_general3A_189 {dimension_numbers = #tpu.dot_dimension_numbers<[1], [0], [0], [1], [0, 0, 1, 1], [], []>, transpose_lhs_hint = false} : vector<1x32xf32>, vector<32x128xf32>, vector<1x128xf32> -> vector<1x128xf32>
    %add3A_191 = arith.addf %add3A_184, %dot_general3A_190 : vector<1x128xf32>
    %slice3A_192 = vector.extract_strided_slice %max3A_147 {offsets = [6, 0], sizes = [1, 32], strides = [1, 1]} : vector<9x32xf32> to vector<1x32xf32>
    %get3A_193 = arith.constant 192 : index
    %get3A_194 = arith.constant 0 : index
    %get3A_195 = vector.load %arg6[%get3A_193, %get3A_194] : memref<288x128xf32, #tpu.memory_space<vmem>>, vector<32x128xf32>
    %dot_general3A_196 = arith.constant dense<0.000000e+00> : vector<1x128xf32>
    %dot_general3A_197 = tpu.matmul %slice3A_192, %get3A_195, %dot_general3A_196 {dimension_numbers = #tpu.dot_dimension_numbers<[1], [0], [0], [1], [0, 0, 1, 1], [], []>, transpose_lhs_hint = false} : vector<1x32xf32>, vector<32x128xf32>, vector<1x128xf32> -> vector<1x128xf32>
    %add3A_198 = arith.addf %add3A_191, %dot_general3A_197 : vector<1x128xf32>
    %slice3A_199 = vector.extract_strided_slice %max3A_147 {offsets = [7, 0], sizes = [1, 32], strides = [1, 1]} : vector<9x32xf32> to vector<1x32xf32>
    %get3A_200 = arith.constant 224 : index
    %get3A_201 = arith.constant 0 : index
    %get3A_202 = vector.load %arg6[%get3A_200, %get3A_201] : memref<288x128xf32, #tpu.memory_space<vmem>>, vector<32x128xf32>
    %dot_general3A_203 = arith.constant dense<0.000000e+00> : vector<1x128xf32>
    %dot_general3A_204 = tpu.matmul %slice3A_199, %get3A_202, %dot_general3A_203 {dimension_numbers = #tpu.dot_dimension_numbers<[1], [0], [0], [1], [0, 0, 1, 1], [], []>, transpose_lhs_hint = false} : vector<1x32xf32>, vector<32x128xf32>, vector<1x128xf32> -> vector<1x128xf32>
    %add3A_205 = arith.addf %add3A_198, %dot_general3A_204 : vector<1x128xf32>
    %slice3A_206 = vector.extract_strided_slice %max3A_147 {offsets = [8, 0], sizes = [1, 32], strides = [1, 1]} : vector<9x32xf32> to vector<1x32xf32>
    %get3A_207 = arith.constant 256 : index
    %get3A_208 = arith.constant 0 : index
    %get3A_209 = vector.load %arg6[%get3A_207, %get3A_208] : memref<288x128xf32, #tpu.memory_space<vmem>>, vector<32x128xf32>
    %dot_general3A_210 = arith.constant dense<0.000000e+00> : vector<1x128xf32>
    %dot_general3A_211 = tpu.matmul %slice3A_206, %get3A_209, %dot_general3A_210 {dimension_numbers = #tpu.dot_dimension_numbers<[1], [0], [0], [1], [0, 0, 1, 1], [], []>, transpose_lhs_hint = false} : vector<1x32xf32>, vector<32x128xf32>, vector<1x128xf32> -> vector<1x128xf32>
    %add3A_212 = arith.addf %add3A_205, %dot_general3A_211 : vector<1x128xf32>
    %get3A_213 = arith.constant 0 : index
    %get3A_214 = arith.constant 0 : index
    %get3A_215 = vector.load %arg7[%get3A_213, %get3A_214] : memref<1x128xf32, #tpu.memory_space<vmem>>, vector<1x128xf32>
    %add3A_216 = arith.addf %add3A_212, %get3A_215 : vector<1x128xf32>
    %max3A_217 = arith.constant 0.000000e+00 : f32
    %max3A_218 = vector.broadcast %max3A_217 : f32 to vector<1x128xf32>
    %max3A_219 = arith.maximumf %add3A_216, %max3A_218 : vector<1x128xf32>
    %get3A_220 = arith.constant 0 : index
    %get3A_221 = arith.constant 0 : index
    %get3A_222 = vector.load %arg8[%get3A_220, %get3A_221] : memref<128x16xf32, #tpu.memory_space<vmem>>, vector<128x16xf32>
    %dot_general3A_223 = arith.constant dense<0.000000e+00> : vector<1x16xf32>
    %dot_general3A_224 = tpu.matmul %max3A_219, %get3A_222, %dot_general3A_223 {dimension_numbers = #tpu.dot_dimension_numbers<[1], [0], [0], [1], [0, 0, 1, 1], [], []>, transpose_lhs_hint = false} : vector<1x128xf32>, vector<128x16xf32>, vector<1x16xf32> -> vector<1x16xf32>
    %get3A_225 = arith.constant 0 : index
    %get3A_226 = arith.constant 0 : index
    %get3A_227 = vector.load %arg9[%get3A_225, %get3A_226] : memref<1x16xf32, #tpu.memory_space<vmem>>, vector<1x16xf32>
    %add3A_228 = arith.addf %dot_general3A_224, %get3A_227 : vector<1x16xf32>
    %swap3A = arith.constant 0 : index
    %swap3A_229 = arith.constant 0 : index
    %swap3A_230 = arith.constant 0 : index
    %swap3A_231 = vector.load %arg10[%swap3A, %swap3A_229, %swap3A_230] : memref<1x1x16xf32, #tpu.memory_space<vmem>>, vector<1x1x16xf32>
    %swap3A_232 = vector.shape_cast %swap3A_231 : vector<1x1x16xf32> to vector<1x16xf32>
    %swap3A_233 = vector.shape_cast %add3A_228 : vector<1x16xf32> to vector<1x1x16xf32>
    tpu.vector_store %arg10[%swap3A, %swap3A_229, %swap3A_230], %swap3A_233 {strides = array<i32>} : memref<1x1x16xf32, #tpu.memory_space<vmem>>, vector<1x1x16xf32>,
    return
  }
  func.func @transform_0(%arg0: i32) -> (i32, i32, i32) {
    %c0_i32 = arith.constant 0 : i32
    %c0_i32_0 = arith.constant 0 : i32
    %c0_i32_1 = arith.constant 0 : i32
    return %arg0, %c0_i32, %c0_i32_0 : i32, i32, i32
  }
  func.func @transform_1(%arg0: i32) -> (i32, i32, i32) {
    %c0_i32 = arith.constant 0 : i32
    %c0_i32_0 = arith.constant 0 : i32
    %c0_i32_1 = arith.constant 0 : i32
    %c0_i32_2 = arith.constant 0 : i32
    return %c0_i32, %c0_i32_0, %c0_i32_1 : i32, i32, i32
  }
  func.func @transform_2(%arg0: i32) -> (i32, i32) {
    %c0_i32 = arith.constant 0 : i32
    %c0_i32_0 = arith.constant 0 : i32
    %c0_i32_1 = arith.constant 0 : i32
    return %c0_i32, %c0_i32_0 : i32, i32
  }
  func.func @transform_3(%arg0: i32) -> (i32, i32, i32) {
    %c0_i32 = arith.constant 0 : i32
    %c0_i32_0 = arith.constant 0 : i32
    %c0_i32_1 = arith.constant 0 : i32
    %c0_i32_2 = arith.constant 0 : i32
    return %c0_i32, %c0_i32_0, %c0_i32_1 : i32, i32, i32
  }
  func.func @transform_4(%arg0: i32) -> (i32, i32) {
    %c0_i32 = arith.constant 0 : i32
    %c0_i32_0 = arith.constant 0 : i32
    %c0_i32_1 = arith.constant 0 : i32
    return %c0_i32, %c0_i32_0 : i32, i32
  }
  func.func @transform_5(%arg0: i32) -> (i32, i32) {
    %c0_i32 = arith.constant 0 : i32
    %c0_i32_0 = arith.constant 0 : i32
    %c0_i32_1 = arith.constant 0 : i32
    return %c0_i32, %c0_i32_0 : i32, i32
  }
  func.func @transform_6(%arg0: i32) -> (i32, i32) {
    %c0_i32 = arith.constant 0 : i32
    %c0_i32_0 = arith.constant 0 : i32
    %c0_i32_1 = arith.constant 0 : i32
    return %c0_i32, %c0_i32_0 : i32, i32
  }
  func.func @transform_7(%arg0: i32) -> (i32, i32) {
    %c0_i32 = arith.constant 0 : i32
    %c0_i32_0 = arith.constant 0 : i32
    %c0_i32_1 = arith.constant 0 : i32
    return %c0_i32, %c0_i32_0 : i32, i32
  }
  func.func @transform_8(%arg0: i32) -> (i32, i32) {
    %c0_i32 = arith.constant 0 : i32
    %c0_i32_0 = arith.constant 0 : i32
    %c0_i32_1 = arith.constant 0 : i32
    return %c0_i32, %c0_i32_0 : i32, i32
  }
  func.func @transform_9(%arg0: i32) -> (i32, i32, i32) {
    %c0_i32 = arith.constant 0 : i32
    %c0_i32_0 = arith.constant 0 : i32
    %c0_i32_1 = arith.constant 0 : i32
    return %arg0, %c0_i32, %c0_i32_0 : i32, i32, i32
  }
}

</mosaic_0001>

<sc_bundles>
// kernel: kernel.13.cloned.1.call-start
scs
__scs_entry_jumppad:
0x0: {  	(pc) =	sbr.rel $0x88, $3  }
0x1: {  	(tag) =	ssettag $0x0;
	lr =	simm.s32 $0x1  }
0x2: {  	[smem:$0x3F8E] =	sst lr;
	_ =	strace $0xD0000000  }
0x3: {  	_ = 	snop  }
0x4: {  	_ = 	snop  }
0x5: {  	_ = 	snop  }
0x6: {  	_ = 	snop  }
0x7: {  	_ = 	snop  }
__scs_overlays_trampoline_lowered:
0x8: {  	[smem:$0x3F9D] =	sst s0  }
0x9: {  	[smem:$0x3F9E] =	sst s1  }
0xa: {  	[smem:$0x3F9F] =	sst s2  }
0xb: {  	[smem:$0x3FA0] =	sst s3  }
0xc: {  	[smem:$0x3FA1] =	sst s4  }
0xd: {  	[smem:$0x3FA2] =	sst s5  }
0xe: {  	[smem:$0x3FA3] =	sst s6  }
0xf: {  	[smem:$0x3FA4] =	sst s7  }
0x10: {  	[smem:$0x3FA5] =	sst s8  }
0x11: {  	[smem:$0x3FA6] =	sst s9;
	s0 =	simm.s32 @!p0 $0x0  }
0x12: {  	s1 =	sld [smem:$0x3F8C];
	s0 =	simm.s32 @p0 $0x1  }
0x13: {  	[smem:$0x3FA7] =	sst s0;
	s0 =	simm.s32 @!p1 $0x0  }
0x14: {  	s2 =	sld [smem:$0x3F8B];
	s0 =	simm.s32 @p1 $0x1  }
0x15: {  	[smem:$0x3FA8] =	sst s0;
	s0 =	simm.s32 @!p2 $0x0  }
0x16: {  	s3 =	sld [smem:$0x3FDB];
	s0 =	simm.s32 @p2 $0x1  }
0x17: {  	s4 =	simm.s32 $0x1BF5;
	[smem:$0x3FAA] =	sst s0  }
0x18: {  	s0 =	sld [smem:$0x3F8D];
	_ =	swait.ge [sflag:s4], $0x0  }
0x19: {  	s7 =	sld [smem:$0x3F8E]  }
0x1a: {  	s8 =	sadd.s32 $0xFFFFE003, lr  }
0x1b: {  	s9 =	sadd.s32 $0xFFFFFEF7, lr;
	s5 =	simm.s32 $0xFFFFFFFF;
	p2 =	slt.u32 s8, $0xFFFFF086  }
0x1c: {  	p1 =	slt.u32 s9, $0xF7A;
	s5 =	simm.s32 @!p2 $0x0  }
0x1d: {  	s5 =	simm.s32 @p1 $0x1;
	p0 =	seq.s32 s7, s2  }
0x1e: {  	s7 =	smul.u32 @!p0 $0xF7A, s2;
	p2 =	seq.s32 @!p0 s5, $0x0  }
0x1f: {  	s9 =	smul.u32 $0xF7A, s1;
	s8 =	simm.s32 @!p0 $0x1BF5;
	p2 =	por !p2, p0  }
0x20: {  	[sflag:s8] =	ssyncset.s32 @!p0 $0xFFFFF086;
	s6 =	sadd.s32 @!p0 s3, s7;
	s7 =	simm.s32 @!p0 $0x108  }
0x21: {  	s3 =	sadd.s32 s3, s9;
	s6 =	sadd.s32 @!p0 $0x88, s6;
	s7 =	simm.s32 @p2 $0x1082  }
0x22: {  	[simem:s7], [sflag:s8] =	dma.local @!p0 [hbm:s6], $0xF7A  }
0x23: {  	s9 =	sor.u32 $0xD0000000, s2;
	s6 =	simm.s32 $0x108;
	_ =	swait.ge @!p0 [sflag:s8], $0x0  }
0x24: {  	s3 =	sadd.s32 $0x88, s3;
	s6 =	simm.s32 @!p1 $0x1082;
	[sflag:s4] =	ssyncset.s32 $0xFFFFF086  }
0x25: {  	[simem:s6], [sflag:s4] =	dma.local [hbm:s3], $0xF7A  }
0x26: {  	[smem:$0x3F8E] =	sst s1;
	(tag) =	ssettag s2;
	_ =	strace s9  }
0x27: {  	s1 =	sld [smem:$0x3F9E]  }
0x28: {  	s2 =	sld [smem:$0x3F9F]  }
0x29: {  	s4 =	sld [smem:$0x3FA1]  }
0x2a: {  	p0 =	seq.s32 s5, $0x0;
	s5 =	sld [smem:$0x3FA2]  }
0x2b: {  	s6 =	sld [smem:$0x3FA3]  }
0x2c: {  	s7 =	sld [smem:$0x3FA4]  }
0x2d: {  	s3 =	simm.s32 $0x108;
	s8 =	sld [smem:$0x3FA5]  }
0x2e: {  	s3 =	simm.s32 @!p0 $0x1082;
	s9 =	sld [smem:$0x3FA6]  }
0x2f: {  	lr =	sadd.s32 s0, s3;
	s0 =	sld [smem:$0x3F9D]  }
0x30: {  	s3 =	sld [smem:$0x3FA0]  }
0x31: {  	[smem:$0x3FA9] =	sst s10  }
0x32: {  	s10 =	sld [smem:$0x3FA7];
	_ =	sdelay $0x3  }
0x33: {  	p0 =	seq.s32 s10, $0x1;
	s10 =	sld [smem:$0x3FA9];
	_ =	sdelay $0x3  }
0x34: {  	[smem:$0x3FA9] =	sst s10  }
0x35: {  	s10 =	sld [smem:$0x3FA8];
	_ =	sdelay $0x3  }
0x36: {  	p1 =	seq.s32 s10, $0x1;
	s10 =	sld [smem:$0x3FA9];
	_ =	sdelay $0x3  }
0x37: {  	[smem:$0x3FA9] =	sst s10  }
0x38: {  	s10 =	sld [smem:$0x3FAA]  }
0x39: {  	_ = 	snop;
	(pc) =	sbr.ind lr, $3  }
0x3a: {  	_ = 	snop  }
0x3b: {  	_ = 	snop  }
0x3c: {  	p2 =	seq.s32 s10, $0x1;
	s10 =	sld [smem:$0x3FA9]  }
0x3d: {  	_ =	shalt  }
0x3e: {  	_ =	shalt  }
0x3f: {  	_ =	shalt  }
0x40: {  	_ =	shalt  }
0x41: {  	_ =	shalt  }
0x42: {  	_ =	shalt  }
0x43: {  	_ =	shalt  }
0x44: {  	_ =	shalt  }
0x45: {  	_ =	shalt  }
0x46: {  	_ =	shalt  }
0x47: {  	_ =	shalt  }
0x48: {  	_ =	shalt  }
0x49: {  	_ =	shalt  }
0x4a: {  	_ =	shalt  }
0x4b: {  	_ =	shalt  }
0x4c: {  	_ =	shalt  }
0x4d: {  	_ =	shalt  }
0x4e: {  	_ =	shalt  }
0x4f: {  	_ =	shalt  }
0x50: {  	_ =	shalt  }
0x51: {  	_ =	shalt  }
0x52: {  	_ =	shalt  }
0x53: {  	_ =	shalt  }
0x54: {  	_ =	shalt  }
0x55: {  	_ =	shalt  }
0x56: {  	_ =	shalt  }
0x57: {  	_ =	shalt  }
0x58: {  	_ =	shalt  }
0x59: {  	_ =	shalt  }
0x5a: {  	_ =	shalt  }
0x5b: {  	_ =	shalt  }
0x5c: {  	_ =	shalt  }
0x5d: {  	_ =	shalt  }
0x5e: {  	_ =	shalt  }
0x5f: {  	_ =	shalt  }
0x60: {  	_ =	shalt  }
0x61: {  	_ =	shalt  }
0x62: {  	_ =	shalt  }
0x63: {  	_ =	shalt  }
0x64: {  	_ =	shalt  }
0x65: {  	_ =	shalt  }
0x66: {  	_ =	shalt  }
0x67: {  	_ =	shalt  }
0x68: {  	_ =	shalt  }
0x69: {  	_ =	shalt  }
0x6a: {  	_ =	shalt  }
0x6b: {  	_ =	shalt  }
0x6c: {  	_ =	shalt  }
0x6d: {  	_ =	shalt  }
0x6e: {  	_ =	shalt  }
0x6f: {  	_ =	shalt  }
0x70: {  	_ =	shalt  }
0x71: {  	_ =	shalt  }
0x72: {  	_ =	shalt  }
0x73: {  	_ =	shalt  }
0x74: {  	_ =	shalt  }
0x75: {  	_ =	shalt  }
0x76: {  	_ =	shalt  }
0x77: {  	_ =	shalt  }
0x78: {  	_ =	shalt  }
0x79: {  	_ =	shalt  }
0x7a: {  	_ =	shalt  }
0x7b: {  	_ =	shalt  }
0x7c: {  	_ =	shalt  }
0x7d: {  	_ =	shalt  }
0x7e: {  	_ =	shalt  }
0x7f: {  	_ =	shalt  }
0x80: {  	_ =	shalt  }
0x81: {  	_ =	shalt  }
0x82: {  	_ =	shalt  }
0x83: {  	_ =	shalt  }
0x84: {  	_ =	shalt  }
0x85: {  	_ =	shalt  }
0x86: {  	_ =	shalt  }
0x87: {  	_ =	shalt  }
.Lfunc_end0:
.L_simem_size_0:
called_computation.4_lowered:
.L_overlay_start_0:
0x88: {  	s2 =	sld [smem:$0x3FD9]  }
0x89: {  	s3 =	sld [smem:$0x3FFE];
	_ =	sdelay $0x1  }
0x8a: {  	s1 =	srdreg.scid  }
0x8b: {  	s0 =	sand.u32 $0x1, s1  }
0x8c: {  	s16 =	sshll.u32 s0, $0xA;
	s2 =	sadd.s32 s3, s2  }
0x8d: {  	s2 =	sadd.s32 s2, s16  }
0x8e: {  	[smem:$0x3FB5] =	sst s2  }
0x8f: {  	_ = 	snop  }
0x90: {  	(tm) =	ssettm $0x1  }
0x91: {  	s17 =	sld [smem:$0x3FFB];
	_ =	sdelay $0x3  }
0x92: {  	_ =	strace s17  }
0x93: {  	s2 =	sld [smem:$0x3FFC];
	_ =	sdelay $0x3  }
0x94: {  	_ =	strace s2  }
0x95: {  	s2 =	sld [smem:$0x3FFD];
	_ =	sdelay $0x3  }
0x96: {  	_ =	strace s2  }
0x97: {  	_ =	strace $0x8FFFFFFF  }
0x98: {  	s18 =	sld [smem:$0x3FDB];
	_ =	sdelay $0x1  }
0x99: {  	s19 =	simm.s32 $_scs_section_size  }
0x9a: {  	s4 =	simm.s32 $_size__tile_overlayer_lowered;
	s5 =	simm.s32 $_tile_overlayer_lowered  }
0x9b: {  	s22 =	simm.s32 $0x1BFF;
	s21 =	sshll.u32 s5, $0x1;
	s2 =	sadd.s32 s19, s18  }
0x9c: {  	s6 =	simm.s32 $0x0;
	s20 =	sshll.u32 s4, $0x1;
	s4 =	sadd.s32 s21, s2  }
0x9d: {  	[timem:s6], [sflag:s22] =	dma.local [hbm:s4], s20  }
0x9e: {  	_ =	swait.ge [sflag:s22], s20  }
0x9f: {  	s3 =	ssub.s32 $0x0, s20;
	[sflag:s22] =	ssyncset.done $0x0  }
0xa0: {  	[sflag:s22] =	ssyncadd.s32 s3;
	_ =	sdelay $0x1  }
0xa1: {  	s23 =	simm.s32 $0x1B8B  }
0xa2: {  	_ =	swait.ge [sflag:s23], $0x1  }
0xa3: {  	[sflag:s23] =	ssyncset.done $0x0  }
0xa4: {  	s25 =	simm.s32 $0x1B8E;
	s24 =	sld [smem:$0x3FFE];
	[sflag:s23] =	ssyncadd.s32 $0xFFFFFFFF  }
0xa5: {  	s26 =	simm.s32 $execute0_lowered;
	[smem:$0x3FD2] =	sst s25  }
0xa6: {  	s4 =	sshll.u32 s26, $0x1;
	_ =	strace $0x80000046;
	[dreg:$0x1] =	wrdreg $0xFFFFFFFF  }
0xa7: {  	s28 =	simm.s32 $_size_execute0_lowered;
	s2 =	sadd.s32 s2, s4;
	[dreg:$0x0] =	wrdreg $0x0  }
0xa8: {  	s4 =	sshll.u32 s28, $0x1;
	[dreg:$0x2] =	wrdreg s2  }
0xa9: {  	[dreg:$0x3] =	wrdreg s4  }
0xaa: {  	[dreg:$0x4] =	wrdreg $0xC0  }
0xab: {  	_ =	task [dreg:s6], $0x5FFFF  }
0xac: {  	[dreg:$0x1] =	wrdreg $0xFFFFFFFF  }
0xad: {  	[dreg:$0x0] =	wrdreg $0x60  }
0xae: {  	[dreg:$0x2] =	wrdreg s24  }
0xaf: {  	[dreg:$0x3] =	wrdreg $0x4A000  }
0xb0: {  	[dreg:$0x4] =	wrdreg $0x9  }
0xb1: {  	_ =	task.clear_ibuf [dreg:s6], $0x5FFFF;
	_ =	strace $0x90000046  }
0xb2: {  	s29 =	simm.s32 $0x9;
	_ =	strace $0x80000048  }
0xb3: {  	_ =	swait.ge [sflag:s29], $0x1  }
0xb4: {  	[sflag:s29] =	ssyncadd.s32 $0xFFFFFFFF  }
0xb5: {  	_ =	strace $0x90000048  }
0xb6: {  	_ =	sfence  }
0xb7: {  	s30 =	sld [smem:$0x0];
	_ =	sdelay $0x2  }
0xb8: {  	s31 =	sshll.u32 s1, $0xD;
	s1 =	sshrl.u32 s1, $0x2  }
0xb9: {  	s3 =	sand.u32 $0x4000, s31;
	s1 =	sadd.s32 s1, s30  }
0xba: {  	s0 =	sor.u32 s3, s0;
	s1 =	sshll.u32 s1, $0x11  }
0xbb: {  	s0 =	sor.u32 s1, s0  }
0xbc: {  	s0 =	sadd.s32 $0x8F2B, s0  }
0xbd: {  	[sflag:s0] =	ssyncadd.remote.s32 $0x1  }
0xbe: {  	_ =	sfence.sel $0xFFFF  }
0xbf: {  	[dreg:$0x0] =	wrdreg $0xFFFFFFFF;
	(pc) =	sbr.abs _section_cstart, $3  }
0xc0: {  	[dreg:$0x1] =	wrdreg $0xFFFFFFFF  }
0xc1: {  	_ =	task.clear_ibuf [dreg:s6], $0x2FFFF;
	_ =	strace $0x9FFFFFFF  }
0xc2: {  	(tm) =	ssettm $0x7FFFFFFF  }
0xc3: {  	_ =	shalt  }
tec
execute0_lowered:
.L_overlay_start_1:
0x0: {  	(tag) =	ssettag $0x1  }
0x1: {  	s5 =	rddreg [dreg:$0x0]  }
0x2: {  	s1 =	rddreg [dreg:$0x1]  }
0x3: {  	s0 =	rddreg [dreg:$0x2];
	s2 =	simm.s32 $0x0  }
0x4: {  	s3 =	srdreg.scid;
	s17 =	simm.s32 $0x1;
	s18 =	simm.s32 $0x4100  }
0x5: {  	s19 =	simm.s32 $0x4180;
	s20 =	simm.s32 $0x10;
	s6 =	sand.u32 $0x1, s3  }
0x6: {  	s21 =	simm.s32 $0x4200;
	s3 =	stileid.u32;
	s7 =	smul.u32 $0x140000, s6  }
0x7: {  	s22 =	simm.s32 $0x0;
	[smem:$0x7FF] =	sst s2;
	s8 =	smul.u32 $0x14000, s3  }
0x8: {  	s4 =	sadd.s32 $0x2B600, s5;
	s12 =	sadd.s32 $0xDC00, s5;
	s28 =	smul.u32 $0x50000, s3  }
0x9: {  	s11 =	sadd.s32 $0x3E00, s5;
	s9 =	sadd.s32 $0x53600, s5;
	s29 =	smul.u32 $0x2800, s3  }
0xa: {  	_ =	strace $0x80000047;
	s10 =	sshll.u32 s3, $0x1;
	s14 =	smul.u32 $0x4E20, s3  }
0xb: {  	s26 =	ssub.s32 $0x2, s6;
	p0 =	seq.s32 s6, $0x0;
	s16 =	smul.u32 $0x2710, s6  }
0xc: {  	s30 =	sshll.u32 s3, $0x6;
	s10 =	sor.u32 s6, s10;
	s13 =	sshrl.u32 s26, $0x1  }
0xd: {  	s9 =	smov.u32 @p0 s4;
	s7 =	sadd.s32 s8, s7;
	s10 =	smul.u32 $0x2710, s10  }
0xe: {  	s8 =	ssub.s32 s26, s13;
	s14 =	sadd.s32 s16, s14;
	s9 =	sadd.s32 s9, s29  }
0xf: {  	s16 =	simm.s32 $0x100;
	s7 =	sshrl.u32 s7, $0x3;
	s8 =	smax.u32 s8, $0x1  }
0x10: {  	s31 =	sshrl.u32 s14, $0x3;
	s14 =	simm.s32 $0x2;
	s10 =	sshrl.u32 s10, $0x3  }
0x11: {  	s7 =	sadd.s32 s7, s5;
	s5 =	sshrl.u32 s28, $0x2;
	s10 =	sadd.s32 $0x4E0, s10  }
0x12: {  	s15 =	sadd.s32 s5, s1;
	s7 =	sadd.s32 $0x7B600, s7;
	s5 =	sadd.s32 s12, s10  }
0x13: {  	s6 =	sadd.s32 s11, s10;
	s10 =	sor.u32 $0x1C02, s30;
	s11 =	sadd.s32 s31, s11  }
0x14: {  	s12 =	sadd.s32 s31, s12;
	s13 =	sshrl.u32 s15, $0x3;
	s15 =	simm.s32 $0x80  }
.LBB2_1:
0x15: {  	[spmem:s13], [sflag:s10] =	dma.local [hbm:s9], $0x2800  }
0x16: {  	_ =	swait.ge [sflag:s14], $0x2800  }
0x17: {  	[sflag:s14] =	ssyncset.done $0x0  }
0x18: {  	[sflag:s14] =	ssyncadd.s32 $0xFFFFD800  }
0x19: {  	s23 =	sadd.s32 $0x0, s12;
	[bflag:$0x0] =	sbarrier.arrive $0xFFFF  }
0x1a: {  	[tilespmem:s2], [sflag:$0x2] =	stream.linear.gather [hbm4b:s23+s2], $0x80, $0x38;
	[tilespmem:$0x18A00] =	vst v63  }
0x1b: {  	_ =	swait.ge [sflag:s14], $0x80  }
0x1c: {  	[sflag:s14] =	ssyncset.done $0x0  }
0x1d: {  	s31 =	sadd.s32 $0x0, s11;
	[sflag:s14] =	ssyncadd.s32 $0xFFFFFF80  }
0x1e: {  	[tilespmem:s15], [sflag:$0x2] =	stream.linear.gather [hbm4b:s31+s2], $0x80, $0x38;
	[tilespmem:$0x18A00] =	vst v63  }
0x1f: {  	_ =	swait.ge [sflag:s14], $0x80  }
0x20: {  	[sflag:s14] =	ssyncset.done $0x0  }
0x21: {  	[sflag:s14] =	ssyncadd.s32 $0xFFFFFF80  }
0x22: {  	[tilespmem:s16], [sflag:$0x1] =	stream.indirect.gather [hbm4b:s4+s15], $0x80, s2, s15, $0xb8;
	[tilespmem:$0x18A00] =	vst v63  }
0x23: {  	_ =	swait.ge [sflag:s17], $0x4000  }
0x24: {  	[sflag:s17] =	ssyncset.done $0x0  }
0x25: {  	[sflag:s17] =	ssyncadd.s32 $0xFFFFC000  }
0x26: {  	[spmem:s1] =	stream.indirect.scatter.add.f32 [tilespmem:s16], [sflag:$0x2], $0x80, s15, s15, $0xb8;
	[tilespmem:$0x18A00] =	vst v63  }
0x27: {  	_ =	swait.ge [sflag:s14], $0x4000  }
0x28: {  	s24 =	simm.s32 $0x20;
	s23 =	simm.s32 $0x10;
	[sflag:s14] =	ssyncset.done $0x0  }
.LBB2_2:
0x29: {  	s25 =	sadd.s32 s23, s12  }
0x2a: {  	[sflag:s14] =	ssyncadd.s32 $0xFFFFC000;
	s26 =	smov.u32 s24;
	s28 =	sadd.s32 $0x10, s24  }
0x2b: {  	[tilespmem:s2], [sflag:$0x2] =	stream.linear.gather [hbm4b:s25+s2], $0x80, $0x38;
	[tilespmem:$0x18A00] =	vst v63  }
0x2c: {  	p0 =	sne.s32 s24, $0x4D0;
	_ =	swait.ge [sflag:s14], $0x80  }
0x2d: {  	[sflag:s14] =	ssyncset.done $0x0  }
0x2e: {  	s24 =	sadd.s32 s23, s11;
	s23 =	smov.u32 s26;
	[sflag:s14] =	ssyncadd.s32 $0xFFFFFF80  }
0x2f: {  	[tilespmem:s15], [sflag:$0x2] =	stream.linear.gather [hbm4b:s24+s2], $0x80, $0x38;
	[tilespmem:$0x18A00] =	vst v63  }
0x30: {  	_ =	swait.ge [sflag:s14], $0x80  }
0x31: {  	[sflag:s14] =	ssyncset.done $0x0  }
0x32: {  	[sflag:s14] =	ssyncadd.s32 $0xFFFFFF80  }
0x33: {  	[tilespmem:s16], [sflag:$0x1] =	stream.indirect.gather [hbm4b:s4+s15], $0x80, s2, s15, $0xb8;
	[tilespmem:$0x18A00] =	vst v63  }
0x34: {  	_ =	swait.ge [sflag:s17], $0x4000  }
.Ltmp0:
0x35: {  	[sflag:s17] =	ssyncset.done $0x0;
	(pc) =	sbr.rel @p0 .LBB2_2-.Ltmp0, $4  }
0x36: {  	[sflag:s17] =	ssyncadd.s32 $0xFFFFC000  }
0x37: {  	[spmem:s1] =	stream.indirect.scatter.add.f32 [tilespmem:s16], [sflag:$0x2], $0x80, s15, s15, $0xb8;
	[tilespmem:$0x18A00] =	vst v63  }
0x38: {  	_ =	swait.ge [sflag:s14], $0x4000  }
0x39: {  	s24 =	smov.u32 s28;
	[sflag:s14] =	ssyncset.done $0x0  }
0x3a: {  	s24 =	sadd.s32 s23, s12;
	[sflag:s14] =	ssyncadd.s32 $0xFFFFC000  }
0x3b: {  	[tilespmem:s2], [sflag:$0x2] =	stream.linear.gather [hbm4b:s24+s2], $0x80, $0x38;
	[tilespmem:$0x18A00] =	vst v63  }
0x3c: {  	_ =	swait.ge [sflag:s14], $0x80  }
0x3d: {  	[sflag:s14] =	ssyncset.done $0x0  }
0x3e: {  	s31 =	sadd.s32 s23, s11;
	[sflag:s14] =	ssyncadd.s32 $0xFFFFFF80  }
0x3f: {  	[tilespmem:s15], [sflag:$0x2] =	stream.linear.gather [hbm4b:s31+s2], $0x80, $0x38;
	[tilespmem:$0x18A00] =	vst v63  }
0x40: {  	_ =	swait.ge [sflag:s14], $0x80  }
0x41: {  	[sflag:s14] =	ssyncset.done $0x0  }
0x42: {  	[sflag:s14] =	ssyncadd.s32 $0xFFFFFF80  }
0x43: {  	[tilespmem:s16], [sflag:$0x1] =	stream.indirect.gather [hbm4b:s4+s15], $0x80, s2, s15, $0xb8;
	[tilespmem:$0x18A00] =	vst v63  }
0x44: {  	_ =	swait.ge [sflag:s17], $0x4000  }
0x45: {  	[sflag:s17] =	ssyncset.done $0x0  }
0x46: {  	[sflag:s17] =	ssyncadd.s32 $0xFFFFC000  }
0x47: {  	[spmem:s1] =	stream.indirect.scatter.add.f32 [tilespmem:s16], [sflag:$0x2], $0x80, s15, s15, $0xb8;
	[tilespmem:$0x18A00] =	vst v63  }
0x48: {  	_ =	swait.ge [sflag:s14], $0x4000  }
0x49: {  	[sflag:s14] =	ssyncset.done $0x0  }
0x4a: {  	[sflag:s14] =	ssyncadd.s32 $0xFFFFC000  }
0x4b: {  	[tilespmem:s18], [sflag:$0x2] =	stream.linear.gather [hbm4b:s5+s2], $0x10, $0x38;
	[tilespmem:$0x18A00] =	vst v63  }
0x4c: {  	_ =	swait.ge [sflag:s14], $0x10  }
0x4d: {  	[sflag:s14] =	ssyncset.done $0x0  }
0x4e: {  	[sflag:s14] =	ssyncadd.s32 $0xFFFFFFF0  }
0x4f: {  	[tilespmem:s19], [sflag:$0x2] =	stream.linear.gather [hbm4b:s6+s2], $0x10, $0x38;
	[tilespmem:$0x18A00] =	vst v63  }
0x50: {  	_ =	swait.ge [sflag:s14], $0x10  }
0x51: {  	[sflag:s14] =	ssyncset.done $0x0  }
0x52: {  	[sflag:s14] =	ssyncadd.s32 $0xFFFFFFF0  }
0x53: {  	[tilespmem:s21], [sflag:$0x1] =	stream.indirect.gather [hbm4b:s4+s20], $0x80, s18, s20, $0xb8;
	[tilespmem:$0x18A00] =	vst v63  }
0x54: {  	_ =	swait.ge [sflag:s17], $0x800  }
0x55: {  	[sflag:s17] =	ssyncset.done $0x0  }
0x56: {  	[sflag:s17] =	ssyncadd.s32 $0xFFFFF800  }
0x57: {  	[spmem:s1] =	stream.indirect.scatter.add.f32 [tilespmem:s21], [sflag:$0x2], $0x80, s19, s20, $0xb8;
	[tilespmem:$0x18A00] =	vst v63  }
0x58: {  	_ =	swait.ge [sflag:s14], $0x800  }
0x59: {  	s22 =	sadd.s32 $0x1, s22;
	[sflag:s14] =	ssyncset.done $0x0  }
0x5a: {  	p0 =	sne.s32 s22, s8;
	[sflag:s14] =	ssyncadd.s32 $0xFFFFF800  }
.Ltmp1:
0x5b: {  	[bflag:$0x0] =	sbarrier.arrive $0xFFFF;
	(pc) =	sbr.rel @p0 .LBB2_1-.Ltmp1, $4  }
0x5c: {  	[hbm:s7], [sflag:s10] =	dma.local [spmem:s13], $0x2800  }
0x5d: {  	_ =	swait.ge [sflag:s14], $0x2800  }
0x5e: {  	[sflag:s14] =	ssyncset.done $0x0  }
0x5f: {  	[sflag:s14] =	ssyncadd.s32 $0xFFFFD800  }
0x60: {  	_ =	sfence.sel $0x180000  }
0x61: {  	[bflag:$0x0] =	sbarrier.arrive $0xFFFF  }
0x62: {  	p0 =	sne.s32 s3, $0x0;
	_ =	strace $0x90000047  }
0x63: {  	s0 =	sadd.s32 @!p0 $0x100000, s0;
	[bflag:$0x2] =	sbarrier.arrive $0xFFFF  }
0x64: {  	[sflag:s0] =	ssyncadd.tile.s32 @!p0 $0x1;
	_ =	shalt  }
.Lfunc_end2:
_tile_overlayer_lowered:
.L_overlay_start_2:
0x65: {  	(tag) =	ssettag $0x2  }
0x66: {  	s0 =	rddreg [dreg:$0x0];
	s2 =	stileid.u32  }
0x67: {  	s1 =	rddreg [dreg:$0x1];
	p0 =	sne.s32 s2, $0x0  }
0x68: {  	s3 =	rddreg [dreg:$0x2];
	[bflag:$0x3] =	sbarrier.arrive $0xFFFF;
	s2 =	simm.s32 @!p0 $0x1C02  }
0x69: {  	[timem:s3], [sflag:s2] =	dma.local @!p0 [hbm:s0], s1  }
0x6a: {  	s0 =	simm.s32 @!p0 $0x2  }
0x6b: {  	_ =	swait.ge @!p0 [sflag:s0], s1  }
0x6c: {  	s1 =	ssub.s32 @!p0 $0x0, s1;
	[sflag:s0] =	ssyncset.done @!p0 $0x0  }
0x6d: {  	[sflag:s0] =	ssyncadd.s32 @!p0 s1  }
0x6e: {  	[bflag:$0x3] =	sbarrier.arrive $0xFFFF  }
0x6f: {  	_ =	shalt  }

// kernel: kernel.16.cloned.1.call-start
scs
__scs_entry_jumppad:
0x0: {  	(pc) =	sbr.rel $0x88, $3  }
0x1: {  	(tag) =	ssettag $0x0;
	lr =	simm.s32 $0x1  }
0x2: {  	[smem:$0x3F8E] =	sst lr;
	_ =	strace $0xD0000000  }
0x3: {  	_ = 	snop  }
0x4: {  	_ = 	snop  }
0x5: {  	_ = 	snop  }
0x6: {  	_ = 	snop  }
0x7: {  	_ = 	snop  }
__scs_overlays_trampoline_lowered:
0x8: {  	[smem:$0x3F9D] =	sst s0  }
0x9: {  	[smem:$0x3F9E] =	sst s1  }
0xa: {  	[smem:$0x3F9F] =	sst s2  }
0xb: {  	[smem:$0x3FA0] =	sst s3  }
0xc: {  	[smem:$0x3FA1] =	sst s4  }
0xd: {  	[smem:$0x3FA2] =	sst s5  }
0xe: {  	[smem:$0x3FA3] =	sst s6  }
0xf: {  	[smem:$0x3FA4] =	sst s7  }
0x10: {  	[smem:$0x3FA5] =	sst s8  }
0x11: {  	[smem:$0x3FA6] =	sst s9;
	s0 =	simm.s32 @!p0 $0x0  }
0x12: {  	s1 =	sld [smem:$0x3F8C];
	s0 =	simm.s32 @p0 $0x1  }
0x13: {  	[smem:$0x3FA7] =	sst s0;
	s0 =	simm.s32 @!p1 $0x0  }
0x14: {  	s2 =	sld [smem:$0x3F8B];
	s0 =	simm.s32 @p1 $0x1  }
0x15: {  	[smem:$0x3FA8] =	sst s0;
	s0 =	simm.s32 @!p2 $0x0  }
0x16: {  	s3 =	sld [smem:$0x3FDB];
	s0 =	simm.s32 @p2 $0x1  }
0x17: {  	s4 =	simm.s32 $0x1BF5;
	[smem:$0x3FAA] =	sst s0  }
0x18: {  	s0 =	sld [smem:$0x3F8D];
	_ =	swait.ge [sflag:s4], $0x0  }
0x19: {  	s7 =	sld [smem:$0x3F8E]  }
0x1a: {  	s8 =	sadd.s32 $0xFFFFE003, lr  }
0x1b: {  	s9 =	sadd.s32 $0xFFFFFEF7, lr;
	s5 =	simm.s32 $0xFFFFFFFF;
	p2 =	slt.u32 s8, $0xFFFFF086  }
0x1c: {  	p1 =	slt.u32 s9, $0xF7A;
	s5 =	simm.s32 @!p2 $0x0  }
0x1d: {  	s5 =	simm.s32 @p1 $0x1;
	p0 =	seq.s32 s7, s2  }
0x1e: {  	s7 =	smul.u32 @!p0 $0xF7A, s2;
	p2 =	seq.s32 @!p0 s5, $0x0  }
0x1f: {  	s9 =	smul.u32 $0xF7A, s1;
	s8 =	simm.s32 @!p0 $0x1BF5;
	p2 =	por !p2, p0  }
0x20: {  	[sflag:s8] =	ssyncset.s32 @!p0 $0xFFFFF086;
	s6 =	sadd.s32 @!p0 s3, s7;
	s7 =	simm.s32 @!p0 $0x108  }
0x21: {  	s3 =	sadd.s32 s3, s9;
	s6 =	sadd.s32 @!p0 $0x88, s6;
	s7 =	simm.s32 @p2 $0x1082  }
0x22: {  	[simem:s7], [sflag:s8] =	dma.local @!p0 [hbm:s6], $0xF7A  }
0x23: {  	s9 =	sor.u32 $0xD0000000, s2;
	s6 =	simm.s32 $0x108;
	_ =	swait.ge @!p0 [sflag:s8], $0x0  }
0x24: {  	s3 =	sadd.s32 $0x88, s3;
	s6 =	simm.s32 @!p1 $0x1082;
	[sflag:s4] =	ssyncset.s32 $0xFFFFF086  }
0x25: {  	[simem:s6], [sflag:s4] =	dma.local [hbm:s3], $0xF7A  }
0x26: {  	[smem:$0x3F8E] =	sst s1;
	(tag) =	ssettag s2;
	_ =	strace s9  }
0x27: {  	s1 =	sld [smem:$0x3F9E]  }
0x28: {  	s2 =	sld [smem:$0x3F9F]  }
0x29: {  	s4 =	sld [smem:$0x3FA1]  }
0x2a: {  	p0 =	seq.s32 s5, $0x0;
	s5 =	sld [smem:$0x3FA2]  }
0x2b: {  	s6 =	sld [smem:$0x3FA3]  }
0x2c: {  	s7 =	sld [smem:$0x3FA4]  }
0x2d: {  	s3 =	simm.s32 $0x108;
	s8 =	sld [smem:$0x3FA5]  }
0x2e: {  	s3 =	simm.s32 @!p0 $0x1082;
	s9 =	sld [smem:$0x3FA6]  }
0x2f: {  	lr =	sadd.s32 s0, s3;
	s0 =	sld [smem:$0x3F9D]  }
0x30: {  	s3 =	sld [smem:$0x3FA0]  }
0x31: {  	[smem:$0x3FA9] =	sst s10  }
0x32: {  	s10 =	sld [smem:$0x3FA7];
	_ =	sdelay $0x3  }
0x33: {  	p0 =	seq.s32 s10, $0x1;
	s10 =	sld [smem:$0x3FA9];
	_ =	sdelay $0x3  }
0x34: {  	[smem:$0x3FA9] =	sst s10  }
0x35: {  	s10 =	sld [smem:$0x3FA8];
	_ =	sdelay $0x3  }
0x36: {  	p1 =	seq.s32 s10, $0x1;
	s10 =	sld [smem:$0x3FA9];
	_ =	sdelay $0x3  }
0x37: {  	[smem:$0x3FA9] =	sst s10  }
0x38: {  	s10 =	sld [smem:$0x3FAA]  }
0x39: {  	_ = 	snop;
	(pc) =	sbr.ind lr, $3  }
0x3a: {  	_ = 	snop  }
0x3b: {  	_ = 	snop  }
0x3c: {  	p2 =	seq.s32 s10, $0x1;
	s10 =	sld [smem:$0x3FA9]  }
0x3d: {  	_ =	shalt  }
0x3e: {  	_ =	shalt  }
0x3f: {  	_ =	shalt  }
0x40: {  	_ =	shalt  }
0x41: {  	_ =	shalt  }
0x42: {  	_ =	shalt  }
0x43: {  	_ =	shalt  }
0x44: {  	_ =	shalt  }
0x45: {  	_ =	shalt  }
0x46: {  	_ =	shalt  }
0x47: {  	_ =	shalt  }
0x48: {  	_ =	shalt  }
0x49: {  	_ =	shalt  }
0x4a: {  	_ =	shalt  }
0x4b: {  	_ =	shalt  }
0x4c: {  	_ =	shalt  }
0x4d: {  	_ =	shalt  }
0x4e: {  	_ =	shalt  }
0x4f: {  	_ =	shalt  }
0x50: {  	_ =	shalt  }
0x51: {  	_ =	shalt  }
0x52: {  	_ =	shalt  }
0x53: {  	_ =	shalt  }
0x54: {  	_ =	shalt  }
0x55: {  	_ =	shalt  }
0x56: {  	_ =	shalt  }
0x57: {  	_ =	shalt  }
0x58: {  	_ =	shalt  }
0x59: {  	_ =	shalt  }
0x5a: {  	_ =	shalt  }
0x5b: {  	_ =	shalt  }
0x5c: {  	_ =	shalt  }
0x5d: {  	_ =	shalt  }
0x5e: {  	_ =	shalt  }
0x5f: {  	_ =	shalt  }
0x60: {  	_ =	shalt  }
0x61: {  	_ =	shalt  }
0x62: {  	_ =	shalt  }
0x63: {  	_ =	shalt  }
0x64: {  	_ =	shalt  }
0x65: {  	_ =	shalt  }
0x66: {  	_ =	shalt  }
0x67: {  	_ =	shalt  }
0x68: {  	_ =	shalt  }
0x69: {  	_ =	shalt  }
0x6a: {  	_ =	shalt  }
0x6b: {  	_ =	shalt  }
0x6c: {  	_ =	shalt  }
0x6d: {  	_ =	shalt  }
0x6e: {  	_ =	shalt  }
0x6f: {  	_ =	shalt  }
0x70: {  	_ =	shalt  }
0x71: {  	_ =	shalt  }
0x72: {  	_ =	shalt  }
0x73: {  	_ =	shalt  }
0x74: {  	_ =	shalt  }
0x75: {  	_ =	shalt  }
0x76: {  	_ =	shalt  }
0x77: {  	_ =	shalt  }
0x78: {  	_ =	shalt  }
0x79: {  	_ =	shalt  }
0x7a: {  	_ =	shalt  }
0x7b: {  	_ =	shalt  }
0x7c: {  	_ =	shalt  }
0x7d: {  	_ =	shalt  }
0x7e: {  	_ =	shalt  }
0x7f: {  	_ =	shalt  }
0x80: {  	_ =	shalt  }
0x81: {  	_ =	shalt  }
0x82: {  	_ =	shalt  }
0x83: {  	_ =	shalt  }
0x84: {  	_ =	shalt  }
0x85: {  	_ =	shalt  }
0x86: {  	_ =	shalt  }
0x87: {  	_ =	shalt  }
.Lfunc_end0:
.L_simem_size_0:
called_computation.5_lowered:
.L_overlay_start_0:
0x88: {  	s2 =	sld [smem:$0x3FD9]  }
0x89: {  	s3 =	sld [smem:$0x3FFE];
	_ =	sdelay $0x1  }
0x8a: {  	s1 =	srdreg.scid  }
0x8b: {  	s0 =	sand.u32 $0x1, s1  }
0x8c: {  	s16 =	sshll.u32 s0, $0xA;
	s2 =	sadd.s32 s3, s2  }
0x8d: {  	s2 =	sadd.s32 s2, s16  }
0x8e: {  	[smem:$0x3FB5] =	sst s2  }
0x8f: {  	_ = 	snop  }
0x90: {  	(tm) =	ssettm $0x1  }
0x91: {  	s17 =	sld [smem:$0x3FFB];
	_ =	sdelay $0x3  }
0x92: {  	_ =	strace s17  }
0x93: {  	s2 =	sld [smem:$0x3FFC];
	_ =	sdelay $0x3  }
0x94: {  	_ =	strace s2  }
0x95: {  	s2 =	sld [smem:$0x3FFD];
	_ =	sdelay $0x3  }
0x96: {  	_ =	strace s2  }
0x97: {  	_ =	strace $0x8FFFFFFF  }
0x98: {  	s18 =	sld [smem:$0x3FDB];
	_ =	sdelay $0x1  }
0x99: {  	s19 =	simm.s32 $_scs_section_size  }
0x9a: {  	s4 =	simm.s32 $_size__tile_overlayer_lowered;
	s5 =	simm.s32 $_tile_overlayer_lowered  }
0x9b: {  	s22 =	simm.s32 $0x1BFF;
	s21 =	sshll.u32 s5, $0x1;
	s2 =	sadd.s32 s19, s18  }
0x9c: {  	s6 =	simm.s32 $0x0;
	s20 =	sshll.u32 s4, $0x1;
	s4 =	sadd.s32 s21, s2  }
0x9d: {  	[timem:s6], [sflag:s22] =	dma.local [hbm:s4], s20  }
0x9e: {  	_ =	swait.ge [sflag:s22], s20  }
0x9f: {  	s3 =	ssub.s32 $0x0, s20;
	[sflag:s22] =	ssyncset.done $0x0  }
0xa0: {  	[sflag:s22] =	ssyncadd.s32 s3;
	_ =	sdelay $0x1  }
0xa1: {  	s23 =	simm.s32 $0x1B8B  }
0xa2: {  	_ =	swait.ge [sflag:s23], $0x1  }
0xa3: {  	[sflag:s23] =	ssyncset.done $0x0  }
0xa4: {  	s25 =	simm.s32 $0x1B8E;
	s24 =	sld [smem:$0x3FFE];
	[sflag:s23] =	ssyncadd.s32 $0xFFFFFFFF  }
0xa5: {  	s26 =	simm.s32 $execute0_lowered;
	[smem:$0x3FD2] =	sst s25  }
0xa6: {  	s4 =	sshll.u32 s26, $0x1;
	_ =	strace $0x80000049;
	[dreg:$0x1] =	wrdreg $0xFFFFFFFF  }
0xa7: {  	s28 =	simm.s32 $_size_execute0_lowered;
	s2 =	sadd.s32 s2, s4;
	[dreg:$0x0] =	wrdreg $0x0  }
0xa8: {  	s4 =	sshll.u32 s28, $0x1;
	[dreg:$0x2] =	wrdreg s2  }
0xa9: {  	[dreg:$0x3] =	wrdreg s4  }
0xaa: {  	[dreg:$0x4] =	wrdreg $0xC0  }
0xab: {  	_ =	task [dreg:s6], $0x5FFFF  }
0xac: {  	[dreg:$0x1] =	wrdreg $0xFFFFFFFF  }
0xad: {  	[dreg:$0x0] =	wrdreg $0x60  }
0xae: {  	[dreg:$0x2] =	wrdreg s24  }
0xaf: {  	[dreg:$0x3] =	wrdreg $0x9  }
0xb0: {  	_ =	task.clear_ibuf [dreg:s6], $0x4FFFF;
	_ =	strace $0x90000049  }
0xb1: {  	s29 =	simm.s32 $0x9;
	_ =	strace $0x8000004B  }
0xb2: {  	_ =	swait.ge [sflag:s29], $0x1  }
0xb3: {  	[sflag:s29] =	ssyncadd.s32 $0xFFFFFFFF  }
0xb4: {  	_ =	strace $0x9000004B  }
0xb5: {  	_ =	sfence  }
0xb6: {  	s30 =	sld [smem:$0x0];
	_ =	sdelay $0x2  }
0xb7: {  	s31 =	sshll.u32 s1, $0xD;
	s1 =	sshrl.u32 s1, $0x2  }
0xb8: {  	s3 =	sand.u32 $0x4000, s31;
	s1 =	sadd.s32 s1, s30  }
0xb9: {  	s0 =	sor.u32 s3, s0;
	s1 =	sshll.u32 s1, $0x11  }
0xba: {  	s0 =	sor.u32 s1, s0  }
0xbb: {  	s0 =	sadd.s32 $0x8F2B, s0  }
0xbc: {  	[sflag:s0] =	ssyncadd.remote.s32 $0x1  }
0xbd: {  	_ =	sfence.sel $0xFFFF  }
0xbe: {  	[dreg:$0x0] =	wrdreg $0xFFFFFFFF;
	(pc) =	sbr.abs _section_cstart, $3  }
0xbf: {  	[dreg:$0x1] =	wrdreg $0xFFFFFFFF  }
0xc0: {  	_ =	task.clear_ibuf [dreg:s6], $0x2FFFF;
	_ =	strace $0x9FFFFFFF  }
0xc1: {  	(tm) =	ssettm $0x7FFFFFFF  }
tec
execute0_lowered:
.L_overlay_start_1:
0x0: {  	(tag) =	ssettag $0x1  }
0x1: {  	s4 =	rddreg [dreg:$0x0]  }
0x2: {  	s0 =	rddreg [dreg:$0x1];
	s3 =	srdreg.scid  }
0x3: {  	s1 =	stileid.u32;
	s2 =	simm.s32 $0x0;
	s14 =	simm.s32 $0x4100  }
0x4: {  	s15 =	simm.s32 $0x0;
	s6 =	sand.u32 $0x1, s3;
	s28 =	sshll.u32 s1, $0x1  }
0x5: {  	[smem:$0x7FF] =	sst s2;
	s3 =	sadd.s32 $0x52800, s4;
	s10 =	smul.u32 $0x50A0, s1  }
0x6: {  	s8 =	sadd.s32 $0xD5800, s4;
	s7 =	sadd.s32 $0xDFA00, s4;
	s12 =	smul.u32 $0x50A00, s1  }
0x7: {  	s5 =	sor.u32 s6, s28;
	s29 =	ssub.s32 $0x2, s6;
	s11 =	smul.u32 $0x2850, s6  }
0x8: {  	_ =	strace $0x8000004A;
	s5 =	smul.u32 $0x2850, s5;
	s9 =	sshrl.u32 s29, $0x1  }
0x9: {  	s13 =	smul.u32 $0x28500, s6;
	s9 =	ssub.s32 s29, s9;
	s10 =	sadd.s32 s11, s10  }
0xa: {  	s11 =	simm.s32 $0x1;
	s5 =	sadd.s32 $0x2800, s5;
	s6 =	smax.u32 s9, $0x1  }
0xb: {  	s31 =	sshrl.u32 s10, $0x3;
	s9 =	simm.s32 $0x2;
	s30 =	sshrl.u32 s5, $0x3  }
0xc: {  	s10 =	simm.s32 $0x80;
	s5 =	sshll.u32 s5, $0x4;
	s4 =	sadd.s32 s8, s30  }
0xd: {  	s5 =	sadd.s32 s7, s5;
	s7 =	sadd.s32 s12, s7;
	s8 =	sadd.s32 s31, s8  }
0xe: {  	s12 =	simm.s32 $0x4080;
	s7 =	sadd.s32 s13, s7;
	s13 =	simm.s32 $0x50  }
.LBB2_1:
0xf: {  	s16 =	sadd.s32 $0x0, s8  }
0x10: {  	[tilespmem:s2], [sflag:$0x2] =	stream.linear.gather [hbm4b:s16+s2], $0x80, $0x38;
	[tilespmem:$0x6900] =	vst v63  }
0x11: {  	_ =	swait.ge [sflag:s9], $0x80  }
0x12: {  	[sflag:s9] =	ssyncset.done $0x0  }
0x13: {  	[sflag:s9] =	ssyncadd.s32 $0xFFFFFF80  }
0x14: {  	[tilespmem:s10], [sflag:$0x1] =	stream.indirect.gather [hbm4b:s3+s10], $0x80, s2, s10, $0xb8;
	[tilespmem:$0x6900] =	vst v63  }
0x15: {  	_ =	swait.ge [sflag:s11], $0x4000  }
0x16: {  	[sflag:s11] =	ssyncset.done $0x0  }
0x17: {  	[sflag:s11] =	ssyncadd.s32 $0xFFFFC000  }
0x18: {  	[hbm4b:s7+s2] =	stream.linear.scatter [tilespmem:s10], [sflag:$0x2], $0x4000, $0x38;
	[tilespmem:$0x6900] =	vst v63  }
0x19: {  	s17 =	simm.s32 $0x10;
	_ =	swait.ge [sflag:s9], $0x4000  }
0x1a: {  	s18 =	simm.s32 $0x20;
	s16 =	sadd.s32 $0x800, s7;
	[sflag:s9] =	ssyncset.done $0x0  }
.LBB2_2:
0x1b: {  	s19 =	sadd.s32 s17, s8  }
0x1c: {  	[sflag:s9] =	ssyncadd.s32 $0xFFFFC000;
	s17 =	smov.u32 s18;
	s20 =	sadd.s32 $0x10, s18  }
0x1d: {  	[tilespmem:s2], [sflag:$0x2] =	stream.linear.gather [hbm4b:s19+s2], $0x80, $0x38;
	[tilespmem:$0x6900] =	vst v63  }
0x1e: {  	p0 =	sne.s32 s18, $0x4F0;
	_ =	swait.ge [sflag:s9], $0x80  }
0x1f: {  	[sflag:s9] =	ssyncset.done $0x0  }
0x20: {  	[sflag:s9] =	ssyncadd.s32 $0xFFFFFF80  }
0x21: {  	[tilespmem:s10], [sflag:$0x1] =	stream.indirect.gather [hbm4b:s3+s10], $0x80, s2, s10, $0xb8;
	[tilespmem:$0x6900] =	vst v63  }
0x22: {  	_ =	swait.ge [sflag:s11], $0x4000  }
.Ltmp0:
0x23: {  	[sflag:s11] =	ssyncset.done $0x0;
	(pc) =	sbr.rel @p0 .LBB2_2-.Ltmp0, $4  }
0x24: {  	[sflag:s11] =	ssyncadd.s32 $0xFFFFC000  }
0x25: {  	[hbm4b:s16+s2] =	stream.linear.scatter [tilespmem:s10], [sflag:$0x2], $0x4000, $0x38;
	[tilespmem:$0x6900] =	vst v63  }
0x26: {  	_ =	swait.ge [sflag:s9], $0x4000  }
0x27: {  	s18 =	smov.u32 s20;
	s16 =	sadd.s32 $0x800, s16;
	[sflag:s9] =	ssyncset.done $0x0  }
0x28: {  	s17 =	sadd.s32 s17, s8;
	[sflag:s9] =	ssyncadd.s32 $0xFFFFC000  }
0x29: {  	[tilespmem:s2], [sflag:$0x2] =	stream.linear.gather [hbm4b:s17+s2], $0x80, $0x38;
	[tilespmem:$0x6900] =	vst v63  }
0x2a: {  	_ =	swait.ge [sflag:s9], $0x80  }
0x2b: {  	[sflag:s9] =	ssyncset.done $0x0  }
0x2c: {  	[sflag:s9] =	ssyncadd.s32 $0xFFFFFF80  }
0x2d: {  	[tilespmem:s10], [sflag:$0x1] =	stream.indirect.gather [hbm4b:s3+s10], $0x80, s2, s10, $0xb8;
	[tilespmem:$0x6900] =	vst v63  }
0x2e: {  	_ =	swait.ge [sflag:s11], $0x4000  }
0x2f: {  	[sflag:s11] =	ssyncset.done $0x0  }
0x30: {  	[sflag:s11] =	ssyncadd.s32 $0xFFFFC000  }
0x31: {  	[hbm4b:s16+s2] =	stream.linear.scatter [tilespmem:s10], [sflag:$0x2], $0x4000, $0x38;
	[tilespmem:$0x6900] =	vst v63  }
0x32: {  	_ =	swait.ge [sflag:s9], $0x4000  }
0x33: {  	[sflag:s9] =	ssyncset.done $0x0  }
0x34: {  	[sflag:s9] =	ssyncadd.s32 $0xFFFFC000  }
0x35: {  	[tilespmem:s12], [sflag:$0x2] =	stream.linear.gather [hbm4b:s4+s2], $0x50, $0x38;
	[tilespmem:$0x6900] =	vst v63  }
0x36: {  	_ =	swait.ge [sflag:s9], $0x50  }
0x37: {  	[sflag:s9] =	ssyncset.done $0x0  }
0x38: {  	[sflag:s9] =	ssyncadd.s32 $0xFFFFFFB0  }
0x39: {  	[tilespmem:s14], [sflag:$0x1] =	stream.indirect.gather [hbm4b:s3+s13], $0x80, s12, s13, $0xb8;
	[tilespmem:$0x6900] =	vst v63  }
0x3a: {  	s15 =	sadd.s32 $0x1, s15;
	_ =	swait.ge [sflag:s11], $0x2800  }
0x3b: {  	p0 =	sne.s32 s15, s6;
	[sflag:s11] =	ssyncset.done $0x0  }
.Ltmp1:
0x3c: {  	[sflag:s11] =	ssyncadd.s32 $0xFFFFD800;
	(pc) =	sbr.rel @p0 .LBB2_1-.Ltmp1, $4  }
0x3d: {  	[hbm4b:s5+s2] =	stream.linear.scatter [tilespmem:s14], [sflag:$0x2], $0x2800, $0x38;
	[tilespmem:$0x6900] =	vst v63  }
0x3e: {  	_ =	swait.ge [sflag:s9], $0x2800  }
0x3f: {  	[sflag:s9] =	ssyncset.done $0x0  }
0x40: {  	[sflag:s9] =	ssyncadd.s32 $0xFFFFD800  }
0x41: {  	_ =	sfence.sel $0x180000  }
0x42: {  	[bflag:$0x0] =	sbarrier.arrive $0xFFFF  }
0x43: {  	p0 =	sne.s32 s1, $0x0;
	_ =	strace $0x9000004A  }
0x44: {  	s0 =	sadd.s32 @!p0 $0x100000, s0;
	[bflag:$0x2] =	sbarrier.arrive $0xFFFF  }
0x45: {  	[sflag:s0] =	ssyncadd.tile.s32 @!p0 $0x1;
	_ =	shalt  }
.Lfunc_end2:
_tile_overlayer_lowered:
.L_overlay_start_2:
0x46: {  	(tag) =	ssettag $0x2  }
0x47: {  	s0 =	rddreg [dreg:$0x0];
	s2 =	stileid.u32  }
0x48: {  	s1 =	rddreg [dreg:$0x1];
	p0 =	sne.s32 s2, $0x0  }
0x49: {  	s3 =	rddreg [dreg:$0x2];
	[bflag:$0x3] =	sbarrier.arrive $0xFFFF;
	s2 =	simm.s32 @!p0 $0x1C02  }
0x4a: {  	[timem:s3], [sflag:s2] =	dma.local @!p0 [hbm:s0], s1  }
0x4b: {  	s0 =	simm.s32 @!p0 $0x2  }
0x4c: {  	_ =	swait.ge @!p0 [sflag:s0], s1  }
0x4d: {  	s1 =	ssub.s32 @!p0 $0x0, s1;
	[sflag:s0] =	ssyncset.done @!p0 $0x0  }
0x4e: {  	[sflag:s0] =	ssyncadd.s32 @!p0 s1  }
0x4f: {  	[bflag:$0x3] =	sbarrier.arrive $0xFFFF  }
0x50: {  	_ =	shalt  }

// kernel: kernel.19.cloned.1.call-start
scs
__scs_entry_jumppad:
0x0: {  	(pc) =	sbr.rel $0x88, $3  }
0x1: {  	(tag) =	ssettag $0x0;
	lr =	simm.s32 $0x1  }
0x2: {  	[smem:$0x3F8E] =	sst lr;
	_ =	strace $0xD0000000  }
0x3: {  	_ = 	snop  }
0x4: {  	_ = 	snop  }
0x5: {  	_ = 	snop  }
0x6: {  	_ = 	snop  }
0x7: {  	_ = 	snop  }
__scs_overlays_trampoline_lowered:
0x8: {  	[smem:$0x3F9D] =	sst s0  }
0x9: {  	[smem:$0x3F9E] =	sst s1  }
0xa: {  	[smem:$0x3F9F] =	sst s2  }
0xb: {  	[smem:$0x3FA0] =	sst s3  }
0xc: {  	[smem:$0x3FA1] =	sst s4  }
0xd: {  	[smem:$0x3FA2] =	sst s5  }
0xe: {  	[smem:$0x3FA3] =	sst s6  }
0xf: {  	[smem:$0x3FA4] =	sst s7  }
0x10: {  	[smem:$0x3FA5] =	sst s8  }
0x11: {  	[smem:$0x3FA6] =	sst s9;
	s0 =	simm.s32 @!p0 $0x0  }
0x12: {  	s1 =	sld [smem:$0x3F8C];
	s0 =	simm.s32 @p0 $0x1  }
0x13: {  	[smem:$0x3FA7] =	sst s0;
	s0 =	simm.s32 @!p1 $0x0  }
0x14: {  	s2 =	sld [smem:$0x3F8B];
	s0 =	simm.s32 @p1 $0x1  }
0x15: {  	[smem:$0x3FA8] =	sst s0;
	s0 =	simm.s32 @!p2 $0x0  }
0x16: {  	s3 =	sld [smem:$0x3FDB];
	s0 =	simm.s32 @p2 $0x1  }
0x17: {  	s4 =	simm.s32 $0x1BF5;
	[smem:$0x3FAA] =	sst s0  }
0x18: {  	s0 =	sld [smem:$0x3F8D];
	_ =	swait.ge [sflag:s4], $0x0  }
0x19: {  	s7 =	sld [smem:$0x3F8E]  }
0x1a: {  	s8 =	sadd.s32 $0xFFFFE003, lr  }
0x1b: {  	s9 =	sadd.s32 $0xFFFFFEF7, lr;
	s5 =	simm.s32 $0xFFFFFFFF;
	p2 =	slt.u32 s8, $0xFFFFF086  }
0x1c: {  	p1 =	slt.u32 s9, $0xF7A;
	s5 =	simm.s32 @!p2 $0x0  }
0x1d: {  	s5 =	simm.s32 @p1 $0x1;
	p0 =	seq.s32 s7, s2  }
0x1e: {  	s7 =	smul.u32 @!p0 $0xF7A, s2;
	p2 =	seq.s32 @!p0 s5, $0x0  }
0x1f: {  	s9 =	smul.u32 $0xF7A, s1;
	s8 =	simm.s32 @!p0 $0x1BF5;
	p2 =	por !p2, p0  }
0x20: {  	[sflag:s8] =	ssyncset.s32 @!p0 $0xFFFFF086;
	s6 =	sadd.s32 @!p0 s3, s7;
	s7 =	simm.s32 @!p0 $0x108  }
0x21: {  	s3 =	sadd.s32 s3, s9;
	s6 =	sadd.s32 @!p0 $0x88, s6;
	s7 =	simm.s32 @p2 $0x1082  }
0x22: {  	[simem:s7], [sflag:s8] =	dma.local @!p0 [hbm:s6], $0xF7A  }
0x23: {  	s9 =	sor.u32 $0xD0000000, s2;
	s6 =	simm.s32 $0x108;
	_ =	swait.ge @!p0 [sflag:s8], $0x0  }
0x24: {  	s3 =	sadd.s32 $0x88, s3;
	s6 =	simm.s32 @!p1 $0x1082;
	[sflag:s4] =	ssyncset.s32 $0xFFFFF086  }
0x25: {  	[simem:s6], [sflag:s4] =	dma.local [hbm:s3], $0xF7A  }
0x26: {  	[smem:$0x3F8E] =	sst s1;
	(tag) =	ssettag s2;
	_ =	strace s9  }
0x27: {  	s1 =	sld [smem:$0x3F9E]  }
0x28: {  	s2 =	sld [smem:$0x3F9F]  }
0x29: {  	s4 =	sld [smem:$0x3FA1]  }
0x2a: {  	p0 =	seq.s32 s5, $0x0;
	s5 =	sld [smem:$0x3FA2]  }
0x2b: {  	s6 =	sld [smem:$0x3FA3]  }
0x2c: {  	s7 =	sld [smem:$0x3FA4]  }
0x2d: {  	s3 =	simm.s32 $0x108;
	s8 =	sld [smem:$0x3FA5]  }
0x2e: {  	s3 =	simm.s32 @!p0 $0x1082;
	s9 =	sld [smem:$0x3FA6]  }
0x2f: {  	lr =	sadd.s32 s0, s3;
	s0 =	sld [smem:$0x3F9D]  }
0x30: {  	s3 =	sld [smem:$0x3FA0]  }
0x31: {  	[smem:$0x3FA9] =	sst s10  }
0x32: {  	s10 =	sld [smem:$0x3FA7];
	_ =	sdelay $0x3  }
0x33: {  	p0 =	seq.s32 s10, $0x1;
	s10 =	sld [smem:$0x3FA9];
	_ =	sdelay $0x3  }
0x34: {  	[smem:$0x3FA9] =	sst s10  }
0x35: {  	s10 =	sld [smem:$0x3FA8];
	_ =	sdelay $0x3  }
0x36: {  	p1 =	seq.s32 s10, $0x1;
	s10 =	sld [smem:$0x3FA9];
	_ =	sdelay $0x3  }
0x37: {  	[smem:$0x3FA9] =	sst s10  }
0x38: {  	s10 =	sld [smem:$0x3FAA]  }
0x39: {  	_ = 	snop;
	(pc) =	sbr.ind lr, $3  }
0x3a: {  	_ = 	snop  }
0x3b: {  	_ = 	snop  }
0x3c: {  	p2 =	seq.s32 s10, $0x1;
	s10 =	sld [smem:$0x3FA9]  }
0x3d: {  	_ =	shalt  }
0x3e: {  	_ =	shalt  }
0x3f: {  	_ =	shalt  }
0x40: {  	_ =	shalt  }
0x41: {  	_ =	shalt  }
0x42: {  	_ =	shalt  }
0x43: {  	_ =	shalt  }
0x44: {  	_ =	shalt  }
0x45: {  	_ =	shalt  }
0x46: {  	_ =	shalt  }
0x47: {  	_ =	shalt  }
0x48: {  	_ =	shalt  }
0x49: {  	_ =	shalt  }
0x4a: {  	_ =	shalt  }
0x4b: {  	_ =	shalt  }
0x4c: {  	_ =	shalt  }
0x4d: {  	_ =	shalt  }
0x4e: {  	_ =	shalt  }
0x4f: {  	_ =	shalt  }
0x50: {  	_ =	shalt  }
0x51: {  	_ =	shalt  }
0x52: {  	_ =	shalt  }
0x53: {  	_ =	shalt  }
0x54: {  	_ =	shalt  }
0x55: {  	_ =	shalt  }
0x56: {  	_ =	shalt  }
0x57: {  	_ =	shalt  }
0x58: {  	_ =	shalt  }
0x59: {  	_ =	shalt  }
0x5a: {  	_ =	shalt  }
0x5b: {  	_ =	shalt  }
0x5c: {  	_ =	shalt  }
0x5d: {  	_ =	shalt  }
0x5e: {  	_ =	shalt  }
0x5f: {  	_ =	shalt  }
0x60: {  	_ =	shalt  }
0x61: {  	_ =	shalt  }
0x62: {  	_ =	shalt  }
0x63: {  	_ =	shalt  }
0x64: {  	_ =	shalt  }
0x65: {  	_ =	shalt  }
0x66: {  	_ =	shalt  }
0x67: {  	_ =	shalt  }
0x68: {  	_ =	shalt  }
0x69: {  	_ =	shalt  }
0x6a: {  	_ =	shalt  }
0x6b: {  	_ =	shalt  }
0x6c: {  	_ =	shalt  }
0x6d: {  	_ =	shalt  }
0x6e: {  	_ =	shalt  }
0x6f: {  	_ =	shalt  }
0x70: {  	_ =	shalt  }
0x71: {  	_ =	shalt  }
0x72: {  	_ =	shalt  }
0x73: {  	_ =	shalt  }
0x74: {  	_ =	shalt  }
0x75: {  	_ =	shalt  }
0x76: {  	_ =	shalt  }
0x77: {  	_ =	shalt  }
0x78: {  	_ =	shalt  }
0x79: {  	_ =	shalt  }
0x7a: {  	_ =	shalt  }
0x7b: {  	_ =	shalt  }
0x7c: {  	_ =	shalt  }
0x7d: {  	_ =	shalt  }
0x7e: {  	_ =	shalt  }
0x7f: {  	_ =	shalt  }
0x80: {  	_ =	shalt  }
0x81: {  	_ =	shalt  }
0x82: {  	_ =	shalt  }
0x83: {  	_ =	shalt  }
0x84: {  	_ =	shalt  }
0x85: {  	_ =	shalt  }
0x86: {  	_ =	shalt  }
0x87: {  	_ =	shalt  }
.Lfunc_end0:
.L_simem_size_0:
called_computation.6_lowered:
.L_overlay_start_0:
0x88: {  	s2 =	sld [smem:$0x3FD9]  }
0x89: {  	s3 =	sld [smem:$0x3FFE];
	_ =	sdelay $0x1  }
0x8a: {  	s1 =	srdreg.scid  }
0x8b: {  	s0 =	sand.u32 $0x1, s1  }
0x8c: {  	s16 =	sshll.u32 s0, $0xA;
	s2 =	sadd.s32 s3, s2  }
0x8d: {  	s2 =	sadd.s32 s2, s16  }
0x8e: {  	[smem:$0x3FB5] =	sst s2  }
0x8f: {  	_ = 	snop  }
0x90: {  	(tm) =	ssettm $0x1  }
0x91: {  	s17 =	sld [smem:$0x3FFB];
	_ =	sdelay $0x3  }
0x92: {  	_ =	strace s17  }
0x93: {  	s2 =	sld [smem:$0x3FFC];
	_ =	sdelay $0x3  }
0x94: {  	_ =	strace s2  }
0x95: {  	s2 =	sld [smem:$0x3FFD];
	_ =	sdelay $0x3  }
0x96: {  	_ =	strace s2  }
0x97: {  	_ =	strace $0x8FFFFFFF  }
0x98: {  	s18 =	sld [smem:$0x3FDB];
	_ =	sdelay $0x1  }
0x99: {  	s19 =	simm.s32 $_scs_section_size  }
0x9a: {  	s4 =	simm.s32 $_size__tile_overlayer_lowered;
	s5 =	simm.s32 $_tile_overlayer_lowered  }
0x9b: {  	s22 =	simm.s32 $0x1BFF;
	s21 =	sshll.u32 s5, $0x1;
	s2 =	sadd.s32 s19, s18  }
0x9c: {  	s6 =	simm.s32 $0x0;
	s20 =	sshll.u32 s4, $0x1;
	s4 =	sadd.s32 s21, s2  }
0x9d: {  	[timem:s6], [sflag:s22] =	dma.local [hbm:s4], s20  }
0x9e: {  	_ =	swait.ge [sflag:s22], s20  }
0x9f: {  	s3 =	ssub.s32 $0x0, s20;
	[sflag:s22] =	ssyncset.done $0x0  }
0xa0: {  	[sflag:s22] =	ssyncadd.s32 s3;
	_ =	sdelay $0x1  }
0xa1: {  	s23 =	simm.s32 $0x1B8B  }
0xa2: {  	_ =	swait.ge [sflag:s23], $0x1  }
0xa3: {  	[sflag:s23] =	ssyncset.done $0x0  }
0xa4: {  	s25 =	simm.s32 $0x1B8E;
	s24 =	sld [smem:$0x3FFE];
	[sflag:s23] =	ssyncadd.s32 $0xFFFFFFFF  }
0xa5: {  	s26 =	simm.s32 $execute0_lowered;
	[smem:$0x3FD2] =	sst s25  }
0xa6: {  	s4 =	sshll.u32 s26, $0x1;
	_ =	strace $0x80000052;
	[dreg:$0x1] =	wrdreg $0xFFFFFFFF  }
0xa7: {  	s28 =	simm.s32 $_size_execute0_lowered;
	s2 =	sadd.s32 s2, s4;
	[dreg:$0x0] =	wrdreg $0x0  }
0xa8: {  	s4 =	sshll.u32 s28, $0x1;
	[dreg:$0x2] =	wrdreg s2  }
0xa9: {  	[dreg:$0x3] =	wrdreg s4  }
0xaa: {  	[dreg:$0x4] =	wrdreg $0xC0  }
0xab: {  	_ =	task [dreg:s6], $0x5FFFF  }
0xac: {  	[dreg:$0x1] =	wrdreg $0xFFFFFFFF  }
0xad: {  	[dreg:$0x0] =	wrdreg $0x60  }
0xae: {  	[dreg:$0x2] =	wrdreg s24  }
0xaf: {  	[dreg:$0x3] =	wrdreg $0x9  }
0xb0: {  	_ =	task.clear_ibuf [dreg:s6], $0x4FFFF;
	_ =	strace $0x90000052  }
0xb1: {  	s29 =	simm.s32 $0x9;
	_ =	strace $0x80000054  }
0xb2: {  	_ =	swait.ge [sflag:s29], $0x1  }
0xb3: {  	[sflag:s29] =	ssyncadd.s32 $0xFFFFFFFF  }
0xb4: {  	_ =	strace $0x90000054  }
0xb5: {  	_ =	sfence  }
0xb6: {  	s30 =	sld [smem:$0x0];
	_ =	sdelay $0x2  }
0xb7: {  	s31 =	sshll.u32 s1, $0xD;
	s1 =	sshrl.u32 s1, $0x2  }
0xb8: {  	s3 =	sand.u32 $0x4000, s31;
	s1 =	sadd.s32 s1, s30  }
0xb9: {  	s0 =	sor.u32 s3, s0;
	s1 =	sshll.u32 s1, $0x11  }
0xba: {  	s0 =	sor.u32 s1, s0  }
0xbb: {  	s0 =	sadd.s32 $0x8F2B, s0  }
0xbc: {  	[sflag:s0] =	ssyncadd.remote.s32 $0x1  }
0xbd: {  	_ =	sfence.sel $0xFFFF  }
0xbe: {  	[dreg:$0x0] =	wrdreg $0xFFFFFFFF;
	(pc) =	sbr.abs _section_cstart, $3  }
0xbf: {  	[dreg:$0x1] =	wrdreg $0xFFFFFFFF  }
0xc0: {  	_ =	task.clear_ibuf [dreg:s6], $0x2FFFF;
	_ =	strace $0x9FFFFFFF  }
0xc1: {  	(tm) =	ssettm $0x7FFFFFFF  }
tec
execute0_lowered:
.L_overlay_start_1:
0x0: {  	(tag) =	ssettag $0x1  }
0x1: {  	s4 =	rddreg [dreg:$0x0]  }
0x2: {  	s0 =	rddreg [dreg:$0x1];
	s3 =	srdreg.scid  }
0x3: {  	s1 =	stileid.u32;
	s2 =	simm.s32 $0x0;
	s14 =	simm.s32 $0x4100  }
0x4: {  	s15 =	simm.s32 $0x0;
	s6 =	sand.u32 $0x1, s3;
	s28 =	sshll.u32 s1, $0x1  }
0x5: {  	[smem:$0x7FF] =	sst s2;
	s3 =	sadd.s32 $0x49600, s4;
	s10 =	smul.u32 $0x50A0, s1  }
0x6: {  	s8 =	sadd.s32 $0xD5800, s4;
	s7 =	sadd.s32 $0xDFA00, s4;
	s12 =	smul.u32 $0x50A00, s1  }
0x7: {  	s5 =	sor.u32 s6, s28;
	s29 =	ssub.s32 $0x2, s6;
	s11 =	smul.u32 $0x2850, s6  }
0x8: {  	_ =	strace $0x80000053;
	s5 =	smul.u32 $0x2850, s5;
	s9 =	sshrl.u32 s29, $0x1  }
0x9: {  	s13 =	smul.u32 $0x28500, s6;
	s9 =	ssub.s32 s29, s9;
	s10 =	sadd.s32 s11, s10  }
0xa: {  	s11 =	simm.s32 $0x1;
	s5 =	sadd.s32 $0x2800, s5;
	s6 =	smax.u32 s9, $0x1  }
0xb: {  	s31 =	sshrl.u32 s10, $0x3;
	s9 =	simm.s32 $0x2;
	s30 =	sshrl.u32 s5, $0x3  }
0xc: {  	s10 =	simm.s32 $0x80;
	s5 =	sshll.u32 s5, $0x4;
	s4 =	sadd.s32 s8, s30  }
0xd: {  	s5 =	sadd.s32 s7, s5;
	s7 =	sadd.s32 s12, s7;
	s8 =	sadd.s32 s31, s8  }
0xe: {  	s12 =	simm.s32 $0x4080;
	s7 =	sadd.s32 s13, s7;
	s13 =	simm.s32 $0x50  }
.LBB2_1:
0xf: {  	s16 =	sadd.s32 $0x0, s8  }
0x10: {  	[tilespmem:s2], [sflag:$0x2] =	stream.linear.gather [hbm4b:s16+s2], $0x80, $0x38;
	[tilespmem:$0x6900] =	vst v63  }
0x11: {  	_ =	swait.ge [sflag:s9], $0x80  }
0x12: {  	[sflag:s9] =	ssyncset.done $0x0  }
0x13: {  	[sflag:s9] =	ssyncadd.s32 $0xFFFFFF80  }
0x14: {  	[tilespmem:s10], [sflag:$0x1] =	stream.indirect.gather [hbm4b:s3+s10], $0x80, s2, s10, $0xb8;
	[tilespmem:$0x6900] =	vst v63  }
0x15: {  	_ =	swait.ge [sflag:s11], $0x4000  }
0x16: {  	[sflag:s11] =	ssyncset.done $0x0  }
0x17: {  	[sflag:s11] =	ssyncadd.s32 $0xFFFFC000  }
0x18: {  	[hbm4b:s7+s2] =	stream.linear.scatter [tilespmem:s10], [sflag:$0x2], $0x4000, $0x38;
	[tilespmem:$0x6900] =	vst v63  }
0x19: {  	s17 =	simm.s32 $0x10;
	_ =	swait.ge [sflag:s9], $0x4000  }
0x1a: {  	s18 =	simm.s32 $0x20;
	s16 =	sadd.s32 $0x800, s7;
	[sflag:s9] =	ssyncset.done $0x0  }
.LBB2_2:
0x1b: {  	s19 =	sadd.s32 s17, s8  }
0x1c: {  	[sflag:s9] =	ssyncadd.s32 $0xFFFFC000;
	s17 =	smov.u32 s18;
	s20 =	sadd.s32 $0x10, s18  }
0x1d: {  	[tilespmem:s2], [sflag:$0x2] =	stream.linear.gather [hbm4b:s19+s2], $0x80, $0x38;
	[tilespmem:$0x6900] =	vst v63  }
0x1e: {  	p0 =	sne.s32 s18, $0x4F0;
	_ =	swait.ge [sflag:s9], $0x80  }
0x1f: {  	[sflag:s9] =	ssyncset.done $0x0  }
0x20: {  	[sflag:s9] =	ssyncadd.s32 $0xFFFFFF80  }
0x21: {  	[tilespmem:s10], [sflag:$0x1] =	stream.indirect.gather [hbm4b:s3+s10], $0x80, s2, s10, $0xb8;
	[tilespmem:$0x6900] =	vst v63  }
0x22: {  	_ =	swait.ge [sflag:s11], $0x4000  }
.Ltmp0:
0x23: {  	[sflag:s11] =	ssyncset.done $0x0;
	(pc) =	sbr.rel @p0 .LBB2_2-.Ltmp0, $4  }
0x24: {  	[sflag:s11] =	ssyncadd.s32 $0xFFFFC000  }
0x25: {  	[hbm4b:s16+s2] =	stream.linear.scatter [tilespmem:s10], [sflag:$0x2], $0x4000, $0x38;
	[tilespmem:$0x6900] =	vst v63  }
0x26: {  	_ =	swait.ge [sflag:s9], $0x4000  }
0x27: {  	s18 =	smov.u32 s20;
	s16 =	sadd.s32 $0x800, s16;
	[sflag:s9] =	ssyncset.done $0x0  }
0x28: {  	s17 =	sadd.s32 s17, s8;
	[sflag:s9] =	ssyncadd.s32 $0xFFFFC000  }
0x29: {  	[tilespmem:s2], [sflag:$0x2] =	stream.linear.gather [hbm4b:s17+s2], $0x80, $0x38;
	[tilespmem:$0x6900] =	vst v63  }
0x2a: {  	_ =	swait.ge [sflag:s9], $0x80  }
0x2b: {  	[sflag:s9] =	ssyncset.done $0x0  }
0x2c: {  	[sflag:s9] =	ssyncadd.s32 $0xFFFFFF80  }
0x2d: {  	[tilespmem:s10], [sflag:$0x1] =	stream.indirect.gather [hbm4b:s3+s10], $0x80, s2, s10, $0xb8;
	[tilespmem:$0x6900] =	vst v63  }
0x2e: {  	_ =	swait.ge [sflag:s11], $0x4000  }
0x2f: {  	[sflag:s11] =	ssyncset.done $0x0  }
0x30: {  	[sflag:s11] =	ssyncadd.s32 $0xFFFFC000  }
0x31: {  	[hbm4b:s16+s2] =	stream.linear.scatter [tilespmem:s10], [sflag:$0x2], $0x4000, $0x38;
	[tilespmem:$0x6900] =	vst v63  }
0x32: {  	_ =	swait.ge [sflag:s9], $0x4000  }
0x33: {  	[sflag:s9] =	ssyncset.done $0x0  }
0x34: {  	[sflag:s9] =	ssyncadd.s32 $0xFFFFC000  }
0x35: {  	[tilespmem:s12], [sflag:$0x2] =	stream.linear.gather [hbm4b:s4+s2], $0x50, $0x38;
	[tilespmem:$0x6900] =	vst v63  }
0x36: {  	_ =	swait.ge [sflag:s9], $0x50  }
0x37: {  	[sflag:s9] =	ssyncset.done $0x0  }
0x38: {  	[sflag:s9] =	ssyncadd.s32 $0xFFFFFFB0  }
0x39: {  	[tilespmem:s14], [sflag:$0x1] =	stream.indirect.gather [hbm4b:s3+s13], $0x80, s12, s13, $0xb8;
	[tilespmem:$0x6900] =	vst v63  }
0x3a: {  	s15 =	sadd.s32 $0x1, s15;
	_ =	swait.ge [sflag:s11], $0x2800  }
0x3b: {  	p0 =	sne.s32 s15, s6;
	[sflag:s11] =	ssyncset.done $0x0  }
.Ltmp1:
0x3c: {  	[sflag:s11] =	ssyncadd.s32 $0xFFFFD800;
	(pc) =	sbr.rel @p0 .LBB2_1-.Ltmp1, $4  }
0x3d: {  	[hbm4b:s5+s2] =	stream.linear.scatter [tilespmem:s14], [sflag:$0x2], $0x2800, $0x38;
	[tilespmem:$0x6900] =	vst v63  }
0x3e: {  	_ =	swait.ge [sflag:s9], $0x2800  }
0x3f: {  	[sflag:s9] =	ssyncset.done $0x0  }
0x40: {  	[sflag:s9] =	ssyncadd.s32 $0xFFFFD800  }
0x41: {  	_ =	sfence.sel $0x180000  }
0x42: {  	[bflag:$0x0] =	sbarrier.arrive $0xFFFF  }
0x43: {  	p0 =	sne.s32 s1, $0x0;
	_ =	strace $0x90000053  }
0x44: {  	s0 =	sadd.s32 @!p0 $0x100000, s0;
	[bflag:$0x2] =	sbarrier.arrive $0xFFFF  }
0x45: {  	[sflag:s0] =	ssyncadd.tile.s32 @!p0 $0x1;
	_ =	shalt  }
.Lfunc_end2:
_tile_overlayer_lowered:
.L_overlay_start_2:
0x46: {  	(tag) =	ssettag $0x2  }
0x47: {  	s0 =	rddreg [dreg:$0x0];
	s2 =	stileid.u32  }
0x48: {  	s1 =	rddreg [dreg:$0x1];
	p0 =	sne.s32 s2, $0x0  }
0x49: {  	s3 =	rddreg [dreg:$0x2];
	[bflag:$0x3] =	sbarrier.arrive $0xFFFF;
	s2 =	simm.s32 @!p0 $0x1C02  }
0x4a: {  	[timem:s3], [sflag:s2] =	dma.local @!p0 [hbm:s0], s1  }
0x4b: {  	s0 =	simm.s32 @!p0 $0x2  }
0x4c: {  	_ =	swait.ge @!p0 [sflag:s0], s1  }
0x4d: {  	s1 =	ssub.s32 @!p0 $0x0, s1;
	[sflag:s0] =	ssyncset.done @!p0 $0x0  }
0x4e: {  	[sflag:s0] =	ssyncadd.s32 @!p0 s1  }
0x4f: {  	[bflag:$0x3] =	sbarrier.arrive $0xFFFF  }
0x50: {  	_ =	shalt  }

// kernel: kernel.22.cloned.1.call-start
scs
__scs_entry_jumppad:
0x0: {  	(pc) =	sbr.rel $0x88, $3  }
0x1: {  	(tag) =	ssettag $0x0;
	lr =	simm.s32 $0x1  }
0x2: {  	[smem:$0x3F8E] =	sst lr;
	_ =	strace $0xD0000000  }
0x3: {  	_ = 	snop  }
0x4: {  	_ = 	snop  }
0x5: {  	_ = 	snop  }
0x6: {  	_ = 	snop  }
0x7: {  	_ = 	snop  }
__scs_overlays_trampoline_lowered:
0x8: {  	[smem:$0x3F9D] =	sst s0  }
0x9: {  	[smem:$0x3F9E] =	sst s1  }
0xa: {  	[smem:$0x3F9F] =	sst s2  }
0xb: {  	[smem:$0x3FA0] =	sst s3  }
0xc: {  	[smem:$0x3FA1] =	sst s4  }
0xd: {  	[smem:$0x3FA2] =	sst s5  }
0xe: {  	[smem:$0x3FA3] =	sst s6  }
0xf: {  	[smem:$0x3FA4] =	sst s7  }
0x10: {  	[smem:$0x3FA5] =	sst s8  }
0x11: {  	[smem:$0x3FA6] =	sst s9;
	s0 =	simm.s32 @!p0 $0x0  }
0x12: {  	s1 =	sld [smem:$0x3F8C];
	s0 =	simm.s32 @p0 $0x1  }
0x13: {  	[smem:$0x3FA7] =	sst s0;
	s0 =	simm.s32 @!p1 $0x0  }
0x14: {  	s2 =	sld [smem:$0x3F8B];
	s0 =	simm.s32 @p1 $0x1  }
0x15: {  	[smem:$0x3FA8] =	sst s0;
	s0 =	simm.s32 @!p2 $0x0  }
0x16: {  	s3 =	sld [smem:$0x3FDB];
	s0 =	simm.s32 @p2 $0x1  }
0x17: {  	s4 =	simm.s32 $0x1BF5;
	[smem:$0x3FAA] =	sst s0  }
0x18: {  	s0 =	sld [smem:$0x3F8D];
	_ =	swait.ge [sflag:s4], $0x0  }
0x19: {  	s7 =	sld [smem:$0x3F8E]  }
0x1a: {  	s8 =	sadd.s32 $0xFFFFE003, lr  }
0x1b: {  	s9 =	sadd.s32 $0xFFFFFEF7, lr;
	s5 =	simm.s32 $0xFFFFFFFF;
	p2 =	slt.u32 s8, $0xFFFFF086  }
0x1c: {  	p1 =	slt.u32 s9, $0xF7A;
	s5 =	simm.s32 @!p2 $0x0  }
0x1d: {  	s5 =	simm.s32 @p1 $0x1;
	p0 =	seq.s32 s7, s2  }
0x1e: {  	s7 =	smul.u32 @!p0 $0xF7A, s2;
	p2 =	seq.s32 @!p0 s5, $0x0  }
0x1f: {  	s9 =	smul.u32 $0xF7A, s1;
	s8 =	simm.s32 @!p0 $0x1BF5;
	p2 =	por !p2, p0  }
0x20: {  	[sflag:s8] =	ssyncset.s32 @!p0 $0xFFFFF086;
	s6 =	sadd.s32 @!p0 s3, s7;
	s7 =	simm.s32 @!p0 $0x108  }
0x21: {  	s3 =	sadd.s32 s3, s9;
	s6 =	sadd.s32 @!p0 $0x88, s6;
	s7 =	simm.s32 @p2 $0x1082  }
0x22: {  	[simem:s7], [sflag:s8] =	dma.local @!p0 [hbm:s6], $0xF7A  }
0x23: {  	s9 =	sor.u32 $0xD0000000, s2;
	s6 =	simm.s32 $0x108;
	_ =	swait.ge @!p0 [sflag:s8], $0x0  }
0x24: {  	s3 =	sadd.s32 $0x88, s3;
	s6 =	simm.s32 @!p1 $0x1082;
	[sflag:s4] =	ssyncset.s32 $0xFFFFF086  }
0x25: {  	[simem:s6], [sflag:s4] =	dma.local [hbm:s3], $0xF7A  }
0x26: {  	[smem:$0x3F8E] =	sst s1;
	(tag) =	ssettag s2;
	_ =	strace s9  }
0x27: {  	s1 =	sld [smem:$0x3F9E]  }
0x28: {  	s2 =	sld [smem:$0x3F9F]  }
0x29: {  	s4 =	sld [smem:$0x3FA1]  }
0x2a: {  	p0 =	seq.s32 s5, $0x0;
	s5 =	sld [smem:$0x3FA2]  }
0x2b: {  	s6 =	sld [smem:$0x3FA3]  }
0x2c: {  	s7 =	sld [smem:$0x3FA4]  }
0x2d: {  	s3 =	simm.s32 $0x108;
	s8 =	sld [smem:$0x3FA5]  }
0x2e: {  	s3 =	simm.s32 @!p0 $0x1082;
	s9 =	sld [smem:$0x3FA6]  }
0x2f: {  	lr =	sadd.s32 s0, s3;
	s0 =	sld [smem:$0x3F9D]  }
0x30: {  	s3 =	sld [smem:$0x3FA0]  }
0x31: {  	[smem:$0x3FA9] =	sst s10  }
0x32: {  	s10 =	sld [smem:$0x3FA7];
	_ =	sdelay $0x3  }
0x33: {  	p0 =	seq.s32 s10, $0x1;
	s10 =	sld [smem:$0x3FA9];
	_ =	sdelay $0x3  }
0x34: {  	[smem:$0x3FA9] =	sst s10  }
0x35: {  	s10 =	sld [smem:$0x3FA8];
	_ =	sdelay $0x3  }
0x36: {  	p1 =	seq.s32 s10, $0x1;
	s10 =	sld [smem:$0x3FA9];
	_ =	sdelay $0x3  }
0x37: {  	[smem:$0x3FA9] =	sst s10  }
0x38: {  	s10 =	sld [smem:$0x3FAA]  }
0x39: {  	_ = 	snop;
	(pc) =	sbr.ind lr, $3  }
0x3a: {  	_ = 	snop  }
0x3b: {  	_ = 	snop  }
0x3c: {  	p2 =	seq.s32 s10, $0x1;
	s10 =	sld [smem:$0x3FA9]  }
0x3d: {  	_ =	shalt  }
0x3e: {  	_ =	shalt  }
0x3f: {  	_ =	shalt  }
0x40: {  	_ =	shalt  }
0x41: {  	_ =	shalt  }
0x42: {  	_ =	shalt  }
0x43: {  	_ =	shalt  }
0x44: {  	_ =	shalt  }
0x45: {  	_ =	shalt  }
0x46: {  	_ =	shalt  }
0x47: {  	_ =	shalt  }
0x48: {  	_ =	shalt  }
0x49: {  	_ =	shalt  }
0x4a: {  	_ =	shalt  }
0x4b: {  	_ =	shalt  }
0x4c: {  	_ =	shalt  }
0x4d: {  	_ =	shalt  }
0x4e: {  	_ =	shalt  }
0x4f: {  	_ =	shalt  }
0x50: {  	_ =	shalt  }
0x51: {  	_ =	shalt  }
0x52: {  	_ =	shalt  }
0x53: {  	_ =	shalt  }
0x54: {  	_ =	shalt  }
0x55: {  	_ =	shalt  }
0x56: {  	_ =	shalt  }
0x57: {  	_ =	shalt  }
0x58: {  	_ =	shalt  }
0x59: {  	_ =	shalt  }
0x5a: {  	_ =	shalt  }
0x5b: {  	_ =	shalt  }
0x5c: {  	_ =	shalt  }
0x5d: {  	_ =	shalt  }
0x5e: {  	_ =	shalt  }
0x5f: {  	_ =	shalt  }
0x60: {  	_ =	shalt  }
0x61: {  	_ =	shalt  }
0x62: {  	_ =	shalt  }
0x63: {  	_ =	shalt  }
0x64: {  	_ =	shalt  }
0x65: {  	_ =	shalt  }
0x66: {  	_ =	shalt  }
0x67: {  	_ =	shalt  }
0x68: {  	_ =	shalt  }
0x69: {  	_ =	shalt  }
0x6a: {  	_ =	shalt  }
0x6b: {  	_ =	shalt  }
0x6c: {  	_ =	shalt  }
0x6d: {  	_ =	shalt  }
0x6e: {  	_ =	shalt  }
0x6f: {  	_ =	shalt  }
0x70: {  	_ =	shalt  }
0x71: {  	_ =	shalt  }
0x72: {  	_ =	shalt  }
0x73: {  	_ =	shalt  }
0x74: {  	_ =	shalt  }
0x75: {  	_ =	shalt  }
0x76: {  	_ =	shalt  }
0x77: {  	_ =	shalt  }
0x78: {  	_ =	shalt  }
0x79: {  	_ =	shalt  }
0x7a: {  	_ =	shalt  }
0x7b: {  	_ =	shalt  }
0x7c: {  	_ =	shalt  }
0x7d: {  	_ =	shalt  }
0x7e: {  	_ =	shalt  }
0x7f: {  	_ =	shalt  }
0x80: {  	_ =	shalt  }
0x81: {  	_ =	shalt  }
0x82: {  	_ =	shalt  }
0x83: {  	_ =	shalt  }
0x84: {  	_ =	shalt  }
0x85: {  	_ =	shalt  }
0x86: {  	_ =	shalt  }
0x87: {  	_ =	shalt  }
.Lfunc_end0:
.L_simem_size_0:
called_computation.7_lowered:
.L_overlay_start_0:
0x88: {  	s2 =	sld [smem:$0x3FD9]  }
0x89: {  	s3 =	sld [smem:$0x3FFE];
	_ =	sdelay $0x1  }
0x8a: {  	s1 =	srdreg.scid  }
0x8b: {  	s0 =	sand.u32 $0x1, s1  }
0x8c: {  	s16 =	sshll.u32 s0, $0xA;
	s2 =	sadd.s32 s3, s2  }
0x8d: {  	s2 =	sadd.s32 s2, s16  }
0x8e: {  	[smem:$0x3FB5] =	sst s2  }
0x8f: {  	_ = 	snop  }
0x90: {  	(tm) =	ssettm $0x1  }
0x91: {  	s17 =	sld [smem:$0x3FFB];
	_ =	sdelay $0x3  }
0x92: {  	_ =	strace s17  }
0x93: {  	s2 =	sld [smem:$0x3FFC];
	_ =	sdelay $0x3  }
0x94: {  	_ =	strace s2  }
0x95: {  	s2 =	sld [smem:$0x3FFD];
	_ =	sdelay $0x3  }
0x96: {  	_ =	strace s2  }
0x97: {  	_ =	strace $0x8FFFFFFF  }
0x98: {  	s18 =	sld [smem:$0x3FDB];
	_ =	sdelay $0x1  }
0x99: {  	s19 =	simm.s32 $_scs_section_size  }
0x9a: {  	s4 =	simm.s32 $_size__tile_overlayer_lowered;
	s5 =	simm.s32 $_tile_overlayer_lowered  }
0x9b: {  	s22 =	simm.s32 $0x1BFF;
	s21 =	sshll.u32 s5, $0x1;
	s2 =	sadd.s32 s19, s18  }
0x9c: {  	s6 =	simm.s32 $0x0;
	s20 =	sshll.u32 s4, $0x1;
	s4 =	sadd.s32 s21, s2  }
0x9d: {  	[timem:s6], [sflag:s22] =	dma.local [hbm:s4], s20  }
0x9e: {  	_ =	swait.ge [sflag:s22], s20  }
0x9f: {  	s3 =	ssub.s32 $0x0, s20;
	[sflag:s22] =	ssyncset.done $0x0  }
0xa0: {  	[sflag:s22] =	ssyncadd.s32 s3;
	_ =	sdelay $0x1  }
0xa1: {  	s23 =	simm.s32 $0x1B8B  }
0xa2: {  	_ =	swait.ge [sflag:s23], $0x1  }
0xa3: {  	[sflag:s23] =	ssyncset.done $0x0  }
0xa4: {  	s25 =	simm.s32 $0x1B8E;
	s24 =	sld [smem:$0x3FFE];
	[sflag:s23] =	ssyncadd.s32 $0xFFFFFFFF  }
0xa5: {  	s26 =	simm.s32 $execute0_lowered;
	[smem:$0x3FD2] =	sst s25  }
0xa6: {  	s4 =	sshll.u32 s26, $0x1;
	_ =	strace $0x8000005B;
	[dreg:$0x1] =	wrdreg $0xFFFFFFFF  }
0xa7: {  	s28 =	simm.s32 $_size_execute0_lowered;
	s2 =	sadd.s32 s2, s4;
	[dreg:$0x0] =	wrdreg $0x0  }
0xa8: {  	s4 =	sshll.u32 s28, $0x1;
	[dreg:$0x2] =	wrdreg s2  }
0xa9: {  	[dreg:$0x3] =	wrdreg s4  }
0xaa: {  	[dreg:$0x4] =	wrdreg $0xC0  }
0xab: {  	_ =	task [dreg:s6], $0x5FFFF  }
0xac: {  	[dreg:$0x1] =	wrdreg $0xFFFFFFFF  }
0xad: {  	[dreg:$0x0] =	wrdreg $0x60  }
0xae: {  	[dreg:$0x2] =	wrdreg s24  }
0xaf: {  	[dreg:$0x3] =	wrdreg $0x9  }
0xb0: {  	_ =	task.clear_ibuf [dreg:s6], $0x4FFFF;
	_ =	strace $0x9000005B  }
0xb1: {  	s29 =	simm.s32 $0x9;
	_ =	strace $0x8000005D  }
0xb2: {  	_ =	swait.ge [sflag:s29], $0x1  }
0xb3: {  	[sflag:s29] =	ssyncadd.s32 $0xFFFFFFFF  }
0xb4: {  	_ =	strace $0x9000005D  }
0xb5: {  	_ =	sfence  }
0xb6: {  	s30 =	sld [smem:$0x0];
	_ =	sdelay $0x2  }
0xb7: {  	s31 =	sshll.u32 s1, $0xD;
	s1 =	sshrl.u32 s1, $0x2  }
0xb8: {  	s3 =	sand.u32 $0x4000, s31;
	s1 =	sadd.s32 s1, s30  }
0xb9: {  	s0 =	sor.u32 s3, s0;
	s1 =	sshll.u32 s1, $0x11  }
0xba: {  	s0 =	sor.u32 s1, s0  }
0xbb: {  	s0 =	sadd.s32 $0x8F2B, s0  }
0xbc: {  	[sflag:s0] =	ssyncadd.remote.s32 $0x1  }
0xbd: {  	_ =	sfence.sel $0xFFFF  }
0xbe: {  	[dreg:$0x0] =	wrdreg $0xFFFFFFFF;
	(pc) =	sbr.abs _section_cstart, $3  }
0xbf: {  	[dreg:$0x1] =	wrdreg $0xFFFFFFFF  }
0xc0: {  	_ =	task.clear_ibuf [dreg:s6], $0x2FFFF;
	_ =	strace $0x9FFFFFFF  }
0xc1: {  	(tm) =	ssettm $0x7FFFFFFF  }
tec
execute0_lowered:
.L_overlay_start_1:
0x0: {  	(tag) =	ssettag $0x1  }
0x1: {  	s4 =	rddreg [dreg:$0x0]  }
0x2: {  	s0 =	rddreg [dreg:$0x1];
	s3 =	srdreg.scid  }
0x3: {  	s1 =	stileid.u32;
	s2 =	simm.s32 $0x0;
	s14 =	simm.s32 $0x4100  }
0x4: {  	s15 =	simm.s32 $0x0;
	s6 =	sand.u32 $0x1, s3;
	s28 =	sshll.u32 s1, $0x1  }
0x5: {  	[smem:$0x7FF] =	sst s2;
	s3 =	sadd.s32 $0xDFA00, s4;
	s10 =	smul.u32 $0x50A0, s1  }
0x6: {  	s8 =	sadd.s32 $0xD5800, s4;
	s7 =	sadd.s32 $0x107A00, s4;
	s12 =	smul.u32 $0x50A00, s1  }
0x7: {  	s5 =	sor.u32 s6, s28;
	s29 =	ssub.s32 $0x2, s6;
	s11 =	smul.u32 $0x2850, s6  }
0x8: {  	_ =	strace $0x8000005C;
	s5 =	smul.u32 $0x2850, s5;
	s9 =	sshrl.u32 s29, $0x1  }
0x9: {  	s13 =	smul.u32 $0x28500, s6;
	s9 =	ssub.s32 s29, s9;
	s10 =	sadd.s32 s11, s10  }
0xa: {  	s11 =	simm.s32 $0x1;
	s5 =	sadd.s32 $0x2800, s5;
	s6 =	smax.u32 s9, $0x1  }
0xb: {  	s31 =	sshrl.u32 s10, $0x3;
	s9 =	simm.s32 $0x2;
	s30 =	sshrl.u32 s5, $0x3  }
0xc: {  	s10 =	simm.s32 $0x80;
	s5 =	sshll.u32 s5, $0x4;
	s4 =	sadd.s32 s8, s30  }
0xd: {  	s5 =	sadd.s32 s7, s5;
	s7 =	sadd.s32 s12, s7;
	s8 =	sadd.s32 s31, s8  }
0xe: {  	s12 =	simm.s32 $0x4080;
	s7 =	sadd.s32 s13, s7;
	s13 =	simm.s32 $0x50  }
.LBB2_1:
0xf: {  	s16 =	sadd.s32 $0x0, s8  }
0x10: {  	[tilespmem:s2], [sflag:$0x2] =	stream.linear.gather [hbm4b:s16+s2], $0x80, $0x38;
	[tilespmem:$0x6900] =	vst v63  }
0x11: {  	_ =	swait.ge [sflag:s9], $0x80  }
0x12: {  	[sflag:s9] =	ssyncset.done $0x0  }
0x13: {  	[sflag:s9] =	ssyncadd.s32 $0xFFFFFF80  }
0x14: {  	[tilespmem:s10], [sflag:$0x1] =	stream.indirect.gather [hbm4b:s3+s10], $0x80, s2, s10, $0xb8;
	[tilespmem:$0x6900] =	vst v63  }
0x15: {  	_ =	swait.ge [sflag:s11], $0x4000  }
0x16: {  	[sflag:s11] =	ssyncset.done $0x0  }
0x17: {  	[sflag:s11] =	ssyncadd.s32 $0xFFFFC000  }
0x18: {  	[hbm4b:s7+s2] =	stream.linear.scatter [tilespmem:s10], [sflag:$0x2], $0x4000, $0x38;
	[tilespmem:$0x6900] =	vst v63  }
0x19: {  	s17 =	simm.s32 $0x10;
	_ =	swait.ge [sflag:s9], $0x4000  }
0x1a: {  	s18 =	simm.s32 $0x20;
	s16 =	sadd.s32 $0x800, s7;
	[sflag:s9] =	ssyncset.done $0x0  }
.LBB2_2:
0x1b: {  	s19 =	sadd.s32 s17, s8  }
0x1c: {  	[sflag:s9] =	ssyncadd.s32 $0xFFFFC000;
	s17 =	smov.u32 s18;
	s20 =	sadd.s32 $0x10, s18  }
0x1d: {  	[tilespmem:s2], [sflag:$0x2] =	stream.linear.gather [hbm4b:s19+s2], $0x80, $0x38;
	[tilespmem:$0x6900] =	vst v63  }
0x1e: {  	p0 =	sne.s32 s18, $0x4F0;
	_ =	swait.ge [sflag:s9], $0x80  }
0x1f: {  	[sflag:s9] =	ssyncset.done $0x0  }
0x20: {  	[sflag:s9] =	ssyncadd.s32 $0xFFFFFF80  }
0x21: {  	[tilespmem:s10], [sflag:$0x1] =	stream.indirect.gather [hbm4b:s3+s10], $0x80, s2, s10, $0xb8;
	[tilespmem:$0x6900] =	vst v63  }
0x22: {  	_ =	swait.ge [sflag:s11], $0x4000  }
.Ltmp0:
0x23: {  	[sflag:s11] =	ssyncset.done $0x0;
	(pc) =	sbr.rel @p0 .LBB2_2-.Ltmp0, $4  }
0x24: {  	[sflag:s11] =	ssyncadd.s32 $0xFFFFC000  }
0x25: {  	[hbm4b:s16+s2] =	stream.linear.scatter [tilespmem:s10], [sflag:$0x2], $0x4000, $0x38;
	[tilespmem:$0x6900] =	vst v63  }
0x26: {  	_ =	swait.ge [sflag:s9], $0x4000  }
0x27: {  	s18 =	smov.u32 s20;
	s16 =	sadd.s32 $0x800, s16;
	[sflag:s9] =	ssyncset.done $0x0  }
0x28: {  	s17 =	sadd.s32 s17, s8;
	[sflag:s9] =	ssyncadd.s32 $0xFFFFC000  }
0x29: {  	[tilespmem:s2], [sflag:$0x2] =	stream.linear.gather [hbm4b:s17+s2], $0x80, $0x38;
	[tilespmem:$0x6900] =	vst v63  }
0x2a: {  	_ =	swait.ge [sflag:s9], $0x80  }
0x2b: {  	[sflag:s9] =	ssyncset.done $0x0  }
0x2c: {  	[sflag:s9] =	ssyncadd.s32 $0xFFFFFF80  }
0x2d: {  	[tilespmem:s10], [sflag:$0x1] =	stream.indirect.gather [hbm4b:s3+s10], $0x80, s2, s10, $0xb8;
	[tilespmem:$0x6900] =	vst v63  }
0x2e: {  	_ =	swait.ge [sflag:s11], $0x4000  }
0x2f: {  	[sflag:s11] =	ssyncset.done $0x0  }
0x30: {  	[sflag:s11] =	ssyncadd.s32 $0xFFFFC000  }
0x31: {  	[hbm4b:s16+s2] =	stream.linear.scatter [tilespmem:s10], [sflag:$0x2], $0x4000, $0x38;
	[tilespmem:$0x6900] =	vst v63  }
0x32: {  	_ =	swait.ge [sflag:s9], $0x4000  }
0x33: {  	[sflag:s9] =	ssyncset.done $0x0  }
0x34: {  	[sflag:s9] =	ssyncadd.s32 $0xFFFFC000  }
0x35: {  	[tilespmem:s12], [sflag:$0x2] =	stream.linear.gather [hbm4b:s4+s2], $0x50, $0x38;
	[tilespmem:$0x6900] =	vst v63  }
0x36: {  	_ =	swait.ge [sflag:s9], $0x50  }
0x37: {  	[sflag:s9] =	ssyncset.done $0x0  }
0x38: {  	[sflag:s9] =	ssyncadd.s32 $0xFFFFFFB0  }
0x39: {  	[tilespmem:s14], [sflag:$0x1] =	stream.indirect.gather [hbm4b:s3+s13], $0x80, s12, s13, $0xb8;
	[tilespmem:$0x6900] =	vst v63  }
0x3a: {  	s15 =	sadd.s32 $0x1, s15;
	_ =	swait.ge [sflag:s11], $0x2800  }
0x3b: {  	p0 =	sne.s32 s15, s6;
	[sflag:s11] =	ssyncset.done $0x0  }
.Ltmp1:
0x3c: {  	[sflag:s11] =	ssyncadd.s32 $0xFFFFD800;
	(pc) =	sbr.rel @p0 .LBB2_1-.Ltmp1, $4  }
0x3d: {  	[hbm4b:s5+s2] =	stream.linear.scatter [tilespmem:s14], [sflag:$0x2], $0x2800, $0x38;
	[tilespmem:$0x6900] =	vst v63  }
0x3e: {  	_ =	swait.ge [sflag:s9], $0x2800  }
0x3f: {  	[sflag:s9] =	ssyncset.done $0x0  }
0x40: {  	[sflag:s9] =	ssyncadd.s32 $0xFFFFD800  }
0x41: {  	_ =	sfence.sel $0x180000  }
0x42: {  	[bflag:$0x0] =	sbarrier.arrive $0xFFFF  }
0x43: {  	p0 =	sne.s32 s1, $0x0;
	_ =	strace $0x9000005C  }
0x44: {  	s0 =	sadd.s32 @!p0 $0x100000, s0;
	[bflag:$0x2] =	sbarrier.arrive $0xFFFF  }
0x45: {  	[sflag:s0] =	ssyncadd.tile.s32 @!p0 $0x1;
	_ =	shalt  }
.Lfunc_end2:
_tile_overlayer_lowered:
.L_overlay_start_2:
0x46: {  	(tag) =	ssettag $0x2  }
0x47: {  	s0 =	rddreg [dreg:$0x0];
	s2 =	stileid.u32  }
0x48: {  	s1 =	rddreg [dreg:$0x1];
	p0 =	sne.s32 s2, $0x0  }
0x49: {  	s3 =	rddreg [dreg:$0x2];
	[bflag:$0x3] =	sbarrier.arrive $0xFFFF;
	s2 =	simm.s32 @!p0 $0x1C02  }
0x4a: {  	[timem:s3], [sflag:s2] =	dma.local @!p0 [hbm:s0], s1  }
0x4b: {  	s0 =	simm.s32 @!p0 $0x2  }
0x4c: {  	_ =	swait.ge @!p0 [sflag:s0], s1  }
0x4d: {  	s1 =	ssub.s32 @!p0 $0x0, s1;
	[sflag:s0] =	ssyncset.done @!p0 $0x0  }
0x4e: {  	[sflag:s0] =	ssyncadd.s32 @!p0 s1  }
0x4f: {  	[bflag:$0x3] =	sbarrier.arrive $0xFFFF  }
0x50: {  	_ =	shalt  }

// kernel: kernel.25.cloned.1.call-start
scs
__scs_entry_jumppad:
0x0: {  	(pc) =	sbr.rel $0x88, $3  }
0x1: {  	(tag) =	ssettag $0x0;
	lr =	simm.s32 $0x1  }
0x2: {  	[smem:$0x3F8E] =	sst lr;
	_ =	strace $0xD0000000  }
0x3: {  	_ = 	snop  }
0x4: {  	_ = 	snop  }
0x5: {  	_ = 	snop  }
0x6: {  	_ = 	snop  }
0x7: {  	_ = 	snop  }
__scs_overlays_trampoline_lowered:
0x8: {  	[smem:$0x3F9D] =	sst s0  }
0x9: {  	[smem:$0x3F9E] =	sst s1  }
0xa: {  	[smem:$0x3F9F] =	sst s2  }
0xb: {  	[smem:$0x3FA0] =	sst s3  }
0xc: {  	[smem:$0x3FA1] =	sst s4  }
0xd: {  	[smem:$0x3FA2] =	sst s5  }
0xe: {  	[smem:$0x3FA3] =	sst s6  }
0xf: {  	[smem:$0x3FA4] =	sst s7  }
0x10: {  	[smem:$0x3FA5] =	sst s8  }
0x11: {  	[smem:$0x3FA6] =	sst s9;
	s0 =	simm.s32 @!p0 $0x0  }
0x12: {  	s1 =	sld [smem:$0x3F8C];
	s0 =	simm.s32 @p0 $0x1  }
0x13: {  	[smem:$0x3FA7] =	sst s0;
	s0 =	simm.s32 @!p1 $0x0  }
0x14: {  	s2 =	sld [smem:$0x3F8B];
	s0 =	simm.s32 @p1 $0x1  }
0x15: {  	[smem:$0x3FA8] =	sst s0;
	s0 =	simm.s32 @!p2 $0x0  }
0x16: {  	s3 =	sld [smem:$0x3FDB];
	s0 =	simm.s32 @p2 $0x1  }
0x17: {  	s4 =	simm.s32 $0x1BF5;
	[smem:$0x3FAA] =	sst s0  }
0x18: {  	s0 =	sld [smem:$0x3F8D];
	_ =	swait.ge [sflag:s4], $0x0  }
0x19: {  	s7 =	sld [smem:$0x3F8E]  }
0x1a: {  	s8 =	sadd.s32 $0xFFFFE003, lr  }
0x1b: {  	s9 =	sadd.s32 $0xFFFFFEF7, lr;
	s5 =	simm.s32 $0xFFFFFFFF;
	p2 =	slt.u32 s8, $0xFFFFF086  }
0x1c: {  	p1 =	slt.u32 s9, $0xF7A;
	s5 =	simm.s32 @!p2 $0x0  }
0x1d: {  	s5 =	simm.s32 @p1 $0x1;
	p0 =	seq.s32 s7, s2  }
0x1e: {  	s7 =	smul.u32 @!p0 $0xF7A, s2;
	p2 =	seq.s32 @!p0 s5, $0x0  }
0x1f: {  	s9 =	smul.u32 $0xF7A, s1;
	s8 =	simm.s32 @!p0 $0x1BF5;
	p2 =	por !p2, p0  }
0x20: {  	[sflag:s8] =	ssyncset.s32 @!p0 $0xFFFFF086;
	s6 =	sadd.s32 @!p0 s3, s7;
	s7 =	simm.s32 @!p0 $0x108  }
0x21: {  	s3 =	sadd.s32 s3, s9;
	s6 =	sadd.s32 @!p0 $0x88, s6;
	s7 =	simm.s32 @p2 $0x1082  }
0x22: {  	[simem:s7], [sflag:s8] =	dma.local @!p0 [hbm:s6], $0xF7A  }
0x23: {  	s9 =	sor.u32 $0xD0000000, s2;
	s6 =	simm.s32 $0x108;
	_ =	swait.ge @!p0 [sflag:s8], $0x0  }
0x24: {  	s3 =	sadd.s32 $0x88, s3;
	s6 =	simm.s32 @!p1 $0x1082;
	[sflag:s4] =	ssyncset.s32 $0xFFFFF086  }
0x25: {  	[simem:s6], [sflag:s4] =	dma.local [hbm:s3], $0xF7A  }
0x26: {  	[smem:$0x3F8E] =	sst s1;
	(tag) =	ssettag s2;
	_ =	strace s9  }
0x27: {  	s1 =	sld [smem:$0x3F9E]  }
0x28: {  	s2 =	sld [smem:$0x3F9F]  }
0x29: {  	s4 =	sld [smem:$0x3FA1]  }
0x2a: {  	p0 =	seq.s32 s5, $0x0;
	s5 =	sld [smem:$0x3FA2]  }
0x2b: {  	s6 =	sld [smem:$0x3FA3]  }
0x2c: {  	s7 =	sld [smem:$0x3FA4]  }
0x2d: {  	s3 =	simm.s32 $0x108;
	s8 =	sld [smem:$0x3FA5]  }
0x2e: {  	s3 =	simm.s32 @!p0 $0x1082;
	s9 =	sld [smem:$0x3FA6]  }
0x2f: {  	lr =	sadd.s32 s0, s3;
	s0 =	sld [smem:$0x3F9D]  }
0x30: {  	s3 =	sld [smem:$0x3FA0]  }
0x31: {  	[smem:$0x3FA9] =	sst s10  }
0x32: {  	s10 =	sld [smem:$0x3FA7];
	_ =	sdelay $0x3  }
0x33: {  	p0 =	seq.s32 s10, $0x1;
	s10 =	sld [smem:$0x3FA9];
	_ =	sdelay $0x3  }
0x34: {  	[smem:$0x3FA9] =	sst s10  }
0x35: {  	s10 =	sld [smem:$0x3FA8];
	_ =	sdelay $0x3  }
0x36: {  	p1 =	seq.s32 s10, $0x1;
	s10 =	sld [smem:$0x3FA9];
	_ =	sdelay $0x3  }
0x37: {  	[smem:$0x3FA9] =	sst s10  }
0x38: {  	s10 =	sld [smem:$0x3FAA]  }
0x39: {  	_ = 	snop;
	(pc) =	sbr.ind lr, $3  }
0x3a: {  	_ = 	snop  }
0x3b: {  	_ = 	snop  }
0x3c: {  	p2 =	seq.s32 s10, $0x1;
	s10 =	sld [smem:$0x3FA9]  }
0x3d: {  	_ =	shalt  }
0x3e: {  	_ =	shalt  }
0x3f: {  	_ =	shalt  }
0x40: {  	_ =	shalt  }
0x41: {  	_ =	shalt  }
0x42: {  	_ =	shalt  }
0x43: {  	_ =	shalt  }
0x44: {  	_ =	shalt  }
0x45: {  	_ =	shalt  }
0x46: {  	_ =	shalt  }
0x47: {  	_ =	shalt  }
0x48: {  	_ =	shalt  }
0x49: {  	_ =	shalt  }
0x4a: {  	_ =	shalt  }
0x4b: {  	_ =	shalt  }
0x4c: {  	_ =	shalt  }
0x4d: {  	_ =	shalt  }
0x4e: {  	_ =	shalt  }
0x4f: {  	_ =	shalt  }
0x50: {  	_ =	shalt  }
0x51: {  	_ =	shalt  }
0x52: {  	_ =	shalt  }
0x53: {  	_ =	shalt  }
0x54: {  	_ =	shalt  }
0x55: {  	_ =	shalt  }
0x56: {  	_ =	shalt  }
0x57: {  	_ =	shalt  }
0x58: {  	_ =	shalt  }
0x59: {  	_ =	shalt  }
0x5a: {  	_ =	shalt  }
0x5b: {  	_ =	shalt  }
0x5c: {  	_ =	shalt  }
0x5d: {  	_ =	shalt  }
0x5e: {  	_ =	shalt  }
0x5f: {  	_ =	shalt  }
0x60: {  	_ =	shalt  }
0x61: {  	_ =	shalt  }
0x62: {  	_ =	shalt  }
0x63: {  	_ =	shalt  }
0x64: {  	_ =	shalt  }
0x65: {  	_ =	shalt  }
0x66: {  	_ =	shalt  }
0x67: {  	_ =	shalt  }
0x68: {  	_ =	shalt  }
0x69: {  	_ =	shalt  }
0x6a: {  	_ =	shalt  }
0x6b: {  	_ =	shalt  }
0x6c: {  	_ =	shalt  }
0x6d: {  	_ =	shalt  }
0x6e: {  	_ =	shalt  }
0x6f: {  	_ =	shalt  }
0x70: {  	_ =	shalt  }
0x71: {  	_ =	shalt  }
0x72: {  	_ =	shalt  }
0x73: {  	_ =	shalt  }
0x74: {  	_ =	shalt  }
0x75: {  	_ =	shalt  }
0x76: {  	_ =	shalt  }
0x77: {  	_ =	shalt  }
0x78: {  	_ =	shalt  }
0x79: {  	_ =	shalt  }
0x7a: {  	_ =	shalt  }
0x7b: {  	_ =	shalt  }
0x7c: {  	_ =	shalt  }
0x7d: {  	_ =	shalt  }
0x7e: {  	_ =	shalt  }
0x7f: {  	_ =	shalt  }
0x80: {  	_ =	shalt  }
0x81: {  	_ =	shalt  }
0x82: {  	_ =	shalt  }
0x83: {  	_ =	shalt  }
0x84: {  	_ =	shalt  }
0x85: {  	_ =	shalt  }
0x86: {  	_ =	shalt  }
0x87: {  	_ =	shalt  }
.Lfunc_end0:
.L_simem_size_0:
called_computation.8_lowered:
.L_overlay_start_0:
0x88: {  	s2 =	sld [smem:$0x3FD9]  }
0x89: {  	s3 =	sld [smem:$0x3FFE];
	_ =	sdelay $0x1  }
0x8a: {  	s1 =	srdreg.scid  }
0x8b: {  	s0 =	sand.u32 $0x1, s1  }
0x8c: {  	s17 =	sshll.u32 s0, $0xA;
	s2 =	sadd.s32 s3, s2  }
0x8d: {  	s2 =	sadd.s32 s2, s17  }
0x8e: {  	[smem:$0x3FB5] =	sst s2  }
0x8f: {  	_ = 	snop  }
0x90: {  	s2 =	sld [smem:$0x3FD0];
	(tm) =	ssettm $0x1  }
0x91: {  	s18 =	sld [smem:$0x3FFB];
	_ =	sdelay $0x3  }
0x92: {  	_ =	strace s18  }
0x93: {  	s3 =	sld [smem:$0x3FFC];
	_ =	sdelay $0x3  }
0x94: {  	_ =	strace s3  }
0x95: {  	s3 =	sld [smem:$0x3FFD];
	_ =	sdelay $0x3  }
0x96: {  	_ =	strace s3  }
0x97: {  	_ =	strace $0x8FFFFFFF  }
0x98: {  	s19 =	sld [smem:$0x3FDB];
	_ =	sdelay $0x1  }
0x99: {  	s4 =	simm.s32 $_scs_section_size  }
0x9a: {  	s5 =	simm.s32 $_size__tile_overlayer_lowered;
	s6 =	simm.s32 $_tile_overlayer_lowered  }
0x9b: {  	s22 =	simm.s32 $0x1BFF;
	s21 =	sshll.u32 s6, $0x1;
	s3 =	sadd.s32 s4, s19  }
0x9c: {  	s7 =	simm.s32 $0x0;
	s20 =	sshll.u32 s5, $0x1;
	s5 =	sadd.s32 s21, s3  }
0x9d: {  	[timem:s7], [sflag:s22] =	dma.local [hbm:s5], s20  }
0x9e: {  	_ =	swait.ge [sflag:s22], s20  }
0x9f: {  	s4 =	ssub.s32 $0x0, s20;
	[sflag:s22] =	ssyncset.done $0x0  }
0xa0: {  	[sflag:s22] =	ssyncadd.s32 s4;
	_ =	sdelay $0x1  }
0xa1: {  	s23 =	simm.s32 $0x1B8B  }
0xa2: {  	_ =	swait.ge [sflag:s23], $0x1  }
0xa3: {  	[sflag:s23] =	ssyncset.done $0x0  }
0xa4: {  	s25 =	simm.s32 $0x1B8E;
	s24 =	sld [smem:$0x3FFE];
	[sflag:s23] =	ssyncadd.s32 $0xFFFFFFFF  }
0xa5: {  	s26 =	simm.s32 $execute0_lowered;
	[smem:$0x3FD2] =	sst s25  }
0xa6: {  	s5 =	sshll.u32 s26, $0x1;
	_ =	strace $0x80000064;
	[dreg:$0x1] =	wrdreg $0xFFFFFFFF  }
0xa7: {  	s28 =	simm.s32 $_size_execute0_lowered;
	s3 =	sadd.s32 s3, s5;
	[dreg:$0x0] =	wrdreg $0x0  }
0xa8: {  	s5 =	sshll.u32 s28, $0x1;
	[dreg:$0x2] =	wrdreg s3  }
0xa9: {  	[dreg:$0x3] =	wrdreg s5  }
0xaa: {  	[dreg:$0x4] =	wrdreg $0xC0  }
0xab: {  	_ =	task [dreg:s7], $0x5FFFF  }
0xac: {  	[dreg:$0x1] =	wrdreg $0xFFFFFFFF  }
0xad: {  	[dreg:$0x0] =	wrdreg $0x60  }
0xae: {  	[dreg:$0x2] =	wrdreg s24  }
0xaf: {  	[dreg:$0x3] =	wrdreg s2  }
0xb0: {  	[dreg:$0x4] =	wrdreg $0x9  }
0xb1: {  	_ =	task.clear_ibuf [dreg:s7], $0x5FFFF;
	_ =	strace $0x90000064  }
0xb2: {  	s29 =	simm.s32 $0x9;
	_ =	strace $0x80000066  }
0xb3: {  	_ =	swait.ge [sflag:s29], $0x1  }
0xb4: {  	[sflag:s29] =	ssyncadd.s32 $0xFFFFFFFF  }
0xb5: {  	_ =	strace $0x90000066  }
0xb6: {  	_ =	sfence  }
0xb7: {  	s30 =	sld [smem:$0x0];
	_ =	sdelay $0x2  }
0xb8: {  	s31 =	sshll.u32 s1, $0xD;
	s1 =	sshrl.u32 s1, $0x2  }
0xb9: {  	s3 =	sand.u32 $0x4000, s31;
	s1 =	sadd.s32 s1, s30  }
0xba: {  	s0 =	sor.u32 s3, s0;
	s1 =	sshll.u32 s1, $0x11  }
0xbb: {  	s0 =	sor.u32 s1, s0  }
0xbc: {  	s0 =	sadd.s32 $0x8F2B, s0  }
0xbd: {  	[sflag:s0] =	ssyncadd.remote.s32 $0x1  }
0xbe: {  	_ =	sfence.sel $0xFFFF  }
0xbf: {  	[dreg:$0x0] =	wrdreg $0xFFFFFFFF;
	(pc) =	sbr.abs _section_cstart, $3  }
0xc0: {  	[dreg:$0x1] =	wrdreg $0xFFFFFFFF  }
0xc1: {  	_ =	task.clear_ibuf [dreg:s7], $0x2FFFF;
	_ =	strace $0x9FFFFFFF  }
0xc2: {  	(tm) =	ssettm $0x7FFFFFFF  }
0xc3: {  	_ =	shalt  }
tec
execute0_lowered:
.L_overlay_start_1:
0x0: {  	(tag) =	ssettag $0x1  }
0x1: {  	s1 =	srdreg.scid  }
0x2: {  	s5 =	rddreg [dreg:$0x0];
	s0 =	stileid.u32  }
0x3: {  	s4 =	rddreg [dreg:$0x1];
	s2 =	simm.s32 $0x0;
	s26 =	simm.s32 $0x880  }
0x4: {  	s9 =	simm.s32 $0x1080;
	s10 =	simm.s32 $0x1480;
	s11 =	simm.s32 $0x1C80  }
0x5: {  	s12 =	simm.s32 $0x2480;
	s13 =	simm.s32 $0x2880;
	s14 =	simm.s32 $0x3080  }
0x6: {  	s15 =	simm.s32 $0x3880;
	s16 =	simm.s32 $0x3C80;
	s17 =	simm.s32 $0x4480  }
0x7: {  	s18 =	simm.s32 $0x4C80;
	s19 =	simm.s32 $0x5080;
	s20 =	simm.s32 $0x5880  }
0x8: {  	s21 =	simm.s32 $0x6080;
	s22 =	simm.s32 $0x6480;
	s23 =	simm.s32 $0x6C80  }
0x9: {  	s24 =	simm.s32 $0x7480;
	s28 =	simm.s32 $0x8880;
	s29 =	simm.s32 $0x8C80  }
0xa: {  	s30 =	simm.s32 $0x9480;
	s31 =	simm.s32 $0x9C80;
	s1 =	sand.u32 $0x1, s1  }
0xb: {  	s3 =	sshll.u32 s0, $0x4;
	[smem:$0x7FF] =	sst s2;
	s6 =	sshll.u32 s1, $0x3  }
0xc: {  	s1 =	ssub.s32 $0x2, s1;
	_ =	strace $0x80000065;
	[dreg:$0x5] =	wrdreg s26  }
0xd: {  	s26 =	simm.s32 $0x8080;
	s6 =	sor.u32 s6, s3;
	s3 =	sadd.s32 $0x134400, s5  }
0xe: {  	s8 =	sshrl.u32 s1, $0x1;
	s7 =	smul.u32 $0x280, s6;
	s4 =	sadd.s32 s4, s6  }
0xf: {  	s1 =	ssub.s32 s1, s8;
	s8 =	simm.s32 $0x80;
	[dreg:$0x3] =	wrdreg s4  }
0x10: {  	v2 =	vlaneseq.u32;
	s4 =	sadd.s32 $0x134500, s5;
	s6 =	smax.u32 s1, $0x1;
	s7 =	sadd.s32 s7, s5  }
0x11: {  	vm0 =	vmmov $0xffff;
	vm1 =	vmmov $0xff;
	v1 =	vshrl.u32 v2, $0x3;
	s1 =	simm.s32 $0x1;
	s5 =	sadd.s32 $0x134600, s5;
	s25 =	sadd.s32 $0x3E00, s7  }
0x12: {  	v0 =	vand.u32 $0x7, v2;
	v2 =	vor.u32 $0x8, v2;
	v1 =	vmul.u32 $0x8, v1;
	s7 =	simm.s32 $0x2;
	[dreg:$0x4] =	wrdreg s25;
	s25 =	simm.s32 $0x7880  }
.LBB2_1:
0x13: {  	s0 =	rddreg [dreg:$0x3]  }
0x14: {  	[tilespmem:s2], [sflag:$0x2] =	stream.linear.gather [hbm4b:s0+s2], $0x40, $0x38;
	[tilespmem:$0xA080] =	vst v63  }
0x15: {  	_ =	swait.ge [sflag:s7], $0x40  }
0x16: {  	[sflag:s7] =	ssyncset.done $0x0  }
0x17: {  	[sflag:s7] =	ssyncadd.s32 $0xFFFFFFC0  }
0x18: {  	v3 =	vld [tilespmem:$0x0];
	_ =	sdelay $0x4  }
0x19: {  	v4 =	vshrl.u32 v3, $0x3  }
0x1a: {  	v4 =	vmul.u32 $0x28, v4  }
0x1b: {  	v3 =	vand.u32 $0x7, v3  }
0x1c: {  	v3 =	vor.u32 v3, v4  }
0x1d: {  	v4 =	vperm.xlane v3, v0;
	_ =	sdelay $0x1  }
0x1e: {  	v4 =	vadd.s32 v1, v4;
	_ =	sdelay $0x3  }
0x1f: {  	v3 =	vperm.xlane v3, v2  }
0x20: {  	[tilespmem:s8], [sflag:$0x1] =	stream.indirect_vreg.gather [hbm4b:s3+s2], $0x80, v4, vm0, $0xb8;
	[tilespmem:$0xA080] =	vst v63  }
0x21: {  	s0 =	rddreg [dreg:$0x5];
	v3 =	vadd.s32 v1, v3  }
0x22: {  	[tilespmem:s0], [sflag:$0x1] =	stream.indirect_vreg.gather [hbm4b:s4+s2], $0x80, v4, vm0, $0xb8;
	[tilespmem:$0xA080] =	vst v63  }
0x23: {  	_ = 	snop  }
0x24: {  	[tilespmem:s9], [sflag:$0x1] =	stream.indirect_vreg.gather [hbm4b:s5+s2], $0x80, v4, vm1, $0xb8;
	[tilespmem:$0xA080] =	vst v63  }
0x25: {  	_ = 	snop  }
0x26: {  	[tilespmem:s10], [sflag:$0x1] =	stream.indirect_vreg.gather [hbm4b:s3+s2], $0x80, v3, vm0, $0xb8;
	[tilespmem:$0xA080] =	vst v63  }
0x27: {  	_ = 	snop  }
0x28: {  	[tilespmem:s11], [sflag:$0x1] =	stream.indirect_vreg.gather [hbm4b:s4+s2], $0x80, v3, vm0, $0xb8;
	[tilespmem:$0xA080] =	vst v63  }
0x29: {  	_ = 	snop  }
0x2a: {  	[tilespmem:s12], [sflag:$0x1] =	stream.indirect_vreg.gather [hbm4b:s5+s2], $0x80, v3, vm1, $0xb8;
	[tilespmem:$0xA080] =	vst v63  }
0x2b: {  	v3 =	vld [tilespmem:$0x10];
	_ =	sdelay $0x4  }
0x2c: {  	v61 =	vshrl.u32 v3, $0x3  }
0x2d: {  	v4 =	vmul.u32 $0x28, v61  }
0x2e: {  	v3 =	vand.u32 $0x7, v3  }
0x2f: {  	v3 =	vor.u32 v3, v4  }
0x30: {  	v4 =	vperm.xlane v3, v0;
	_ =	sdelay $0x1  }
0x31: {  	v4 =	vadd.s32 v1, v4;
	_ =	sdelay $0x3  }
0x32: {  	v3 =	vperm.xlane v3, v2  }
0x33: {  	[tilespmem:s13], [sflag:$0x1] =	stream.indirect_vreg.gather [hbm4b:s3+s2], $0x80, v4, vm0, $0xb8;
	[tilespmem:$0xA080] =	vst v63  }
0x34: {  	v3 =	vadd.s32 v1, v3  }
0x35: {  	[tilespmem:s14], [sflag:$0x1] =	stream.indirect_vreg.gather [hbm4b:s4+s2], $0x80, v4, vm0, $0xb8;
	[tilespmem:$0xA080] =	vst v63  }
0x36: {  	_ = 	snop  }
0x37: {  	[tilespmem:s15], [sflag:$0x1] =	stream.indirect_vreg.gather [hbm4b:s5+s2], $0x80, v4, vm1, $0xb8;
	[tilespmem:$0xA080] =	vst v63  }
0x38: {  	_ = 	snop  }
0x39: {  	[tilespmem:s16], [sflag:$0x1] =	stream.indirect_vreg.gather [hbm4b:s3+s2], $0x80, v3, vm0, $0xb8;
	[tilespmem:$0xA080] =	vst v63  }
0x3a: {  	_ = 	snop  }
0x3b: {  	[tilespmem:s17], [sflag:$0x1] =	stream.indirect_vreg.gather [hbm4b:s4+s2], $0x80, v3, vm0, $0xb8;
	[tilespmem:$0xA080] =	vst v63  }
0x3c: {  	_ = 	snop  }
0x3d: {  	[tilespmem:s18], [sflag:$0x1] =	stream.indirect_vreg.gather [hbm4b:s5+s2], $0x80, v3, vm1, $0xb8;
	[tilespmem:$0xA080] =	vst v63  }
0x3e: {  	v3 =	vld [tilespmem:$0x20];
	_ =	sdelay $0x4  }
0x3f: {  	v62 =	vshrl.u32 v3, $0x3  }
0x40: {  	v4 =	vmul.u32 $0x28, v62  }
0x41: {  	v3 =	vand.u32 $0x7, v3  }
0x42: {  	v3 =	vor.u32 v3, v4  }
0x43: {  	v4 =	vperm.xlane v3, v0;
	_ =	sdelay $0x1  }
0x44: {  	v4 =	vadd.s32 v1, v4;
	_ =	sdelay $0x3  }
0x45: {  	v3 =	vperm.xlane v3, v2  }
0x46: {  	[tilespmem:s19], [sflag:$0x1] =	stream.indirect_vreg.gather [hbm4b:s3+s2], $0x80, v4, vm0, $0xb8;
	[tilespmem:$0xA080] =	vst v63  }
0x47: {  	v3 =	vadd.s32 v1, v3  }
0x48: {  	[tilespmem:s20], [sflag:$0x1] =	stream.indirect_vreg.gather [hbm4b:s4+s2], $0x80, v4, vm0, $0xb8;
	[tilespmem:$0xA080] =	vst v63  }
0x49: {  	_ = 	snop  }
0x4a: {  	[tilespmem:s21], [sflag:$0x1] =	stream.indirect_vreg.gather [hbm4b:s5+s2], $0x80, v4, vm1, $0xb8;
	[tilespmem:$0xA080] =	vst v63  }
0x4b: {  	_ = 	snop  }
0x4c: {  	[tilespmem:s22], [sflag:$0x1] =	stream.indirect_vreg.gather [hbm4b:s3+s2], $0x80, v3, vm0, $0xb8;
	[tilespmem:$0xA080] =	vst v63  }
0x4d: {  	_ = 	snop  }
0x4e: {  	[tilespmem:s23], [sflag:$0x1] =	stream.indirect_vreg.gather [hbm4b:s4+s2], $0x80, v3, vm0, $0xb8;
	[tilespmem:$0xA080] =	vst v63  }
0x4f: {  	_ = 	snop  }
0x50: {  	[tilespmem:s24], [sflag:$0x1] =	stream.indirect_vreg.gather [hbm4b:s5+s2], $0x80, v3, vm1, $0xb8;
	[tilespmem:$0xA080] =	vst v63  }
0x51: {  	v3 =	vld [tilespmem:$0x30];
	_ =	sdelay $0x4  }
0x52: {  	v63 =	vshrl.u32 v3, $0x3  }
0x53: {  	v4 =	vmul.u32 $0x28, v63  }
0x54: {  	v3 =	vand.u32 $0x7, v3  }
0x55: {  	v3 =	vor.u32 v3, v4  }
0x56: {  	v4 =	vperm.xlane v3, v0;
	_ =	sdelay $0x1  }
0x57: {  	v4 =	vadd.s32 v1, v4;
	_ =	sdelay $0x3  }
0x58: {  	v3 =	vperm.xlane v3, v2  }
0x59: {  	[tilespmem:s25], [sflag:$0x1] =	stream.indirect_vreg.gather [hbm4b:s3+s2], $0x80, v4, vm0, $0xb8;
	[tilespmem:$0xA080] =	vst v63  }
0x5a: {  	v3 =	vadd.s32 v1, v3  }
0x5b: {  	[tilespmem:s26], [sflag:$0x1] =	stream.indirect_vreg.gather [hbm4b:s4+s2], $0x80, v4, vm0, $0xb8;
	[tilespmem:$0xA080] =	vst v63  }
0x5c: {  	_ = 	snop  }
0x5d: {  	[tilespmem:s28], [sflag:$0x1] =	stream.indirect_vreg.gather [hbm4b:s5+s2], $0x80, v4, vm1, $0xb8;
	[tilespmem:$0xA080] =	vst v63  }
0x5e: {  	_ = 	snop  }
0x5f: {  	[tilespmem:s29], [sflag:$0x1] =	stream.indirect_vreg.gather [hbm4b:s3+s2], $0x80, v3, vm0, $0xb8;
	[tilespmem:$0xA080] =	vst v63  }
0x60: {  	_ = 	snop  }
0x61: {  	[tilespmem:s30], [sflag:$0x1] =	stream.indirect_vreg.gather [hbm4b:s4+s2], $0x80, v3, vm0, $0xb8;
	[tilespmem:$0xA080] =	vst v63  }
0x62: {  	_ = 	snop  }
0x63: {  	[tilespmem:s31], [sflag:$0x1] =	stream.indirect_vreg.gather [hbm4b:s5+s2], $0x80, v3, vm1, $0xb8;
	[tilespmem:$0xA080] =	vst v63  }
0x64: {  	_ =	swait.ge [sflag:s1], $0xA000  }
0x65: {  	p0 =	sne.s32 s6, $0x1;
	[sflag:s1] =	ssyncset.done $0x0  }
.Ltmp0:
0x66: {  	s0 =	rddreg [dreg:$0x4];
	[sflag:s1] =	ssyncadd.s32 $0xFFFF6000;
	(pc) =	sbr.rel @p0 .LBB2_1-.Ltmp0, $4  }
0x67: {  	[hbm4b:s0+s2] =	stream.linear.scatter [tilespmem:s8], [sflag:$0x2], $0xA000, $0x38;
	[tilespmem:$0xA080] =	vst v63  }
0x68: {  	_ =	swait.ge [sflag:s7], $0xA000  }
0x69: {  	[sflag:s7] =	ssyncset.done $0x0  }
0x6a: {  	s6 =	sadd.s32 $0xFFFFFFFF, s6;
	[sflag:s7] =	ssyncadd.s32 $0xFFFF6000  }
0x6b: {  	_ =	sfence.sel $0x180000  }
0x6c: {  	[bflag:$0x0] =	sbarrier.arrive $0xFFFF  }
0x6d: {  	_ =	strace $0x90000065  }
0x6e: {  	s0 =	stileid.u32;
	[bflag:$0x2] =	sbarrier.arrive $0xFFFF  }
0x6f: {  	p0 =	sne.s32 s0, $0x0;
	s0 =	rddreg [dreg:$0x2]  }
0x70: {  	s0 =	sadd.s32 @!p0 $0x100000, s0  }
0x71: {  	[sflag:s0] =	ssyncadd.tile.s32 @!p0 $0x1;
	_ =	shalt  }
.Lfunc_end2:
_tile_overlayer_lowered:
.L_overlay_start_2:
0x72: {  	(tag) =	ssettag $0x2  }
0x73: {  	s0 =	rddreg [dreg:$0x0];
	s2 =	stileid.u32  }
0x74: {  	s1 =	rddreg [dreg:$0x1];
	p0 =	sne.s32 s2, $0x0  }
0x75: {  	s3 =	rddreg [dreg:$0x2];
	[bflag:$0x3] =	sbarrier.arrive $0xFFFF;
	s2 =	simm.s32 @!p0 $0x1C02  }
0x76: {  	[timem:s3], [sflag:s2] =	dma.local @!p0 [hbm:s0], s1  }
0x77: {  	s0 =	simm.s32 @!p0 $0x2  }
0x78: {  	_ =	swait.ge @!p0 [sflag:s0], s1  }
0x79: {  	s1 =	ssub.s32 @!p0 $0x0, s1;
	[sflag:s0] =	ssyncset.done @!p0 $0x0  }
0x7a: {  	[sflag:s0] =	ssyncadd.s32 @!p0 s1  }
0x7b: {  	[bflag:$0x3] =	sbarrier.arrive $0xFFFF  }
0x7c: {  	_ =	shalt  }

// kernel: scatter_offload_async_start.1
scs
__scs_entry_jumppad:
0x0: {  	(pc) =	sbr.rel $0x88, $3  }
0x1: {  	(tag) =	ssettag $0x0;
	lr =	simm.s32 $0x1  }
0x2: {  	[smem:$0x3F8E] =	sst lr;
	_ =	strace $0xD0000000  }
0x3: {  	_ = 	snop  }
0x4: {  	_ = 	snop  }
0x5: {  	_ = 	snop  }
0x6: {  	_ = 	snop  }
0x7: {  	_ = 	snop  }
__scs_overlays_trampoline_lowered:
0x8: {  	[smem:$0x3F9D] =	sst s0  }
0x9: {  	[smem:$0x3F9E] =	sst s1  }
0xa: {  	[smem:$0x3F9F] =	sst s2  }
0xb: {  	[smem:$0x3FA0] =	sst s3  }
0xc: {  	[smem:$0x3FA1] =	sst s4  }
0xd: {  	[smem:$0x3FA2] =	sst s5  }
0xe: {  	[smem:$0x3FA3] =	sst s6  }
0xf: {  	[smem:$0x3FA4] =	sst s7  }
0x10: {  	[smem:$0x3FA5] =	sst s8  }
0x11: {  	[smem:$0x3FA6] =	sst s9;
	s0 =	simm.s32 @!p0 $0x0  }
0x12: {  	s1 =	sld [smem:$0x3F8C];
	s0 =	simm.s32 @p0 $0x1  }
0x13: {  	[smem:$0x3FA7] =	sst s0;
	s0 =	simm.s32 @!p1 $0x0  }
0x14: {  	s2 =	sld [smem:$0x3F8B];
	s0 =	simm.s32 @p1 $0x1  }
0x15: {  	[smem:$0x3FA8] =	sst s0;
	s0 =	simm.s32 @!p2 $0x0  }
0x16: {  	s3 =	sld [smem:$0x3FDB];
	s0 =	simm.s32 @p2 $0x1  }
0x17: {  	s4 =	simm.s32 $0x1BF5;
	[smem:$0x3FAA] =	sst s0  }
0x18: {  	s0 =	sld [smem:$0x3F8D];
	_ =	swait.ge [sflag:s4], $0x0  }
0x19: {  	s7 =	sld [smem:$0x3F8E]  }
0x1a: {  	s8 =	sadd.s32 $0xFFFFE003, lr  }
0x1b: {  	s9 =	sadd.s32 $0xFFFFFEF7, lr;
	s5 =	simm.s32 $0xFFFFFFFF;
	p2 =	slt.u32 s8, $0xFFFFF086  }
0x1c: {  	p1 =	slt.u32 s9, $0xF7A;
	s5 =	simm.s32 @!p2 $0x0  }
0x1d: {  	s5 =	simm.s32 @p1 $0x1;
	p0 =	seq.s32 s7, s2  }
0x1e: {  	s7 =	smul.u32 @!p0 $0xF7A, s2;
	p2 =	seq.s32 @!p0 s5, $0x0  }
0x1f: {  	s9 =	smul.u32 $0xF7A, s1;
	s8 =	simm.s32 @!p0 $0x1BF5;
	p2 =	por !p2, p0  }
0x20: {  	[sflag:s8] =	ssyncset.s32 @!p0 $0xFFFFF086;
	s6 =	sadd.s32 @!p0 s3, s7;
	s7 =	simm.s32 @!p0 $0x108  }
0x21: {  	s3 =	sadd.s32 s3, s9;
	s6 =	sadd.s32 @!p0 $0x88, s6;
	s7 =	simm.s32 @p2 $0x1082  }
0x22: {  	[simem:s7], [sflag:s8] =	dma.local @!p0 [hbm:s6], $0xF7A  }
0x23: {  	s9 =	sor.u32 $0xD0000000, s2;
	s6 =	simm.s32 $0x108;
	_ =	swait.ge @!p0 [sflag:s8], $0x0  }
0x24: {  	s3 =	sadd.s32 $0x88, s3;
	s6 =	simm.s32 @!p1 $0x1082;
	[sflag:s4] =	ssyncset.s32 $0xFFFFF086  }
0x25: {  	[simem:s6], [sflag:s4] =	dma.local [hbm:s3], $0xF7A  }
0x26: {  	[smem:$0x3F8E] =	sst s1;
	(tag) =	ssettag s2;
	_ =	strace s9  }
0x27: {  	s1 =	sld [smem:$0x3F9E]  }
0x28: {  	s2 =	sld [smem:$0x3F9F]  }
0x29: {  	s4 =	sld [smem:$0x3FA1]  }
0x2a: {  	p0 =	seq.s32 s5, $0x0;
	s5 =	sld [smem:$0x3FA2]  }
0x2b: {  	s6 =	sld [smem:$0x3FA3]  }
0x2c: {  	s7 =	sld [smem:$0x3FA4]  }
0x2d: {  	s3 =	simm.s32 $0x108;
	s8 =	sld [smem:$0x3FA5]  }
0x2e: {  	s3 =	simm.s32 @!p0 $0x1082;
	s9 =	sld [smem:$0x3FA6]  }
0x2f: {  	lr =	sadd.s32 s0, s3;
	s0 =	sld [smem:$0x3F9D]  }
0x30: {  	s3 =	sld [smem:$0x3FA0]  }
0x31: {  	[smem:$0x3FA9] =	sst s10  }
0x32: {  	s10 =	sld [smem:$0x3FA7];
	_ =	sdelay $0x3  }
0x33: {  	p0 =	seq.s32 s10, $0x1;
	s10 =	sld [smem:$0x3FA9];
	_ =	sdelay $0x3  }
0x34: {  	[smem:$0x3FA9] =	sst s10  }
0x35: {  	s10 =	sld [smem:$0x3FA8];
	_ =	sdelay $0x3  }
0x36: {  	p1 =	seq.s32 s10, $0x1;
	s10 =	sld [smem:$0x3FA9];
	_ =	sdelay $0x3  }
0x37: {  	[smem:$0x3FA9] =	sst s10  }
0x38: {  	s10 =	sld [smem:$0x3FAA]  }
0x39: {  	_ = 	snop;
	(pc) =	sbr.ind lr, $3  }
0x3a: {  	_ = 	snop  }
0x3b: {  	_ = 	snop  }
0x3c: {  	p2 =	seq.s32 s10, $0x1;
	s10 =	sld [smem:$0x3FA9]  }
0x3d: {  	_ =	shalt  }
0x3e: {  	_ =	shalt  }
0x3f: {  	_ =	shalt  }
0x40: {  	_ =	shalt  }
0x41: {  	_ =	shalt  }
0x42: {  	_ =	shalt  }
0x43: {  	_ =	shalt  }
0x44: {  	_ =	shalt  }
0x45: {  	_ =	shalt  }
0x46: {  	_ =	shalt  }
0x47: {  	_ =	shalt  }
0x48: {  	_ =	shalt  }
0x49: {  	_ =	shalt  }
0x4a: {  	_ =	shalt  }
0x4b: {  	_ =	shalt  }
0x4c: {  	_ =	shalt  }
0x4d: {  	_ =	shalt  }
0x4e: {  	_ =	shalt  }
0x4f: {  	_ =	shalt  }
0x50: {  	_ =	shalt  }
0x51: {  	_ =	shalt  }
0x52: {  	_ =	shalt  }
0x53: {  	_ =	shalt  }
0x54: {  	_ =	shalt  }
0x55: {  	_ =	shalt  }
0x56: {  	_ =	shalt  }
0x57: {  	_ =	shalt  }
0x58: {  	_ =	shalt  }
0x59: {  	_ =	shalt  }
0x5a: {  	_ =	shalt  }
0x5b: {  	_ =	shalt  }
0x5c: {  	_ =	shalt  }
0x5d: {  	_ =	shalt  }
0x5e: {  	_ =	shalt  }
0x5f: {  	_ =	shalt  }
0x60: {  	_ =	shalt  }
0x61: {  	_ =	shalt  }
0x62: {  	_ =	shalt  }
0x63: {  	_ =	shalt  }
0x64: {  	_ =	shalt  }
0x65: {  	_ =	shalt  }
0x66: {  	_ =	shalt  }
0x67: {  	_ =	shalt  }
0x68: {  	_ =	shalt  }
0x69: {  	_ =	shalt  }
0x6a: {  	_ =	shalt  }
0x6b: {  	_ =	shalt  }
0x6c: {  	_ =	shalt  }
0x6d: {  	_ =	shalt  }
0x6e: {  	_ =	shalt  }
0x6f: {  	_ =	shalt  }
0x70: {  	_ =	shalt  }
0x71: {  	_ =	shalt  }
0x72: {  	_ =	shalt  }
0x73: {  	_ =	shalt  }
0x74: {  	_ =	shalt  }
0x75: {  	_ =	shalt  }
0x76: {  	_ =	shalt  }
0x77: {  	_ =	shalt  }
0x78: {  	_ =	shalt  }
0x79: {  	_ =	shalt  }
0x7a: {  	_ =	shalt  }
0x7b: {  	_ =	shalt  }
0x7c: {  	_ =	shalt  }
0x7d: {  	_ =	shalt  }
0x7e: {  	_ =	shalt  }
0x7f: {  	_ =	shalt  }
0x80: {  	_ =	shalt  }
0x81: {  	_ =	shalt  }
0x82: {  	_ =	shalt  }
0x83: {  	_ =	shalt  }
0x84: {  	_ =	shalt  }
0x85: {  	_ =	shalt  }
0x86: {  	_ =	shalt  }
0x87: {  	_ =	shalt  }
.Lfunc_end0:
.L_simem_size_0:
called_computation.1_lowered:
.L_overlay_start_0:
0x88: {  	s0 =	sld [smem:$0x3FD9]  }
0x89: {  	s1 =	sld [smem:$0x3FFE];
	_ =	sdelay $0x3  }
0x8a: {  	s0 =	sadd.s32 s1, s0  }
0x8b: {  	[smem:$0x3FB5] =	sst s0  }
0x8c: {  	_ = 	snop  }
0x8d: {  	(tm) =	ssettm $0x1  }
0x8e: {  	s14 =	sld [smem:$0x3FFB];
	_ =	sdelay $0x3  }
0x8f: {  	_ =	strace s14  }
0x90: {  	s0 =	sld [smem:$0x3FFC];
	_ =	sdelay $0x3  }
0x91: {  	_ =	strace s0  }
0x92: {  	s0 =	sld [smem:$0x3FFD];
	_ =	sdelay $0x3  }
0x93: {  	_ =	strace s0  }
0x94: {  	_ =	strace $0x8FFFFFFF  }
0x95: {  	s15 =	sld [smem:$0x3FDB];
	_ =	sdelay $0x1  }
0x96: {  	s16 =	simm.s32 $_scs_section_size  }
0x97: {  	s2 =	simm.s32 $_size__tile_overlayer_lowered;
	s3 =	simm.s32 $_tile_overlayer_lowered  }
0x98: {  	s4 =	simm.s32 $0x1BFF;
	s17 =	sshll.u32 s3, $0x1;
	s1 =	sadd.s32 s16, s15  }
0x99: {  	s18 =	simm.s32 $0x0;
	s2 =	sshll.u32 s2, $0x1;
	s3 =	sadd.s32 s17, s1  }
0x9a: {  	[timem:s18], [sflag:s4] =	dma.local [hbm:s3], s2  }
0x9b: {  	_ =	swait.ge [sflag:s4], s2  }
0x9c: {  	s2 =	ssub.s32 $0x0, s2;
	[sflag:s4] =	ssyncset.done $0x0  }
0x9d: {  	[sflag:s4] =	ssyncadd.s32 s2;
	_ =	sdelay $0x1  }
0x9e: {  	s19 =	simm.s32 $0x1B8B  }
0x9f: {  	_ =	swait.ge [sflag:s19], $0x1  }
0xa0: {  	[sflag:s19] =	ssyncset.done $0x0  }
0xa1: {  	s21 =	simm.s32 $0x1B8E;
	s20 =	sld [smem:$0x3FFE];
	[sflag:s19] =	ssyncadd.s32 $0xFFFFFFFF  }
0xa2: {  	s22 =	simm.s32 $execute0_lowered;
	[smem:$0x3FD2] =	sst s21  }
0xa3: {  	s3 =	sshll.u32 s22, $0x1;
	_ =	strace $0x80000055;
	[dreg:$0x1] =	wrdreg $0xFFFFFFFF  }
0xa4: {  	s23 =	simm.s32 $_size_execute0_lowered;
	s3 =	sadd.s32 s1, s3;
	[dreg:$0x0] =	wrdreg $0x0  }
0xa5: {  	s4 =	sshll.u32 s23, $0x1;
	[dreg:$0x2] =	wrdreg s3  }
0xa6: {  	[dreg:$0x3] =	wrdreg s4  }
0xa7: {  	[dreg:$0x4] =	wrdreg $0xC0  }
0xa8: {  	s24 =	simm.s32 $execute1_lowered;
	_ =	task [dreg:s18], $0x5FFFF  }
0xa9: {  	s3 =	sshll.u32 s24, $0x1;
	[dreg:$0x1] =	wrdreg $0xFFFFFFFF  }
0xaa: {  	s1 =	sadd.s32 s1, s3;
	[dreg:$0x0] =	wrdreg $0x60  }
0xab: {  	[dreg:$0x2] =	wrdreg s1  }
0xac: {  	[dreg:$0x3] =	wrdreg s20  }
0xad: {  	[dreg:$0x4] =	wrdreg $0x9  }
0xae: {  	_ =	task.clear_ibuf [dreg:s18], $0x5FFFF;
	_ =	strace $0x90000055  }
0xaf: {  	s25 =	simm.s32 $0x9;
	_ =	strace $0x80000057  }
0xb0: {  	_ =	swait.ge [sflag:s25], $0x1  }
0xb1: {  	[sflag:s25] =	ssyncadd.s32 $0xFFFFFFFF  }
0xb2: {  	_ =	strace $0x90000057  }
0xb3: {  	_ =	strace $0x80000058;
	[dreg:$0x1] =	wrdreg $0xFFFFFFFF  }
0xb4: {  	[dreg:$0x0] =	wrdreg $0x2030  }
0xb5: {  	[dreg:$0x2] =	wrdreg s20  }
0xb6: {  	[dreg:$0x3] =	wrdreg $0xA  }
0xb7: {  	_ =	task.clear_ibuf [dreg:s18], $0x4FFFF;
	_ =	strace $0x90000058  }
0xb8: {  	s26 =	simm.s32 $0xA;
	_ =	strace $0x8000005A  }
0xb9: {  	_ =	swait.ge [sflag:s26], $0x1  }
0xba: {  	[sflag:s26] =	ssyncadd.s32 $0xFFFFFFFF  }
0xbb: {  	_ =	strace $0x9000005A  }
0xbc: {  	_ =	sfence  }
0xbd: {  	s28 =	sld [smem:$0x0];
	_ =	sdelay $0x1  }
0xbe: {  	s29 =	srdreg.scid  }
0xbf: {  	s30 =	sshll.u32 s29, $0xD;
	s31 =	sshrl.u32 s29, $0x2  }
0xc0: {  	s2 =	sand.u32 $0x1, s29;
	s3 =	sand.u32 $0x4000, s30;
	s1 =	sadd.s32 s31, s28  }
0xc1: {  	s2 =	sor.u32 s3, s2;
	s1 =	sshll.u32 s1, $0x11  }
0xc2: {  	s1 =	sor.u32 s1, s2  }
0xc3: {  	s1 =	sadd.s32 $0x8F2B, s1  }
0xc4: {  	[sflag:s1] =	ssyncadd.remote.s32 $0x1  }
0xc5: {  	_ =	sfence.sel $0xFFFF  }
0xc6: {  	[dreg:$0x0] =	wrdreg $0xFFFFFFFF;
	(pc) =	sbr.abs _section_cstart, $3  }
0xc7: {  	[dreg:$0x1] =	wrdreg $0xFFFFFFFF  }
0xc8: {  	_ =	task.clear_ibuf [dreg:s18], $0x2FFFF;
	_ =	strace $0x9FFFFFFF  }
0xc9: {  	(tm) =	ssettm $0x7FFFFFFF  }
tec
execute0_lowered:
.L_overlay_start_1:
0x0: {  	(tag) =	ssettag $0x1  }
0x1: {  	s2 =	rddreg [dreg:$0x0]  }
0x2: {  	s4 =	rddreg [dreg:$0x1]  }
0x3: {  	s0 =	rddreg [dreg:$0x2]  }
0x4: {  	s3 =	stileid.u32;
	[bflag:$0x3] =	sbarrier.arrive $0xFFFF;
	s1 =	simm.s32 $_size_execute1_lowered  }
0x5: {  	s7 =	simm.s32 $0x2;
	s8 =	simm.s32 $0x0;
	s12 =	simm.s32 $0x0  }
0x6: {  	s10 =	simm.s32 $0x0;
	s11 =	simm.s32 $0x0;
	p0 =	sne.s32 s3, $0x0  }
0x7: {  	s1 =	sshll.u32 s1, $0x1;
	s3 =	sshll.u32 s3, $0x7;
	s5 =	simm.s32 @!p0 $0x1C3F  }
.Ltmp0:
0x8: {  	s6 =	simm.s32 @!p0 $0x4060;
	s31 =	ssub.s32 $0x2700, s3;
	(pc) =	sbr.rel .LBB2_1-.Ltmp0, $4  }
0x9: {  	[timem:s6], [sflag:s5] =	dma.local @!p0 [hbm:s2], s1  }
0xa: {  	s9 =	smov.u32 s3;
	s5 =	simm.s32 $0x1;
	_ =	strace $0x80000056  }
0xb: {  	s2 =	sadd.s32 $0x84A00, s4;
	s6 =	sshrl.u32 s31, $0xB;
	[sflag:s5] =	ssyncpa.u1 $0x0  }
0xc: {  	s4 =	sadd.s32 $0x49600, s4;
	[sflag:s7] =	ssyncpa.u1 $0x0;
	s7 =	sadd.s32 $0x2, s6  }
.LBB2_4:
0xd: {  	_ = 	snop  }
.LBB2_7:
0xe: {  	_ =	sdelay $0x3  }
0xf: {  	[tilespmem:v0+s16+$0x0 ss:$0x1] =	vst.idx.msk @p1 $0xffff, v2  }
0x10: {  	v56 =	vld.idx.msk [tilespmem:v1+s15+$0x0 ss:$0x1], $0xffff;
	s24 =	sor.u32 $0x70, s15;
	[tilespmem:v0+s17+$0x0 ss:$0x1] =	vst.idx.msk @p1 $0xffff, v4  }
0x11: {  	s25 =	sor.u32 $0x10, s15;
	[tilespmem:v0+s18+$0x0 ss:$0x1] =	vst.idx.msk @p1 $0xffff, v3;
	v57 =	vld.idx.msk [tilespmem:v1+s24+$0x0 ss:$0x1], $0xffff  }
0x12: {  	s26 =	sor.u32 $0x20, s15;
	[tilespmem:v0+s19+$0x0 ss:$0x1] =	vst.idx.msk @p1 $0xffff, v5;
	v58 =	vld.idx.msk [tilespmem:v1+s25+$0x0 ss:$0x1], $0xffff  }
0x13: {  	s28 =	sor.u32 $0x30, s15;
	[tilespmem:v0+s20+$0x0 ss:$0x1] =	vst.idx.msk @p1 $0xffff, v6;
	v59 =	vld.idx.msk [tilespmem:v1+s26+$0x0 ss:$0x1], $0xffff  }
0x14: {  	s29 =	sor.u32 $0x40, s15;
	[tilespmem:v0+s21+$0x0 ss:$0x1] =	vst.idx.msk @p1 $0xffff, v7;
	v60 =	vld.idx.msk [tilespmem:v1+s28+$0x0 ss:$0x1], $0xffff  }
0x15: {  	s30 =	sor.u32 $0x50, s15;
	v61 =	vld.idx.msk [tilespmem:v1+s29+$0x0 ss:$0x1], $0xffff;
	[tilespmem:v0+s15+$0x0 ss:$0x1] =	vst.idx.msk $0xffff, v56  }
0x16: {  	s31 =	sor.u32 $0x60, s15;
	v62 =	vld.idx.msk [tilespmem:v1+s30+$0x0 ss:$0x1], $0xffff;
	[tilespmem:v0+s24+$0x0 ss:$0x1] =	vst.idx.msk $0xffff, v57  }
0x17: {  	v63 =	vld.idx.msk [tilespmem:v1+s31+$0x0 ss:$0x1], $0xffff;
	[tilespmem:v0+s25+$0x0 ss:$0x1] =	vst.idx.msk $0xffff, v58  }
0x18: {  	[tilespmem:v0+s26+$0x0 ss:$0x1] =	vst.idx.msk $0xffff, v59  }
0x19: {  	[tilespmem:v0+s28+$0x0 ss:$0x1] =	vst.idx.msk $0xffff, v60  }
0x1a: {  	[tilespmem:v0+s29+$0x0 ss:$0x1] =	vst.idx.msk $0xffff, v61  }
0x1b: {  	[tilespmem:v0+s30+$0x0 ss:$0x1] =	vst.idx.msk $0xffff, v62  }
0x1c: {  	[tilespmem:v0+s31+$0x0 ss:$0x1] =	vst.idx.msk $0xffff, v63  }
.LBB2_8:
0x1d: {  	s15 =	sand.u32 $0x1FFFFFF, s10  }
0x1e: {  	s16 =	smulhi.u32 $0x1A36E2F, s15;
	_ =	sdelay $0x1  }
0x1f: {  	s16 =	sshrl.u32 s16, $0x6  }
0x20: {  	s16 =	smul.u32 $0x2710, s16;
	_ =	sdelay $0x1  }
0x21: {  	s15 =	ssub.s32 s15, s16  }
0x22: {  	s15 =	sshll.u32 s15, $0x4  }
0x23: {  	s15 =	sadd.s32 s4, s15  }
0x24: {  	[hbm4b:s15+s8] =	stream.linear.scatter [tilespmem:s14], [sflag:$0x2], s13, $0x38;
	[tilespmem:$0x10000] =	vst v63  }
.LBB2_9:
0x25: {  	p1 =	slt.u32 s11, $0x2  }
0x26: {  	p2 =	sgt.s32 @!p1 s12, $0x2690  }
0x27: {  	s13 =	smov.u32 s12;
	s14 =	sshra.s32 @!p1 s12, $0x1F;
	p2 =	por !p2, p1  }
0x28: {  	s12 =	sand.u32 @!p1 s14, s12;
	s13 =	simm.s32 @p2 $0x2690  }
0x29: {  	s12 =	ssub.s32 @!p1 s13, s12  }
0x2a: {  	s12 =	sadd.s32 @!p1 $0xFFFFD970, s12  }
0x2b: {  	s13 =	sshll.u32 @!p1 s12, $0x9  }
0x2c: {  	p2 =	sgt.s32 @!p1 s12, $0x7F;
	s12 =	ssub.s32 @!p1 $0x10000, s13  }
0x2d: {  	s14 =	sadd.s32 $0x800, s9;
	p2 =	por !p2, p1;
	s12 =	sshrl.u32 @!p1 s12, $0x2  }
0x2e: {  	s12 =	simm.s32 @!p2 $0x0;
	p2 =	sgt.s32 s14, $0x270F  }
0x2f: {  	s14 =	smov.u32 @p2 s3;
	p2 =	sne.s32 s11, s7  }
.Ltmp1:
0x30: {  	_ = 	snop;
	(pc) =	sbr.rel @!p2 .LBB2_10-.Ltmp1, $4  }
0x31: {  	s13 =	simm.s32 @!p1 $0x2  }
0x32: {  	_ =	swait.ge @!p1 [sflag:s13], s12;
	s15 =	ssub.s32 @!p1 $0x0, s12  }
0x33: {  	s12 =	smov.u32 s10;
	s11 =	sadd.s32 $0x1, s11;
	[sflag:s13] =	ssyncset.done @!p1 $0x0  }
0x34: {  	s10 =	smov.u32 s9;
	s9 =	smov.u32 s14;
	[sflag:s13] =	ssyncadd.s32 @!p1 s15  }
.LBB2_1:
0x35: {  	p1 =	sgt.u32 s11, s6  }
0x36: {  	s13 =	sand.u32 @!p1 $0x1FFFFFF, s9  }
0x37: {  	p2 =	sgt.s32 @!p1 s9, $0x2690;
	s14 =	smulhi.u32 @!p1 $0x1A36E2F, s13  }
0x38: {  	s15 =	smov.u32 s9;
	s16 =	sshra.s32 @!p1 s9, $0x1F;
	p2 =	por !p2, p1  }
0x39: {  	s16 =	sand.u32 @!p1 s16, s9;
	s15 =	simm.s32 @p2 $0x2690;
	s14 =	sshrl.u32 @!p1 s14, $0x6  }
0x3a: {  	s15 =	ssub.s32 @!p1 s15, s16;
	s14 =	smul.u32 @!p1 $0x2710, s14  }
0x3b: {  	s16 =	sxor.u32 @!p1 $0xFFFFFFFF, s11;
	s15 =	sadd.s32 @!p1 $0xFFFFD970, s15  }
0x3c: {  	s16 =	sshll.u32 @!p1 s16, $0xE;
	s13 =	ssub.s32 @!p1 s13, s14;
	s14 =	sshll.u32 @!p1 s15, $0x9  }
0x3d: {  	s16 =	sand.u32 @!p1 $0x4000, s16;
	p2 =	sgt.s32 @!p1 s15, $0x7F;
	s14 =	ssub.s32 @!p1 $0x10000, s14  }
0x3e: {  	p2 =	por !p2, p1;
	s13 =	sshll.u32 @!p1 s13, $0x4;
	s14 =	sshrl.u32 @!p1 s14, $0x2  }
0x3f: {  	s15 =	simm.s32 @!p1 $0x0;
	s13 =	sadd.s32 @!p1 s2, s13;
	s14 =	simm.s32 @!p2 $0x0  }
0x40: {  	[tilespmem:s16], [sflag:$0x1] =	stream.linear.gather @!p1 [hbm4b:s13+s15], s14, $0x38;
	[tilespmem:$0x10000] =	vst v63  }
0x41: {  	p1 =	seq.s32 s11, $0x0  }
0x42: {  	p2 =	sge.u32 @!p1 s11, s7  }
0x43: {  	p1 =	por p1, p2  }
.Ltmp2:
0x44: {  	_ = 	snop;
	(pc) =	sbr.rel @p1 .LBB2_9-.Ltmp2, $1  }
0x45: {  	_ =	sdelay $0x3  }
0x46: {  	p1 =	sgt.s32 s10, $0x2690;
	s13 =	smov.u32 s10;
	s14 =	sshra.s32 s10, $0x1F  }
0x47: {  	s13 =	simm.s32 @!p1 $0x2690;
	s14 =	sand.u32 s14, s10  }
0x48: {  	s13 =	ssub.s32 s13, s14  }
0x49: {  	s13 =	sadd.s32 $0xFFFFD970, s13  }
0x4a: {  	s31 =	sshll.u32 s13, $0x9  }
0x4b: {  	s14 =	ssub.s32 $0x10000, s31  }
0x4c: {  	p1 =	sgt.s32 s13, $0x7F;
	s13 =	sshrl.u32 s14, $0x2;
	s14 =	sadd.s32 $0x80, s10  }
0x4d: {  	s13 =	simm.s32 @p1 $0x0;
	p1 =	slt.s32 s14, $0x2710  }
0x4e: {  	s14 =	simm.s32 @!p1 $0x2710  }
0x4f: {  	s16 =	ssub.s32 s14, s10  }
0x50: {  	p1 =	slt.s32 s16, $0x1  }
.Ltmp3:
0x51: {  	_ = 	snop;
	(pc) =	sbr.rel @p1 .LBB2_8-.Ltmp3, $4  }
0x52: {  	_ = 	snop  }
0x53: {  	s15 =	sshll.u32 s11, $0xE;
	_ =	swait.ge [sflag:s5], s13  }
0x54: {  	s15 =	sand.u32 $0x4000, s15;
	s17 =	ssub.s32 $0x0, s13;
	[sflag:s5] =	ssyncset.done $0x0  }
0x55: {  	s14 =	sor.u32 $0x8000, s15;
	[sflag:s5] =	ssyncadd.s32 s17  }
0x56: {  	p2 =	sne.s32 s16, $0x1  }
.Ltmp4:
0x57: {  	v1 =	vmov s15;
	v0 =	vmov s14;
	(pc) =	sbr.rel @!p2 .LBB2_4-.Ltmp4, $3  }
0x58: {  	_ =	sdelay $0x1  }
0x59: {  	s17 =	simm.s32 $0x0  }
0x5a: {  	s23 =	sadd.s32 $0xFFFFFFFF, s16;
	p1 =	por $0x0, $0x0;
	s15 =	sand.u32 $0x3F80, s17  }
0x5b: {  	_ =	sdelay $0x3  }
0x5c: {  	v6 =	vld.idx.msk [tilespmem:v1+s15+$0x0 ss:$0x1], $0xffff;
	s24 =	sor.u32 $0x70, s15  }
0x5d: {  	s16 =	sor.u32 $0x10, s15;
	v8 =	vld.idx.msk [tilespmem:v1+s24+$0x0 ss:$0x1], $0xffff  }
0x5e: {  	s17 =	sor.u32 $0x20, s15;
	p2 =	sne.s32 s23, $0x1;
	v2 =	vld.idx.msk [tilespmem:v1+s16+$0x0 ss:$0x1], $0xffff  }
.Ltmp5:
0x5f: {  	s18 =	sor.u32 $0x30, s15;
	v4 =	vld.idx.msk [tilespmem:v1+s17+$0x0 ss:$0x1], $0xffff;
	(pc) =	sbr.rel @!p2 .LBB2_7-.Ltmp5, $4  }
0x60: {  	s19 =	sor.u32 $0x40, s15;
	v3 =	vld.idx.msk [tilespmem:v1+s18+$0x0 ss:$0x1], $0xffff  }
0x61: {  	s21 =	sor.u32 $0x60, s15;
	v5 =	vld.idx.msk [tilespmem:v1+s19+$0x0 ss:$0x1], $0xffff  }
0x62: {  	s20 =	sor.u32 $0x50, s15;
	s22 =	simm.s32 $0x80;
	v7 =	vld.idx.msk [tilespmem:v1+s21+$0x0 ss:$0x1], $0xffff;
	[tilespmem:v0+s15+$0x0 ss:$0x1] =	vst.idx.msk $0xffff, v6  }
0x63: {  	s23 =	sadd.s32 $0xFFFFFFFF, s23;
	p1 =	por $0x1, $0x1;
	v6 =	vld.idx.msk [tilespmem:v1+s20+$0x0 ss:$0x1], $0xffff;
	s15 =	sand.u32 $0x3F80, s22;
	[tilespmem:v0+s24+$0x0 ss:$0x1] =	vst.idx.msk $0xffff, v8  }
.LBB2_6:
0x64: {  	p2 =	sne.s32 s23, $0x1;
	v8 =	vld.idx.msk [tilespmem:v1+s15+$0x0 ss:$0x1], $0xffff;
	s24 =	sor.u32 $0x70, s15;
	[tilespmem:v0+s16+$0x0 ss:$0x1] =	vst.idx.msk $0xffff, v2;
	s16 =	sor.u32 $0x10, s15  }
0x65: {  	s25 =	sor.u32 $0x30, s15;
	s26 =	sor.u32 $0x40, s15;
	v9 =	vld.idx.msk [tilespmem:v1+s24+$0x0 ss:$0x1], $0xffff;
	[tilespmem:v0+s17+$0x0 ss:$0x1] =	vst.idx.msk $0xffff, v4;
	s17 =	sor.u32 $0x20, s15  }
0x66: {  	s28 =	sor.u32 $0x50, s15;
	s29 =	sor.u32 $0x60, s15;
	v2 =	vld.idx.msk [tilespmem:v1+s16+$0x0 ss:$0x1], $0xffff;
	[tilespmem:v0+s18+$0x0 ss:$0x1] =	vst.idx.msk $0xffff, v3;
	s18 =	smov.u32 s25  }
.Ltmp6:
0x67: {  	v4 =	vld.idx.msk [tilespmem:v1+s17+$0x0 ss:$0x1], $0xffff;
	[tilespmem:v0+s19+$0x0 ss:$0x1] =	vst.idx.msk $0xffff, v5;
	s19 =	smov.u32 s26;
	(pc) =	sbr.rel @p2 .LBB2_6-.Ltmp6, $4  }
0x68: {  	v3 =	vld.idx.msk [tilespmem:v1+s18+$0x0 ss:$0x1], $0xffff;
	[tilespmem:v0+s20+$0x0 ss:$0x1] =	vst.idx.msk $0xffff, v6;
	s20 =	smov.u32 s28  }
0x69: {  	v5 =	vld.idx.msk [tilespmem:v1+s19+$0x0 ss:$0x1], $0xffff;
	[tilespmem:v0+s21+$0x0 ss:$0x1] =	vst.idx.msk $0xffff, v7;
	s21 =	smov.u32 s29  }
0x6a: {  	s22 =	sadd.s32 $0x80, s22;
	[tilespmem:v0+s15+$0x0 ss:$0x1] =	vst.idx.msk $0xffff, v8;
	v6 =	vld.idx.msk [tilespmem:v1+s20+$0x0 ss:$0x1], $0xffff  }
0x6b: {  	s23 =	sadd.s32 $0xFFFFFFFF, s23;
	s15 =	sand.u32 $0x3F80, s22;
	v7 =	vld.idx.msk [tilespmem:v1+s21+$0x0 ss:$0x1], $0xffff;
	[tilespmem:v0+s24+$0x0 ss:$0x1] =	vst.idx.msk $0xffff, v9  }
.Ltmp7:
0x6c: {  	_ = 	snop;
	(pc) =	sbr.rel .LBB2_7-.Ltmp7, $1  }
0x6d: {  	_ =	sdelay $0x3  }
.LBB2_10:
0x6e: {  	_ =	sfence.sel $0x180000  }
0x6f: {  	s2 =	simm.s32 $0x1;
	[bflag:$0x0] =	sbarrier.arrive $0xFFFF  }
0x70: {  	s31 =	simm.s32 $0x2;
	[sflag:s2] =	ssyncpa.u1 $0x1  }
0x71: {  	[sflag:s31] =	ssyncpa.u1 $0x1  }
0x72: {  	_ =	strace $0x90000056  }
0x73: {  	s0 =	sadd.s32 @!p0 $0x100000, s0;
	[bflag:$0x2] =	sbarrier.arrive $0xFFFF  }
0x74: {  	[sflag:s0] =	ssyncadd.tile.s32 @!p0 $0x1;
	s0 =	simm.s32 @!p0 $0x3F  }
0x75: {  	_ =	swait.ge @!p0 [sflag:s0], s1  }
0x76: {  	s1 =	ssub.s32 @!p0 $0x0, s1;
	[sflag:s0] =	ssyncset.done @!p0 $0x0  }
0x77: {  	[sflag:s0] =	ssyncadd.s32 @!p0 s1  }
0x78: {  	[bflag:$0x3] =	sbarrier.arrive $0xFFFF  }
0x79: {  	_ =	shalt  }
.Lfunc_end2:
execute1_lowered:
.L_overlay_start_2:
0x7a: {  	(tag) =	ssettag $0x2  }
0x7b: {  	s0 =	rddreg [dreg:$0x0];
	_ =	strace $0x80000059;
	s1 =	simm.s32 $0x1  }
0x7c: {  	s8 =	simm.s32 $0x108;
	v0 =	vimm.s32 $0x0;
	[sflag:s1] =	ssyncpa.u1 $0x0  }
0x7d: {  	[tilespmem:s8+$0x70] =	vst v0  }
0x7e: {  	[tilespmem:s8+$0x60] =	vst v0  }
0x7f: {  	[tilespmem:s8+$0x50] =	vst v0  }
0x80: {  	[tilespmem:s8+$0x40] =	vst v0  }
0x81: {  	[tilespmem:s8+$0x30] =	vst v0  }
0x82: {  	s2 =	simm.s32 $0x40;
	s1 =	sadd.s32 $0x49600, s0;
	[tilespmem:s8+$0x20] =	vst v0  }
0x83: {  	s3 =	sadd.s32 $0x3E00, s0;
	s4 =	sadd.s32 $0x5E9A00, s0;
	s5 =	sadd.s32 $0x7A800, s0;
	[tilespmem:s8+$0x10] =	vst v0  }
.LBB3_1:
0x84: {  	s2 =	sadd.s32 $0x40, s2;
	[tilespmem:s8+$0x0] =	vst v0;
	s8 =	sadd.s32 $0x80, s8  }
0x85: {  	p0 =	slt.u32 s2, $0x3C40;
	[tilespmem:s8+$0x70] =	vst v0  }
0x86: {  	[tilespmem:s8+$0x60] =	vst v0  }
.Ltmp8:
0x87: {  	[tilespmem:s8+$0x50] =	vst v0;
	(pc) =	sbr.rel @p0 .LBB3_1-.Ltmp8, $4  }
0x88: {  	[tilespmem:s8+$0x40] =	vst v0  }
0x89: {  	[tilespmem:s8+$0x30] =	vst v0  }
0x8a: {  	[tilespmem:s8+$0x20] =	vst v0  }
0x8b: {  	[tilespmem:s8+$0x10] =	vst v0  }
0x8c: {  	s13 =	stileid.u32  }
0x8d: {  	s0 =	simm.s32 $0x4FB0;
	s6 =	smul.u32 $0x50A0, s13;
	p0 =	seq.s32 s13, $0xF  }
0x8e: {  	s0 =	simm.s32 @!p0 $0x50A0  }
0x8f: {  	s0 =	sadd.s32 s6, s0  }
0x90: {  	s7 =	smin.u32 s0, $0x50910  }
0x91: {  	s0 =	ssub.s32 s7, s6  }
0x92: {  	p0 =	sgt.s32 s0, $0x0  }
0x93: {  	s0 =	simm.s32 @!p0 $0x0  }
0x94: {  	s2 =	simm.s32 $0x2;
	s9 =	simm.s32 $0x7;
	s31 =	smulhi.u32 $0x1111112, s0  }
0x95: {  	s10 =	simm.s32 $0x8;
	s19 =	simm.s32 $0x0;
	s15 =	simm.s32 $0xA  }
0x96: {  	s17 =	simm.s32 $0x0;
	s18 =	simm.s32 $0x0;
	s11 =	smul.u32 $0xF0, s31  }
.Ltmp9:
0x97: {  	[tilespmem:s8+$0x0] =	vst v0;
	v0 =	vimm.s32 $0xFFFFFFFF;
	[sflag:s2] =	ssyncpa.u1 $0x0;
	s13 =	sshll.u32 s13, $0x8;
	(pc) =	sbr.rel .LBB3_3-.Ltmp9, $4  }
0x98: {  	[tilespmem:$0xF208] =	vst v0;
	[sflag:s9] =	ssyncpa.u1 $0x0;
	p0 =	sne.s32 s0, s11;
	s0 =	simm.s32 $0x1  }
0x99: {  	[sflag:s10] =	ssyncpa.u1 $0x0;
	s10 =	simm.s32 $0x9;
	s0 =	simm.s32 @!p0 $0x0  }
0x9a: {  	s16 =	smov.u32 s6;
	[sflag:s10] =	ssyncpa.u1 $0x0;
	s12 =	sadd.s32 s0, s31  }
0x9b: {  	v0 =	vlaneseq.u32;
	s11 =	simm.s32 $0x1;
	p0 =	por $0x0, $0x0;
	s14 =	sadd.s32 $0x1, s12  }
.LBB3_18:
0x9c: {  	s0 =	sshrl.u32 s28, $0x2  }
.LBB3_20:
0x9d: {  	_ =	swait.ge [sflag:s15], s0  }
0x9e: {  	s31 =	ssub.s32 $0x0, s0;
	v1 =	vmov s21;
	vm0 =	veq.s32 v0, $0x0;
	[sflag:s15] =	ssyncset.done $0x0  }
0x9f: {  	vm15 =	veq.s32 v0, $0x2;
	v1 =	vsel vm0, s26, v1;
	[sflag:s15] =	ssyncadd.s32 s31  }
0xa0: {  	v1 =	vsel vm15, s19, v1;
	[sflag:s15] =	ssyncpa.u1 $0x1  }
0xa1: {  	[tilespmem:$0xF208] =	vst v1  }
.LBB3_21:
0xa2: {  	s0 =	sadd.s32 $0xF0, s16  }
0xa3: {  	s2 =	smov.u32 s6;
	p1 =	slt.s32 s0, s7  }
0xa4: {  	s2 =	smov.u32 @p1 s0;
	p1 =	sne.s32 s18, s14  }
.Ltmp10:
0xa5: {  	_ = 	snop;
	(pc) =	sbr.rel @!p1 .LBB3_22-.Ltmp10, $3  }
0xa6: {  	_ =	sdelay $0x1  }
0xa7: {  	s19 =	smov.u32 s17;
	s31 =	sadd.s32 $0x1, s18;
	s17 =	smov.u32 s16  }
0xa8: {  	p0 =	por !p0, !p0;
	s18 =	smov.u32 s31;
	s16 =	smov.u32 s2  }
.LBB3_3:
0xa9: {  	p1 =	sge.u32 s18, s12  }
0xaa: {  	s0 =	smulhi.u32 @!p1 $0xAAAAAAAB, s18  }
0xab: {  	s2 =	smov.u32 s16;
	p2 =	sgt.s32 @!p1 s16, $0x50820  }
0xac: {  	s20 =	sshra.s32 @!p1 s16, $0x1F;
	p2 =	por !p2, p1;
	s0 =	sshrl.u32 @!p1 s0, $0x1  }
0xad: {  	s20 =	sand.u32 @!p1 s20, s16;
	s2 =	simm.s32 @p2 $0x50820;
	s0 =	smul.u32 @!p1 $0x3, s0  }
0xae: {  	s2 =	ssub.s32 @!p1 s2, s20  }
0xaf: {  	s2 =	sadd.s32 @!p1 $0xFFFAF7E0, s2;
	s0 =	ssub.s32 @!p1 s18, s0  }
0xb0: {  	s20 =	sshll.u32 @!p1 s2, $0x2;
	p2 =	sgt.s32 @!p1 s2, $0xEF;
	s0 =	smul.u32 @!p1 $0x3C0, s0  }
0xb1: {  	s21 =	sand.u32 @!p1 $0x7, s16;
	s2 =	ssub.s32 @!p1 $0x3C0, s20;
	p2 =	por !p2, p1  }
0xb2: {  	s20 =	sshrl.u32 @!p1 s16, $0x3;
	s2 =	sshrl.u32 @!p1 s2, $0x2;
	s0 =	sshrl.u32 @!p1 s0, $0x2  }
0xb3: {  	s20 =	sadd.s32 @!p1 s5, s20;
	s2 =	simm.s32 @!p2 $0x0;
	s0 =	sadd.s32 @!p1 $0x10238, s0  }
0xb4: {  	[tilespmem:s0], [sflag:$0x8] =	stream.linear.gather @!p1 [hbm4b:s20+s21], s2, $0x38;
	[tilespmem:$0x1F6E8] =	vst v63  }
0xb5: {  	s0 =	sadd.s32 $0xFFFFFFFF, s18  }
0xb6: {  	p1 =	sge.u32 s0, s12  }
0xb7: {  	p2 =	sgt.s32 @!p1 s17, $0x50820  }
0xb8: {  	s2 =	smov.u32 s17;
	s20 =	sshra.s32 @!p1 s17, $0x1F;
	p2 =	por !p2, p1  }
0xb9: {  	s20 =	sand.u32 @!p1 s20, s17;
	s2 =	simm.s32 @p2 $0x50820  }
0xba: {  	s2 =	ssub.s32 @!p1 s2, s20  }
0xbb: {  	s2 =	sadd.s32 @!p1 $0xFFFAF7E0, s2  }
0xbc: {  	s21 =	smulhi.u32 @!p1 $0xAAAAAAAB, s0;
	s22 =	sand.u32 @!p1 $0x1, s0;
	s20 =	sshll.u32 @!p1 s2, $0x2  }
0xbd: {  	s24 =	smul.u32 @!p1 $0x3C0, s22;
	p2 =	sgt.s32 @!p1 s2, $0xEF;
	s2 =	ssub.s32 @!p1 $0x3C0, s20  }
0xbe: {  	p2 =	por !p2, p1;
	s20 =	sshrl.u32 @!p1 s21, $0x1;
	s2 =	sshrl.u32 @!p1 s2, $0x2  }
0xbf: {  	s21 =	simm.s32 @!p1 $0x8;
	s20 =	smul.u32 @!p1 $0x3, s20;
	s2 =	simm.s32 @!p2 $0x0  }
0xc0: {  	s22 =	smul.u32 @!p1 $0x1E000, s22;
	_ =	swait.ge @!p1 [sflag:s21], s2;
	s23 =	ssub.s32 @!p1 $0x0, s2  }
0xc1: {  	s0 =	ssub.s32 @!p1 s0, s20;
	s20 =	sshrl.u32 @!p1 s17, $0x3;
	[sflag:s21] =	ssyncset.done @!p1 $0x0  }
0xc2: {  	s20 =	sadd.s32 @!p1 s3, s20;
	[sflag:s21] =	ssyncadd.s32 @!p1 s23;
	s21 =	sshrl.u32 @!p1 s24, $0x2  }
0xc3: {  	s0 =	smul.u32 @!p1 $0x3C0, s0;
	s23 =	sand.u32 @!p1 $0x7, s17;
	s21 =	sor.u32 @!p1 $0x10508, s21  }
0xc4: {  	[tilespmem:s21], [sflag:$0x9] =	stream.linear.gather @!p1 [hbm4b:s20+s23], s2, $0x38;
	[tilespmem:$0x1F6E8] =	vst v63  }
0xc5: {  	s0 =	sshrl.u32 @!p1 s0, $0x2;
	s2 =	sshrl.u32 @!p1 s22, $0x2  }
0xc6: {  	s0 =	sadd.s32 @!p1 $0x10238, s0;
	s20 =	simm.s32 @!p1 $0xF0;
	s2 =	sor.u32 @!p1 $0x106E8, s2  }
0xc7: {  	[tilespmem:s2], [sflag:$0x7] =	stream.indirect.gather @!p1 [hbm4b:s4+s20], $0x80, s0, s20, $0xb8;
	[tilespmem:$0x1F6E8] =	vst v63  }
0xc8: {  	p1 =	slt.u32 s18, $0x2  }
.Ltmp11:
0xc9: {  	_ = 	snop;
	(pc) =	sbr.rel @p1 .LBB3_21-.Ltmp11, $1  }
0xca: {  	_ =	sdelay $0x3  }
0xcb: {  	p1 =	sgt.s32 s19, $0x50820;
	s0 =	smov.u32 s19;
	s2 =	sshra.s32 s19, $0x1F  }
0xcc: {  	s0 =	simm.s32 @!p1 $0x50820;
	s2 =	sand.u32 s2, s19  }
0xcd: {  	s0 =	ssub.s32 s0, s2  }
0xce: {  	s0 =	sadd.s32 $0xFFFAF7E0, s0  }
0xcf: {  	s30 =	sshll.u32 s0, $0x2  }
0xd0: {  	_ =	swait.ge [sflag:s9], $0x7800;
	s2 =	ssub.s32 $0x3C0, s30  }
0xd1: {  	[sflag:s9] =	ssyncset.done $0x0;
	p1 =	sgt.s32 s0, $0xEF;
	s0 =	sshrl.u32 s2, $0x2  }
0xd2: {  	[sflag:s9] =	ssyncadd.s32 $0xFFFF8800;
	s0 =	simm.s32 @p1 $0x0  }
0xd3: {  	_ =	swait.ge [sflag:s10], s0  }
0xd4: {  	s0 =	ssub.s32 $0x0, s0;
	[sflag:s10] =	ssyncset.done $0x0  }
0xd5: {  	[sflag:s10] =	ssyncadd.s32 s0  }
0xd6: {  	v1 =	vld [tilespmem:$0xF208];
	_ =	sdelay $0x4  }
0xd7: {  	(v2sf) =	vpush v1, $0x0  }
0xd8: {  	(v2sf) =	vpush v1, $0x1  }
0xd9: {  	(v2sf) =	vpush v1, $0x2;
	_ =	sdelay $0x3  }
0xda: {  	s0 =	sadd.s32 $0xF0, s19  }
0xdb: {  	s2 =	ssub.s32 $0x50910, s19;
	p1 =	slt.s32 s7, s0  }
0xdc: {  	s0 =	smov.u32 @p1 s7;
	p1 =	sgt.s32 s2, $0x0  }
0xdd: {  	s23 =	ssub.s32 s0, s19;
	s2 =	simm.s32 @!p1 $0x0  }
0xde: {  	p1 =	slt.s32 s2, s23  }
0xdf: {  	s23 =	smov.u32 @p1 s2  }
0xe0: {  	s22 =	simm.s32 $0x1;
	p1 =	slt.s32 s23, $0x1  }
.Ltmp12:
0xe1: {  	s22 =	simm.s32 @!p0 $0x0;
	(pc) =	sbr.rel @p1 .LBB3_8-.Ltmp12, $4  }
0xe2: {  	s31 =	smul.u32 $0x3C0, s22  }
0xe3: {  	s24 =	spop (v2sf)  }
0xe4: {  	s0 =	sshrl.u32 s31, $0x2;
	s26 =	spop (v2sf)  }
0xe5: {  	s20 =	sor.u32 $0x10508, s0;
	s19 =	spop (v2sf)  }
0xe6: {  	s0 =	smin.u32 s23, $0x10  }
0xe7: {  	v1 =	vmov s0  }
0xe8: {  	p2 =	sgt.s32 s23, $0x10;
	vm1 =	vgt.u32 v1, v0  }
.Ltmp13:
0xe9: {  	_ = 	snop;
	(pc) =	sbr.rel @!p2 .LBB3_7-.Ltmp13, $2  }
0xea: {  	_ =	sdelay $0x2  }
0xeb: {  	s25 =	simm.s32 $0x10;
	s28 =	sadd.s32 $0xFFFFFFF0, s23;
	s21 =	smov.u32 s20;
	vm0 =	vmmov vm1  }
.LBB3_6:
0xec: {  	s0 =	smin.u32 s28, $0x10;
	s25 =	sadd.s32 $0x10, s25;
	v1 =	vld.msk [tilespmem:s21+$0x0 ss:$0x1], vm1  }
0xed: {  	v2 =	vmov s0;
	p2 =	slt.s32 s25, s23  }
0xee: {  	vm1 =	vgt.u32 v2, v0  }
.Ltmp14:
0xef: {  	(pc) =	sbr.rel @p2 .LBB3_6-.Ltmp14, $3  }
0xf0: {  	_ =	sdelay $0x1  }
0xf1: {  	v1 =	vshll.u32 v1, $0x4  }
0xf2: {  	s28 =	sadd.s32 $0xFFFFFFF0, s28;
	[tilespmem:s21+$0x0] =	vst.msk vm0, v1;
	s21 =	sadd.s32 $0x10, s21;
	vm0 =	vmmov vm1  }
.LBB3_7:
0xf3: {  	_ =	sdelay $0x4  }
0xf4: {  	v1 =	vld.msk [tilespmem:s21+$0x0 ss:$0x1], vm1;
	_ =	sdelay $0x4  }
0xf5: {  	v1 =	vshll.u32 v1, $0x4  }
0xf6: {  	[tilespmem:s21+$0x0] =	vst.msk vm0, v1  }
.LBB3_8:
0xf7: {  	s0 =	sand.u32 $0x1, s18  }
0xf8: {  	s0 =	smul.u32 $0xF0, s0  }
0xf9: {  	p2 =	sne.s32 s26, $0xFFFFFFFF  }
0xfa: {  	v1 =	vld.msk @!p2 [tilespmem:s0+$0x10508], $0x1;
	_ =	sdelay $0x4  }
0xfb: {  	(v2sf) =	vpush @!p2 v1, $0x0;
	_ =	sdelay $0xc  }
.Ltmp15:
0xfc: {  	_ = 	snop;
	(pc) =	sbr.rel @p1 .LBB3_19-.Ltmp15, $4  }
0xfd: {  	_ = 	snop  }
0xfe: {  	s25 =	spop @!p2 (v2sf)  }
0xff: {  	s19 =	simm.s32 @!p2 $0x0;
	s21 =	smov.u32 s25  }
0x100: {  	[sflag:s15] =	ssyncpa.u1 $0x0;
	s25 =	smov.u32 @p2 s24;
	s21 =	smov.u32 @p2 s26  }
0x101: {  	v1 =	vld.msk [tilespmem:s20+$0x0], $0x1;
	_ =	sdelay $0x4  }
0x102: {  	(v2sf) =	vpush v1, $0x0;
	_ =	sdelay $0xe  }
0x103: {  	s0 =	smul.u32 $0x1E000, s22;
	s29 =	spop (v2sf)  }
0x104: {  	s23 =	ssub.s32 $0x0, s23;
	p1 =	seq.s32 s25, s29  }
0x105: {  	s26 =	sadd.s32 $0x1, s23;
	s0 =	sshrl.u32 s0, $0x2;
	p2 =	sgt.s32 @!p1 s25, $0x0  }
0x106: {  	s22 =	sor.u32 $0x10728, s0;
	s0 =	smov.u32 s25;
	p2 =	por !p2, p1  }
0x107: {  	s0 =	simm.s32 @p2 $0x0;
	p2 =	seq.s32 s26, $0x0  }
.Ltmp16:
0x108: {  	_ = 	snop;
	(pc) =	sbr.rel @p2 .LBB3_11-.Ltmp16, $4  }
0x109: {  	_ = 	snop  }
0x10a: {  	s24 =	simm.s32 $0x0;
	s28 =	sadd.s32 $0x1, s20;
	s0 =	smin.u32 @!p1 s0, $0x270F0  }
0x10b: {  	s30 =	simm.s32 @!p1 $0x1;
	s31 =	simm.s32 @!p1 $0x7988;
	s2 =	sand.u32 @!p1 $0x3FFF8, s0  }
0x10c: {  	s30 =	smov.u32 @p1 s24;
	s0 =	sand.u32 @!p1 $0x7, s0;
	s2 =	sadd.s32 @!p1 s1, s2  }
.LBB3_10:
0x10d: {  	s8 =	smov.u32 s30  }
0x10e: {  	[tilespmem:s31], [sflag:$0x2] =	stream.linear.gather @!p1 [hbm4b:s2+s0], $0x80, $0x38;
	[tilespmem:$0x1F6E8] =	vst v63  }
0x10f: {  	s26 =	sadd.s32 $0x1, s26;
	s0 =	smov.u32 s29;
	v1 =	vld.msk [tilespmem:s28+$0x0], $0x1  }
0x110: {  	p2 =	seq.s32 s26, $0x0;
	_ =	sdelay $0x3  }
0x111: {  	(v2sf) =	vpush v1, $0x0;
	_ =	sdelay $0xe  }
0x112: {  	s29 =	spop (v2sf)  }
0x113: {  	p1 =	seq.s32 s0, s29  }
0x114: {  	p3 =	sgt.s32 @!p1 s0, $0x0;
	s2 =	sshll.u32 @!p1 s30, $0x9;
	s30 =	sadd.s32 @!p1 $0x1, s30  }
.Ltmp17:
0x115: {  	p3 =	por !p3, p1;
	s2 =	sshra.s32 @!p1 s2, $0x2;
	(pc) =	sbr.rel @!p2 .LBB3_10-.Ltmp17, $4  }
0x116: {  	s30 =	smov.u32 @p1 s8;
	s0 =	simm.s32 @p3 $0x0;
	s31 =	sadd.s32 @!p1 $0x7988, s2  }
0x117: {  	s0 =	smin.u32 @!p1 s0, $0x270F0  }
0x118: {  	s2 =	sand.u32 @!p1 $0x3FFF8, s0;
	s0 =	sand.u32 @!p1 $0x7, s0  }
0x119: {  	s28 =	sadd.s32 $0x1, s28;
	s2 =	sadd.s32 @!p1 s1, s2  }
.LBB3_11:
0x11a: {  	[tilespmem:s31], [sflag:$0x2] =	stream.linear.gather @!p1 [hbm4b:s2+s0], $0x80, $0x38;
	[tilespmem:$0x1F6E8] =	vst v63  }
.Ltmp18:
0x11b: {  	s30 =	sshll.u32 s30, $0x7;
	(pc) =	sbr.rel .LBB3_12-.Ltmp18, $4  }
0x11c: {  	s31 =	simm.s32 $0x2;
	s0 =	sand.u32 $0x3FFFFF80, s30  }
0x11d: {  	_ =	swait.ge [sflag:s31], s0  }
0x11e: {  	s0 =	ssub.s32 $0x0, s0;
	[sflag:s31] =	ssyncset.done $0x0  }
0x11f: {  	s28 =	simm.s32 $0x0;
	[sflag:s31] =	ssyncadd.s32 s0  }
.LBB3_13:
0x120: {  	v1 =	vld [tilespmem:s22+$0xFFFFFFC0];
	_ =	sdelay $0x3  }
0x121: {  	s0 =	sshra.s32 s0, $0x2  }
0x122: {  	[tilespmem:s0+$0x108] =	vst.add.f32.msk $0xffff, v1  }
0x123: {  	v1 =	vld [tilespmem:s22+$0xFFFFFFD0];
	_ =	sdelay $0x4  }
0x124: {  	[tilespmem:s0+$0x118] =	vst.add.f32.msk $0xffff, v1  }
0x125: {  	v1 =	vld [tilespmem:s22+$0xFFFFFFE0];
	_ =	sdelay $0x4  }
0x126: {  	[tilespmem:s0+$0x128] =	vst.add.f32.msk $0xffff, v1  }
0x127: {  	v1 =	vld [tilespmem:s22+$0xFFFFFFF0];
	_ =	sdelay $0x4  }
0x128: {  	[tilespmem:s0+$0x138] =	vst.add.f32.msk $0xffff, v1  }
0x129: {  	v1 =	vld [tilespmem:s22+$0x0];
	_ =	sdelay $0x4  }
0x12a: {  	[tilespmem:s0+$0x148] =	vst.add.f32.msk $0xffff, v1  }
0x12b: {  	v1 =	vld [tilespmem:s22+$0x10];
	_ =	sdelay $0x4  }
0x12c: {  	[tilespmem:s0+$0x158] =	vst.add.f32.msk $0xffff, v1  }
0x12d: {  	v1 =	vld [tilespmem:s22+$0x20];
	_ =	sdelay $0x4  }
0x12e: {  	[tilespmem:s0+$0x168] =	vst.add.f32.msk $0xffff, v1  }
0x12f: {  	v1 =	vld [tilespmem:s22+$0x30];
	_ =	sdelay $0x4  }
0x130: {  	[tilespmem:s0+$0x178] =	vst.add.f32.msk $0xffff, v1  }
.LBB3_17:
0x131: {  	s23 =	sadd.s32 $0x1, s23  }
0x132: {  	p1 =	seq.s32 s23, $0x0  }
.Ltmp19:
0x133: {  	_ = 	snop;
	(pc) =	sbr.rel @p1 .LBB3_18-.Ltmp19, $2  }
0x134: {  	_ =	sdelay $0x2  }
0x135: {  	s20 =	sadd.s32 $0x1, s20;
	s22 =	sadd.s32 $0x80, s22;
	s25 =	smov.u32 s26  }
.LBB3_12:
0x136: {  	v1 =	vld.msk [tilespmem:s20+$0x0], $0x1;
	_ =	sdelay $0x4  }
0x137: {  	(v2sf) =	vpush v1, $0x0;
	_ =	sdelay $0xe  }
0x138: {  	s26 =	spop (v2sf)  }
0x139: {  	p1 =	sne.s32 s25, s26  }
.Ltmp20:
0x13a: {  	_ = 	snop;
	(pc) =	sbr.rel @!p1 .LBB3_13-.Ltmp20, $2  }
0x13b: {  	_ =	sdelay $0x2  }
0x13c: {  	s0 =	sshll.u32 s19, $0x9  }
0x13d: {  	p1 =	seq.s32 s25, s21  }
.Ltmp21:
0x13e: {  	_ = 	snop;
	(pc) =	sbr.rel @!p1 .LBB3_15-.Ltmp21, $1  }
0x13f: {  	_ =	sdelay $0x3  }
0x140: {  	s0 =	sshra.s32 s0, $0x2  }
.Ltmp22:
0x141: {  	s0 =	sadd.s32 $0x108, s0;
	(pc) =	sbr.rel .LBB3_16-.Ltmp22, $4  }
0x142: {  	[spmem:s13] =	stream.linear.scatter [tilespmem:s0], [sflag:$0x1], $0x80, $0x38;
	[tilespmem:$0x1F6E8] =	vst v63  }
0x143: {  	_ =	swait.ge [sflag:s11], $0x80  }
0x144: {  	[sflag:s11] =	ssyncset.done $0x0  }
0x145: {  	[sflag:s11] =	ssyncadd.s32 $0xFFFFFF80  }
.LBB3_15:
0x146: {  	s2 =	sshll.u32 s24, $0x9  }
0x147: {  	s2 =	sshra.s32 s2, $0x2  }
0x148: {  	v1 =	vld [tilespmem:s2+$0x7988];
	_ =	sdelay $0x3  }
0x149: {  	s0 =	sshra.s32 s0, $0x2  }
0x14a: {  	[tilespmem:s0+$0x108] =	vst.add.f32.msk $0xffff, v1  }
0x14b: {  	v1 =	vld [tilespmem:s2+$0x7998];
	_ =	sdelay $0x4  }
0x14c: {  	[tilespmem:s0+$0x118] =	vst.add.f32.msk $0xffff, v1  }
0x14d: {  	v1 =	vld [tilespmem:s2+$0x79A8];
	_ =	sdelay $0x4  }
0x14e: {  	[tilespmem:s0+$0x128] =	vst.add.f32.msk $0xffff, v1  }
0x14f: {  	v1 =	vld [tilespmem:s2+$0x79B8];
	_ =	sdelay $0x4  }
0x150: {  	[tilespmem:s0+$0x138] =	vst.add.f32.msk $0xffff, v1  }
0x151: {  	v1 =	vld [tilespmem:s2+$0x79C8];
	_ =	sdelay $0x4  }
0x152: {  	[tilespmem:s0+$0x148] =	vst.add.f32.msk $0xffff, v1  }
0x153: {  	v1 =	vld [tilespmem:s2+$0x79D8];
	_ =	sdelay $0x4  }
0x154: {  	[tilespmem:s0+$0x158] =	vst.add.f32.msk $0xffff, v1  }
0x155: {  	v1 =	vld [tilespmem:s2+$0x79E8];
	_ =	sdelay $0x4  }
0x156: {  	[tilespmem:s0+$0x168] =	vst.add.f32.msk $0xffff, v1  }
0x157: {  	v1 =	vld [tilespmem:s2+$0x79F8];
	_ =	sdelay $0x2  }
0x158: {  	p1 =	sgt.u32 s25, $0x270F0  }
0x159: {  	s2 =	sand.u32 @!p1 $0x3FFF8, s25  }
0x15a: {  	s8 =	sadd.s32 $0x108, s0;
	[tilespmem:s0+$0x178] =	vst.add.f32.msk $0xffff, v1;
	s0 =	sadd.s32 @!p1 s1, s2;
	s2 =	sand.u32 @!p1 $0x7, s25  }
0x15b: {  	[hbm4b:s0+s2] =	stream.linear.scatter @!p1 [tilespmem:s8], [sflag:$0xA], $0x80, $0x38;
	[tilespmem:$0x1F6E8] =	vst v63  }
0x15c: {  	s0 =	simm.s32 $0x0  }
0x15d: {  	s0 =	simm.s32 @!p1 $0x200  }
0x15e: {  	s28 =	sadd.s32 s0, s28  }
.LBB3_16:
0x15f: {  	s0 =	sadd.s32 $0x1, s19  }
0x160: {  	s2 =	smulhi.u32 $0x88888889, s0;
	_ =	sdelay $0x1  }
0x161: {  	v1 =	vld [tilespmem:s22+$0xFFFFFFC0];
	s2 =	sshrl.u32 s2, $0x7  }
0x162: {  	s2 =	smul.u32 $0xF0, s2;
	_ =	sdelay $0x1  }
0x163: {  	s19 =	ssub.s32 s0, s2  }
0x164: {  	s0 =	sshll.u32 s19, $0x7  }
0x165: {  	[tilespmem:s0+$0x108] =	vst v1  }
0x166: {  	v1 =	vld [tilespmem:s22+$0xFFFFFFD0];
	_ =	sdelay $0x4  }
0x167: {  	[tilespmem:s0+$0x118] =	vst v1  }
0x168: {  	v1 =	vld [tilespmem:s22+$0xFFFFFFE0];
	_ =	sdelay $0x4  }
0x169: {  	[tilespmem:s0+$0x128] =	vst v1  }
0x16a: {  	v1 =	vld [tilespmem:s22+$0xFFFFFFF0];
	_ =	sdelay $0x4  }
0x16b: {  	[tilespmem:s0+$0x138] =	vst v1  }
0x16c: {  	v1 =	vld [tilespmem:s22+$0x0];
	_ =	sdelay $0x4  }
0x16d: {  	[tilespmem:s0+$0x148] =	vst v1  }
0x16e: {  	v1 =	vld [tilespmem:s22+$0x10];
	_ =	sdelay $0x4  }
0x16f: {  	[tilespmem:s0+$0x158] =	vst v1  }
0x170: {  	v1 =	vld [tilespmem:s22+$0x20];
	_ =	sdelay $0x4  }
0x171: {  	[tilespmem:s0+$0x168] =	vst v1  }
0x172: {  	v1 =	vld [tilespmem:s22+$0x30]  }
.Ltmp23:
0x173: {  	_ = 	snop;
	(pc) =	sbr.rel .LBB3_17-.Ltmp23, $2  }
0x174: {  	_ =	sdelay $0x2  }
0x175: {  	s24 =	sadd.s32 $0x1, s24;
	[tilespmem:s0+$0x178] =	vst v1  }
.LBB3_19:
.Ltmp24:
0x176: {  	(pc) =	sbr.rel .LBB3_20-.Ltmp24, $4  }
0x177: {  	_ = 	snop  }
0x178: {  	s0 =	simm.s32 $0x2  }
0x179: {  	_ =	swait.ge [sflag:s0], $0x0  }
0x17a: {  	s26 =	smov.u32 s25;
	[sflag:s0] =	ssyncset.done $0x0;
	s0 =	simm.s32 $0x0  }
.LBB3_22:
0x17b: {  	_ =	sfence.sel $0x180000  }
0x17c: {  	s0 =	simm.s32 $0x7;
	[bflag:$0x0] =	sbarrier.arrive $0xFFFF  }
0x17d: {  	s25 =	simm.s32 $0x8;
	[sflag:s0] =	ssyncpa.u1 $0x1  }
0x17e: {  	s26 =	simm.s32 $0x9;
	[sflag:s25] =	ssyncpa.u1 $0x1  }
0x17f: {  	s28 =	simm.s32 $0x2;
	[sflag:s26] =	ssyncpa.u1 $0x1  }
0x180: {  	[sflag:s28] =	ssyncpa.u1 $0x1  }
0x181: {  	v0 =	vld [tilespmem:$0xF208];
	_ =	sdelay $0x4  }
0x182: {  	(v2sf) =	vpush v0, $0x0  }
0x183: {  	(v2sf) =	vpush v0, $0x1;
	_ =	sdelay $0x1  }
0x184: {  	(v2sf) =	vpush v0, $0x2;
	_ =	sdelay $0xb  }
0x185: {  	s0 =	spop (v2sf)  }
0x186: {  	s2 =	spop (v2sf)  }
0x187: {  	s3 =	smov.u32 s0;
	p0 =	sne.s32 s0, s2  }
0x188: {  	s4 =	spop (v2sf);
	s3 =	simm.s32 @!p0 $0xFFFFFFFF  }
0x189: {  	v2 =	vimm.s32 $0x1;
	v3 =	vlaneseq.u32;
	p0 =	seq.s32 s4, $0xFFFFFFFF;
	v1 =	vmov s3  }
0x18a: {  	s7 =	stileid.u32;
	v0 =	vperm.xlane v0, v2;
	p1 =	sne.s32 @!p0 s0, s2;
	v1 =	vperm.xlane v1, v3  }
0x18b: {  	vm0 =	vcmask $0x3F04;
	s6 =	simm.s32 $0xF208;
	s0 =	simm.s32 @!p0 $0x1;
	p1 =	por !p1, p0  }
0x18c: {  	s3 =	sshll.u32 s7, $0x1;
	s2 =	sshll.u32 @!p0 s4, $0x9;
	s0 =	simm.s32 @p1 $0x0;
	v0 =	vsel vm0, v1, v0  }
0x18d: {  	s5 =	sor.u32 $0x1000, s3;
	s2 =	sshra.s32 @!p0 s2, $0x2;
	s0 =	sor.u32 @!p0 s0, s3;
	[tilespmem:$0xF208] =	vst v0  }
0x18e: {  	[spmem:s5] =	stream.linear.scatter [tilespmem:s6], [sflag:$0x1], $0x2, $0x38;
	[tilespmem:$0x1F6E8] =	vst v63  }
0x18f: {  	s2 =	sadd.s32 @!p0 $0x108, s2;
	s0 =	sshll.u32 @!p0 s0, $0x7  }
0x190: {  	[spmem:s0] =	stream.linear.scatter @!p0 [tilespmem:s2], [sflag:$0x1], $0x80, $0x38;
	[tilespmem:$0x1F6E8] =	vst v63  }
0x191: {  	s0 =	simm.s32 @!p0 $0x82  }
0x192: {  	s3 =	simm.s32 $0x1;
	s0 =	simm.s32 @p0 $0x2  }
0x193: {  	_ =	swait.ge [sflag:s3], s0  }
0x194: {  	s0 =	ssub.s32 $0x0, s0;
	[sflag:s3] =	ssyncset.done $0x0  }
0x195: {  	[sflag:s3] =	ssyncadd.s32 s0  }
0x196: {  	_ =	sfence.stream.spmem  }
0x197: {  	s29 =	simm.s32 $0x3;
	[bflag:$0x0] =	sbarrier.arrive $0xFFFF  }
0x198: {  	s30 =	simm.s32 $0x4;
	[sflag:s29] =	ssyncpa.u1 $0x1  }
0x199: {  	s31 =	simm.s32 $0x3C;
	[sflag:s30] =	ssyncpa.u1 $0x1  }
0x19a: {  	p0 =	sne.s32 s7, $0x0;
	[sflag:s31] =	ssyncpa.u1 $0x1  }
0x19b: {  	_ =	sfence @p0  }
0x19c: {  	[sflag:s3] =	ssyncpa.u1 @p0 $0x1  }
0x19d: {  	_ =	strace @p0 $0x90000059  }
0x19e: {  	[bflag:$0x2] =	sbarrier.arrive @p0 $0xFFFF  }
0x19f: {  	_ =	shalt @p0  }
.LBB3_23:
0x1a0: {  	_ =	sfence.stream.spmem;
	s0 =	simm.s32 $0x5  }
0x1a1: {  	s2 =	simm.s32 $0x1000;
	s3 =	simm.s32 $0xF218;
	[sflag:s0] =	ssyncpa.u1 $0x0  }
0x1a2: {  	[tilespmem:s3], [sflag:$0x5] =	stream.linear.gather [spmem:s2], $0x20, $0x38;
	[tilespmem:$0x1F6E8] =	vst v63  }
0x1a3: {  	s30 =	simm.s32 $0xF238;
	s2 =	simm.s32 $0x0  }
0x1a4: {  	[tilespmem:s30], [sflag:$0x5] =	stream.linear.gather [spmem:s2], $0x1000, $0x38;
	[tilespmem:$0x1F6E8] =	vst v63  }
.Ltmp25:
0x1a5: {  	_ = 	snop;
	(pc) =	sbr.rel .LBB3_24-.Ltmp25, $4  }
0x1a6: {  	_ =	swait.ge [sflag:s0], $0x1020  }
0x1a7: {  	[sflag:s0] =	ssyncset.done $0x0  }
0x1a8: {  	s31 =	simm.s32 $0x6;
	[sflag:s0] =	ssyncadd.s32 $0xFFFFEFE0  }
0x1a9: {  	s3 =	simm.s32 $0x0;
	[sflag:s31] =	ssyncpa.u1 $0x0  }
.LBB3_30:
0x1aa: {  	p0 =	slt.u32 s4, $0x270F1  }
0x1ab: {  	s0 =	sand.u32 @p0 $0x3FFF8, s4  }
0x1ac: {  	s4 =	sand.u32 @p0 $0x7, s4;
	s5 =	simm.s32 @p0 $0xF188;
	s0 =	sadd.s32 @p0 s1, s0  }
0x1ad: {  	[tilespmem:s5], [sflag:$0x6] =	stream.linear.gather @p0 [hbm4b:s0+s4], $0x80, $0x38;
	[tilespmem:$0x1F6E8] =	vst v63  }
0x1ae: {  	s0 =	simm.s32 @p0 $0x6  }
0x1af: {  	_ =	swait.ge @p0 [sflag:s0], $0x80  }
0x1b0: {  	[sflag:s0] =	ssyncset.done @p0 $0x0  }
0x1b1: {  	[sflag:s0] =	ssyncadd.s32 @p0 $0xFFFFFF80  }
0x1b2: {  	v1 =	vld @p0 [tilespmem:$0xF188];
	_ =	sdelay $0x2  }
0x1b3: {  	s0 =	sshll.u32 @p0 s3, $0x9  }
0x1b4: {  	s4 =	sshrl.u32 @p0 s0, $0x2  }
0x1b5: {  	[tilespmem:s4+$0xF238] =	vst.add.f32.msk @p0 $0xffff, v1  }
0x1b6: {  	v1 =	vld @p0 [tilespmem:$0xF198];
	_ =	sdelay $0x4  }
0x1b7: {  	[tilespmem:s4+$0xF248] =	vst.add.f32.msk @p0 $0xffff, v1  }
0x1b8: {  	v1 =	vld @p0 [tilespmem:$0xF1A8];
	_ =	sdelay $0x4  }
0x1b9: {  	[tilespmem:s4+$0xF258] =	vst.add.f32.msk @p0 $0xffff, v1  }
0x1ba: {  	v1 =	vld @p0 [tilespmem:$0xF1B8];
	_ =	sdelay $0x4  }
0x1bb: {  	[tilespmem:s4+$0xF268] =	vst.add.f32.msk @p0 $0xffff, v1  }
0x1bc: {  	v1 =	vld @p0 [tilespmem:$0xF1C8];
	_ =	sdelay $0x4  }
0x1bd: {  	[tilespmem:s4+$0xF278] =	vst.add.f32.msk @p0 $0xffff, v1  }
0x1be: {  	v1 =	vld @p0 [tilespmem:$0xF1D8];
	_ =	sdelay $0x4  }
0x1bf: {  	[tilespmem:s4+$0xF288] =	vst.add.f32.msk @p0 $0xffff, v1  }
0x1c0: {  	v1 =	vld @p0 [tilespmem:$0xF1E8];
	_ =	sdelay $0x4  }
0x1c1: {  	[tilespmem:s4+$0xF298] =	vst.add.f32.msk @p0 $0xffff, v1  }
0x1c2: {  	v1 =	vld @p0 [tilespmem:$0xF1F8];
	_ =	sdelay $0x3  }
0x1c3: {  	s5 =	sshll.u32 @!p0 s3, $0x9  }
0x1c4: {  	s5 =	smov.u32 @p0 s0;
	[tilespmem:s4+$0xF2A8] =	vst.add.f32.msk @p0 $0xffff, v1  }
0x1c5: {  	s0 =	sshrl.u32 s5, $0x2;
	[tilespmem:s2+$0xF218] =	vst.msk $0x1, v0  }
0x1c6: {  	v0 =	vld [tilespmem:s0+$0xF238];
	_ =	sdelay $0x2  }
0x1c7: {  	s31 =	sshll.u32 s2, $0x9  }
0x1c8: {  	s4 =	sshra.s32 s31, $0x2  }
0x1c9: {  	[tilespmem:s4+$0xF238] =	vst v0  }
0x1ca: {  	v0 =	vld [tilespmem:s0+$0xF248];
	_ =	sdelay $0x4  }
0x1cb: {  	[tilespmem:s4+$0xF248] =	vst v0  }
0x1cc: {  	v0 =	vld [tilespmem:s0+$0xF258];
	_ =	sdelay $0x4  }
0x1cd: {  	[tilespmem:s4+$0xF258] =	vst v0  }
0x1ce: {  	v0 =	vld [tilespmem:s0+$0xF268];
	_ =	sdelay $0x4  }
0x1cf: {  	[tilespmem:s4+$0xF268] =	vst v0  }
0x1d0: {  	v0 =	vld [tilespmem:s0+$0xF278];
	_ =	sdelay $0x4  }
0x1d1: {  	[tilespmem:s4+$0xF278] =	vst v0  }
0x1d2: {  	v0 =	vld [tilespmem:s0+$0xF288];
	_ =	sdelay $0x4  }
0x1d3: {  	[tilespmem:s4+$0xF288] =	vst v0  }
0x1d4: {  	v0 =	vld [tilespmem:s0+$0xF298];
	_ =	sdelay $0x4  }
0x1d5: {  	[tilespmem:s4+$0xF298] =	vst v0  }
0x1d6: {  	v0 =	vld [tilespmem:s0+$0xF2A8];
	_ =	sdelay $0x4  }
0x1d7: {  	s2 =	sadd.s32 $0x1, s2;
	[tilespmem:s4+$0xF2A8] =	vst v0  }
.LBB3_31:
0x1d8: {  	s3 =	sadd.s32 $0x1, s3  }
0x1d9: {  	p0 =	sne.s32 s3, $0x20  }
.Ltmp26:
0x1da: {  	_ = 	snop;
	(pc) =	sbr.rel @!p0 .LBB3_32-.Ltmp26, $1  }
0x1db: {  	_ =	sdelay $0x3  }
.LBB3_24:
0x1dc: {  	v0 =	vld.msk [tilespmem:s3+$0xF218], $0x1;
	_ =	sdelay $0x4  }
0x1dd: {  	(v2sf) =	vpush v0, $0x0;
	_ =	sdelay $0xe  }
0x1de: {  	s4 =	spop (v2sf)  }
0x1df: {  	p0 =	seq.s32 s4, $0xFFFFFFFF  }
.Ltmp27:
0x1e0: {  	_ = 	snop;
	(pc) =	sbr.rel @p0 .LBB3_31-.Ltmp27, $1  }
0x1e1: {  	_ =	sdelay $0x3  }
0x1e2: {  	p0 =	slt.s32 s2, $0x1  }
.Ltmp28:
0x1e3: {  	_ = 	snop;
	(pc) =	sbr.rel @p0 .LBB3_30-.Ltmp28, $1  }
0x1e4: {  	_ =	sdelay $0x3  }
0x1e5: {  	s5 =	simm.s32 $0xF218;
	p0 =	por $0x0, $0x0  }
0x1e6: {  	v1 =	vld.msk @!p0 [tilespmem:s5+$0x0], $0x1;
	_ =	sdelay $0x4  }
0x1e7: {  	(v2sf) =	vpush @!p0 v1, $0x0;
	_ =	sdelay $0xd  }
0x1e8: {  	p2 =	sne.s32 s2, $0x1  }
.Ltmp29:
0x1e9: {  	s0 =	spop @!p0 (v2sf);
	(pc) =	sbr.rel @!p2 .LBB3_28-.Ltmp29, $4  }
0x1ea: {  	p1 =	seq.s32 @!p0 s4, s0  }
0x1eb: {  	s6 =	simm.s32 $0x0;
	p1 =	por !p1, p0  }
0x1ec: {  	s0 =	simm.s32 $0xFFFFFFFF;
	s6 =	simm.s32 @p1 $0xFFFFFFFF  }
0x1ed: {  	s7 =	simm.s32 $0x1;
	s6 =	smov.u32 @p0 s0  }
.LBB3_27:
0x1ee: {  	s0 =	smov.u32 s6;
	p0 =	sne.s32 s6, $0xFFFFFFFF  }
0x1ef: {  	s5 =	sadd.s32 $0x1, s5;
	s6 =	smov.u32 s7;
	s7 =	sadd.s32 $0x1, s7  }
0x1f0: {  	p1 =	sne.s32 s2, s7;
	v1 =	vld.msk @!p0 [tilespmem:s5+$0x0], $0x1;
	_ =	sdelay $0x4  }
0x1f1: {  	(v2sf) =	vpush @!p0 v1, $0x0;
	_ =	sdelay $0xe  }
.Ltmp30:
0x1f2: {  	s8 =	spop @!p0 (v2sf);
	(pc) =	sbr.rel @p1 .LBB3_27-.Ltmp30, $4  }
0x1f3: {  	p2 =	seq.s32 @!p0 s4, s8  }
0x1f4: {  	p2 =	por !p2, p0  }
0x1f5: {  	s6 =	simm.s32 @p2 $0xFFFFFFFF  }
0x1f6: {  	s6 =	smov.u32 @p0 s0  }
.LBB3_28:
0x1f7: {  	p0 =	seq.s32 s6, $0xFFFFFFFF  }
.Ltmp31:
0x1f8: {  	_ = 	snop;
	(pc) =	sbr.rel @p0 .LBB3_30-.Ltmp31, $1  }
0x1f9: {  	_ =	sdelay $0x3  }
0x1fa: {  	s0 =	sshll.u32 s3, $0x7  }
0x1fb: {  	s0 =	sand.u32 $0x3FFFFF80, s0  }
0x1fc: {  	v0 =	vld [tilespmem:s0+$0xF238];
	_ =	sdelay $0x2  }
0x1fd: {  	s4 =	sshll.u32 s6, $0x9  }
0x1fe: {  	s4 =	sshra.s32 s4, $0x2  }
0x1ff: {  	[tilespmem:s4+$0xF238] =	vst.add.f32.msk $0xffff, v0  }
0x200: {  	v0 =	vld [tilespmem:s0+$0xF248];
	_ =	sdelay $0x4  }
0x201: {  	[tilespmem:s4+$0xF248] =	vst.add.f32.msk $0xffff, v0  }
0x202: {  	v0 =	vld [tilespmem:s0+$0xF258];
	_ =	sdelay $0x4  }
0x203: {  	[tilespmem:s4+$0xF258] =	vst.add.f32.msk $0xffff, v0  }
0x204: {  	v0 =	vld [tilespmem:s0+$0xF268];
	_ =	sdelay $0x4  }
0x205: {  	[tilespmem:s4+$0xF268] =	vst.add.f32.msk $0xffff, v0  }
0x206: {  	v0 =	vld [tilespmem:s0+$0xF278];
	_ =	sdelay $0x4  }
0x207: {  	[tilespmem:s4+$0xF278] =	vst.add.f32.msk $0xffff, v0  }
0x208: {  	v0 =	vld [tilespmem:s0+$0xF288];
	_ =	sdelay $0x4  }
0x209: {  	[tilespmem:s4+$0xF288] =	vst.add.f32.msk $0xffff, v0  }
0x20a: {  	v0 =	vld [tilespmem:s0+$0xF298];
	_ =	sdelay $0x4  }
0x20b: {  	[tilespmem:s4+$0xF298] =	vst.add.f32.msk $0xffff, v0  }
0x20c: {  	v0 =	vld [tilespmem:s0+$0xF2A8]  }
.Ltmp32:
0x20d: {  	_ = 	snop;
	(pc) =	sbr.rel .LBB3_31-.Ltmp32, $2  }
0x20e: {  	_ =	sdelay $0x2  }
0x20f: {  	[tilespmem:s4+$0xF2A8] =	vst.add.f32.msk $0xffff, v0  }
.LBB3_32:
0x210: {  	p0 =	slt.s32 s2, $0x1  }
.Ltmp33:
0x211: {  	_ = 	snop;
	(pc) =	sbr.rel @p0 .LBB3_36-.Ltmp33, $3  }
0x212: {  	_ =	sdelay $0x1  }
0x213: {  	s0 =	simm.s32 $0x6  }
0x214: {  	s3 =	simm.s32 $0x0;
	[sflag:s0] =	ssyncpa.u1 $0x1  }
0x215: {  	s0 =	simm.s32 $0xF218  }
0x216: {  	v0 =	vld.msk [tilespmem:s0+$0x0], $0x1;
	_ =	sdelay $0x4  }
0x217: {  	(v2sf) =	vpush v0, $0x0;
	_ =	sdelay $0xd  }
0x218: {  	s2 =	sadd.s32 $0xFFFFFFFF, s2  }
0x219: {  	p1 =	sne.s32 s2, $0x0;
	s0 =	spop (v2sf)  }
.Ltmp34:
0x21a: {  	p0 =	sgt.u32 s0, $0x270F0;
	(pc) =	sbr.rel @!p1 .LBB3_35-.Ltmp34, $4  }
0x21b: {  	s4 =	simm.s32 $0xF238;
	s5 =	sand.u32 @!p0 $0x3FFF8, s0  }
0x21c: {  	s6 =	simm.s32 $0x0;
	s0 =	sand.u32 @!p0 $0x7, s0;
	s5 =	sadd.s32 @!p0 s1, s5  }
0x21d: {  	[hbm4b:s5+s0] =	stream.linear.scatter @!p0 [tilespmem:s4], [sflag:$0x5], $0x80, $0x38;
	[tilespmem:$0x1F6E8] =	vst v63  }
0x21e: {  	s6 =	simm.s32 @!p0 $0x200;
	s5 =	simm.s32 $0xF219  }
.LBB3_34:
0x21f: {  	v0 =	vld.msk [tilespmem:s5+$0x0], $0x1;
	s2 =	sadd.s32 $0xFFFFFFFF, s2;
	s3 =	sadd.s32 s3, s6  }
0x220: {  	p0 =	sne.s32 s2, $0x0;
	_ =	sdelay $0x3  }
0x221: {  	(v2sf) =	vpush v0, $0x0;
	_ =	sdelay $0xe  }
.Ltmp35:
0x222: {  	s0 =	spop (v2sf);
	(pc) =	sbr.rel @p0 .LBB3_34-.Ltmp35, $4  }
0x223: {  	s6 =	simm.s32 $0x0;
	p1 =	sgt.u32 s0, $0x270F0  }
0x224: {  	s4 =	sadd.s32 $0x80, s4;
	s6 =	simm.s32 @!p1 $0x200;
	s7 =	sand.u32 @!p1 $0x3FFF8, s0  }
0x225: {  	s5 =	sadd.s32 $0x1, s5;
	s0 =	sand.u32 @!p1 $0x7, s0;
	s7 =	sadd.s32 @!p1 s1, s7  }
0x226: {  	[hbm4b:s7+s0] =	stream.linear.scatter @!p1 [tilespmem:s4], [sflag:$0x5], $0x80, $0x38;
	[tilespmem:$0x1F6E8] =	vst v63  }
.LBB3_35:
0x227: {  	s0 =	sadd.s32 s3, s6  }
0x228: {  	s3 =	sshrl.u32 s0, $0x2  }
.LBB3_36:
0x229: {  	s0 =	simm.s32 $0x5  }
0x22a: {  	_ =	swait.ge [sflag:s0], s3  }
0x22b: {  	s1 =	ssub.s32 $0x0, s3;
	[sflag:s0] =	ssyncset.done $0x0  }
0x22c: {  	[sflag:s0] =	ssyncadd.s32 s1  }
0x22d: {  	[sflag:s0] =	ssyncpa.u1 $0x1  }
0x22e: {  	s30 =	simm.s32 $0x1;
	_ =	sfence  }
0x22f: {  	[sflag:s30] =	ssyncpa.u1 $0x1  }
0x230: {  	_ =	strace $0x90000059  }
0x231: {  	[bflag:$0x2] =	sbarrier.arrive $0xFFFF  }
0x232: {  	s31 =	rddreg [dreg:$0x1]  }
0x233: {  	s0 =	sadd.s32 $0x100000, s31  }
0x234: {  	[sflag:s0] =	ssyncadd.tile.s32 $0x1;
	_ =	shalt  }
.Lfunc_end3:
_tile_overlayer_lowered:
.L_overlay_start_3:
0x235: {  	(tag) =	ssettag $0x3  }
0x236: {  	s0 =	rddreg [dreg:$0x0];
	s2 =	stileid.u32  }
0x237: {  	s1 =	rddreg [dreg:$0x1];
	p0 =	sne.s32 s2, $0x0  }
0x238: {  	s3 =	rddreg [dreg:$0x2];
	[bflag:$0x3] =	sbarrier.arrive $0xFFFF;
	s2 =	simm.s32 @!p0 $0x1C01  }
0x239: {  	[timem:s3], [sflag:s2] =	dma.local @!p0 [hbm:s0], s1  }
0x23a: {  	s0 =	simm.s32 @!p0 $0x1  }
0x23b: {  	_ =	swait.ge @!p0 [sflag:s0], s1  }
0x23c: {  	s1 =	ssub.s32 @!p0 $0x0, s1;
	[sflag:s0] =	ssyncset.done @!p0 $0x0  }
0x23d: {  	[sflag:s0] =	ssyncadd.s32 @!p0 s1  }
0x23e: {  	[bflag:$0x3] =	sbarrier.arrive $0xFFFF  }
0x23f: {  	_ =	shalt  }

// kernel: scatter_offload_async_start.2
scs
__scs_entry_jumppad:
0x0: {  	(pc) =	sbr.rel $0x88, $3  }
0x1: {  	(tag) =	ssettag $0x0;
	lr =	simm.s32 $0x1  }
0x2: {  	[smem:$0x3F8E] =	sst lr;
	_ =	strace $0xD0000000  }
0x3: {  	_ = 	snop  }
0x4: {  	_ = 	snop  }
0x5: {  	_ = 	snop  }
0x6: {  	_ = 	snop  }
0x7: {  	_ = 	snop  }
__scs_overlays_trampoline_lowered:
0x8: {  	[smem:$0x3F9D] =	sst s0  }
0x9: {  	[smem:$0x3F9E] =	sst s1  }
0xa: {  	[smem:$0x3F9F] =	sst s2  }
0xb: {  	[smem:$0x3FA0] =	sst s3  }
0xc: {  	[smem:$0x3FA1] =	sst s4  }
0xd: {  	[smem:$0x3FA2] =	sst s5  }
0xe: {  	[smem:$0x3FA3] =	sst s6  }
0xf: {  	[smem:$0x3FA4] =	sst s7  }
0x10: {  	[smem:$0x3FA5] =	sst s8  }
0x11: {  	[smem:$0x3FA6] =	sst s9;
	s0 =	simm.s32 @!p0 $0x0  }
0x12: {  	s1 =	sld [smem:$0x3F8C];
	s0 =	simm.s32 @p0 $0x1  }
0x13: {  	[smem:$0x3FA7] =	sst s0;
	s0 =	simm.s32 @!p1 $0x0  }
0x14: {  	s2 =	sld [smem:$0x3F8B];
	s0 =	simm.s32 @p1 $0x1  }
0x15: {  	[smem:$0x3FA8] =	sst s0;
	s0 =	simm.s32 @!p2 $0x0  }
0x16: {  	s3 =	sld [smem:$0x3FDB];
	s0 =	simm.s32 @p2 $0x1  }
0x17: {  	s4 =	simm.s32 $0x1BF5;
	[smem:$0x3FAA] =	sst s0  }
0x18: {  	s0 =	sld [smem:$0x3F8D];
	_ =	swait.ge [sflag:s4], $0x0  }
0x19: {  	s7 =	sld [smem:$0x3F8E]  }
0x1a: {  	s8 =	sadd.s32 $0xFFFFE003, lr  }
0x1b: {  	s9 =	sadd.s32 $0xFFFFFEF7, lr;
	s5 =	simm.s32 $0xFFFFFFFF;
	p2 =	slt.u32 s8, $0xFFFFF086  }
0x1c: {  	p1 =	slt.u32 s9, $0xF7A;
	s5 =	simm.s32 @!p2 $0x0  }
0x1d: {  	s5 =	simm.s32 @p1 $0x1;
	p0 =	seq.s32 s7, s2  }
0x1e: {  	s7 =	smul.u32 @!p0 $0xF7A, s2;
	p2 =	seq.s32 @!p0 s5, $0x0  }
0x1f: {  	s9 =	smul.u32 $0xF7A, s1;
	s8 =	simm.s32 @!p0 $0x1BF5;
	p2 =	por !p2, p0  }
0x20: {  	[sflag:s8] =	ssyncset.s32 @!p0 $0xFFFFF086;
	s6 =	sadd.s32 @!p0 s3, s7;
	s7 =	simm.s32 @!p0 $0x108  }
0x21: {  	s3 =	sadd.s32 s3, s9;
	s6 =	sadd.s32 @!p0 $0x88, s6;
	s7 =	simm.s32 @p2 $0x1082  }
0x22: {  	[simem:s7], [sflag:s8] =	dma.local @!p0 [hbm:s6], $0xF7A  }
0x23: {  	s9 =	sor.u32 $0xD0000000, s2;
	s6 =	simm.s32 $0x108;
	_ =	swait.ge @!p0 [sflag:s8], $0x0  }
0x24: {  	s3 =	sadd.s32 $0x88, s3;
	s6 =	simm.s32 @!p1 $0x1082;
	[sflag:s4] =	ssyncset.s32 $0xFFFFF086  }
0x25: {  	[simem:s6], [sflag:s4] =	dma.local [hbm:s3], $0xF7A  }
0x26: {  	[smem:$0x3F8E] =	sst s1;
	(tag) =	ssettag s2;
	_ =	strace s9  }
0x27: {  	s1 =	sld [smem:$0x3F9E]  }
0x28: {  	s2 =	sld [smem:$0x3F9F]  }
0x29: {  	s4 =	sld [smem:$0x3FA1]  }
0x2a: {  	p0 =	seq.s32 s5, $0x0;
	s5 =	sld [smem:$0x3FA2]  }
0x2b: {  	s6 =	sld [smem:$0x3FA3]  }
0x2c: {  	s7 =	sld [smem:$0x3FA4]  }
0x2d: {  	s3 =	simm.s32 $0x108;
	s8 =	sld [smem:$0x3FA5]  }
0x2e: {  	s3 =	simm.s32 @!p0 $0x1082;
	s9 =	sld [smem:$0x3FA6]  }
0x2f: {  	lr =	sadd.s32 s0, s3;
	s0 =	sld [smem:$0x3F9D]  }
0x30: {  	s3 =	sld [smem:$0x3FA0]  }
0x31: {  	[smem:$0x3FA9] =	sst s10  }
0x32: {  	s10 =	sld [smem:$0x3FA7];
	_ =	sdelay $0x3  }
0x33: {  	p0 =	seq.s32 s10, $0x1;
	s10 =	sld [smem:$0x3FA9];
	_ =	sdelay $0x3  }
0x34: {  	[smem:$0x3FA9] =	sst s10  }
0x35: {  	s10 =	sld [smem:$0x3FA8];
	_ =	sdelay $0x3  }
0x36: {  	p1 =	seq.s32 s10, $0x1;
	s10 =	sld [smem:$0x3FA9];
	_ =	sdelay $0x3  }
0x37: {  	[smem:$0x3FA9] =	sst s10  }
0x38: {  	s10 =	sld [smem:$0x3FAA]  }
0x39: {  	_ = 	snop;
	(pc) =	sbr.ind lr, $3  }
0x3a: {  	_ = 	snop  }
0x3b: {  	_ = 	snop  }
0x3c: {  	p2 =	seq.s32 s10, $0x1;
	s10 =	sld [smem:$0x3FA9]  }
0x3d: {  	_ =	shalt  }
0x3e: {  	_ =	shalt  }
0x3f: {  	_ =	shalt  }
0x40: {  	_ =	shalt  }
0x41: {  	_ =	shalt  }
0x42: {  	_ =	shalt  }
0x43: {  	_ =	shalt  }
0x44: {  	_ =	shalt  }
0x45: {  	_ =	shalt  }
0x46: {  	_ =	shalt  }
0x47: {  	_ =	shalt  }
0x48: {  	_ =	shalt  }
0x49: {  	_ =	shalt  }
0x4a: {  	_ =	shalt  }
0x4b: {  	_ =	shalt  }
0x4c: {  	_ =	shalt  }
0x4d: {  	_ =	shalt  }
0x4e: {  	_ =	shalt  }
0x4f: {  	_ =	shalt  }
0x50: {  	_ =	shalt  }
0x51: {  	_ =	shalt  }
0x52: {  	_ =	shalt  }
0x53: {  	_ =	shalt  }
0x54: {  	_ =	shalt  }
0x55: {  	_ =	shalt  }
0x56: {  	_ =	shalt  }
0x57: {  	_ =	shalt  }
0x58: {  	_ =	shalt  }
0x59: {  	_ =	shalt  }
0x5a: {  	_ =	shalt  }
0x5b: {  	_ =	shalt  }
0x5c: {  	_ =	shalt  }
0x5d: {  	_ =	shalt  }
0x5e: {  	_ =	shalt  }
0x5f: {  	_ =	shalt  }
0x60: {  	_ =	shalt  }
0x61: {  	_ =	shalt  }
0x62: {  	_ =	shalt  }
0x63: {  	_ =	shalt  }
0x64: {  	_ =	shalt  }
0x65: {  	_ =	shalt  }
0x66: {  	_ =	shalt  }
0x67: {  	_ =	shalt  }
0x68: {  	_ =	shalt  }
0x69: {  	_ =	shalt  }
0x6a: {  	_ =	shalt  }
0x6b: {  	_ =	shalt  }
0x6c: {  	_ =	shalt  }
0x6d: {  	_ =	shalt  }
0x6e: {  	_ =	shalt  }
0x6f: {  	_ =	shalt  }
0x70: {  	_ =	shalt  }
0x71: {  	_ =	shalt  }
0x72: {  	_ =	shalt  }
0x73: {  	_ =	shalt  }
0x74: {  	_ =	shalt  }
0x75: {  	_ =	shalt  }
0x76: {  	_ =	shalt  }
0x77: {  	_ =	shalt  }
0x78: {  	_ =	shalt  }
0x79: {  	_ =	shalt  }
0x7a: {  	_ =	shalt  }
0x7b: {  	_ =	shalt  }
0x7c: {  	_ =	shalt  }
0x7d: {  	_ =	shalt  }
0x7e: {  	_ =	shalt  }
0x7f: {  	_ =	shalt  }
0x80: {  	_ =	shalt  }
0x81: {  	_ =	shalt  }
0x82: {  	_ =	shalt  }
0x83: {  	_ =	shalt  }
0x84: {  	_ =	shalt  }
0x85: {  	_ =	shalt  }
0x86: {  	_ =	shalt  }
0x87: {  	_ =	shalt  }
.Lfunc_end0:
.L_simem_size_0:
called_computation.2_lowered:
.L_overlay_start_0:
0x88: {  	s0 =	sld [smem:$0x3FD9]  }
0x89: {  	s1 =	sld [smem:$0x3FFE];
	_ =	sdelay $0x3  }
0x8a: {  	s0 =	sadd.s32 s1, s0  }
0x8b: {  	[smem:$0x3FB5] =	sst s0  }
0x8c: {  	_ = 	snop  }
0x8d: {  	(tm) =	ssettm $0x1  }
0x8e: {  	s15 =	sld [smem:$0x3FFB];
	_ =	sdelay $0x3  }
0x8f: {  	_ =	strace s15  }
0x90: {  	s0 =	sld [smem:$0x3FFC];
	_ =	sdelay $0x3  }
0x91: {  	_ =	strace s0  }
0x92: {  	s0 =	sld [smem:$0x3FFD];
	_ =	sdelay $0x3  }
0x93: {  	_ =	strace s0  }
0x94: {  	_ =	strace $0x8FFFFFFF  }
0x95: {  	s16 =	sld [smem:$0x3FDB];
	_ =	sdelay $0x1  }
0x96: {  	s17 =	simm.s32 $_scs_section_size  }
0x97: {  	s2 =	simm.s32 $_size__tile_overlayer_lowered;
	s3 =	simm.s32 $_tile_overlayer_lowered  }
0x98: {  	s20 =	simm.s32 $0x1BFF;
	s19 =	sshll.u32 s3, $0x1;
	s0 =	sadd.s32 s17, s16  }
0x99: {  	s4 =	simm.s32 $0x0;
	s18 =	sshll.u32 s2, $0x1;
	s2 =	sadd.s32 s19, s0  }
0x9a: {  	[timem:s4], [sflag:s20] =	dma.local [hbm:s2], s18  }
0x9b: {  	_ =	swait.ge [sflag:s20], s18  }
0x9c: {  	s1 =	ssub.s32 $0x0, s18;
	[sflag:s20] =	ssyncset.done $0x0  }
0x9d: {  	[sflag:s20] =	ssyncadd.s32 s1;
	_ =	sdelay $0x1  }
0x9e: {  	s21 =	simm.s32 $0x1B8B  }
0x9f: {  	_ =	swait.ge [sflag:s21], $0x1  }
0xa0: {  	[sflag:s21] =	ssyncset.done $0x0  }
0xa1: {  	s23 =	simm.s32 $0x1B8E;
	s22 =	sld [smem:$0x3FFE];
	[sflag:s21] =	ssyncadd.s32 $0xFFFFFFFF  }
0xa2: {  	s24 =	simm.s32 $execute0_lowered;
	[smem:$0x3FD2] =	sst s23  }
0xa3: {  	s2 =	sshll.u32 s24, $0x1;
	_ =	strace $0x8000005E;
	[dreg:$0x1] =	wrdreg $0xFFFFFFFF  }
0xa4: {  	s25 =	simm.s32 $_size_execute0_lowered;
	s0 =	sadd.s32 s0, s2;
	[dreg:$0x0] =	wrdreg $0x0  }
0xa5: {  	s2 =	sshll.u32 s25, $0x1;
	[dreg:$0x2] =	wrdreg s0  }
0xa6: {  	[dreg:$0x3] =	wrdreg s2  }
0xa7: {  	[dreg:$0x4] =	wrdreg $0xC0  }
0xa8: {  	_ =	task [dreg:s4], $0x5FFFF  }
0xa9: {  	[dreg:$0x1] =	wrdreg $0xFFFFFFFF  }
0xaa: {  	[dreg:$0x0] =	wrdreg $0x60  }
0xab: {  	[dreg:$0x2] =	wrdreg s22  }
0xac: {  	[dreg:$0x3] =	wrdreg $0x9  }
0xad: {  	_ =	task.clear_ibuf [dreg:s4], $0x4FFFF;
	_ =	strace $0x9000005E  }
0xae: {  	s26 =	simm.s32 $0x9;
	_ =	strace $0x80000060  }
0xaf: {  	_ =	swait.ge [sflag:s26], $0x1  }
0xb0: {  	[sflag:s26] =	ssyncadd.s32 $0xFFFFFFFF  }
0xb1: {  	_ =	strace $0x90000060  }
0xb2: {  	_ =	sfence  }
0xb3: {  	s28 =	sld [smem:$0x0];
	_ =	sdelay $0x1  }
0xb4: {  	s29 =	srdreg.scid  }
0xb5: {  	s30 =	sshll.u32 s29, $0xD;
	s31 =	sshrl.u32 s29, $0x2  }
0xb6: {  	s1 =	sand.u32 $0x1, s29;
	s2 =	sand.u32 $0x4000, s30;
	s0 =	sadd.s32 s31, s28  }
0xb7: {  	s1 =	sor.u32 s2, s1;
	s0 =	sshll.u32 s0, $0x11  }
0xb8: {  	s0 =	sor.u32 s0, s1  }
0xb9: {  	s0 =	sadd.s32 $0x8F2B, s0  }
0xba: {  	[sflag:s0] =	ssyncadd.remote.s32 $0x1  }
0xbb: {  	_ =	sfence.sel $0xFFFF  }
0xbc: {  	[dreg:$0x0] =	wrdreg $0xFFFFFFFF;
	(pc) =	sbr.abs _section_cstart, $3  }
0xbd: {  	[dreg:$0x1] =	wrdreg $0xFFFFFFFF  }
0xbe: {  	_ =	task.clear_ibuf [dreg:s4], $0x2FFFF;
	_ =	strace $0x9FFFFFFF  }
0xbf: {  	(tm) =	ssettm $0x7FFFFFFF  }
tec
execute0_lowered:
.L_overlay_start_1:
0x0: {  	(tag) =	ssettag $0x1  }
0x1: {  	s0 =	rddreg [dreg:$0x0];
	_ =	strace $0x8000005F;
	s1 =	simm.s32 $0x1  }
0x2: {  	s8 =	simm.s32 $0x108;
	v0 =	vimm.s32 $0x0;
	[sflag:s1] =	ssyncpa.u1 $0x0  }
0x3: {  	[tilespmem:s8+$0x70] =	vst v0  }
0x4: {  	[tilespmem:s8+$0x60] =	vst v0  }
0x5: {  	[tilespmem:s8+$0x50] =	vst v0  }
0x6: {  	[tilespmem:s8+$0x40] =	vst v0  }
0x7: {  	[tilespmem:s8+$0x30] =	vst v0  }
0x8: {  	s2 =	simm.s32 $0x40;
	s1 =	sadd.s32 $0x84A00, s0;
	[tilespmem:s8+$0x20] =	vst v0  }
0x9: {  	s3 =	sadd.s32 $0x3E00, s0;
	s4 =	sadd.s32 $0x611A00, s0;
	s5 =	sadd.s32 $0x7A800, s0;
	[tilespmem:s8+$0x10] =	vst v0  }
.LBB2_1:
0xa: {  	s2 =	sadd.s32 $0x40, s2;
	[tilespmem:s8+$0x0] =	vst v0;
	s8 =	sadd.s32 $0x80, s8  }
0xb: {  	p0 =	slt.u32 s2, $0x3C40;
	[tilespmem:s8+$0x70] =	vst v0  }
0xc: {  	[tilespmem:s8+$0x60] =	vst v0  }
.Ltmp0:
0xd: {  	[tilespmem:s8+$0x50] =	vst v0;
	(pc) =	sbr.rel @p0 .LBB2_1-.Ltmp0, $4  }
0xe: {  	[tilespmem:s8+$0x40] =	vst v0  }
0xf: {  	[tilespmem:s8+$0x30] =	vst v0  }
0x10: {  	[tilespmem:s8+$0x20] =	vst v0  }
0x11: {  	[tilespmem:s8+$0x10] =	vst v0  }
0x12: {  	s13 =	stileid.u32  }
0x13: {  	s0 =	simm.s32 $0x4FB0;
	s6 =	smul.u32 $0x50A0, s13;
	p0 =	seq.s32 s13, $0xF  }
0x14: {  	s0 =	simm.s32 @!p0 $0x50A0  }
0x15: {  	s0 =	sadd.s32 s6, s0  }
0x16: {  	s7 =	smin.u32 s0, $0x50910  }
0x17: {  	s0 =	ssub.s32 s7, s6  }
0x18: {  	p0 =	sgt.s32 s0, $0x0  }
0x19: {  	s0 =	simm.s32 @!p0 $0x0  }
0x1a: {  	s2 =	simm.s32 $0x2;
	s9 =	simm.s32 $0x7;
	s31 =	smulhi.u32 $0x1111112, s0  }
0x1b: {  	s10 =	simm.s32 $0x8;
	s19 =	simm.s32 $0x0;
	s15 =	simm.s32 $0xA  }
0x1c: {  	s17 =	simm.s32 $0x0;
	s18 =	simm.s32 $0x0;
	s11 =	smul.u32 $0xF0, s31  }
.Ltmp1:
0x1d: {  	[tilespmem:s8+$0x0] =	vst v0;
	v0 =	vimm.s32 $0xFFFFFFFF;
	[sflag:s2] =	ssyncpa.u1 $0x0;
	s13 =	sshll.u32 s13, $0x8;
	(pc) =	sbr.rel .LBB2_3-.Ltmp1, $4  }
0x1e: {  	[tilespmem:$0xF208] =	vst v0;
	[sflag:s9] =	ssyncpa.u1 $0x0;
	p0 =	sne.s32 s0, s11;
	s0 =	simm.s32 $0x1  }
0x1f: {  	[sflag:s10] =	ssyncpa.u1 $0x0;
	s10 =	simm.s32 $0x9;
	s0 =	simm.s32 @!p0 $0x0  }
0x20: {  	s16 =	smov.u32 s6;
	[sflag:s10] =	ssyncpa.u1 $0x0;
	s12 =	sadd.s32 s0, s31  }
0x21: {  	v0 =	vlaneseq.u32;
	s11 =	simm.s32 $0x1;
	p0 =	por $0x0, $0x0;
	s14 =	sadd.s32 $0x1, s12  }
.LBB2_18:
0x22: {  	s0 =	sshrl.u32 s28, $0x2  }
.LBB2_20:
0x23: {  	_ =	swait.ge [sflag:s15], s0  }
0x24: {  	s31 =	ssub.s32 $0x0, s0;
	v1 =	vmov s21;
	vm0 =	veq.s32 v0, $0x0;
	[sflag:s15] =	ssyncset.done $0x0  }
0x25: {  	vm15 =	veq.s32 v0, $0x2;
	v1 =	vsel vm0, s26, v1;
	[sflag:s15] =	ssyncadd.s32 s31  }
0x26: {  	v1 =	vsel vm15, s19, v1;
	[sflag:s15] =	ssyncpa.u1 $0x1  }
0x27: {  	[tilespmem:$0xF208] =	vst v1  }
.LBB2_21:
0x28: {  	s0 =	sadd.s32 $0xF0, s16  }
0x29: {  	s2 =	smov.u32 s6;
	p1 =	slt.s32 s0, s7  }
0x2a: {  	s2 =	smov.u32 @p1 s0;
	p1 =	sne.s32 s18, s14  }
.Ltmp2:
0x2b: {  	_ = 	snop;
	(pc) =	sbr.rel @!p1 .LBB2_22-.Ltmp2, $3  }
0x2c: {  	_ =	sdelay $0x1  }
0x2d: {  	s19 =	smov.u32 s17;
	s31 =	sadd.s32 $0x1, s18;
	s17 =	smov.u32 s16  }
0x2e: {  	p0 =	por !p0, !p0;
	s18 =	smov.u32 s31;
	s16 =	smov.u32 s2  }
.LBB2_3:
0x2f: {  	p1 =	sge.u32 s18, s12  }
0x30: {  	s0 =	smulhi.u32 @!p1 $0xAAAAAAAB, s18  }
0x31: {  	s2 =	smov.u32 s16;
	p2 =	sgt.s32 @!p1 s16, $0x50820  }
0x32: {  	s20 =	sshra.s32 @!p1 s16, $0x1F;
	p2 =	por !p2, p1;
	s0 =	sshrl.u32 @!p1 s0, $0x1  }
0x33: {  	s20 =	sand.u32 @!p1 s20, s16;
	s2 =	simm.s32 @p2 $0x50820;
	s0 =	smul.u32 @!p1 $0x3, s0  }
0x34: {  	s2 =	ssub.s32 @!p1 s2, s20  }
0x35: {  	s2 =	sadd.s32 @!p1 $0xFFFAF7E0, s2;
	s0 =	ssub.s32 @!p1 s18, s0  }
0x36: {  	s20 =	sshll.u32 @!p1 s2, $0x2;
	p2 =	sgt.s32 @!p1 s2, $0xEF;
	s0 =	smul.u32 @!p1 $0x3C0, s0  }
0x37: {  	s21 =	sand.u32 @!p1 $0x7, s16;
	s2 =	ssub.s32 @!p1 $0x3C0, s20;
	p2 =	por !p2, p1  }
0x38: {  	s20 =	sshrl.u32 @!p1 s16, $0x3;
	s2 =	sshrl.u32 @!p1 s2, $0x2;
	s0 =	sshrl.u32 @!p1 s0, $0x2  }
0x39: {  	s20 =	sadd.s32 @!p1 s5, s20;
	s2 =	simm.s32 @!p2 $0x0;
	s0 =	sadd.s32 @!p1 $0x10238, s0  }
0x3a: {  	[tilespmem:s0], [sflag:$0x8] =	stream.linear.gather @!p1 [hbm4b:s20+s21], s2, $0x38;
	[tilespmem:$0x1F6E8] =	vst v63  }
0x3b: {  	s0 =	sadd.s32 $0xFFFFFFFF, s18  }
0x3c: {  	p1 =	sge.u32 s0, s12  }
0x3d: {  	p2 =	sgt.s32 @!p1 s17, $0x50820  }
0x3e: {  	s2 =	smov.u32 s17;
	s20 =	sshra.s32 @!p1 s17, $0x1F;
	p2 =	por !p2, p1  }
0x3f: {  	s20 =	sand.u32 @!p1 s20, s17;
	s2 =	simm.s32 @p2 $0x50820  }
0x40: {  	s2 =	ssub.s32 @!p1 s2, s20  }
0x41: {  	s2 =	sadd.s32 @!p1 $0xFFFAF7E0, s2  }
0x42: {  	s21 =	smulhi.u32 @!p1 $0xAAAAAAAB, s0;
	s22 =	sand.u32 @!p1 $0x1, s0;
	s20 =	sshll.u32 @!p1 s2, $0x2  }
0x43: {  	s24 =	smul.u32 @!p1 $0x3C0, s22;
	p2 =	sgt.s32 @!p1 s2, $0xEF;
	s2 =	ssub.s32 @!p1 $0x3C0, s20  }
0x44: {  	p2 =	por !p2, p1;
	s20 =	sshrl.u32 @!p1 s21, $0x1;
	s2 =	sshrl.u32 @!p1 s2, $0x2  }
0x45: {  	s21 =	simm.s32 @!p1 $0x8;
	s20 =	smul.u32 @!p1 $0x3, s20;
	s2 =	simm.s32 @!p2 $0x0  }
0x46: {  	s22 =	smul.u32 @!p1 $0x1E000, s22;
	_ =	swait.ge @!p1 [sflag:s21], s2;
	s23 =	ssub.s32 @!p1 $0x0, s2  }
0x47: {  	s0 =	ssub.s32 @!p1 s0, s20;
	s20 =	sshrl.u32 @!p1 s17, $0x3;
	[sflag:s21] =	ssyncset.done @!p1 $0x0  }
0x48: {  	s20 =	sadd.s32 @!p1 s3, s20;
	[sflag:s21] =	ssyncadd.s32 @!p1 s23;
	s21 =	sshrl.u32 @!p1 s24, $0x2  }
0x49: {  	s0 =	smul.u32 @!p1 $0x3C0, s0;
	s23 =	sand.u32 @!p1 $0x7, s17;
	s21 =	sor.u32 @!p1 $0x10508, s21  }
0x4a: {  	[tilespmem:s21], [sflag:$0x9] =	stream.linear.gather @!p1 [hbm4b:s20+s23], s2, $0x38;
	[tilespmem:$0x1F6E8] =	vst v63  }
0x4b: {  	s0 =	sshrl.u32 @!p1 s0, $0x2;
	s2 =	sshrl.u32 @!p1 s22, $0x2  }
0x4c: {  	s0 =	sadd.s32 @!p1 $0x10238, s0;
	s20 =	simm.s32 @!p1 $0xF0;
	s2 =	sor.u32 @!p1 $0x106E8, s2  }
0x4d: {  	[tilespmem:s2], [sflag:$0x7] =	stream.indirect.gather @!p1 [hbm4b:s4+s20], $0x80, s0, s20, $0xb8;
	[tilespmem:$0x1F6E8] =	vst v63  }
0x4e: {  	p1 =	slt.u32 s18, $0x2  }
.Ltmp3:
0x4f: {  	_ = 	snop;
	(pc) =	sbr.rel @p1 .LBB2_21-.Ltmp3, $1  }
0x50: {  	_ =	sdelay $0x3  }
0x51: {  	p1 =	sgt.s32 s19, $0x50820;
	s0 =	smov.u32 s19;
	s2 =	sshra.s32 s19, $0x1F  }
0x52: {  	s0 =	simm.s32 @!p1 $0x50820;
	s2 =	sand.u32 s2, s19  }
0x53: {  	s0 =	ssub.s32 s0, s2  }
0x54: {  	s0 =	sadd.s32 $0xFFFAF7E0, s0  }
0x55: {  	s30 =	sshll.u32 s0, $0x2  }
0x56: {  	_ =	swait.ge [sflag:s9], $0x7800;
	s2 =	ssub.s32 $0x3C0, s30  }
0x57: {  	[sflag:s9] =	ssyncset.done $0x0;
	p1 =	sgt.s32 s0, $0xEF;
	s0 =	sshrl.u32 s2, $0x2  }
0x58: {  	[sflag:s9] =	ssyncadd.s32 $0xFFFF8800;
	s0 =	simm.s32 @p1 $0x0  }
0x59: {  	_ =	swait.ge [sflag:s10], s0  }
0x5a: {  	s0 =	ssub.s32 $0x0, s0;
	[sflag:s10] =	ssyncset.done $0x0  }
0x5b: {  	[sflag:s10] =	ssyncadd.s32 s0  }
0x5c: {  	v1 =	vld [tilespmem:$0xF208];
	_ =	sdelay $0x4  }
0x5d: {  	(v2sf) =	vpush v1, $0x0  }
0x5e: {  	(v2sf) =	vpush v1, $0x1  }
0x5f: {  	(v2sf) =	vpush v1, $0x2;
	_ =	sdelay $0x3  }
0x60: {  	s0 =	sadd.s32 $0xF0, s19  }
0x61: {  	s2 =	ssub.s32 $0x50910, s19;
	p1 =	slt.s32 s7, s0  }
0x62: {  	s0 =	smov.u32 @p1 s7;
	p1 =	sgt.s32 s2, $0x0  }
0x63: {  	s23 =	ssub.s32 s0, s19;
	s2 =	simm.s32 @!p1 $0x0  }
0x64: {  	p1 =	slt.s32 s2, s23  }
0x65: {  	s23 =	smov.u32 @p1 s2  }
0x66: {  	s22 =	simm.s32 $0x1;
	p1 =	slt.s32 s23, $0x1  }
.Ltmp4:
0x67: {  	s22 =	simm.s32 @!p0 $0x0;
	(pc) =	sbr.rel @p1 .LBB2_8-.Ltmp4, $4  }
0x68: {  	s31 =	smul.u32 $0x3C0, s22  }
0x69: {  	s24 =	spop (v2sf)  }
0x6a: {  	s0 =	sshrl.u32 s31, $0x2;
	s26 =	spop (v2sf)  }
0x6b: {  	s20 =	sor.u32 $0x10508, s0;
	s19 =	spop (v2sf)  }
0x6c: {  	s0 =	smin.u32 s23, $0x10  }
0x6d: {  	v1 =	vmov s0  }
0x6e: {  	p2 =	sgt.s32 s23, $0x10;
	vm1 =	vgt.u32 v1, v0  }
.Ltmp5:
0x6f: {  	_ = 	snop;
	(pc) =	sbr.rel @!p2 .LBB2_7-.Ltmp5, $2  }
0x70: {  	_ =	sdelay $0x2  }
0x71: {  	s25 =	simm.s32 $0x10;
	s28 =	sadd.s32 $0xFFFFFFF0, s23;
	s21 =	smov.u32 s20;
	vm0 =	vmmov vm1  }
.LBB2_6:
0x72: {  	s0 =	smin.u32 s28, $0x10;
	s25 =	sadd.s32 $0x10, s25;
	v1 =	vld.msk [tilespmem:s21+$0x0 ss:$0x1], vm1  }
0x73: {  	v2 =	vmov s0;
	p2 =	slt.s32 s25, s23  }
0x74: {  	vm1 =	vgt.u32 v2, v0  }
.Ltmp6:
0x75: {  	(pc) =	sbr.rel @p2 .LBB2_6-.Ltmp6, $3  }
0x76: {  	_ =	sdelay $0x1  }
0x77: {  	v1 =	vshll.u32 v1, $0x4  }
0x78: {  	s28 =	sadd.s32 $0xFFFFFFF0, s28;
	[tilespmem:s21+$0x0] =	vst.msk vm0, v1;
	s21 =	sadd.s32 $0x10, s21;
	vm0 =	vmmov vm1  }
.LBB2_7:
0x79: {  	_ =	sdelay $0x4  }
0x7a: {  	v1 =	vld.msk [tilespmem:s21+$0x0 ss:$0x1], vm1;
	_ =	sdelay $0x4  }
0x7b: {  	v1 =	vshll.u32 v1, $0x4  }
0x7c: {  	[tilespmem:s21+$0x0] =	vst.msk vm0, v1  }
.LBB2_8:
0x7d: {  	s0 =	sand.u32 $0x1, s18  }
0x7e: {  	s0 =	smul.u32 $0xF0, s0  }
0x7f: {  	p2 =	sne.s32 s26, $0xFFFFFFFF  }
0x80: {  	v1 =	vld.msk @!p2 [tilespmem:s0+$0x10508], $0x1;
	_ =	sdelay $0x4  }
0x81: {  	(v2sf) =	vpush @!p2 v1, $0x0;
	_ =	sdelay $0xc  }
.Ltmp7:
0x82: {  	_ = 	snop;
	(pc) =	sbr.rel @p1 .LBB2_19-.Ltmp7, $4  }
0x83: {  	_ = 	snop  }
0x84: {  	s25 =	spop @!p2 (v2sf)  }
0x85: {  	s19 =	simm.s32 @!p2 $0x0;
	s21 =	smov.u32 s25  }
0x86: {  	[sflag:s15] =	ssyncpa.u1 $0x0;
	s25 =	smov.u32 @p2 s24;
	s21 =	smov.u32 @p2 s26  }
0x87: {  	v1 =	vld.msk [tilespmem:s20+$0x0], $0x1;
	_ =	sdelay $0x4  }
0x88: {  	(v2sf) =	vpush v1, $0x0;
	_ =	sdelay $0xe  }
0x89: {  	s0 =	smul.u32 $0x1E000, s22;
	s29 =	spop (v2sf)  }
0x8a: {  	s23 =	ssub.s32 $0x0, s23;
	p1 =	seq.s32 s25, s29  }
0x8b: {  	s26 =	sadd.s32 $0x1, s23;
	s0 =	sshrl.u32 s0, $0x2;
	p2 =	sgt.s32 @!p1 s25, $0x0  }
0x8c: {  	s22 =	sor.u32 $0x10728, s0;
	s0 =	smov.u32 s25;
	p2 =	por !p2, p1  }
0x8d: {  	s0 =	simm.s32 @p2 $0x0;
	p2 =	seq.s32 s26, $0x0  }
.Ltmp8:
0x8e: {  	_ = 	snop;
	(pc) =	sbr.rel @p2 .LBB2_11-.Ltmp8, $4  }
0x8f: {  	_ = 	snop  }
0x90: {  	s24 =	simm.s32 $0x0;
	s28 =	sadd.s32 $0x1, s20;
	s0 =	smin.u32 @!p1 s0, $0x270F0  }
0x91: {  	s30 =	simm.s32 @!p1 $0x1;
	s31 =	simm.s32 @!p1 $0x7988;
	s2 =	sand.u32 @!p1 $0x3FFF8, s0  }
0x92: {  	s30 =	smov.u32 @p1 s24;
	s0 =	sand.u32 @!p1 $0x7, s0;
	s2 =	sadd.s32 @!p1 s1, s2  }
.LBB2_10:
0x93: {  	s8 =	smov.u32 s30  }
0x94: {  	[tilespmem:s31], [sflag:$0x2] =	stream.linear.gather @!p1 [hbm4b:s2+s0], $0x80, $0x38;
	[tilespmem:$0x1F6E8] =	vst v63  }
0x95: {  	s26 =	sadd.s32 $0x1, s26;
	s0 =	smov.u32 s29;
	v1 =	vld.msk [tilespmem:s28+$0x0], $0x1  }
0x96: {  	p2 =	seq.s32 s26, $0x0;
	_ =	sdelay $0x3  }
0x97: {  	(v2sf) =	vpush v1, $0x0;
	_ =	sdelay $0xe  }
0x98: {  	s29 =	spop (v2sf)  }
0x99: {  	p1 =	seq.s32 s0, s29  }
0x9a: {  	p3 =	sgt.s32 @!p1 s0, $0x0;
	s2 =	sshll.u32 @!p1 s30, $0x9;
	s30 =	sadd.s32 @!p1 $0x1, s30  }
.Ltmp9:
0x9b: {  	p3 =	por !p3, p1;
	s2 =	sshra.s32 @!p1 s2, $0x2;
	(pc) =	sbr.rel @!p2 .LBB2_10-.Ltmp9, $4  }
0x9c: {  	s30 =	smov.u32 @p1 s8;
	s0 =	simm.s32 @p3 $0x0;
	s31 =	sadd.s32 @!p1 $0x7988, s2  }
0x9d: {  	s0 =	smin.u32 @!p1 s0, $0x270F0  }
0x9e: {  	s2 =	sand.u32 @!p1 $0x3FFF8, s0;
	s0 =	sand.u32 @!p1 $0x7, s0  }
0x9f: {  	s28 =	sadd.s32 $0x1, s28;
	s2 =	sadd.s32 @!p1 s1, s2  }
.LBB2_11:
0xa0: {  	[tilespmem:s31], [sflag:$0x2] =	stream.linear.gather @!p1 [hbm4b:s2+s0], $0x80, $0x38;
	[tilespmem:$0x1F6E8] =	vst v63  }
.Ltmp10:
0xa1: {  	s30 =	sshll.u32 s30, $0x7;
	(pc) =	sbr.rel .LBB2_12-.Ltmp10, $4  }
0xa2: {  	s31 =	simm.s32 $0x2;
	s0 =	sand.u32 $0x3FFFFF80, s30  }
0xa3: {  	_ =	swait.ge [sflag:s31], s0  }
0xa4: {  	s0 =	ssub.s32 $0x0, s0;
	[sflag:s31] =	ssyncset.done $0x0  }
0xa5: {  	s28 =	simm.s32 $0x0;
	[sflag:s31] =	ssyncadd.s32 s0  }
.LBB2_13:
0xa6: {  	v1 =	vld [tilespmem:s22+$0xFFFFFFC0];
	_ =	sdelay $0x3  }
0xa7: {  	s0 =	sshra.s32 s0, $0x2  }
0xa8: {  	[tilespmem:s0+$0x108] =	vst.add.f32.msk $0xffff, v1  }
0xa9: {  	v1 =	vld [tilespmem:s22+$0xFFFFFFD0];
	_ =	sdelay $0x4  }
0xaa: {  	[tilespmem:s0+$0x118] =	vst.add.f32.msk $0xffff, v1  }
0xab: {  	v1 =	vld [tilespmem:s22+$0xFFFFFFE0];
	_ =	sdelay $0x4  }
0xac: {  	[tilespmem:s0+$0x128] =	vst.add.f32.msk $0xffff, v1  }
0xad: {  	v1 =	vld [tilespmem:s22+$0xFFFFFFF0];
	_ =	sdelay $0x4  }
0xae: {  	[tilespmem:s0+$0x138] =	vst.add.f32.msk $0xffff, v1  }
0xaf: {  	v1 =	vld [tilespmem:s22+$0x0];
	_ =	sdelay $0x4  }
0xb0: {  	[tilespmem:s0+$0x148] =	vst.add.f32.msk $0xffff, v1  }
0xb1: {  	v1 =	vld [tilespmem:s22+$0x10];
	_ =	sdelay $0x4  }
0xb2: {  	[tilespmem:s0+$0x158] =	vst.add.f32.msk $0xffff, v1  }
0xb3: {  	v1 =	vld [tilespmem:s22+$0x20];
	_ =	sdelay $0x4  }
0xb4: {  	[tilespmem:s0+$0x168] =	vst.add.f32.msk $0xffff, v1  }
0xb5: {  	v1 =	vld [tilespmem:s22+$0x30];
	_ =	sdelay $0x4  }
0xb6: {  	[tilespmem:s0+$0x178] =	vst.add.f32.msk $0xffff, v1  }
.LBB2_17:
0xb7: {  	s23 =	sadd.s32 $0x1, s23  }
0xb8: {  	p1 =	seq.s32 s23, $0x0  }
.Ltmp11:
0xb9: {  	_ = 	snop;
	(pc) =	sbr.rel @p1 .LBB2_18-.Ltmp11, $2  }
0xba: {  	_ =	sdelay $0x2  }
0xbb: {  	s20 =	sadd.s32 $0x1, s20;
	s22 =	sadd.s32 $0x80, s22;
	s25 =	smov.u32 s26  }
.LBB2_12:
0xbc: {  	v1 =	vld.msk [tilespmem:s20+$0x0], $0x1;
	_ =	sdelay $0x4  }
0xbd: {  	(v2sf) =	vpush v1, $0x0;
	_ =	sdelay $0xe  }
0xbe: {  	s26 =	spop (v2sf)  }
0xbf: {  	p1 =	sne.s32 s25, s26  }
.Ltmp12:
0xc0: {  	_ = 	snop;
	(pc) =	sbr.rel @!p1 .LBB2_13-.Ltmp12, $2  }
0xc1: {  	_ =	sdelay $0x2  }
0xc2: {  	s0 =	sshll.u32 s19, $0x9  }
0xc3: {  	p1 =	seq.s32 s25, s21  }
.Ltmp13:
0xc4: {  	_ = 	snop;
	(pc) =	sbr.rel @!p1 .LBB2_15-.Ltmp13, $1  }
0xc5: {  	_ =	sdelay $0x3  }
0xc6: {  	s0 =	sshra.s32 s0, $0x2  }
.Ltmp14:
0xc7: {  	s0 =	sadd.s32 $0x108, s0;
	(pc) =	sbr.rel .LBB2_16-.Ltmp14, $4  }
0xc8: {  	[spmem:s13] =	stream.linear.scatter [tilespmem:s0], [sflag:$0x1], $0x80, $0x38;
	[tilespmem:$0x1F6E8] =	vst v63  }
0xc9: {  	_ =	swait.ge [sflag:s11], $0x80  }
0xca: {  	[sflag:s11] =	ssyncset.done $0x0  }
0xcb: {  	[sflag:s11] =	ssyncadd.s32 $0xFFFFFF80  }
.LBB2_15:
0xcc: {  	s2 =	sshll.u32 s24, $0x9  }
0xcd: {  	s2 =	sshra.s32 s2, $0x2  }
0xce: {  	v1 =	vld [tilespmem:s2+$0x7988];
	_ =	sdelay $0x3  }
0xcf: {  	s0 =	sshra.s32 s0, $0x2  }
0xd0: {  	[tilespmem:s0+$0x108] =	vst.add.f32.msk $0xffff, v1  }
0xd1: {  	v1 =	vld [tilespmem:s2+$0x7998];
	_ =	sdelay $0x4  }
0xd2: {  	[tilespmem:s0+$0x118] =	vst.add.f32.msk $0xffff, v1  }
0xd3: {  	v1 =	vld [tilespmem:s2+$0x79A8];
	_ =	sdelay $0x4  }
0xd4: {  	[tilespmem:s0+$0x128] =	vst.add.f32.msk $0xffff, v1  }
0xd5: {  	v1 =	vld [tilespmem:s2+$0x79B8];
	_ =	sdelay $0x4  }
0xd6: {  	[tilespmem:s0+$0x138] =	vst.add.f32.msk $0xffff, v1  }
0xd7: {  	v1 =	vld [tilespmem:s2+$0x79C8];
	_ =	sdelay $0x4  }
0xd8: {  	[tilespmem:s0+$0x148] =	vst.add.f32.msk $0xffff, v1  }
0xd9: {  	v1 =	vld [tilespmem:s2+$0x79D8];
	_ =	sdelay $0x4  }
0xda: {  	[tilespmem:s0+$0x158] =	vst.add.f32.msk $0xffff, v1  }
0xdb: {  	v1 =	vld [tilespmem:s2+$0x79E8];
	_ =	sdelay $0x4  }
0xdc: {  	[tilespmem:s0+$0x168] =	vst.add.f32.msk $0xffff, v1  }
0xdd: {  	v1 =	vld [tilespmem:s2+$0x79F8];
	_ =	sdelay $0x2  }
0xde: {  	p1 =	sgt.u32 s25, $0x270F0  }
0xdf: {  	s2 =	sand.u32 @!p1 $0x3FFF8, s25  }
0xe0: {  	s8 =	sadd.s32 $0x108, s0;
	[tilespmem:s0+$0x178] =	vst.add.f32.msk $0xffff, v1;
	s0 =	sadd.s32 @!p1 s1, s2;
	s2 =	sand.u32 @!p1 $0x7, s25  }
0xe1: {  	[hbm4b:s0+s2] =	stream.linear.scatter @!p1 [tilespmem:s8], [sflag:$0xA], $0x80, $0x38;
	[tilespmem:$0x1F6E8] =	vst v63  }
0xe2: {  	s0 =	simm.s32 $0x0  }
0xe3: {  	s0 =	simm.s32 @!p1 $0x200  }
0xe4: {  	s28 =	sadd.s32 s0, s28  }
.LBB2_16:
0xe5: {  	s0 =	sadd.s32 $0x1, s19  }
0xe6: {  	s2 =	smulhi.u32 $0x88888889, s0;
	_ =	sdelay $0x1  }
0xe7: {  	v1 =	vld [tilespmem:s22+$0xFFFFFFC0];
	s2 =	sshrl.u32 s2, $0x7  }
0xe8: {  	s2 =	smul.u32 $0xF0, s2;
	_ =	sdelay $0x1  }
0xe9: {  	s19 =	ssub.s32 s0, s2  }
0xea: {  	s0 =	sshll.u32 s19, $0x7  }
0xeb: {  	[tilespmem:s0+$0x108] =	vst v1  }
0xec: {  	v1 =	vld [tilespmem:s22+$0xFFFFFFD0];
	_ =	sdelay $0x4  }
0xed: {  	[tilespmem:s0+$0x118] =	vst v1  }
0xee: {  	v1 =	vld [tilespmem:s22+$0xFFFFFFE0];
	_ =	sdelay $0x4  }
0xef: {  	[tilespmem:s0+$0x128] =	vst v1  }
0xf0: {  	v1 =	vld [tilespmem:s22+$0xFFFFFFF0];
	_ =	sdelay $0x4  }
0xf1: {  	[tilespmem:s0+$0x138] =	vst v1  }
0xf2: {  	v1 =	vld [tilespmem:s22+$0x0];
	_ =	sdelay $0x4  }
0xf3: {  	[tilespmem:s0+$0x148] =	vst v1  }
0xf4: {  	v1 =	vld [tilespmem:s22+$0x10];
	_ =	sdelay $0x4  }
0xf5: {  	[tilespmem:s0+$0x158] =	vst v1  }
0xf6: {  	v1 =	vld [tilespmem:s22+$0x20];
	_ =	sdelay $0x4  }
0xf7: {  	[tilespmem:s0+$0x168] =	vst v1  }
0xf8: {  	v1 =	vld [tilespmem:s22+$0x30]  }
.Ltmp15:
0xf9: {  	_ = 	snop;
	(pc) =	sbr.rel .LBB2_17-.Ltmp15, $2  }
0xfa: {  	_ =	sdelay $0x2  }
0xfb: {  	s24 =	sadd.s32 $0x1, s24;
	[tilespmem:s0+$0x178] =	vst v1  }
.LBB2_19:
.Ltmp16:
0xfc: {  	(pc) =	sbr.rel .LBB2_20-.Ltmp16, $4  }
0xfd: {  	_ = 	snop  }
0xfe: {  	s0 =	simm.s32 $0x2  }
0xff: {  	_ =	swait.ge [sflag:s0], $0x0  }
0x100: {  	s26 =	smov.u32 s25;
	[sflag:s0] =	ssyncset.done $0x0;
	s0 =	simm.s32 $0x0  }
.LBB2_22:
0x101: {  	_ =	sfence.sel $0x180000  }
0x102: {  	s0 =	simm.s32 $0x7;
	[bflag:$0x0] =	sbarrier.arrive $0xFFFF  }
0x103: {  	s25 =	simm.s32 $0x8;
	[sflag:s0] =	ssyncpa.u1 $0x1  }
0x104: {  	s26 =	simm.s32 $0x9;
	[sflag:s25] =	ssyncpa.u1 $0x1  }
0x105: {  	s28 =	simm.s32 $0x2;
	[sflag:s26] =	ssyncpa.u1 $0x1  }
0x106: {  	[sflag:s28] =	ssyncpa.u1 $0x1  }
0x107: {  	v0 =	vld [tilespmem:$0xF208];
	_ =	sdelay $0x4  }
0x108: {  	(v2sf) =	vpush v0, $0x0  }
0x109: {  	(v2sf) =	vpush v0, $0x1;
	_ =	sdelay $0x1  }
0x10a: {  	(v2sf) =	vpush v0, $0x2;
	_ =	sdelay $0xb  }
0x10b: {  	s0 =	spop (v2sf)  }
0x10c: {  	s2 =	spop (v2sf)  }
0x10d: {  	s3 =	smov.u32 s0;
	p0 =	sne.s32 s0, s2  }
0x10e: {  	s4 =	spop (v2sf);
	s3 =	simm.s32 @!p0 $0xFFFFFFFF  }
0x10f: {  	v2 =	vimm.s32 $0x1;
	v3 =	vlaneseq.u32;
	p0 =	seq.s32 s4, $0xFFFFFFFF;
	v1 =	vmov s3  }
0x110: {  	s7 =	stileid.u32;
	v0 =	vperm.xlane v0, v2;
	p1 =	sne.s32 @!p0 s0, s2;
	v1 =	vperm.xlane v1, v3  }
0x111: {  	vm0 =	vcmask $0x3F04;
	s6 =	simm.s32 $0xF208;
	s0 =	simm.s32 @!p0 $0x1;
	p1 =	por !p1, p0  }
0x112: {  	s3 =	sshll.u32 s7, $0x1;
	s2 =	sshll.u32 @!p0 s4, $0x9;
	s0 =	simm.s32 @p1 $0x0;
	v0 =	vsel vm0, v1, v0  }
0x113: {  	s5 =	sor.u32 $0x1000, s3;
	s2 =	sshra.s32 @!p0 s2, $0x2;
	s0 =	sor.u32 @!p0 s0, s3;
	[tilespmem:$0xF208] =	vst v0  }
0x114: {  	[spmem:s5] =	stream.linear.scatter [tilespmem:s6], [sflag:$0x1], $0x2, $0x38;
	[tilespmem:$0x1F6E8] =	vst v63  }
0x115: {  	s2 =	sadd.s32 @!p0 $0x108, s2;
	s0 =	sshll.u32 @!p0 s0, $0x7  }
0x116: {  	[spmem:s0] =	stream.linear.scatter @!p0 [tilespmem:s2], [sflag:$0x1], $0x80, $0x38;
	[tilespmem:$0x1F6E8] =	vst v63  }
0x117: {  	s0 =	simm.s32 @!p0 $0x82  }
0x118: {  	s3 =	simm.s32 $0x1;
	s0 =	simm.s32 @p0 $0x2  }
0x119: {  	_ =	swait.ge [sflag:s3], s0  }
0x11a: {  	s0 =	ssub.s32 $0x0, s0;
	[sflag:s3] =	ssyncset.done $0x0  }
0x11b: {  	[sflag:s3] =	ssyncadd.s32 s0  }
0x11c: {  	_ =	sfence.stream.spmem  }
0x11d: {  	s29 =	simm.s32 $0x3;
	[bflag:$0x0] =	sbarrier.arrive $0xFFFF  }
0x11e: {  	s30 =	simm.s32 $0x4;
	[sflag:s29] =	ssyncpa.u1 $0x1  }
0x11f: {  	s31 =	simm.s32 $0x3C;
	[sflag:s30] =	ssyncpa.u1 $0x1  }
0x120: {  	p0 =	sne.s32 s7, $0x0;
	[sflag:s31] =	ssyncpa.u1 $0x1  }
0x121: {  	_ =	sfence @p0  }
0x122: {  	[sflag:s3] =	ssyncpa.u1 @p0 $0x1  }
0x123: {  	_ =	strace @p0 $0x9000005F  }
0x124: {  	[bflag:$0x2] =	sbarrier.arrive @p0 $0xFFFF  }
0x125: {  	_ =	shalt @p0  }
.LBB2_23:
0x126: {  	_ =	sfence.stream.spmem;
	s0 =	simm.s32 $0x5  }
0x127: {  	s2 =	simm.s32 $0x1000;
	s3 =	simm.s32 $0xF218;
	[sflag:s0] =	ssyncpa.u1 $0x0  }
0x128: {  	[tilespmem:s3], [sflag:$0x5] =	stream.linear.gather [spmem:s2], $0x20, $0x38;
	[tilespmem:$0x1F6E8] =	vst v63  }
0x129: {  	s30 =	simm.s32 $0xF238;
	s2 =	simm.s32 $0x0  }
0x12a: {  	[tilespmem:s30], [sflag:$0x5] =	stream.linear.gather [spmem:s2], $0x1000, $0x38;
	[tilespmem:$0x1F6E8] =	vst v63  }
.Ltmp17:
0x12b: {  	_ = 	snop;
	(pc) =	sbr.rel .LBB2_24-.Ltmp17, $4  }
0x12c: {  	_ =	swait.ge [sflag:s0], $0x1020  }
0x12d: {  	[sflag:s0] =	ssyncset.done $0x0  }
0x12e: {  	s31 =	simm.s32 $0x6;
	[sflag:s0] =	ssyncadd.s32 $0xFFFFEFE0  }
0x12f: {  	s3 =	simm.s32 $0x0;
	[sflag:s31] =	ssyncpa.u1 $0x0  }
.LBB2_30:
0x130: {  	p0 =	slt.u32 s4, $0x270F1  }
0x131: {  	s0 =	sand.u32 @p0 $0x3FFF8, s4  }
0x132: {  	s4 =	sand.u32 @p0 $0x7, s4;
	s5 =	simm.s32 @p0 $0xF188;
	s0 =	sadd.s32 @p0 s1, s0  }
0x133: {  	[tilespmem:s5], [sflag:$0x6] =	stream.linear.gather @p0 [hbm4b:s0+s4], $0x80, $0x38;
	[tilespmem:$0x1F6E8] =	vst v63  }
0x134: {  	s0 =	simm.s32 @p0 $0x6  }
0x135: {  	_ =	swait.ge @p0 [sflag:s0], $0x80  }
0x136: {  	[sflag:s0] =	ssyncset.done @p0 $0x0  }
0x137: {  	[sflag:s0] =	ssyncadd.s32 @p0 $0xFFFFFF80  }
0x138: {  	v1 =	vld @p0 [tilespmem:$0xF188];
	_ =	sdelay $0x2  }
0x139: {  	s0 =	sshll.u32 @p0 s3, $0x9  }
0x13a: {  	s4 =	sshrl.u32 @p0 s0, $0x2  }
0x13b: {  	[tilespmem:s4+$0xF238] =	vst.add.f32.msk @p0 $0xffff, v1  }
0x13c: {  	v1 =	vld @p0 [tilespmem:$0xF198];
	_ =	sdelay $0x4  }
0x13d: {  	[tilespmem:s4+$0xF248] =	vst.add.f32.msk @p0 $0xffff, v1  }
0x13e: {  	v1 =	vld @p0 [tilespmem:$0xF1A8];
	_ =	sdelay $0x4  }
0x13f: {  	[tilespmem:s4+$0xF258] =	vst.add.f32.msk @p0 $0xffff, v1  }
0x140: {  	v1 =	vld @p0 [tilespmem:$0xF1B8];
	_ =	sdelay $0x4  }
0x141: {  	[tilespmem:s4+$0xF268] =	vst.add.f32.msk @p0 $0xffff, v1  }
0x142: {  	v1 =	vld @p0 [tilespmem:$0xF1C8];
	_ =	sdelay $0x4  }
0x143: {  	[tilespmem:s4+$0xF278] =	vst.add.f32.msk @p0 $0xffff, v1  }
0x144: {  	v1 =	vld @p0 [tilespmem:$0xF1D8];
	_ =	sdelay $0x4  }
0x145: {  	[tilespmem:s4+$0xF288] =	vst.add.f32.msk @p0 $0xffff, v1  }
0x146: {  	v1 =	vld @p0 [tilespmem:$0xF1E8];
	_ =	sdelay $0x4  }
0x147: {  	[tilespmem:s4+$0xF298] =	vst.add.f32.msk @p0 $0xffff, v1  }
0x148: {  	v1 =	vld @p0 [tilespmem:$0xF1F8];
	_ =	sdelay $0x3  }
0x149: {  	s5 =	sshll.u32 @!p0 s3, $0x9  }
0x14a: {  	s5 =	smov.u32 @p0 s0;
	[tilespmem:s4+$0xF2A8] =	vst.add.f32.msk @p0 $0xffff, v1  }
0x14b: {  	s0 =	sshrl.u32 s5, $0x2;
	[tilespmem:s2+$0xF218] =	vst.msk $0x1, v0  }
0x14c: {  	v0 =	vld [tilespmem:s0+$0xF238];
	_ =	sdelay $0x2  }
0x14d: {  	s31 =	sshll.u32 s2, $0x9  }
0x14e: {  	s4 =	sshra.s32 s31, $0x2  }
0x14f: {  	[tilespmem:s4+$0xF238] =	vst v0  }
0x150: {  	v0 =	vld [tilespmem:s0+$0xF248];
	_ =	sdelay $0x4  }
0x151: {  	[tilespmem:s4+$0xF248] =	vst v0  }
0x152: {  	v0 =	vld [tilespmem:s0+$0xF258];
	_ =	sdelay $0x4  }
0x153: {  	[tilespmem:s4+$0xF258] =	vst v0  }
0x154: {  	v0 =	vld [tilespmem:s0+$0xF268];
	_ =	sdelay $0x4  }
0x155: {  	[tilespmem:s4+$0xF268] =	vst v0  }
0x156: {  	v0 =	vld [tilespmem:s0+$0xF278];
	_ =	sdelay $0x4  }
0x157: {  	[tilespmem:s4+$0xF278] =	vst v0  }
0x158: {  	v0 =	vld [tilespmem:s0+$0xF288];
	_ =	sdelay $0x4  }
0x159: {  	[tilespmem:s4+$0xF288] =	vst v0  }
0x15a: {  	v0 =	vld [tilespmem:s0+$0xF298];
	_ =	sdelay $0x4  }
0x15b: {  	[tilespmem:s4+$0xF298] =	vst v0  }
0x15c: {  	v0 =	vld [tilespmem:s0+$0xF2A8];
	_ =	sdelay $0x4  }
0x15d: {  	s2 =	sadd.s32 $0x1, s2;
	[tilespmem:s4+$0xF2A8] =	vst v0  }
.LBB2_31:
0x15e: {  	s3 =	sadd.s32 $0x1, s3  }
0x15f: {  	p0 =	sne.s32 s3, $0x20  }
.Ltmp18:
0x160: {  	_ = 	snop;
	(pc) =	sbr.rel @!p0 .LBB2_32-.Ltmp18, $1  }
0x161: {  	_ =	sdelay $0x3  }
.LBB2_24:
0x162: {  	v0 =	vld.msk [tilespmem:s3+$0xF218], $0x1;
	_ =	sdelay $0x4  }
0x163: {  	(v2sf) =	vpush v0, $0x0;
	_ =	sdelay $0xe  }
0x164: {  	s4 =	spop (v2sf)  }
0x165: {  	p0 =	seq.s32 s4, $0xFFFFFFFF  }
.Ltmp19:
0x166: {  	_ = 	snop;
	(pc) =	sbr.rel @p0 .LBB2_31-.Ltmp19, $1  }
0x167: {  	_ =	sdelay $0x3  }
0x168: {  	p0 =	slt.s32 s2, $0x1  }
.Ltmp20:
0x169: {  	_ = 	snop;
	(pc) =	sbr.rel @p0 .LBB2_30-.Ltmp20, $1  }
0x16a: {  	_ =	sdelay $0x3  }
0x16b: {  	s5 =	simm.s32 $0xF218;
	p0 =	por $0x0, $0x0  }
0x16c: {  	v1 =	vld.msk @!p0 [tilespmem:s5+$0x0], $0x1;
	_ =	sdelay $0x4  }
0x16d: {  	(v2sf) =	vpush @!p0 v1, $0x0;
	_ =	sdelay $0xd  }
0x16e: {  	p2 =	sne.s32 s2, $0x1  }
.Ltmp21:
0x16f: {  	s0 =	spop @!p0 (v2sf);
	(pc) =	sbr.rel @!p2 .LBB2_28-.Ltmp21, $4  }
0x170: {  	p1 =	seq.s32 @!p0 s4, s0  }
0x171: {  	s6 =	simm.s32 $0x0;
	p1 =	por !p1, p0  }
0x172: {  	s0 =	simm.s32 $0xFFFFFFFF;
	s6 =	simm.s32 @p1 $0xFFFFFFFF  }
0x173: {  	s7 =	simm.s32 $0x1;
	s6 =	smov.u32 @p0 s0  }
.LBB2_27:
0x174: {  	s0 =	smov.u32 s6;
	p0 =	sne.s32 s6, $0xFFFFFFFF  }
0x175: {  	s5 =	sadd.s32 $0x1, s5;
	s6 =	smov.u32 s7;
	s7 =	sadd.s32 $0x1, s7  }
0x176: {  	p1 =	sne.s32 s2, s7;
	v1 =	vld.msk @!p0 [tilespmem:s5+$0x0], $0x1;
	_ =	sdelay $0x4  }
0x177: {  	(v2sf) =	vpush @!p0 v1, $0x0;
	_ =	sdelay $0xe  }
.Ltmp22:
0x178: {  	s8 =	spop @!p0 (v2sf);
	(pc) =	sbr.rel @p1 .LBB2_27-.Ltmp22, $4  }
0x179: {  	p2 =	seq.s32 @!p0 s4, s8  }
0x17a: {  	p2 =	por !p2, p0  }
0x17b: {  	s6 =	simm.s32 @p2 $0xFFFFFFFF  }
0x17c: {  	s6 =	smov.u32 @p0 s0  }
.LBB2_28:
0x17d: {  	p0 =	seq.s32 s6, $0xFFFFFFFF  }
.Ltmp23:
0x17e: {  	_ = 	snop;
	(pc) =	sbr.rel @p0 .LBB2_30-.Ltmp23, $1  }
0x17f: {  	_ =	sdelay $0x3  }
0x180: {  	s0 =	sshll.u32 s3, $0x7  }
0x181: {  	s0 =	sand.u32 $0x3FFFFF80, s0  }
0x182: {  	v0 =	vld [tilespmem:s0+$0xF238];
	_ =	sdelay $0x2  }
0x183: {  	s4 =	sshll.u32 s6, $0x9  }
0x184: {  	s4 =	sshra.s32 s4, $0x2  }
0x185: {  	[tilespmem:s4+$0xF238] =	vst.add.f32.msk $0xffff, v0  }
0x186: {  	v0 =	vld [tilespmem:s0+$0xF248];
	_ =	sdelay $0x4  }
0x187: {  	[tilespmem:s4+$0xF248] =	vst.add.f32.msk $0xffff, v0  }
0x188: {  	v0 =	vld [tilespmem:s0+$0xF258];
	_ =	sdelay $0x4  }
0x189: {  	[tilespmem:s4+$0xF258] =	vst.add.f32.msk $0xffff, v0  }
0x18a: {  	v0 =	vld [tilespmem:s0+$0xF268];
	_ =	sdelay $0x4  }
0x18b: {  	[tilespmem:s4+$0xF268] =	vst.add.f32.msk $0xffff, v0  }
0x18c: {  	v0 =	vld [tilespmem:s0+$0xF278];
	_ =	sdelay $0x4  }
0x18d: {  	[tilespmem:s4+$0xF278] =	vst.add.f32.msk $0xffff, v0  }
0x18e: {  	v0 =	vld [tilespmem:s0+$0xF288];
	_ =	sdelay $0x4  }
0x18f: {  	[tilespmem:s4+$0xF288] =	vst.add.f32.msk $0xffff, v0  }
0x190: {  	v0 =	vld [tilespmem:s0+$0xF298];
	_ =	sdelay $0x4  }
0x191: {  	[tilespmem:s4+$0xF298] =	vst.add.f32.msk $0xffff, v0  }
0x192: {  	v0 =	vld [tilespmem:s0+$0xF2A8]  }
.Ltmp24:
0x193: {  	_ = 	snop;
	(pc) =	sbr.rel .LBB2_31-.Ltmp24, $2  }
0x194: {  	_ =	sdelay $0x2  }
0x195: {  	[tilespmem:s4+$0xF2A8] =	vst.add.f32.msk $0xffff, v0  }
.LBB2_32:
0x196: {  	p0 =	slt.s32 s2, $0x1  }
.Ltmp25:
0x197: {  	_ = 	snop;
	(pc) =	sbr.rel @p0 .LBB2_36-.Ltmp25, $3  }
0x198: {  	_ =	sdelay $0x1  }
0x199: {  	s0 =	simm.s32 $0x6  }
0x19a: {  	s3 =	simm.s32 $0x0;
	[sflag:s0] =	ssyncpa.u1 $0x1  }
0x19b: {  	s0 =	simm.s32 $0xF218  }
0x19c: {  	v0 =	vld.msk [tilespmem:s0+$0x0], $0x1;
	_ =	sdelay $0x4  }
0x19d: {  	(v2sf) =	vpush v0, $0x0;
	_ =	sdelay $0xd  }
0x19e: {  	s2 =	sadd.s32 $0xFFFFFFFF, s2  }
0x19f: {  	p1 =	sne.s32 s2, $0x0;
	s0 =	spop (v2sf)  }
.Ltmp26:
0x1a0: {  	p0 =	sgt.u32 s0, $0x270F0;
	(pc) =	sbr.rel @!p1 .LBB2_35-.Ltmp26, $4  }
0x1a1: {  	s4 =	simm.s32 $0xF238;
	s5 =	sand.u32 @!p0 $0x3FFF8, s0  }
0x1a2: {  	s6 =	simm.s32 $0x0;
	s0 =	sand.u32 @!p0 $0x7, s0;
	s5 =	sadd.s32 @!p0 s1, s5  }
0x1a3: {  	[hbm4b:s5+s0] =	stream.linear.scatter @!p0 [tilespmem:s4], [sflag:$0x5], $0x80, $0x38;
	[tilespmem:$0x1F6E8] =	vst v63  }
0x1a4: {  	s6 =	simm.s32 @!p0 $0x200;
	s5 =	simm.s32 $0xF219  }
.LBB2_34:
0x1a5: {  	v0 =	vld.msk [tilespmem:s5+$0x0], $0x1;
	s2 =	sadd.s32 $0xFFFFFFFF, s2;
	s3 =	sadd.s32 s3, s6  }
0x1a6: {  	p0 =	sne.s32 s2, $0x0;
	_ =	sdelay $0x3  }
0x1a7: {  	(v2sf) =	vpush v0, $0x0;
	_ =	sdelay $0xe  }
.Ltmp27:
0x1a8: {  	s0 =	spop (v2sf);
	(pc) =	sbr.rel @p0 .LBB2_34-.Ltmp27, $4  }
0x1a9: {  	s6 =	simm.s32 $0x0;
	p1 =	sgt.u32 s0, $0x270F0  }
0x1aa: {  	s4 =	sadd.s32 $0x80, s4;
	s6 =	simm.s32 @!p1 $0x200;
	s7 =	sand.u32 @!p1 $0x3FFF8, s0  }
0x1ab: {  	s5 =	sadd.s32 $0x1, s5;
	s0 =	sand.u32 @!p1 $0x7, s0;
	s7 =	sadd.s32 @!p1 s1, s7  }
0x1ac: {  	[hbm4b:s7+s0] =	stream.linear.scatter @!p1 [tilespmem:s4], [sflag:$0x5], $0x80, $0x38;
	[tilespmem:$0x1F6E8] =	vst v63  }
.LBB2_35:
0x1ad: {  	s0 =	sadd.s32 s3, s6  }
0x1ae: {  	s3 =	sshrl.u32 s0, $0x2  }
.LBB2_36:
0x1af: {  	s0 =	simm.s32 $0x5  }
0x1b0: {  	_ =	swait.ge [sflag:s0], s3  }
0x1b1: {  	s1 =	ssub.s32 $0x0, s3;
	[sflag:s0] =	ssyncset.done $0x0  }
0x1b2: {  	[sflag:s0] =	ssyncadd.s32 s1  }
0x1b3: {  	[sflag:s0] =	ssyncpa.u1 $0x1  }
0x1b4: {  	s30 =	simm.s32 $0x1;
	_ =	sfence  }
0x1b5: {  	[sflag:s30] =	ssyncpa.u1 $0x1  }
0x1b6: {  	_ =	strace $0x9000005F  }
0x1b7: {  	[bflag:$0x2] =	sbarrier.arrive $0xFFFF  }
0x1b8: {  	s31 =	rddreg [dreg:$0x1]  }
0x1b9: {  	s0 =	sadd.s32 $0x100000, s31  }
0x1ba: {  	[sflag:s0] =	ssyncadd.tile.s32 $0x1;
	_ =	shalt  }
.Lfunc_end2:
_tile_overlayer_lowered:
.L_overlay_start_2:
0x1bb: {  	(tag) =	ssettag $0x2  }
0x1bc: {  	s0 =	rddreg [dreg:$0x0];
	s2 =	stileid.u32  }
0x1bd: {  	s1 =	rddreg [dreg:$0x1];
	p0 =	sne.s32 s2, $0x0  }
0x1be: {  	s3 =	rddreg [dreg:$0x2];
	[bflag:$0x3] =	sbarrier.arrive $0xFFFF;
	s2 =	simm.s32 @!p0 $0x1C01  }
0x1bf: {  	[timem:s3], [sflag:s2] =	dma.local @!p0 [hbm:s0], s1  }
0x1c0: {  	s0 =	simm.s32 @!p0 $0x1  }
0x1c1: {  	_ =	swait.ge @!p0 [sflag:s0], s1  }
0x1c2: {  	s1 =	ssub.s32 @!p0 $0x0, s1;
	[sflag:s0] =	ssyncset.done @!p0 $0x0  }
0x1c3: {  	[sflag:s0] =	ssyncadd.s32 @!p0 s1  }
0x1c4: {  	[bflag:$0x3] =	sbarrier.arrive $0xFFFF  }
0x1c5: {  	_ =	shalt  }

// kernel: scatter_offload_async_start.3
scs
__scs_entry_jumppad:
0x0: {  	(pc) =	sbr.rel $0x88, $3  }
0x1: {  	(tag) =	ssettag $0x0;
	lr =	simm.s32 $0x1  }
0x2: {  	[smem:$0x3F8E] =	sst lr;
	_ =	strace $0xD0000000  }
0x3: {  	_ = 	snop  }
0x4: {  	_ = 	snop  }
0x5: {  	_ = 	snop  }
0x6: {  	_ = 	snop  }
0x7: {  	_ = 	snop  }
__scs_overlays_trampoline_lowered:
0x8: {  	[smem:$0x3F9D] =	sst s0  }
0x9: {  	[smem:$0x3F9E] =	sst s1  }
0xa: {  	[smem:$0x3F9F] =	sst s2  }
0xb: {  	[smem:$0x3FA0] =	sst s3  }
0xc: {  	[smem:$0x3FA1] =	sst s4  }
0xd: {  	[smem:$0x3FA2] =	sst s5  }
0xe: {  	[smem:$0x3FA3] =	sst s6  }
0xf: {  	[smem:$0x3FA4] =	sst s7  }
0x10: {  	[smem:$0x3FA5] =	sst s8  }
0x11: {  	[smem:$0x3FA6] =	sst s9;
	s0 =	simm.s32 @!p0 $0x0  }
0x12: {  	s1 =	sld [smem:$0x3F8C];
	s0 =	simm.s32 @p0 $0x1  }
0x13: {  	[smem:$0x3FA7] =	sst s0;
	s0 =	simm.s32 @!p1 $0x0  }
0x14: {  	s2 =	sld [smem:$0x3F8B];
	s0 =	simm.s32 @p1 $0x1  }
0x15: {  	[smem:$0x3FA8] =	sst s0;
	s0 =	simm.s32 @!p2 $0x0  }
0x16: {  	s3 =	sld [smem:$0x3FDB];
	s0 =	simm.s32 @p2 $0x1  }
0x17: {  	s4 =	simm.s32 $0x1BF5;
	[smem:$0x3FAA] =	sst s0  }
0x18: {  	s0 =	sld [smem:$0x3F8D];
	_ =	swait.ge [sflag:s4], $0x0  }
0x19: {  	s7 =	sld [smem:$0x3F8E]  }
0x1a: {  	s8 =	sadd.s32 $0xFFFFE003, lr  }
0x1b: {  	s9 =	sadd.s32 $0xFFFFFEF7, lr;
	s5 =	simm.s32 $0xFFFFFFFF;
	p2 =	slt.u32 s8, $0xFFFFF086  }
0x1c: {  	p1 =	slt.u32 s9, $0xF7A;
	s5 =	simm.s32 @!p2 $0x0  }
0x1d: {  	s5 =	simm.s32 @p1 $0x1;
	p0 =	seq.s32 s7, s2  }
0x1e: {  	s7 =	smul.u32 @!p0 $0xF7A, s2;
	p2 =	seq.s32 @!p0 s5, $0x0  }
0x1f: {  	s9 =	smul.u32 $0xF7A, s1;
	s8 =	simm.s32 @!p0 $0x1BF5;
	p2 =	por !p2, p0  }
0x20: {  	[sflag:s8] =	ssyncset.s32 @!p0 $0xFFFFF086;
	s6 =	sadd.s32 @!p0 s3, s7;
	s7 =	simm.s32 @!p0 $0x108  }
0x21: {  	s3 =	sadd.s32 s3, s9;
	s6 =	sadd.s32 @!p0 $0x88, s6;
	s7 =	simm.s32 @p2 $0x1082  }
0x22: {  	[simem:s7], [sflag:s8] =	dma.local @!p0 [hbm:s6], $0xF7A  }
0x23: {  	s9 =	sor.u32 $0xD0000000, s2;
	s6 =	simm.s32 $0x108;
	_ =	swait.ge @!p0 [sflag:s8], $0x0  }
0x24: {  	s3 =	sadd.s32 $0x88, s3;
	s6 =	simm.s32 @!p1 $0x1082;
	[sflag:s4] =	ssyncset.s32 $0xFFFFF086  }
0x25: {  	[simem:s6], [sflag:s4] =	dma.local [hbm:s3], $0xF7A  }
0x26: {  	[smem:$0x3F8E] =	sst s1;
	(tag) =	ssettag s2;
	_ =	strace s9  }
0x27: {  	s1 =	sld [smem:$0x3F9E]  }
0x28: {  	s2 =	sld [smem:$0x3F9F]  }
0x29: {  	s4 =	sld [smem:$0x3FA1]  }
0x2a: {  	p0 =	seq.s32 s5, $0x0;
	s5 =	sld [smem:$0x3FA2]  }
0x2b: {  	s6 =	sld [smem:$0x3FA3]  }
0x2c: {  	s7 =	sld [smem:$0x3FA4]  }
0x2d: {  	s3 =	simm.s32 $0x108;
	s8 =	sld [smem:$0x3FA5]  }
0x2e: {  	s3 =	simm.s32 @!p0 $0x1082;
	s9 =	sld [smem:$0x3FA6]  }
0x2f: {  	lr =	sadd.s32 s0, s3;
	s0 =	sld [smem:$0x3F9D]  }
0x30: {  	s3 =	sld [smem:$0x3FA0]  }
0x31: {  	[smem:$0x3FA9] =	sst s10  }
0x32: {  	s10 =	sld [smem:$0x3FA7];
	_ =	sdelay $0x3  }
0x33: {  	p0 =	seq.s32 s10, $0x1;
	s10 =	sld [smem:$0x3FA9];
	_ =	sdelay $0x3  }
0x34: {  	[smem:$0x3FA9] =	sst s10  }
0x35: {  	s10 =	sld [smem:$0x3FA8];
	_ =	sdelay $0x3  }
0x36: {  	p1 =	seq.s32 s10, $0x1;
	s10 =	sld [smem:$0x3FA9];
	_ =	sdelay $0x3  }
0x37: {  	[smem:$0x3FA9] =	sst s10  }
0x38: {  	s10 =	sld [smem:$0x3FAA]  }
0x39: {  	_ = 	snop;
	(pc) =	sbr.ind lr, $3  }
0x3a: {  	_ = 	snop  }
0x3b: {  	_ = 	snop  }
0x3c: {  	p2 =	seq.s32 s10, $0x1;
	s10 =	sld [smem:$0x3FA9]  }
0x3d: {  	_ =	shalt  }
0x3e: {  	_ =	shalt  }
0x3f: {  	_ =	shalt  }
0x40: {  	_ =	shalt  }
0x41: {  	_ =	shalt  }
0x42: {  	_ =	shalt  }
0x43: {  	_ =	shalt  }
0x44: {  	_ =	shalt  }
0x45: {  	_ =	shalt  }
0x46: {  	_ =	shalt  }
0x47: {  	_ =	shalt  }
0x48: {  	_ =	shalt  }
0x49: {  	_ =	shalt  }
0x4a: {  	_ =	shalt  }
0x4b: {  	_ =	shalt  }
0x4c: {  	_ =	shalt  }
0x4d: {  	_ =	shalt  }
0x4e: {  	_ =	shalt  }
0x4f: {  	_ =	shalt  }
0x50: {  	_ =	shalt  }
0x51: {  	_ =	shalt  }
0x52: {  	_ =	shalt  }
0x53: {  	_ =	shalt  }
0x54: {  	_ =	shalt  }
0x55: {  	_ =	shalt  }
0x56: {  	_ =	shalt  }
0x57: {  	_ =	shalt  }
0x58: {  	_ =	shalt  }
0x59: {  	_ =	shalt  }
0x5a: {  	_ =	shalt  }
0x5b: {  	_ =	shalt  }
0x5c: {  	_ =	shalt  }
0x5d: {  	_ =	shalt  }
0x5e: {  	_ =	shalt  }
0x5f: {  	_ =	shalt  }
0x60: {  	_ =	shalt  }
0x61: {  	_ =	shalt  }
0x62: {  	_ =	shalt  }
0x63: {  	_ =	shalt  }
0x64: {  	_ =	shalt  }
0x65: {  	_ =	shalt  }
0x66: {  	_ =	shalt  }
0x67: {  	_ =	shalt  }
0x68: {  	_ =	shalt  }
0x69: {  	_ =	shalt  }
0x6a: {  	_ =	shalt  }
0x6b: {  	_ =	shalt  }
0x6c: {  	_ =	shalt  }
0x6d: {  	_ =	shalt  }
0x6e: {  	_ =	shalt  }
0x6f: {  	_ =	shalt  }
0x70: {  	_ =	shalt  }
0x71: {  	_ =	shalt  }
0x72: {  	_ =	shalt  }
0x73: {  	_ =	shalt  }
0x74: {  	_ =	shalt  }
0x75: {  	_ =	shalt  }
0x76: {  	_ =	shalt  }
0x77: {  	_ =	shalt  }
0x78: {  	_ =	shalt  }
0x79: {  	_ =	shalt  }
0x7a: {  	_ =	shalt  }
0x7b: {  	_ =	shalt  }
0x7c: {  	_ =	shalt  }
0x7d: {  	_ =	shalt  }
0x7e: {  	_ =	shalt  }
0x7f: {  	_ =	shalt  }
0x80: {  	_ =	shalt  }
0x81: {  	_ =	shalt  }
0x82: {  	_ =	shalt  }
0x83: {  	_ =	shalt  }
0x84: {  	_ =	shalt  }
0x85: {  	_ =	shalt  }
0x86: {  	_ =	shalt  }
0x87: {  	_ =	shalt  }
.Lfunc_end0:
.L_simem_size_0:
called_computation.3_lowered:
.L_overlay_start_0:
0x88: {  	s0 =	sld [smem:$0x3FD9]  }
0x89: {  	s1 =	sld [smem:$0x3FFE];
	_ =	sdelay $0x3  }
0x8a: {  	s0 =	sadd.s32 s1, s0  }
0x8b: {  	[smem:$0x3FB5] =	sst s0  }
0x8c: {  	_ = 	snop  }
0x8d: {  	(tm) =	ssettm $0x1  }
0x8e: {  	s15 =	sld [smem:$0x3FFB];
	_ =	sdelay $0x3  }
0x8f: {  	_ =	strace s15  }
0x90: {  	s0 =	sld [smem:$0x3FFC];
	_ =	sdelay $0x3  }
0x91: {  	_ =	strace s0  }
0x92: {  	s0 =	sld [smem:$0x3FFD];
	_ =	sdelay $0x3  }
0x93: {  	_ =	strace s0  }
0x94: {  	_ =	strace $0x8FFFFFFF  }
0x95: {  	s16 =	sld [smem:$0x3FDB];
	_ =	sdelay $0x1  }
0x96: {  	s17 =	simm.s32 $_scs_section_size  }
0x97: {  	s2 =	simm.s32 $_size__tile_overlayer_lowered;
	s3 =	simm.s32 $_tile_overlayer_lowered  }
0x98: {  	s20 =	simm.s32 $0x1BFF;
	s19 =	sshll.u32 s3, $0x1;
	s0 =	sadd.s32 s17, s16  }
0x99: {  	s4 =	simm.s32 $0x0;
	s18 =	sshll.u32 s2, $0x1;
	s2 =	sadd.s32 s19, s0  }
0x9a: {  	[timem:s4], [sflag:s20] =	dma.local [hbm:s2], s18  }
0x9b: {  	_ =	swait.ge [sflag:s20], s18  }
0x9c: {  	s1 =	ssub.s32 $0x0, s18;
	[sflag:s20] =	ssyncset.done $0x0  }
0x9d: {  	[sflag:s20] =	ssyncadd.s32 s1;
	_ =	sdelay $0x1  }
0x9e: {  	s21 =	simm.s32 $0x1B8B  }
0x9f: {  	_ =	swait.ge [sflag:s21], $0x1  }
0xa0: {  	[sflag:s21] =	ssyncset.done $0x0  }
0xa1: {  	s23 =	simm.s32 $0x1B8E;
	s22 =	sld [smem:$0x3FFE];
	[sflag:s21] =	ssyncadd.s32 $0xFFFFFFFF  }
0xa2: {  	s24 =	simm.s32 $execute0_lowered;
	[smem:$0x3FD2] =	sst s23  }
0xa3: {  	s2 =	sshll.u32 s24, $0x1;
	_ =	strace $0x80000061;
	[dreg:$0x1] =	wrdreg $0xFFFFFFFF  }
0xa4: {  	s25 =	simm.s32 $_size_execute0_lowered;
	s0 =	sadd.s32 s0, s2;
	[dreg:$0x0] =	wrdreg $0x0  }
0xa5: {  	s2 =	sshll.u32 s25, $0x1;
	[dreg:$0x2] =	wrdreg s0  }
0xa6: {  	[dreg:$0x3] =	wrdreg s2  }
0xa7: {  	[dreg:$0x4] =	wrdreg $0xC0  }
0xa8: {  	_ =	task [dreg:s4], $0x5FFFF  }
0xa9: {  	[dreg:$0x1] =	wrdreg $0xFFFFFFFF  }
0xaa: {  	[dreg:$0x0] =	wrdreg $0x60  }
0xab: {  	[dreg:$0x2] =	wrdreg s22  }
0xac: {  	[dreg:$0x3] =	wrdreg $0x9  }
0xad: {  	_ =	task.clear_ibuf [dreg:s4], $0x4FFFF;
	_ =	strace $0x90000061  }
0xae: {  	s26 =	simm.s32 $0x9;
	_ =	strace $0x80000063  }
0xaf: {  	_ =	swait.ge [sflag:s26], $0x1  }
0xb0: {  	[sflag:s26] =	ssyncadd.s32 $0xFFFFFFFF  }
0xb1: {  	_ =	strace $0x90000063  }
0xb2: {  	_ =	sfence  }
0xb3: {  	s28 =	sld [smem:$0x0];
	_ =	sdelay $0x1  }
0xb4: {  	s29 =	srdreg.scid  }
0xb5: {  	s30 =	sshll.u32 s29, $0xD;
	s31 =	sshrl.u32 s29, $0x2  }
0xb6: {  	s1 =	sand.u32 $0x1, s29;
	s2 =	sand.u32 $0x4000, s30;
	s0 =	sadd.s32 s31, s28  }
0xb7: {  	s1 =	sor.u32 s2, s1;
	s0 =	sshll.u32 s0, $0x11  }
0xb8: {  	s0 =	sor.u32 s0, s1  }
0xb9: {  	s0 =	sadd.s32 $0x8F2B, s0  }
0xba: {  	[sflag:s0] =	ssyncadd.remote.s32 $0x1  }
0xbb: {  	_ =	sfence.sel $0xFFFF  }
0xbc: {  	[dreg:$0x0] =	wrdreg $0xFFFFFFFF;
	(pc) =	sbr.abs _section_cstart, $3  }
0xbd: {  	[dreg:$0x1] =	wrdreg $0xFFFFFFFF  }
0xbe: {  	_ =	task.clear_ibuf [dreg:s4], $0x2FFFF;
	_ =	strace $0x9FFFFFFF  }
0xbf: {  	(tm) =	ssettm $0x7FFFFFFF  }
tec
execute0_lowered:
.L_overlay_start_1:
0x0: {  	(tag) =	ssettag $0x1  }
0x1: {  	s0 =	rddreg [dreg:$0x0]  }
0x2: {  	s6 =	stileid.u32;
	_ =	strace $0x80000062;
	s2 =	simm.s32 $0x1  }
0x3: {  	v1 =	vimm.s32 $0xFFFFFFFF;
	s1 =	smul.u32 $0x3, s6;
	[sflag:s2] =	ssyncpa.u1 $0x0  }
0x4: {  	s3 =	smin.u32 s6, $0x7;
	[tilespmem:$0x10] =	vst v1  }
0x5: {  	v0 =	vimm.f32 $0.0e+00;
	[tilespmem:$0x20] =	vst v1;
	s1 =	sadd.s32 s3, s1  }
0x6: {  	p0 =	slt.u32 s6, $0x7;
	[tilespmem:$0x30] =	vst v0;
	s3 =	smul.u32 $0x1770, s1;
	s1 =	simm.s32 $0x5DC0  }
0x7: {  	[tilespmem:$0x40] =	vst v0;
	s1 =	simm.s32 @!p0 $0x4650  }
0x8: {  	[tilespmem:$0x50] =	vst v0;
	s1 =	sadd.s32 s1, s3  }
0x9: {  	[tilespmem:$0x60] =	vst v1;
	s4 =	smin.u32 s1, $0x50910  }
0xa: {  	s7 =	simm.s32 $0x2;
	[tilespmem:$0x70] =	vst v1;
	s9 =	ssub.s32 s4, s3  }
0xb: {  	s8 =	simm.s32 $0x8;
	s31 =	simm.s32 $0x9;
	[tilespmem:$0x80] =	vst v1;
	p0 =	sgt.s32 s9, $0x0  }
0xc: {  	s16 =	simm.s32 $0x0;
	s17 =	simm.s32 $0xF0;
	v1 =	vimm.s32 $0x0;
	[tilespmem:$0xB0] =	vst v0;
	s9 =	simm.s32 @!p0 $0x0  }
0xd: {  	s18 =	simm.s32 $0xFFFFFFFF;
	s19 =	simm.s32 $0xFFFFD220;
	[tilespmem:$0x90] =	vst v1;
	s5 =	smulhi.u32 $0x57619F1, s9  }
0xe: {  	s20 =	simm.s32 $0xFFFFFFFE;
	[tilespmem:$0xA0] =	vst v1;
	[sflag:s7] =	ssyncpa.u1 $0x0;
	s7 =	simm.s32 $0x7  }
0xf: {  	s21 =	simm.s32 $0xF;
	[sflag:s7] =	ssyncpa.u1 $0x0;
	s10 =	sshrl.u32 s5, $0x7  }
0x10: {  	s25 =	simm.s32 $0x0;
	[sflag:s8] =	ssyncpa.u1 $0x0;
	s11 =	smul.u32 $0x1770, s10  }
0x11: {  	s24 =	simm.s32 $0x0;
	s14 =	sshllo.u32 s6, $0x1;
	[sflag:s31] =	ssyncpa.u1 $0x0  }
.Ltmp0:
0x12: {  	s1 =	sadd.s32 $0x18200, s0;
	p0 =	sne.s32 s9, s11;
	(pc) =	sbr.rel .LBB2_1-.Ltmp0, $4  }
0x13: {  	s5 =	sadd.s32 $0x3E00, s0;
	s0 =	sadd.s32 $0xE000, s0;
	s2 =	simm.s32 @!p0 $0x0  }
0x14: {  	s23 =	smov.u32 s3;
	[dreg:$0x2] =	wrdreg s0;
	s9 =	sadd.s32 s2, s10  }
0x15: {  	vm0 =	vmmov $0xffff;
	v2 =	vlaneseq.u32;
	p0 =	por $0x0, $0x0;
	s10 =	sshll.u32 s6, $0x1;
	s11 =	sadd.s32 $0x1, s9  }
0x16: {  	vm1 =	vmxor vm1, vm1;
	vm2 =	vmmov $0x1;
	vm3 =	vcmask $0x3F3C;
	s12 =	sadd.s32 $0x2, s9;
	s13 =	sor.u32 $0x81, s10;
	s15 =	sor.u32 $0x80, s10  }
.LBB2_9:
0x17: {  	p1 =	slt.u32 s24, $0x3  }
0x18: {  	s0 =	simm.s32 @!p1 $0x2  }
0x19: {  	_ =	swait.ge @!p1 [sflag:s0], $0x1770  }
0x1a: {  	[sflag:s0] =	ssyncset.done @!p1 $0x0  }
0x1b: {  	[sflag:s0] =	ssyncadd.s32 @!p1 $0xFFFFE890;
	s0 =	simm.s32 @!p1 $0x9  }
0x1c: {  	_ =	swait.ge @!p1 [sflag:s0], $0x10  }
0x1d: {  	[sflag:s0] =	ssyncset.done @!p1 $0x0  }
0x1e: {  	[sflag:s0] =	ssyncadd.s32 @!p1 $0xFFFFFFF0;
	p1 =	sne.s32 s24, s12  }
.Ltmp1:
0x1f: {  	s2 =	sadd.s32 $0x1770, s23;
	(pc) =	sbr.rel @!p1 .LBB2_10-.Ltmp1, $4  }
0x20: {  	s6 =	smov.u32 s3;
	s31 =	sadd.s32 $0x1, s24;
	s17 =	sadd.s32 $0x1770, s17  }
0x21: {  	s18 =	sadd.s32 $0x1, s18;
	s25 =	smov.u32 s23;
	p2 =	slt.s32 s2, s4  }
0x22: {  	p0 =	por !p0, !p0;
	s19 =	sadd.s32 $0x1770, s19;
	s6 =	smov.u32 @p2 s2  }
0x23: {  	s20 =	sadd.s32 $0x1, s20;
	s23 =	smov.u32 s6;
	s24 =	smov.u32 s31  }
.LBB2_1:
0x24: {  	p1 =	sge.u32 s24, s9  }
0x25: {  	s0 =	smulhi.u32 @!p1 $0xAAAAAAAB, s24;
	_ =	sdelay $0x1  }
0x26: {  	s0 =	sshrl.u32 @!p1 s0, $0x1  }
0x27: {  	s0 =	smul.u32 @!p1 $0x3, s0;
	_ =	sdelay $0x1  }
0x28: {  	s0 =	ssub.s32 @!p1 s24, s0  }
0x29: {  	s0 =	smul.u32 @!p1 $0x5DC0, s0;
	_ =	sdelay $0x1  }
0x2a: {  	s2 =	sshrl.u32 @!p1 s23, $0x3;
	s0 =	sshrl.u32 @!p1 s0, $0x2  }
0x2b: {  	s22 =	sand.u32 @!p1 $0x7, s23;
	s2 =	sadd.s32 @!p1 s5, s2;
	s0 =	sadd.s32 @!p1 $0x100, s0  }
0x2c: {  	[tilespmem:s0], [sflag:$0x7] =	stream.linear.gather @!p1 [hbm4b:s2+s22], $0x1770, $0x38;
	[tilespmem:$0xD410] =	vst v63  }
0x2d: {  	s0 =	sadd.s32 $0xFFFFFFFF, s24  }
0x2e: {  	p1 =	sge.u32 s0, s9  }
.Ltmp2:
0x2f: {  	_ = 	snop;
	(pc) =	sbr.rel @p1 .LBB2_5-.Ltmp2, $1  }
0x30: {  	_ =	sdelay $0x3  }
0x31: {  	s2 =	smulhi.u32 $0xAAAAAAAB, s0;
	_ =	sdelay $0x1  }
0x32: {  	s2 =	sshrl.u32 s2, $0x1  }
0x33: {  	s2 =	smul.u32 $0x3, s2;
	_ =	sdelay $0x1  }
0x34: {  	s2 =	ssub.s32 s0, s2  }
0x35: {  	s2 =	smul.u32 $0x5DC0, s2  }
0x36: {  	_ =	swait.ge [sflag:s7], $0x1770  }
0x37: {  	[sflag:s7] =	ssyncset.done $0x0;
	s2 =	sshrl.u32 s2, $0x2  }
0x38: {  	[sflag:s7] =	ssyncadd.s32 $0xFFFFE890;
	(ifvalue) =	ssetifvalue $0xFFFFFFFF;
	v3 =	vld.msk [tilespmem:s2+$0x100 ss:$0x1], $0xffff;
	_ =	sdelay $0x2  }
0x39: {  	s30 =	smulhi.u32 $0xAAAAAAAB, s18;
	p1 =	sne.s32 s24, $0x1  }
0x3a: {  	v4 =	vimm.s32 @!p1 $0x0  }
0x3b: {  	s2 =	sshrl.u32 s30, $0x1;
	v4 =	vperm.xlane @!p1 v3, v4  }
0x3c: {  	s22 =	sshll.u32 s24, $0x4;
	s2 =	smul.u32 $0xFFFEE6C0, s2;
	vm4 =	vlt.u32 v3, $0x2800  }
0x3d: {  	s22 =	sand.u32 $0x10, s22;
	v3 =	vnsel vm4, $0xFFFFFFFE, v3;
	vm4 =	vlt.u32 @!p1 v4, $0x2800  }
0x3e: {  	s2 =	sshra.s32 s2, $0x2;
	[tilespmem:s22+$0x60] =	vst v3;
	v3 =	vnsel @!p1 vm4, $0xFFFFFFFE, v4  }
0x3f: {  	s28 =	sadd.s32 s2, s17;
	[tilespmem:$0x80] =	vst @!p1 v3  }
0x40: {  	v3 =	vld.msk [tilespmem:s28+$0x0 ss:$0x1], $0xffff;
	_ =	sdelay $0x4  }
0x41: {  	(xrf1) =	vunique.msk.u32 $0xffff, v3;
	_ =	sdelay $0xd  }
0x42: {  	v4 =	vimm.s32 $0xFFFFFFFF;
	v5, _, _ =	vpop (xrf1)  }
0x43: {  	vm5 =	vne.s32 v3, v4;
	vm4 =	veq.s32 v5, v2  }
0x44: {  	vm6 =	vlt.u32 v3, $0x2800;
	vm4 =	vmand vm5, vm4  }
0x45: {  	vm4 =	vmand vm6, vm4  }
0x46: {  	v4 =	vnsel vm4, $0xFFFFFFFF, v3  }
0x47: {  	s31 =	sand.u32 $0x1, s0  }
0x48: {  	s0 =	simm.s32 $0x1770;
	p1 =	seq.s32 s31, $0x1  }
0x49: {  	s0 =	simm.s32 @!p1 $0x0  }
0x4a: {  	s26 =	sadd.s32 $0x5EB0, s0;
	(ifvalue) =	ssetifvalue $0xFFFFFFFF  }
0x4b: {  	v3 =	vperm.xlane v3, v1;
	[tilespmem:s26], [sflag:$0x8] =	stream.indirect_vreg.gather [hbm4b:s1+s16], $0x1, v4, vm0, $0x4038;
	v4 =	vnsel vm6, $0xFFFFFFFE, v4;
	[tilespmem:$0xD410] =	vst v63  }
0x4c: {  	s2 =	simm.s32 $0x0;
	s22 =	sadd.s32 $0xFFFFFFF0, s28;
	[tilespmem:s28+$0x0] =	vst v4  }
.LBB2_3:
0x4d: {  	v4 =	vld.msk [tilespmem:s22+$0x0 ss:$0x1], $0xffff;
	s2 =	sadd.s32 $0x10, s2;
	v5 =	vmov v3;
	s28 =	smov.u32 s22  }
0x4e: {  	p1 =	slt.u32 s2, $0x1760;
	_ =	sdelay $0x4  }
0x4f: {  	v3 =	vperm.xlane v4, v1;
	(xrf1) =	vunique.msk.u32 $0xffff, v4;
	_ =	sdelay $0xd  }
0x50: {  	v6, _, _ =	vpop (xrf1)  }
0x51: {  	vm5 =	vne.s32 v4, v5;
	vm4 =	veq.s32 v6, v2  }
0x52: {  	vm6 =	vlt.u32 v4, $0x2800;
	vm4 =	vmand vm5, vm4  }
0x53: {  	vm4 =	vmand vm6, vm4  }
0x54: {  	v4 =	vnsel vm4, $0xFFFFFFFF, v4  }
.Ltmp3:
0x55: {  	v5 =	vnsel vm6, $0xFFFFFFFE, v4;
	(pc) =	sbr.rel @p1 .LBB2_3-.Ltmp3, $3  }
0x56: {  	_ =	sdelay $0x1  }
0x57: {  	s22 =	sadd.s32 $0xFFFFFFF0, s22;
	s26 =	sadd.s32 $0xFFFFFFF0, s26;
	(ifvalue) =	ssetifvalue $0xFFFFFFFF  }
0x58: {  	[tilespmem:s26], [sflag:$0x8] =	stream.indirect_vreg.gather [hbm4b:s1+s16], $0x1, v4, vm0, $0x4038;
	[tilespmem:s28+$0x0] =	vst v5  }
0x59: {  	s2 =	sshrl.u32 s25, $0x3;
	s6 =	rddreg [dreg:$0x2]  }
0x5a: {  	s0 =	sadd.s32 $0x7630, s0;
	s2 =	sadd.s32 s6, s2  }
0x5b: {  	[tilespmem:s0], [sflag:$0x8] =	stream.linear.gather [hbm:s2], $0x1770, $0x38;
	[tilespmem:$0xD410] =	vst v63  }
.LBB2_5:
0x5c: {  	p1 =	slt.u32 s24, $0x2  }
0x5d: {  	p2 =	sge.u32 @!p1 s24, s12  }
0x5e: {  	p1 =	por p1, p2  }
.Ltmp4:
0x5f: {  	_ = 	snop;
	(pc) =	sbr.rel @p1 .LBB2_9-.Ltmp4, $1  }
0x60: {  	_ =	sdelay $0x3  }
0x61: {  	s0 =	sadd.s32 $0xFFFFFFFE, s24  }
0x62: {  	s2 =	smulhi.u32 $0xAAAAAAAB, s0;
	_ =	sdelay $0x1  }
0x63: {  	s2 =	sshrl.u32 s2, $0x1  }
0x64: {  	s2 =	smul.u32 $0x3, s2;
	_ =	sdelay $0x1  }
0x65: {  	s0 =	ssub.s32 s0, s2  }
0x66: {  	_ =	swait.ge [sflag:s8], $0x2EE0;
	s0 =	smul.u32 $0x1770, s0  }
0x67: {  	p1 =	sne.s32 s24, s11;
	[sflag:s8] =	ssyncset.done $0x0  }
0x68: {  	[sflag:s8] =	ssyncadd.s32 $0xFFFFD120;
	s2 =	sadd.s32 @!p1 $0x186F, s0  }
0x69: {  	[spmem:s13] =	stream.linear.scatter @!p1 [tilespmem:s2], [sflag:$0x1], $0x1, $0x38;
	[tilespmem:$0xD410] =	vst v63  }
0x6a: {  	s2 =	simm.s32 @!p1 $0x1  }
0x6b: {  	_ =	swait.ge @!p1 [sflag:s2], $0x1  }
0x6c: {  	s22 =	sshll.u32 s24, $0x4;
	[sflag:s2] =	ssyncset.done @!p1 $0x0  }
0x6d: {  	s25 =	sand.u32 $0x10, s22;
	[sflag:s2] =	ssyncadd.s32 @!p1 $0xFFFFFFFF  }
0x6e: {  	s2 =	sxor.u32 $0x10, s25;
	v4 =	vld [tilespmem:s25+$0x10]  }
0x6f: {  	v5 =	vld [tilespmem:s2+$0x60]  }
0x70: {  	v3 =	vld [tilespmem:$0x80];
	_ =	sdelay $0x2  }
0x71: {  	(v2sf) =	vpush v4, $0x0  }
0x72: {  	(v2sf) =	vpush v5, $0x0  }
0x73: {  	(v2sf) =	vpush v3, $0x0;
	_ =	sdelay $0xc  }
0x74: {  	s6 =	spop (v2sf)  }
0x75: {  	s28 =	spop (v2sf)  }
0x76: {  	s26 =	spop (v2sf)  }
0x77: {  	p2 =	seq.s32 s6, s28;
	p3 =	seq.s32 s26, s6  }
0x78: {  	p3 =	por p2, p3  }
0x79: {  	s6 =	sand.u32 $0x1, s24;
	v4 =	vpsel p3, $0xFFFFFFFF, v4  }
0x7a: {  	s28 =	smul.u32 $0x1770, s6;
	[tilespmem:s25+$0x10] =	vst.msk $0x1, v4  }
0x7b: {  	v4 =	vld [tilespmem:$0x30]  }
0x7c: {  	v5 =	vld [tilespmem:s28+$0x7630]  }
0x7d: {  	v6 =	vld [tilespmem:s25+$0x40];
	_ =	sdelay $0x3  }
0x7e: {  	vm4 =	vmmov vm1;
	v5 =	vadd.f32 v5, v4  }
0x7f: {  	vm5 =	vmmov vm2;
	vm4 =	vmmov @p2 vm2;
	v4 =	vadd.f32 v6, v4  }
0x80: {  	s22 =	sshll.u32 s6, $0x4;
	vm5 =	vmmov @p3 vm1;
	[tilespmem:s28+$0x7630] =	vst.msk vm4, v5  }
0x81: {  	[tilespmem:s22+$0xD3F0] =	vst.msk vm5, v4  }
0x82: {  	v4 =	vld [tilespmem:s28+$0x5EB0];
	_ =	sdelay $0x3  }
0x83: {  	v5 =	vimm.f32 $0.0e+00  }
0x84: {  	v4 =	vshift.insert v4, v5, s21  }
0x85: {  	s29 =	sor.u32 $0x40, s2  }
0x86: {  	[tilespmem:s29+$0x0] =	vst.msk $0x1, v4  }
0x87: {  	[tilespmem:s28+$0x5EBF] =	vst.msk $0x1, v5  }
0x88: {  	v4 =	vld [tilespmem:s0+$0x1860];
	_ =	sdelay $0x1  }
0x89: {  	s29 =	smulhi.u32 $0xAAAAAAAB, s20;
	s0 =	simm.s32 $0x1  }
0x8a: {  	s0 =	simm.s32 @!p0 $0x0  }
0x8b: {  	s29 =	sshrl.u32 s29, $0x1;
	s0 =	smul.u32 $0x5DC0, s0  }
0x8c: {  	s29 =	smul.u32 $0xFFFEE6C0, s29;
	v4 =	vshift.insert v4, v1, s21  }
0x8d: {  	s0 =	sshrl.u32 s0, $0x2  }
0x8e: {  	s29 =	sshra.s32 s29, $0x2;
	s30 =	sadd.s32 $0x7630, s0;
	[tilespmem:s2+$0x10] =	vst.msk $0x1, v4  }
0x8f: {  	s6 =	sadd.s32 s29, s19;
	v6 =	vld [tilespmem:s30+$0x0]  }
0x90: {  	v7 =	vld [tilespmem:s6+$0x0];
	_ =	sdelay $0x3  }
0x91: {  	v5 =	vadd.f32 v6, v5  }
0x92: {  	vm4 =	vne.s32 v7, $0xFFFFFFFF  }
0x93: {  	(xrf2) =	vadd.seg.scan.f32 vm4, v5;
	_ =	sdelay $0x3  }
0x94: {  	s31 =	sadd.s32 $0x4750, s0;
	v5 =	vperm.xlane v4, v1  }
0x95: {  	v6 =	vld [tilespmem:s31+$0x0]  }
0x96: {  	vm5 =	veq.s32 v7, v3;
	vm6 =	veq.s32 v7, v5  }
0x97: {  	vm7 =	vgt.u32 v7, $0xFFFFFFFD;
	vm6 =	vmor vm6, vm5  }
0x98: {  	vm6 =	vmor vm6, vm7  }
0x99: {  	v9 =	vld [tilespmem:$0xA0];
	v7 =	vsel vm6, $0xFFFFFFFF, v7  }
0x9a: {  	v10 =	vld [tilespmem:$0x90];
	v6 =	vsel vm5, $0x0, v6;
	v8, _, _ =	vpop (xrf2)  }
0x9b: {  	v6 =	vadd.f32 v8, v6  }
0x9c: {  	s0 =	sadd.s32 $0xA510, s0  }
0x9d: {  	vm4 =	vmand vm4, vm3;
	[tilespmem:s0+$0x0] =	vst v6;
	(ifvalue) =	ssetifvalue $0xFFFFFFFF  }
0x9e: {  	vm6 =	veq.s32 v9, $0x1;
	[hbm4b:s1+s16] =	stream.indirect_vreg.scatter [tilespmem:s0], [sflag:$0x2], $0x1, v7, vm0, $0x4038;
	v7 =	vsel vm4, $0x0, v8;
	[tilespmem:$0xD410] =	vst v63  }
0x9f: {  	s29 =	sadd.s32 $0xD3F0, s22;
	s22 =	sadd.s32 $0x10, s6;
	s2 =	simm.s32 $0x0;
	vm4 =	vmor vm6, vm5;
	v6 =	vsel vm5, v8, v10;
	v7 =	vshift.insert v7, v0, s21  }
.LBB2_7:
0xa0: {  	v8 =	vld [tilespmem:s22+$0x0];
	s30 =	sadd.s32 $0x10, s30  }
0xa1: {  	s31 =	sadd.s32 $0x10, s31;
	v9 =	vld [tilespmem:s30+$0x0]  }
0xa2: {  	s2 =	sadd.s32 $0x10, s2;
	v10 =	vld [tilespmem:s31+$0x0]  }
0xa3: {  	p2 =	slt.u32 s2, $0x1760;
	_ =	sdelay $0x2  }
0xa4: {  	v7 =	vadd.f32 v9, v7  }
0xa5: {  	vm5 =	vne.s32 v8, $0xFFFFFFFF  }
0xa6: {  	vm6 =	vmand vm5, vm3;
	(xrf2) =	vadd.seg.scan.f32 vm5, v7;
	_ =	sdelay $0x5  }
0xa7: {  	vm7 =	veq.s32 v8, v5;
	vm5 =	veq.s32 v8, v3  }
0xa8: {  	vm8 =	vgt.u32 v8, $0xFFFFFFFD;
	vm4 =	vmor vm4, vm5;
	vm7 =	vmor vm7, vm5  }
0xa9: {  	vm7 =	vmor vm7, vm8  }
0xaa: {  	v8 =	vsel vm7, $0xFFFFFFFF, v8  }
.Ltmp5:
0xab: {  	v7 =	vsel vm5, $0x0, v10;
	v9, _, _ =	vpop (xrf2);
	(pc) =	sbr.rel @p2 .LBB2_7-.Ltmp5, $4  }
0xac: {  	v6 =	vsel vm5, v9, v6;
	v10 =	vadd.f32 v9, v7;
	v7 =	vsel vm6, $0x0, v9  }
0xad: {  	s0 =	sadd.s32 $0x10, s0;
	v7 =	vshift.insert v7, v0, s21  }
0xae: {  	s22 =	sadd.s32 $0x10, s22;
	[tilespmem:s0+$0x0] =	vst v10;
	(ifvalue) =	ssetifvalue $0xFFFFFFFF  }
0xaf: {  	[hbm4b:s1+s16] =	stream.indirect_vreg.scatter [tilespmem:s0], [sflag:$0x2], $0x1, v8, vm0, $0x4038;
	[tilespmem:$0xD410] =	vst v63  }
0xb0: {  	v3 =	vld [tilespmem:s28+$0xBC70];
	_ =	sdelay $0x4  }
0xb1: {  	v3 =	vshift.insert v3, v0, s21  }
0xb2: {  	s0 =	simm.s32 $0x30  }
0xb3: {  	[tilespmem:s0+$0x0] =	vst.msk $0x1, v3  }
0xb4: {  	v3 =	vsel vm4, $0x1, v1;
	[tilespmem:$0x90] =	vst v6  }
0xb5: {  	s0 =	sadd.s32 @!p1 $0xBC7F, s28;
	[tilespmem:$0xA0] =	vst v3  }
0xb6: {  	[spmem:s14] =	stream.linear.scatter @!p1 [tilespmem:s0], [sflag:$0x1], $0x1, $0x38;
	[tilespmem:$0xD410] =	vst v63  }
0xb7: {  	s0 =	simm.s32 @!p1 $0x1  }
0xb8: {  	v3 =	vmctz.xlane @!p1 vm4;
	_ =	swait.ge @!p1 [sflag:s0], $0x1  }
0xb9: {  	(v2sf) =	vpush @!p1 v4, $0x0  }
0xba: {  	(v2sf) =	vpush @!p1 v3, $0x0;
	_ =	sdelay $0xd  }
0xbb: {  	s2 =	spop @!p1 (v2sf)  }
0xbc: {  	s6 =	spop @!p1 (v2sf)  }
0xbd: {  	p2 =	sne.s32 @!p1 s26, s2;
	p3 =	slt.s32 @!p1 s6, $0xF  }
0xbe: {  	[sflag:s0] =	ssyncset.done @!p1 $0x0;
	p2 =	por p2, p1;
	p3 =	por !p3, p1  }
0xbf: {  	[sflag:s0] =	ssyncadd.s32 @!p1 $0xFFFFFFFF;
	v3 =	vimm.s32 @!p2 $0xFFFFFFFF;
	s6 =	simm.s32 @p3 $0xF  }
0xc0: {  	[tilespmem:$0x80] =	vst @!p2 v3;
	s2 =	sadd.s32 @!p1 $0x90, s6  }
0xc1: {  	[spmem:s10] =	stream.linear.scatter @!p1 [tilespmem:s2], [sflag:$0x1], $0x1, $0x38;
	[tilespmem:$0xD410] =	vst v63  }
0xc2: {  	_ =	swait.ge @!p1 [sflag:s0], $0x1  }
0xc3: {  	[sflag:s0] =	ssyncset.done @!p1 $0x0  }
0xc4: {  	s2 =	simm.s32 @!p1 $0x80;
	[sflag:s0] =	ssyncadd.s32 @!p1 $0xFFFFFFFF  }
0xc5: {  	[spmem:s15] =	stream.linear.scatter @!p1 [tilespmem:s2], [sflag:$0x1], $0x1, $0x38;
	[tilespmem:$0xD410] =	vst v63  }
0xc6: {  	_ =	swait.ge @!p1 [sflag:s0], $0x1  }
0xc7: {  	[sflag:s0] =	ssyncset.done @!p1 $0x0  }
0xc8: {  	[sflag:s0] =	ssyncadd.s32 @!p1 $0xFFFFFFFF;
	(ifvalue) =	ssetifvalue $0xFFFFFFFF;
	v3 =	vld [tilespmem:s25+$0x10];
	_ =	sdelay $0x3  }
.Ltmp6:
0xc9: {  	_ = 	snop;
	(pc) =	sbr.rel .LBB2_9-.Ltmp6, $3  }
0xca: {  	_ =	sdelay $0x1  }
0xcb: {  	(ifvalue) =	ssetifvalue $0xFFFFFFFF  }
0xcc: {  	[hbm4b:s1+s16] =	stream.indirect_vreg.scatter [tilespmem:s29], [sflag:$0x9], $0x1, v3, vm0, $0x4038;
	[tilespmem:$0xD410] =	vst v63  }
.LBB2_10:
0xcd: {  	_ =	sfence.sel $0x180000  }
0xce: {  	s0 =	simm.s32 $0x7;
	[bflag:$0x0] =	sbarrier.arrive $0xFFFF  }
0xcf: {  	s26 =	simm.s32 $0x8;
	[sflag:s0] =	ssyncpa.u1 $0x1  }
0xd0: {  	s28 =	simm.s32 $0x9;
	[sflag:s26] =	ssyncpa.u1 $0x1  }
0xd1: {  	[sflag:s28] =	ssyncpa.u1 $0x1  }
0xd2: {  	_ =	sfence.stream.spmem  }
0xd3: {  	s29 =	simm.s32 $0x3;
	[bflag:$0x0] =	sbarrier.arrive $0xFFFF  }
0xd4: {  	s30 =	simm.s32 $0x4;
	[sflag:s29] =	ssyncpa.u1 $0x1  }
0xd5: {  	s31 =	simm.s32 $0x3C;
	s2 =	stileid.u32;
	[sflag:s30] =	ssyncpa.u1 $0x1  }
0xd6: {  	p0 =	sne.s32 s2, $0x0;
	[sflag:s31] =	ssyncpa.u1 $0x1  }
0xd7: {  	s0 =	simm.s32 @p0 $0x1;
	_ =	sfence @p0  }
0xd8: {  	[sflag:s0] =	ssyncpa.u1 @p0 $0x1;
	s0 =	simm.s32 @p0 $0x2  }
0xd9: {  	[sflag:s0] =	ssyncpa.u1 @p0 $0x1  }
0xda: {  	_ =	strace @p0 $0x90000062  }
0xdb: {  	[bflag:$0x2] =	sbarrier.arrive @p0 $0xFFFF  }
0xdc: {  	_ =	shalt @p0  }
.LBB2_11:
0xdd: {  	_ =	sfence.stream.spmem;
	s0 =	simm.s32 $0x5  }
0xde: {  	s2 =	simm.s32 $0x80;
	s3 =	simm.s32 $0xC0;
	[sflag:s0] =	ssyncpa.u1 $0x0  }
0xdf: {  	[tilespmem:s3], [sflag:$0x5] =	stream.linear.gather [spmem:s2], $0x20, $0x38;
	[tilespmem:$0xD410] =	vst v63  }
0xe0: {  	s2 =	simm.s32 $0x0;
	s3 =	simm.s32 $0xE0  }
0xe1: {  	[tilespmem:s3], [sflag:$0x5] =	stream.linear.gather [spmem:s2], $0x20, $0x38;
	[tilespmem:$0xD410] =	vst v63  }
.Ltmp7:
0xe2: {  	_ = 	snop;
	(pc) =	sbr.rel .LBB2_12-.Ltmp7, $4  }
0xe3: {  	_ =	swait.ge [sflag:s0], $0x40  }
0xe4: {  	[sflag:s0] =	ssyncset.done $0x0  }
0xe5: {  	s31 =	simm.s32 $0x6;
	[sflag:s0] =	ssyncadd.s32 $0xFFFFFFC0  }
0xe6: {  	s4 =	simm.s32 $0x0;
	[sflag:s31] =	ssyncpa.u1 $0x0  }
.LBB2_17:
0xe7: {  	p0 =	sgt.u32 s5, $0x27FF  }
0xe8: {  	s0 =	sshrl.u32 @!p0 s5, $0x3  }
0xe9: {  	s5 =	sand.u32 @!p0 $0x7, s5;
	s6 =	simm.s32 @!p0 $0xB0;
	s0 =	sadd.s32 @!p0 s1, s0  }
0xea: {  	[tilespmem:s6], [sflag:$0x6] =	stream.linear.gather @!p0 [hbm4b:s0+s5], $0x1, $0x38;
	[tilespmem:$0xD410] =	vst v63  }
0xeb: {  	s0 =	simm.s32 @!p0 $0x6  }
0xec: {  	_ =	swait.ge @!p0 [sflag:s0], $0x1  }
0xed: {  	[sflag:s0] =	ssyncset.done @!p0 $0x0  }
0xee: {  	[sflag:s0] =	ssyncadd.s32 @!p0 $0xFFFFFFFF  }
0xef: {  	v2 =	vmov @!p0 s4;
	v1 =	vld.msk @!p0 [tilespmem:$0xB0], $0x1;
	_ =	sdelay $0x3  }
0xf0: {  	s0 =	simm.s32 @!p0 $0xE0  }
0xf1: {  	[tilespmem:v2+s0+$0x0], v1 =	vst.idx.ret.add.f32.msk @!p0 $0x1, v1  }
0xf2: {  	[tilespmem:s2+$0xC0] =	vst.msk $0x1, v0  }
0xf3: {  	v0 =	vld.msk [tilespmem:s4+$0xE0], $0x1;
	_ =	sdelay $0x4  }
0xf4: {  	[tilespmem:s2+$0xE0] =	vst.msk $0x1, v0;
	s2 =	sadd.s32 $0x1, s2  }
.LBB2_19:
0xf5: {  	s4 =	sadd.s32 $0x1, s4  }
0xf6: {  	p0 =	sne.s32 s4, $0x20  }
.Ltmp8:
0xf7: {  	_ = 	snop;
	(pc) =	sbr.rel @!p0 .LBB2_20-.Ltmp8, $1  }
0xf8: {  	_ =	sdelay $0x3  }
.LBB2_12:
0xf9: {  	v0 =	vld.msk [tilespmem:s4+$0xC0], $0x1;
	_ =	sdelay $0x4  }
0xfa: {  	(v2sf) =	vpush v0, $0x0;
	_ =	sdelay $0xe  }
0xfb: {  	s5 =	spop (v2sf)  }
0xfc: {  	p0 =	seq.s32 s5, $0xFFFFFFFF  }
.Ltmp9:
0xfd: {  	_ = 	snop;
	(pc) =	sbr.rel @p0 .LBB2_19-.Ltmp9, $1  }
0xfe: {  	_ =	sdelay $0x3  }
0xff: {  	p0 =	slt.s32 s2, $0x1  }
.Ltmp10:
0x100: {  	_ = 	snop;
	(pc) =	sbr.rel @p0 .LBB2_17-.Ltmp10, $1  }
0x101: {  	_ =	sdelay $0x3  }
0x102: {  	s0 =	simm.s32 $0xC0;
	p0 =	por $0x0, $0x0  }
0x103: {  	v1 =	vld.msk @!p0 [tilespmem:s0+$0x0], $0x1;
	_ =	sdelay $0x4  }
0x104: {  	(v2sf) =	vpush @!p0 v1, $0x0;
	_ =	sdelay $0xd  }
0x105: {  	p2 =	sne.s32 s2, $0x1  }
.Ltmp11:
0x106: {  	s6 =	spop @!p0 (v2sf);
	(pc) =	sbr.rel @!p2 .LBB2_16-.Ltmp11, $4  }
0x107: {  	p1 =	seq.s32 @!p0 s5, s6  }
0x108: {  	s6 =	simm.s32 $0x0;
	p1 =	por !p1, p0  }
0x109: {  	s8 =	simm.s32 $0xFFFFFFFF;
	s6 =	simm.s32 @p1 $0xFFFFFFFF  }
0x10a: {  	s7 =	simm.s32 $0x1;
	s6 =	smov.u32 @p0 s8  }
.LBB2_15:
0x10b: {  	s8 =	smov.u32 s6;
	p0 =	sne.s32 s6, $0xFFFFFFFF  }
0x10c: {  	s0 =	sadd.s32 $0x1, s0;
	s6 =	smov.u32 s7;
	s7 =	sadd.s32 $0x1, s7  }
0x10d: {  	p1 =	sne.s32 s2, s7;
	v1 =	vld.msk @!p0 [tilespmem:s0+$0x0], $0x1;
	_ =	sdelay $0x4  }
0x10e: {  	(v2sf) =	vpush @!p0 v1, $0x0;
	_ =	sdelay $0xe  }
.Ltmp12:
0x10f: {  	s9 =	spop @!p0 (v2sf);
	(pc) =	sbr.rel @p1 .LBB2_15-.Ltmp12, $4  }
0x110: {  	p2 =	seq.s32 @!p0 s5, s9  }
0x111: {  	p2 =	por !p2, p0  }
0x112: {  	s6 =	simm.s32 @p2 $0xFFFFFFFF  }
0x113: {  	s6 =	smov.u32 @p0 s8  }
.LBB2_16:
0x114: {  	p0 =	sne.s32 s6, $0xFFFFFFFF  }
.Ltmp13:
0x115: {  	_ = 	snop;
	(pc) =	sbr.rel @!p0 .LBB2_17-.Ltmp13, $1  }
0x116: {  	_ =	sdelay $0x3  }
0x117: {  	v0 =	vld.msk [tilespmem:s4+$0xE0], $0x1;
	v1 =	vmov s6  }
.Ltmp14:
0x118: {  	_ = 	snop;
	(pc) =	sbr.rel .LBB2_19-.Ltmp14, $2  }
0x119: {  	_ =	sdelay $0x2  }
0x11a: {  	[tilespmem:v1+s3+$0x0], v0 =	vst.idx.ret.add.f32.msk $0x1, v0  }
.LBB2_20:
0x11b: {  	p0 =	slt.s32 s2, $0x1  }
.Ltmp15:
0x11c: {  	_ = 	snop;
	(pc) =	sbr.rel @p0 .LBB2_24-.Ltmp15, $3  }
0x11d: {  	_ =	sdelay $0x1  }
0x11e: {  	s0 =	simm.s32 $0x6  }
0x11f: {  	s3 =	simm.s32 $0x0;
	[sflag:s0] =	ssyncpa.u1 $0x1  }
0x120: {  	s0 =	simm.s32 $0xC0  }
0x121: {  	v0 =	vld.msk [tilespmem:s0+$0x0], $0x1;
	_ =	sdelay $0x4  }
0x122: {  	(v2sf) =	vpush v0, $0x0;
	_ =	sdelay $0xe  }
0x123: {  	s2 =	sadd.s32 $0xFFFFFFFF, s2;
	s4 =	spop (v2sf)  }
0x124: {  	p1 =	sne.s32 s2, $0x0;
	p0 =	sgt.u32 s4, $0x27FF  }
.Ltmp16:
0x125: {  	s5 =	sshrl.u32 @!p0 s4, $0x3;
	(pc) =	sbr.rel @!p1 .LBB2_23-.Ltmp16, $4  }
0x126: {  	s0 =	simm.s32 $0xE0;
	s4 =	sand.u32 @!p0 $0x7, s4;
	s5 =	sadd.s32 @!p0 s1, s5  }
0x127: {  	[hbm4b:s5+s4] =	stream.linear.scatter @!p0 [tilespmem:s0], [sflag:$0x5], $0x1, $0x38;
	[tilespmem:$0xD410] =	vst v63  }
0x128: {  	s5 =	simm.s32 $0x0  }
0x129: {  	s4 =	simm.s32 $0xC1;
	s5 =	simm.s32 @!p0 $0x4  }
.LBB2_22:
0x12a: {  	v0 =	vld.msk [tilespmem:s4+$0x0], $0x1;
	s2 =	sadd.s32 $0xFFFFFFFF, s2;
	s3 =	sadd.s32 s3, s5  }
0x12b: {  	p0 =	sne.s32 s2, $0x0;
	_ =	sdelay $0x3  }
0x12c: {  	(v2sf) =	vpush v0, $0x0;
	_ =	sdelay $0xe  }
.Ltmp17:
0x12d: {  	s6 =	spop (v2sf);
	(pc) =	sbr.rel @p0 .LBB2_22-.Ltmp17, $4  }
0x12e: {  	s5 =	simm.s32 $0x0;
	p1 =	sgt.u32 s6, $0x27FF  }
0x12f: {  	s0 =	sadd.s32 $0x1, s0;
	s5 =	simm.s32 @!p1 $0x4;
	s7 =	sshrl.u32 @!p1 s6, $0x3  }
0x130: {  	s4 =	sadd.s32 $0x1, s4;
	s6 =	sand.u32 @!p1 $0x7, s6;
	s7 =	sadd.s32 @!p1 s1, s7  }
0x131: {  	[hbm4b:s7+s6] =	stream.linear.scatter @!p1 [tilespmem:s0], [sflag:$0x5], $0x1, $0x38;
	[tilespmem:$0xD410] =	vst v63  }
.LBB2_23:
0x132: {  	s0 =	sadd.s32 s3, s5  }
0x133: {  	s3 =	sshrl.u32 s0, $0x2  }
.LBB2_24:
0x134: {  	s0 =	simm.s32 $0x5  }
0x135: {  	_ =	swait.ge [sflag:s0], s3  }
0x136: {  	s1 =	ssub.s32 $0x0, s3;
	[sflag:s0] =	ssyncset.done $0x0  }
0x137: {  	[sflag:s0] =	ssyncadd.s32 s1  }
0x138: {  	[sflag:s0] =	ssyncpa.u1 $0x1  }
0x139: {  	s29 =	simm.s32 $0x1;
	_ =	sfence  }
0x13a: {  	s30 =	simm.s32 $0x2;
	[sflag:s29] =	ssyncpa.u1 $0x1  }
0x13b: {  	[sflag:s30] =	ssyncpa.u1 $0x1  }
0x13c: {  	_ =	strace $0x90000062  }
0x13d: {  	[bflag:$0x2] =	sbarrier.arrive $0xFFFF  }
0x13e: {  	s31 =	rddreg [dreg:$0x1]  }
0x13f: {  	s0 =	sadd.s32 $0x100000, s31  }
0x140: {  	[sflag:s0] =	ssyncadd.tile.s32 $0x1;
	_ =	shalt  }
.Lfunc_end2:
_tile_overlayer_lowered:
.L_overlay_start_2:
0x141: {  	(tag) =	ssettag $0x2  }
0x142: {  	s0 =	rddreg [dreg:$0x0];
	s2 =	stileid.u32  }
0x143: {  	s1 =	rddreg [dreg:$0x1];
	p0 =	sne.s32 s2, $0x0  }
0x144: {  	s3 =	rddreg [dreg:$0x2];
	[bflag:$0x3] =	sbarrier.arrive $0xFFFF;
	s2 =	simm.s32 @!p0 $0x1C01  }
0x145: {  	[timem:s3], [sflag:s2] =	dma.local @!p0 [hbm:s0], s1  }
0x146: {  	s0 =	simm.s32 @!p0 $0x1  }
0x147: {  	_ =	swait.ge @!p0 [sflag:s0], s1  }
0x148: {  	s1 =	ssub.s32 @!p0 $0x0, s1;
	[sflag:s0] =	ssyncset.done @!p0 $0x0  }
0x149: {  	[sflag:s0] =	ssyncadd.s32 @!p0 s1  }
0x14a: {  	[bflag:$0x3] =	sbarrier.arrive $0xFFFF  }
0x14b: {  	_ =	shalt  }

// kernel: scatter_offload_async_start
scs
__scs_entry_jumppad:
0x0: {  	(pc) =	sbr.rel $0x88, $3  }
0x1: {  	(tag) =	ssettag $0x0;
	lr =	simm.s32 $0x1  }
0x2: {  	[smem:$0x3F8E] =	sst lr;
	_ =	strace $0xD0000000  }
0x3: {  	_ = 	snop  }
0x4: {  	_ = 	snop  }
0x5: {  	_ = 	snop  }
0x6: {  	_ = 	snop  }
0x7: {  	_ = 	snop  }
__scs_overlays_trampoline_lowered:
0x8: {  	[smem:$0x3F9D] =	sst s0  }
0x9: {  	[smem:$0x3F9E] =	sst s1  }
0xa: {  	[smem:$0x3F9F] =	sst s2  }
0xb: {  	[smem:$0x3FA0] =	sst s3  }
0xc: {  	[smem:$0x3FA1] =	sst s4  }
0xd: {  	[smem:$0x3FA2] =	sst s5  }
0xe: {  	[smem:$0x3FA3] =	sst s6  }
0xf: {  	[smem:$0x3FA4] =	sst s7  }
0x10: {  	[smem:$0x3FA5] =	sst s8  }
0x11: {  	[smem:$0x3FA6] =	sst s9;
	s0 =	simm.s32 @!p0 $0x0  }
0x12: {  	s1 =	sld [smem:$0x3F8C];
	s0 =	simm.s32 @p0 $0x1  }
0x13: {  	[smem:$0x3FA7] =	sst s0;
	s0 =	simm.s32 @!p1 $0x0  }
0x14: {  	s2 =	sld [smem:$0x3F8B];
	s0 =	simm.s32 @p1 $0x1  }
0x15: {  	[smem:$0x3FA8] =	sst s0;
	s0 =	simm.s32 @!p2 $0x0  }
0x16: {  	s3 =	sld [smem:$0x3FDB];
	s0 =	simm.s32 @p2 $0x1  }
0x17: {  	s4 =	simm.s32 $0x1BF5;
	[smem:$0x3FAA] =	sst s0  }
0x18: {  	s0 =	sld [smem:$0x3F8D];
	_ =	swait.ge [sflag:s4], $0x0  }
0x19: {  	s7 =	sld [smem:$0x3F8E]  }
0x1a: {  	s8 =	sadd.s32 $0xFFFFE003, lr  }
0x1b: {  	s9 =	sadd.s32 $0xFFFFFEF7, lr;
	s5 =	simm.s32 $0xFFFFFFFF;
	p2 =	slt.u32 s8, $0xFFFFF086  }
0x1c: {  	p1 =	slt.u32 s9, $0xF7A;
	s5 =	simm.s32 @!p2 $0x0  }
0x1d: {  	s5 =	simm.s32 @p1 $0x1;
	p0 =	seq.s32 s7, s2  }
0x1e: {  	s7 =	smul.u32 @!p0 $0xF7A, s2;
	p2 =	seq.s32 @!p0 s5, $0x0  }
0x1f: {  	s9 =	smul.u32 $0xF7A, s1;
	s8 =	simm.s32 @!p0 $0x1BF5;
	p2 =	por !p2, p0  }
0x20: {  	[sflag:s8] =	ssyncset.s32 @!p0 $0xFFFFF086;
	s6 =	sadd.s32 @!p0 s3, s7;
	s7 =	simm.s32 @!p0 $0x108  }
0x21: {  	s3 =	sadd.s32 s3, s9;
	s6 =	sadd.s32 @!p0 $0x88, s6;
	s7 =	simm.s32 @p2 $0x1082  }
0x22: {  	[simem:s7], [sflag:s8] =	dma.local @!p0 [hbm:s6], $0xF7A  }
0x23: {  	s9 =	sor.u32 $0xD0000000, s2;
	s6 =	simm.s32 $0x108;
	_ =	swait.ge @!p0 [sflag:s8], $0x0  }
0x24: {  	s3 =	sadd.s32 $0x88, s3;
	s6 =	simm.s32 @!p1 $0x1082;
	[sflag:s4] =	ssyncset.s32 $0xFFFFF086  }
0x25: {  	[simem:s6], [sflag:s4] =	dma.local [hbm:s3], $0xF7A  }
0x26: {  	[smem:$0x3F8E] =	sst s1;
	(tag) =	ssettag s2;
	_ =	strace s9  }
0x27: {  	s1 =	sld [smem:$0x3F9E]  }
0x28: {  	s2 =	sld [smem:$0x3F9F]  }
0x29: {  	s4 =	sld [smem:$0x3FA1]  }
0x2a: {  	p0 =	seq.s32 s5, $0x0;
	s5 =	sld [smem:$0x3FA2]  }
0x2b: {  	s6 =	sld [smem:$0x3FA3]  }
0x2c: {  	s7 =	sld [smem:$0x3FA4]  }
0x2d: {  	s3 =	simm.s32 $0x108;
	s8 =	sld [smem:$0x3FA5]  }
0x2e: {  	s3 =	simm.s32 @!p0 $0x1082;
	s9 =	sld [smem:$0x3FA6]  }
0x2f: {  	lr =	sadd.s32 s0, s3;
	s0 =	sld [smem:$0x3F9D]  }
0x30: {  	s3 =	sld [smem:$0x3FA0]  }
0x31: {  	[smem:$0x3FA9] =	sst s10  }
0x32: {  	s10 =	sld [smem:$0x3FA7];
	_ =	sdelay $0x3  }
0x33: {  	p0 =	seq.s32 s10, $0x1;
	s10 =	sld [smem:$0x3FA9];
	_ =	sdelay $0x3  }
0x34: {  	[smem:$0x3FA9] =	sst s10  }
0x35: {  	s10 =	sld [smem:$0x3FA8];
	_ =	sdelay $0x3  }
0x36: {  	p1 =	seq.s32 s10, $0x1;
	s10 =	sld [smem:$0x3FA9];
	_ =	sdelay $0x3  }
0x37: {  	[smem:$0x3FA9] =	sst s10  }
0x38: {  	s10 =	sld [smem:$0x3FAA]  }
0x39: {  	_ = 	snop;
	(pc) =	sbr.ind lr, $3  }
0x3a: {  	_ = 	snop  }
0x3b: {  	_ = 	snop  }
0x3c: {  	p2 =	seq.s32 s10, $0x1;
	s10 =	sld [smem:$0x3FA9]  }
0x3d: {  	_ =	shalt  }
0x3e: {  	_ =	shalt  }
0x3f: {  	_ =	shalt  }
0x40: {  	_ =	shalt  }
0x41: {  	_ =	shalt  }
0x42: {  	_ =	shalt  }
0x43: {  	_ =	shalt  }
0x44: {  	_ =	shalt  }
0x45: {  	_ =	shalt  }
0x46: {  	_ =	shalt  }
0x47: {  	_ =	shalt  }
0x48: {  	_ =	shalt  }
0x49: {  	_ =	shalt  }
0x4a: {  	_ =	shalt  }
0x4b: {  	_ =	shalt  }
0x4c: {  	_ =	shalt  }
0x4d: {  	_ =	shalt  }
0x4e: {  	_ =	shalt  }
0x4f: {  	_ =	shalt  }
0x50: {  	_ =	shalt  }
0x51: {  	_ =	shalt  }
0x52: {  	_ =	shalt  }
0x53: {  	_ =	shalt  }
0x54: {  	_ =	shalt  }
0x55: {  	_ =	shalt  }
0x56: {  	_ =	shalt  }
0x57: {  	_ =	shalt  }
0x58: {  	_ =	shalt  }
0x59: {  	_ =	shalt  }
0x5a: {  	_ =	shalt  }
0x5b: {  	_ =	shalt  }
0x5c: {  	_ =	shalt  }
0x5d: {  	_ =	shalt  }
0x5e: {  	_ =	shalt  }
0x5f: {  	_ =	shalt  }
0x60: {  	_ =	shalt  }
0x61: {  	_ =	shalt  }
0x62: {  	_ =	shalt  }
0x63: {  	_ =	shalt  }
0x64: {  	_ =	shalt  }
0x65: {  	_ =	shalt  }
0x66: {  	_ =	shalt  }
0x67: {  	_ =	shalt  }
0x68: {  	_ =	shalt  }
0x69: {  	_ =	shalt  }
0x6a: {  	_ =	shalt  }
0x6b: {  	_ =	shalt  }
0x6c: {  	_ =	shalt  }
0x6d: {  	_ =	shalt  }
0x6e: {  	_ =	shalt  }
0x6f: {  	_ =	shalt  }
0x70: {  	_ =	shalt  }
0x71: {  	_ =	shalt  }
0x72: {  	_ =	shalt  }
0x73: {  	_ =	shalt  }
0x74: {  	_ =	shalt  }
0x75: {  	_ =	shalt  }
0x76: {  	_ =	shalt  }
0x77: {  	_ =	shalt  }
0x78: {  	_ =	shalt  }
0x79: {  	_ =	shalt  }
0x7a: {  	_ =	shalt  }
0x7b: {  	_ =	shalt  }
0x7c: {  	_ =	shalt  }
0x7d: {  	_ =	shalt  }
0x7e: {  	_ =	shalt  }
0x7f: {  	_ =	shalt  }
0x80: {  	_ =	shalt  }
0x81: {  	_ =	shalt  }
0x82: {  	_ =	shalt  }
0x83: {  	_ =	shalt  }
0x84: {  	_ =	shalt  }
0x85: {  	_ =	shalt  }
0x86: {  	_ =	shalt  }
0x87: {  	_ =	shalt  }
.Lfunc_end0:
.L_simem_size_0:
called_computation_lowered:
.L_overlay_start_0:
0x88: {  	s0 =	sld [smem:$0x3FD9]  }
0x89: {  	s1 =	sld [smem:$0x3FFE];
	_ =	sdelay $0x3  }
0x8a: {  	s0 =	sadd.s32 s1, s0  }
0x8b: {  	[smem:$0x3FB5] =	sst s0  }
0x8c: {  	_ = 	snop  }
0x8d: {  	(tm) =	ssettm $0x1  }
0x8e: {  	s14 =	sld [smem:$0x3FFB];
	_ =	sdelay $0x3  }
0x8f: {  	_ =	strace s14  }
0x90: {  	s0 =	sld [smem:$0x3FFC];
	_ =	sdelay $0x3  }
0x91: {  	_ =	strace s0  }
0x92: {  	s0 =	sld [smem:$0x3FFD];
	_ =	sdelay $0x3  }
0x93: {  	_ =	strace s0  }
0x94: {  	_ =	strace $0x8FFFFFFF  }
0x95: {  	s15 =	sld [smem:$0x3FDB];
	_ =	sdelay $0x1  }
0x96: {  	s16 =	simm.s32 $_scs_section_size  }
0x97: {  	s2 =	simm.s32 $_size__tile_overlayer_lowered;
	s3 =	simm.s32 $_tile_overlayer_lowered  }
0x98: {  	s4 =	simm.s32 $0x1BFF;
	s17 =	sshll.u32 s3, $0x1;
	s1 =	sadd.s32 s16, s15  }
0x99: {  	s18 =	simm.s32 $0x0;
	s2 =	sshll.u32 s2, $0x1;
	s3 =	sadd.s32 s17, s1  }
0x9a: {  	[timem:s18], [sflag:s4] =	dma.local [hbm:s3], s2  }
0x9b: {  	_ =	swait.ge [sflag:s4], s2  }
0x9c: {  	s2 =	ssub.s32 $0x0, s2;
	[sflag:s4] =	ssyncset.done $0x0  }
0x9d: {  	[sflag:s4] =	ssyncadd.s32 s2;
	_ =	sdelay $0x1  }
0x9e: {  	s19 =	simm.s32 $0x1B8B  }
0x9f: {  	_ =	swait.ge [sflag:s19], $0x1  }
0xa0: {  	[sflag:s19] =	ssyncset.done $0x0  }
0xa1: {  	s21 =	simm.s32 $0x1B8E;
	s20 =	sld [smem:$0x3FFE];
	[sflag:s19] =	ssyncadd.s32 $0xFFFFFFFF  }
0xa2: {  	s22 =	simm.s32 $execute0_lowered;
	[smem:$0x3FD2] =	sst s21  }
0xa3: {  	s3 =	sshll.u32 s22, $0x1;
	_ =	strace $0x8000004C;
	[dreg:$0x1] =	wrdreg $0xFFFFFFFF  }
0xa4: {  	s23 =	simm.s32 $_size_execute0_lowered;
	s3 =	sadd.s32 s1, s3;
	[dreg:$0x0] =	wrdreg $0x0  }
0xa5: {  	s4 =	sshll.u32 s23, $0x1;
	[dreg:$0x2] =	wrdreg s3  }
0xa6: {  	[dreg:$0x3] =	wrdreg s4  }
0xa7: {  	[dreg:$0x4] =	wrdreg $0xC0  }
0xa8: {  	s24 =	simm.s32 $execute1_lowered;
	_ =	task [dreg:s18], $0x5FFFF  }
0xa9: {  	s3 =	sshll.u32 s24, $0x1;
	[dreg:$0x1] =	wrdreg $0xFFFFFFFF  }
0xaa: {  	s1 =	sadd.s32 s1, s3;
	[dreg:$0x0] =	wrdreg $0x60  }
0xab: {  	[dreg:$0x2] =	wrdreg s1  }
0xac: {  	[dreg:$0x3] =	wrdreg s20  }
0xad: {  	[dreg:$0x4] =	wrdreg $0x9  }
0xae: {  	_ =	task.clear_ibuf [dreg:s18], $0x5FFFF;
	_ =	strace $0x9000004C  }
0xaf: {  	s25 =	simm.s32 $0x9;
	_ =	strace $0x8000004E  }
0xb0: {  	_ =	swait.ge [sflag:s25], $0x1  }
0xb1: {  	[sflag:s25] =	ssyncadd.s32 $0xFFFFFFFF  }
0xb2: {  	_ =	strace $0x9000004E  }
0xb3: {  	_ =	strace $0x8000004F;
	[dreg:$0x1] =	wrdreg $0xFFFFFFFF  }
0xb4: {  	[dreg:$0x0] =	wrdreg $0x2030  }
0xb5: {  	[dreg:$0x2] =	wrdreg s20  }
0xb6: {  	[dreg:$0x3] =	wrdreg $0xA  }
0xb7: {  	_ =	task.clear_ibuf [dreg:s18], $0x4FFFF;
	_ =	strace $0x9000004F  }
0xb8: {  	s26 =	simm.s32 $0xA;
	_ =	strace $0x80000051  }
0xb9: {  	_ =	swait.ge [sflag:s26], $0x1  }
0xba: {  	[sflag:s26] =	ssyncadd.s32 $0xFFFFFFFF  }
0xbb: {  	_ =	strace $0x90000051  }
0xbc: {  	_ =	sfence  }
0xbd: {  	s28 =	sld [smem:$0x0];
	_ =	sdelay $0x1  }
0xbe: {  	s29 =	srdreg.scid  }
0xbf: {  	s30 =	sshll.u32 s29, $0xD;
	s31 =	sshrl.u32 s29, $0x2  }
0xc0: {  	s2 =	sand.u32 $0x1, s29;
	s3 =	sand.u32 $0x4000, s30;
	s1 =	sadd.s32 s31, s28  }
0xc1: {  	s2 =	sor.u32 s3, s2;
	s1 =	sshll.u32 s1, $0x11  }
0xc2: {  	s1 =	sor.u32 s1, s2  }
0xc3: {  	s1 =	sadd.s32 $0x8F2B, s1  }
0xc4: {  	[sflag:s1] =	ssyncadd.remote.s32 $0x1  }
0xc5: {  	_ =	sfence.sel $0xFFFF  }
0xc6: {  	[dreg:$0x0] =	wrdreg $0xFFFFFFFF;
	(pc) =	sbr.abs _section_cstart, $3  }
0xc7: {  	[dreg:$0x1] =	wrdreg $0xFFFFFFFF  }
0xc8: {  	_ =	task.clear_ibuf [dreg:s18], $0x2FFFF;
	_ =	strace $0x9FFFFFFF  }
0xc9: {  	(tm) =	ssettm $0x7FFFFFFF  }
tec
execute0_lowered:
.L_overlay_start_1:
0x0: {  	(tag) =	ssettag $0x1  }
0x1: {  	s2 =	rddreg [dreg:$0x0]  }
0x2: {  	s4 =	rddreg [dreg:$0x1]  }
0x3: {  	s0 =	rddreg [dreg:$0x2]  }
0x4: {  	s3 =	stileid.u32;
	[bflag:$0x3] =	sbarrier.arrive $0xFFFF;
	s1 =	simm.s32 $_size_execute1_lowered  }
0x5: {  	s7 =	simm.s32 $0x2;
	s8 =	simm.s32 $0x0;
	s12 =	simm.s32 $0x0  }
0x6: {  	s10 =	simm.s32 $0x0;
	s11 =	simm.s32 $0x0;
	p0 =	sne.s32 s3, $0x0  }
0x7: {  	s1 =	sshll.u32 s1, $0x1;
	s3 =	sshll.u32 s3, $0x7;
	s5 =	simm.s32 @!p0 $0x1C3F  }
.Ltmp0:
0x8: {  	s6 =	simm.s32 @!p0 $0x4060;
	s31 =	ssub.s32 $0x2700, s3;
	(pc) =	sbr.rel .LBB2_1-.Ltmp0, $4  }
0x9: {  	[timem:s6], [sflag:s5] =	dma.local @!p0 [hbm:s2], s1  }
0xa: {  	s9 =	smov.u32 s3;
	s5 =	simm.s32 $0x1;
	_ =	strace $0x8000004D  }
0xb: {  	s2 =	sadd.s32 $0x84A00, s4;
	s6 =	sshrl.u32 s31, $0xB;
	[sflag:s5] =	ssyncpa.u1 $0x0  }
0xc: {  	s4 =	sadd.s32 $0x22400, s4;
	[sflag:s7] =	ssyncpa.u1 $0x0;
	s7 =	sadd.s32 $0x2, s6  }
.LBB2_4:
0xd: {  	_ = 	snop  }
.LBB2_7:
0xe: {  	_ =	sdelay $0x3  }
0xf: {  	[tilespmem:v0+s16+$0x0 ss:$0x1] =	vst.idx.msk @p1 $0xffff, v2  }
0x10: {  	v56 =	vld.idx.msk [tilespmem:v1+s15+$0x0 ss:$0x1], $0xffff;
	s24 =	sor.u32 $0x70, s15;
	[tilespmem:v0+s17+$0x0 ss:$0x1] =	vst.idx.msk @p1 $0xffff, v4  }
0x11: {  	s25 =	sor.u32 $0x10, s15;
	[tilespmem:v0+s18+$0x0 ss:$0x1] =	vst.idx.msk @p1 $0xffff, v3;
	v57 =	vld.idx.msk [tilespmem:v1+s24+$0x0 ss:$0x1], $0xffff  }
0x12: {  	s26 =	sor.u32 $0x20, s15;
	[tilespmem:v0+s19+$0x0 ss:$0x1] =	vst.idx.msk @p1 $0xffff, v5;
	v58 =	vld.idx.msk [tilespmem:v1+s25+$0x0 ss:$0x1], $0xffff  }
0x13: {  	s28 =	sor.u32 $0x30, s15;
	[tilespmem:v0+s20+$0x0 ss:$0x1] =	vst.idx.msk @p1 $0xffff, v6;
	v59 =	vld.idx.msk [tilespmem:v1+s26+$0x0 ss:$0x1], $0xffff  }
0x14: {  	s29 =	sor.u32 $0x40, s15;
	[tilespmem:v0+s21+$0x0 ss:$0x1] =	vst.idx.msk @p1 $0xffff, v7;
	v60 =	vld.idx.msk [tilespmem:v1+s28+$0x0 ss:$0x1], $0xffff  }
0x15: {  	s30 =	sor.u32 $0x50, s15;
	v61 =	vld.idx.msk [tilespmem:v1+s29+$0x0 ss:$0x1], $0xffff;
	[tilespmem:v0+s15+$0x0 ss:$0x1] =	vst.idx.msk $0xffff, v56  }
0x16: {  	s31 =	sor.u32 $0x60, s15;
	v62 =	vld.idx.msk [tilespmem:v1+s30+$0x0 ss:$0x1], $0xffff;
	[tilespmem:v0+s24+$0x0 ss:$0x1] =	vst.idx.msk $0xffff, v57  }
0x17: {  	v63 =	vld.idx.msk [tilespmem:v1+s31+$0x0 ss:$0x1], $0xffff;
	[tilespmem:v0+s25+$0x0 ss:$0x1] =	vst.idx.msk $0xffff, v58  }
0x18: {  	[tilespmem:v0+s26+$0x0 ss:$0x1] =	vst.idx.msk $0xffff, v59  }
0x19: {  	[tilespmem:v0+s28+$0x0 ss:$0x1] =	vst.idx.msk $0xffff, v60  }
0x1a: {  	[tilespmem:v0+s29+$0x0 ss:$0x1] =	vst.idx.msk $0xffff, v61  }
0x1b: {  	[tilespmem:v0+s30+$0x0 ss:$0x1] =	vst.idx.msk $0xffff, v62  }
0x1c: {  	[tilespmem:v0+s31+$0x0 ss:$0x1] =	vst.idx.msk $0xffff, v63  }
.LBB2_8:
0x1d: {  	s15 =	sand.u32 $0x1FFFFFF, s10  }
0x1e: {  	s16 =	smulhi.u32 $0x1A36E2F, s15;
	_ =	sdelay $0x1  }
0x1f: {  	s16 =	sshrl.u32 s16, $0x6  }
0x20: {  	s16 =	smul.u32 $0x2710, s16;
	_ =	sdelay $0x1  }
0x21: {  	s15 =	ssub.s32 s15, s16  }
0x22: {  	s15 =	sshll.u32 s15, $0x4  }
0x23: {  	s15 =	sadd.s32 s4, s15  }
0x24: {  	[hbm4b:s15+s8] =	stream.linear.scatter [tilespmem:s14], [sflag:$0x2], s13, $0x38;
	[tilespmem:$0x10000] =	vst v63  }
.LBB2_9:
0x25: {  	p1 =	slt.u32 s11, $0x2  }
0x26: {  	p2 =	sgt.s32 @!p1 s12, $0x2690  }
0x27: {  	s13 =	smov.u32 s12;
	s14 =	sshra.s32 @!p1 s12, $0x1F;
	p2 =	por !p2, p1  }
0x28: {  	s12 =	sand.u32 @!p1 s14, s12;
	s13 =	simm.s32 @p2 $0x2690  }
0x29: {  	s12 =	ssub.s32 @!p1 s13, s12  }
0x2a: {  	s12 =	sadd.s32 @!p1 $0xFFFFD970, s12  }
0x2b: {  	s13 =	sshll.u32 @!p1 s12, $0x9  }
0x2c: {  	p2 =	sgt.s32 @!p1 s12, $0x7F;
	s12 =	ssub.s32 @!p1 $0x10000, s13  }
0x2d: {  	s14 =	sadd.s32 $0x800, s9;
	p2 =	por !p2, p1;
	s12 =	sshrl.u32 @!p1 s12, $0x2  }
0x2e: {  	s12 =	simm.s32 @!p2 $0x0;
	p2 =	sgt.s32 s14, $0x270F  }
0x2f: {  	s14 =	smov.u32 @p2 s3;
	p2 =	sne.s32 s11, s7  }
.Ltmp1:
0x30: {  	_ = 	snop;
	(pc) =	sbr.rel @!p2 .LBB2_10-.Ltmp1, $4  }
0x31: {  	s13 =	simm.s32 @!p1 $0x2  }
0x32: {  	_ =	swait.ge @!p1 [sflag:s13], s12;
	s15 =	ssub.s32 @!p1 $0x0, s12  }
0x33: {  	s12 =	smov.u32 s10;
	s11 =	sadd.s32 $0x1, s11;
	[sflag:s13] =	ssyncset.done @!p1 $0x0  }
0x34: {  	s10 =	smov.u32 s9;
	s9 =	smov.u32 s14;
	[sflag:s13] =	ssyncadd.s32 @!p1 s15  }
.LBB2_1:
0x35: {  	p1 =	sgt.u32 s11, s6  }
0x36: {  	s13 =	sand.u32 @!p1 $0x1FFFFFF, s9  }
0x37: {  	p2 =	sgt.s32 @!p1 s9, $0x2690;
	s14 =	smulhi.u32 @!p1 $0x1A36E2F, s13  }
0x38: {  	s15 =	smov.u32 s9;
	s16 =	sshra.s32 @!p1 s9, $0x1F;
	p2 =	por !p2, p1  }
0x39: {  	s16 =	sand.u32 @!p1 s16, s9;
	s15 =	simm.s32 @p2 $0x2690;
	s14 =	sshrl.u32 @!p1 s14, $0x6  }
0x3a: {  	s15 =	ssub.s32 @!p1 s15, s16;
	s14 =	smul.u32 @!p1 $0x2710, s14  }
0x3b: {  	s16 =	sxor.u32 @!p1 $0xFFFFFFFF, s11;
	s15 =	sadd.s32 @!p1 $0xFFFFD970, s15  }
0x3c: {  	s16 =	sshll.u32 @!p1 s16, $0xE;
	s13 =	ssub.s32 @!p1 s13, s14;
	s14 =	sshll.u32 @!p1 s15, $0x9  }
0x3d: {  	s16 =	sand.u32 @!p1 $0x4000, s16;
	p2 =	sgt.s32 @!p1 s15, $0x7F;
	s14 =	ssub.s32 @!p1 $0x10000, s14  }
0x3e: {  	p2 =	por !p2, p1;
	s13 =	sshll.u32 @!p1 s13, $0x4;
	s14 =	sshrl.u32 @!p1 s14, $0x2  }
0x3f: {  	s15 =	simm.s32 @!p1 $0x0;
	s13 =	sadd.s32 @!p1 s2, s13;
	s14 =	simm.s32 @!p2 $0x0  }
0x40: {  	[tilespmem:s16], [sflag:$0x1] =	stream.linear.gather @!p1 [hbm4b:s13+s15], s14, $0x38;
	[tilespmem:$0x10000] =	vst v63  }
0x41: {  	p1 =	seq.s32 s11, $0x0  }
0x42: {  	p2 =	sge.u32 @!p1 s11, s7  }
0x43: {  	p1 =	por p1, p2  }
.Ltmp2:
0x44: {  	_ = 	snop;
	(pc) =	sbr.rel @p1 .LBB2_9-.Ltmp2, $1  }
0x45: {  	_ =	sdelay $0x3  }
0x46: {  	p1 =	sgt.s32 s10, $0x2690;
	s13 =	smov.u32 s10;
	s14 =	sshra.s32 s10, $0x1F  }
0x47: {  	s13 =	simm.s32 @!p1 $0x2690;
	s14 =	sand.u32 s14, s10  }
0x48: {  	s13 =	ssub.s32 s13, s14  }
0x49: {  	s13 =	sadd.s32 $0xFFFFD970, s13  }
0x4a: {  	s31 =	sshll.u32 s13, $0x9  }
0x4b: {  	s14 =	ssub.s32 $0x10000, s31  }
0x4c: {  	p1 =	sgt.s32 s13, $0x7F;
	s13 =	sshrl.u32 s14, $0x2;
	s14 =	sadd.s32 $0x80, s10  }
0x4d: {  	s13 =	simm.s32 @p1 $0x0;
	p1 =	slt.s32 s14, $0x2710  }
0x4e: {  	s14 =	simm.s32 @!p1 $0x2710  }
0x4f: {  	s16 =	ssub.s32 s14, s10  }
0x50: {  	p1 =	slt.s32 s16, $0x1  }
.Ltmp3:
0x51: {  	_ = 	snop;
	(pc) =	sbr.rel @p1 .LBB2_8-.Ltmp3, $4  }
0x52: {  	_ = 	snop  }
0x53: {  	s15 =	sshll.u32 s11, $0xE;
	_ =	swait.ge [sflag:s5], s13  }
0x54: {  	s15 =	sand.u32 $0x4000, s15;
	s17 =	ssub.s32 $0x0, s13;
	[sflag:s5] =	ssyncset.done $0x0  }
0x55: {  	s14 =	sor.u32 $0x8000, s15;
	[sflag:s5] =	ssyncadd.s32 s17  }
0x56: {  	p2 =	sne.s32 s16, $0x1  }
.Ltmp4:
0x57: {  	v1 =	vmov s15;
	v0 =	vmov s14;
	(pc) =	sbr.rel @!p2 .LBB2_4-.Ltmp4, $3  }
0x58: {  	_ =	sdelay $0x1  }
0x59: {  	s17 =	simm.s32 $0x0  }
0x5a: {  	s23 =	sadd.s32 $0xFFFFFFFF, s16;
	p1 =	por $0x0, $0x0;
	s15 =	sand.u32 $0x3F80, s17  }
0x5b: {  	_ =	sdelay $0x3  }
0x5c: {  	v6 =	vld.idx.msk [tilespmem:v1+s15+$0x0 ss:$0x1], $0xffff;
	s24 =	sor.u32 $0x70, s15  }
0x5d: {  	s16 =	sor.u32 $0x10, s15;
	v8 =	vld.idx.msk [tilespmem:v1+s24+$0x0 ss:$0x1], $0xffff  }
0x5e: {  	s17 =	sor.u32 $0x20, s15;
	p2 =	sne.s32 s23, $0x1;
	v2 =	vld.idx.msk [tilespmem:v1+s16+$0x0 ss:$0x1], $0xffff  }
.Ltmp5:
0x5f: {  	s18 =	sor.u32 $0x30, s15;
	v4 =	vld.idx.msk [tilespmem:v1+s17+$0x0 ss:$0x1], $0xffff;
	(pc) =	sbr.rel @!p2 .LBB2_7-.Ltmp5, $4  }
0x60: {  	s19 =	sor.u32 $0x40, s15;
	v3 =	vld.idx.msk [tilespmem:v1+s18+$0x0 ss:$0x1], $0xffff  }
0x61: {  	s21 =	sor.u32 $0x60, s15;
	v5 =	vld.idx.msk [tilespmem:v1+s19+$0x0 ss:$0x1], $0xffff  }
0x62: {  	s20 =	sor.u32 $0x50, s15;
	s22 =	simm.s32 $0x80;
	v7 =	vld.idx.msk [tilespmem:v1+s21+$0x0 ss:$0x1], $0xffff;
	[tilespmem:v0+s15+$0x0 ss:$0x1] =	vst.idx.msk $0xffff, v6  }
0x63: {  	s23 =	sadd.s32 $0xFFFFFFFF, s23;
	p1 =	por $0x1, $0x1;
	v6 =	vld.idx.msk [tilespmem:v1+s20+$0x0 ss:$0x1], $0xffff;
	s15 =	sand.u32 $0x3F80, s22;
	[tilespmem:v0+s24+$0x0 ss:$0x1] =	vst.idx.msk $0xffff, v8  }
.LBB2_6:
0x64: {  	p2 =	sne.s32 s23, $0x1;
	v8 =	vld.idx.msk [tilespmem:v1+s15+$0x0 ss:$0x1], $0xffff;
	s24 =	sor.u32 $0x70, s15;
	[tilespmem:v0+s16+$0x0 ss:$0x1] =	vst.idx.msk $0xffff, v2;
	s16 =	sor.u32 $0x10, s15  }
0x65: {  	s25 =	sor.u32 $0x30, s15;
	s26 =	sor.u32 $0x40, s15;
	v9 =	vld.idx.msk [tilespmem:v1+s24+$0x0 ss:$0x1], $0xffff;
	[tilespmem:v0+s17+$0x0 ss:$0x1] =	vst.idx.msk $0xffff, v4;
	s17 =	sor.u32 $0x20, s15  }
0x66: {  	s28 =	sor.u32 $0x50, s15;
	s29 =	sor.u32 $0x60, s15;
	v2 =	vld.idx.msk [tilespmem:v1+s16+$0x0 ss:$0x1], $0xffff;
	[tilespmem:v0+s18+$0x0 ss:$0x1] =	vst.idx.msk $0xffff, v3;
	s18 =	smov.u32 s25  }
.Ltmp6:
0x67: {  	v4 =	vld.idx.msk [tilespmem:v1+s17+$0x0 ss:$0x1], $0xffff;
	[tilespmem:v0+s19+$0x0 ss:$0x1] =	vst.idx.msk $0xffff, v5;
	s19 =	smov.u32 s26;
	(pc) =	sbr.rel @p2 .LBB2_6-.Ltmp6, $4  }
0x68: {  	v3 =	vld.idx.msk [tilespmem:v1+s18+$0x0 ss:$0x1], $0xffff;
	[tilespmem:v0+s20+$0x0 ss:$0x1] =	vst.idx.msk $0xffff, v6;
	s20 =	smov.u32 s28  }
0x69: {  	v5 =	vld.idx.msk [tilespmem:v1+s19+$0x0 ss:$0x1], $0xffff;
	[tilespmem:v0+s21+$0x0 ss:$0x1] =	vst.idx.msk $0xffff, v7;
	s21 =	smov.u32 s29  }
0x6a: {  	s22 =	sadd.s32 $0x80, s22;
	[tilespmem:v0+s15+$0x0 ss:$0x1] =	vst.idx.msk $0xffff, v8;
	v6 =	vld.idx.msk [tilespmem:v1+s20+$0x0 ss:$0x1], $0xffff  }
0x6b: {  	s23 =	sadd.s32 $0xFFFFFFFF, s23;
	s15 =	sand.u32 $0x3F80, s22;
	v7 =	vld.idx.msk [tilespmem:v1+s21+$0x0 ss:$0x1], $0xffff;
	[tilespmem:v0+s24+$0x0 ss:$0x1] =	vst.idx.msk $0xffff, v9  }
.Ltmp7:
0x6c: {  	_ = 	snop;
	(pc) =	sbr.rel .LBB2_7-.Ltmp7, $1  }
0x6d: {  	_ =	sdelay $0x3  }
.LBB2_10:
0x6e: {  	_ =	sfence.sel $0x180000  }
0x6f: {  	s2 =	simm.s32 $0x1;
	[bflag:$0x0] =	sbarrier.arrive $0xFFFF  }
0x70: {  	s31 =	simm.s32 $0x2;
	[sflag:s2] =	ssyncpa.u1 $0x1  }
0x71: {  	[sflag:s31] =	ssyncpa.u1 $0x1  }
0x72: {  	_ =	strace $0x9000004D  }
0x73: {  	s0 =	sadd.s32 @!p0 $0x100000, s0;
	[bflag:$0x2] =	sbarrier.arrive $0xFFFF  }
0x74: {  	[sflag:s0] =	ssyncadd.tile.s32 @!p0 $0x1;
	s0 =	simm.s32 @!p0 $0x3F  }
0x75: {  	_ =	swait.ge @!p0 [sflag:s0], s1  }
0x76: {  	s1 =	ssub.s32 @!p0 $0x0, s1;
	[sflag:s0] =	ssyncset.done @!p0 $0x0  }
0x77: {  	[sflag:s0] =	ssyncadd.s32 @!p0 s1  }
0x78: {  	[bflag:$0x3] =	sbarrier.arrive $0xFFFF  }
0x79: {  	_ =	shalt  }
.Lfunc_end2:
execute1_lowered:
.L_overlay_start_2:
0x7a: {  	(tag) =	ssettag $0x2  }
0x7b: {  	s0 =	rddreg [dreg:$0x0];
	_ =	strace $0x80000050;
	s1 =	simm.s32 $0x1  }
0x7c: {  	s8 =	simm.s32 $0x108;
	v0 =	vimm.s32 $0x0;
	[sflag:s1] =	ssyncpa.u1 $0x0  }
0x7d: {  	[tilespmem:s8+$0x70] =	vst v0  }
0x7e: {  	[tilespmem:s8+$0x60] =	vst v0  }
0x7f: {  	[tilespmem:s8+$0x50] =	vst v0  }
0x80: {  	[tilespmem:s8+$0x40] =	vst v0  }
0x81: {  	[tilespmem:s8+$0x30] =	vst v0  }
0x82: {  	s2 =	simm.s32 $0x40;
	s1 =	sadd.s32 $0x22400, s0;
	[tilespmem:s8+$0x20] =	vst v0  }
0x83: {  	s3 =	sadd.s32 $0x3E00, s0;
	s4 =	sadd.s32 $0x5E9A00, s0;
	s5 =	sadd.s32 $0x7A800, s0;
	[tilespmem:s8+$0x10] =	vst v0  }
.LBB3_1:
0x84: {  	s2 =	sadd.s32 $0x40, s2;
	[tilespmem:s8+$0x0] =	vst v0;
	s8 =	sadd.s32 $0x80, s8  }
0x85: {  	p0 =	slt.u32 s2, $0x3C40;
	[tilespmem:s8+$0x70] =	vst v0  }
0x86: {  	[tilespmem:s8+$0x60] =	vst v0  }
.Ltmp8:
0x87: {  	[tilespmem:s8+$0x50] =	vst v0;
	(pc) =	sbr.rel @p0 .LBB3_1-.Ltmp8, $4  }
0x88: {  	[tilespmem:s8+$0x40] =	vst v0  }
0x89: {  	[tilespmem:s8+$0x30] =	vst v0  }
0x8a: {  	[tilespmem:s8+$0x20] =	vst v0  }
0x8b: {  	[tilespmem:s8+$0x10] =	vst v0  }
0x8c: {  	s13 =	stileid.u32  }
0x8d: {  	s0 =	simm.s32 $0x4FB0;
	s6 =	smul.u32 $0x50A0, s13;
	p0 =	seq.s32 s13, $0xF  }
0x8e: {  	s0 =	simm.s32 @!p0 $0x50A0  }
0x8f: {  	s0 =	sadd.s32 s6, s0  }
0x90: {  	s7 =	smin.u32 s0, $0x50910  }
0x91: {  	s0 =	ssub.s32 s7, s6  }
0x92: {  	p0 =	sgt.s32 s0, $0x0  }
0x93: {  	s0 =	simm.s32 @!p0 $0x0  }
0x94: {  	s2 =	simm.s32 $0x2;
	s9 =	simm.s32 $0x7;
	s31 =	smulhi.u32 $0x1111112, s0  }
0x95: {  	s10 =	simm.s32 $0x8;
	s19 =	simm.s32 $0x0;
	s15 =	simm.s32 $0xA  }
0x96: {  	s17 =	simm.s32 $0x0;
	s18 =	simm.s32 $0x0;
	s11 =	smul.u32 $0xF0, s31  }
.Ltmp9:
0x97: {  	[tilespmem:s8+$0x0] =	vst v0;
	v0 =	vimm.s32 $0xFFFFFFFF;
	[sflag:s2] =	ssyncpa.u1 $0x0;
	s13 =	sshll.u32 s13, $0x8;
	(pc) =	sbr.rel .LBB3_3-.Ltmp9, $4  }
0x98: {  	[tilespmem:$0xF208] =	vst v0;
	[sflag:s9] =	ssyncpa.u1 $0x0;
	p0 =	sne.s32 s0, s11;
	s0 =	simm.s32 $0x1  }
0x99: {  	[sflag:s10] =	ssyncpa.u1 $0x0;
	s10 =	simm.s32 $0x9;
	s0 =	simm.s32 @!p0 $0x0  }
0x9a: {  	s16 =	smov.u32 s6;
	[sflag:s10] =	ssyncpa.u1 $0x0;
	s12 =	sadd.s32 s0, s31  }
0x9b: {  	v0 =	vlaneseq.u32;
	s11 =	simm.s32 $0x1;
	p0 =	por $0x0, $0x0;
	s14 =	sadd.s32 $0x1, s12  }
.LBB3_18:
0x9c: {  	s0 =	sshrl.u32 s28, $0x2  }
.LBB3_20:
0x9d: {  	_ =	swait.ge [sflag:s15], s0  }
0x9e: {  	s31 =	ssub.s32 $0x0, s0;
	v1 =	vmov s21;
	vm0 =	veq.s32 v0, $0x0;
	[sflag:s15] =	ssyncset.done $0x0  }
0x9f: {  	vm15 =	veq.s32 v0, $0x2;
	v1 =	vsel vm0, s26, v1;
	[sflag:s15] =	ssyncadd.s32 s31  }
0xa0: {  	v1 =	vsel vm15, s19, v1;
	[sflag:s15] =	ssyncpa.u1 $0x1  }
0xa1: {  	[tilespmem:$0xF208] =	vst v1  }
.LBB3_21:
0xa2: {  	s0 =	sadd.s32 $0xF0, s16  }
0xa3: {  	s2 =	smov.u32 s6;
	p1 =	slt.s32 s0, s7  }
0xa4: {  	s2 =	smov.u32 @p1 s0;
	p1 =	sne.s32 s18, s14  }
.Ltmp10:
0xa5: {  	_ = 	snop;
	(pc) =	sbr.rel @!p1 .LBB3_22-.Ltmp10, $3  }
0xa6: {  	_ =	sdelay $0x1  }
0xa7: {  	s19 =	smov.u32 s17;
	s31 =	sadd.s32 $0x1, s18;
	s17 =	smov.u32 s16  }
0xa8: {  	p0 =	por !p0, !p0;
	s18 =	smov.u32 s31;
	s16 =	smov.u32 s2  }
.LBB3_3:
0xa9: {  	p1 =	sge.u32 s18, s12  }
0xaa: {  	s0 =	smulhi.u32 @!p1 $0xAAAAAAAB, s18  }
0xab: {  	s2 =	smov.u32 s16;
	p2 =	sgt.s32 @!p1 s16, $0x50820  }
0xac: {  	s20 =	sshra.s32 @!p1 s16, $0x1F;
	p2 =	por !p2, p1;
	s0 =	sshrl.u32 @!p1 s0, $0x1  }
0xad: {  	s20 =	sand.u32 @!p1 s20, s16;
	s2 =	simm.s32 @p2 $0x50820;
	s0 =	smul.u32 @!p1 $0x3, s0  }
0xae: {  	s2 =	ssub.s32 @!p1 s2, s20  }
0xaf: {  	s2 =	sadd.s32 @!p1 $0xFFFAF7E0, s2;
	s0 =	ssub.s32 @!p1 s18, s0  }
0xb0: {  	s20 =	sshll.u32 @!p1 s2, $0x2;
	p2 =	sgt.s32 @!p1 s2, $0xEF;
	s0 =	smul.u32 @!p1 $0x3C0, s0  }
0xb1: {  	s21 =	sand.u32 @!p1 $0x7, s16;
	s2 =	ssub.s32 @!p1 $0x3C0, s20;
	p2 =	por !p2, p1  }
0xb2: {  	s20 =	sshrl.u32 @!p1 s16, $0x3;
	s2 =	sshrl.u32 @!p1 s2, $0x2;
	s0 =	sshrl.u32 @!p1 s0, $0x2  }
0xb3: {  	s20 =	sadd.s32 @!p1 s5, s20;
	s2 =	simm.s32 @!p2 $0x0;
	s0 =	sadd.s32 @!p1 $0x10238, s0  }
0xb4: {  	[tilespmem:s0], [sflag:$0x8] =	stream.linear.gather @!p1 [hbm4b:s20+s21], s2, $0x38;
	[tilespmem:$0x1F6E8] =	vst v63  }
0xb5: {  	s0 =	sadd.s32 $0xFFFFFFFF, s18  }
0xb6: {  	p1 =	sge.u32 s0, s12  }
0xb7: {  	p2 =	sgt.s32 @!p1 s17, $0x50820  }
0xb8: {  	s2 =	smov.u32 s17;
	s20 =	sshra.s32 @!p1 s17, $0x1F;
	p2 =	por !p2, p1  }
0xb9: {  	s20 =	sand.u32 @!p1 s20, s17;
	s2 =	simm.s32 @p2 $0x50820  }
0xba: {  	s2 =	ssub.s32 @!p1 s2, s20  }
0xbb: {  	s2 =	sadd.s32 @!p1 $0xFFFAF7E0, s2  }
0xbc: {  	s21 =	smulhi.u32 @!p1 $0xAAAAAAAB, s0;
	s22 =	sand.u32 @!p1 $0x1, s0;
	s20 =	sshll.u32 @!p1 s2, $0x2  }
0xbd: {  	s24 =	smul.u32 @!p1 $0x3C0, s22;
	p2 =	sgt.s32 @!p1 s2, $0xEF;
	s2 =	ssub.s32 @!p1 $0x3C0, s20  }
0xbe: {  	p2 =	por !p2, p1;
	s20 =	sshrl.u32 @!p1 s21, $0x1;
	s2 =	sshrl.u32 @!p1 s2, $0x2  }
0xbf: {  	s21 =	simm.s32 @!p1 $0x8;
	s20 =	smul.u32 @!p1 $0x3, s20;
	s2 =	simm.s32 @!p2 $0x0  }
0xc0: {  	s22 =	smul.u32 @!p1 $0x1E000, s22;
	_ =	swait.ge @!p1 [sflag:s21], s2;
	s23 =	ssub.s32 @!p1 $0x0, s2  }
0xc1: {  	s0 =	ssub.s32 @!p1 s0, s20;
	s20 =	sshrl.u32 @!p1 s17, $0x3;
	[sflag:s21] =	ssyncset.done @!p1 $0x0  }
0xc2: {  	s20 =	sadd.s32 @!p1 s3, s20;
	[sflag:s21] =	ssyncadd.s32 @!p1 s23;
	s21 =	sshrl.u32 @!p1 s24, $0x2  }
0xc3: {  	s0 =	smul.u32 @!p1 $0x3C0, s0;
	s23 =	sand.u32 @!p1 $0x7, s17;
	s21 =	sor.u32 @!p1 $0x10508, s21  }
0xc4: {  	[tilespmem:s21], [sflag:$0x9] =	stream.linear.gather @!p1 [hbm4b:s20+s23], s2, $0x38;
	[tilespmem:$0x1F6E8] =	vst v63  }
0xc5: {  	s0 =	sshrl.u32 @!p1 s0, $0x2;
	s2 =	sshrl.u32 @!p1 s22, $0x2  }
0xc6: {  	s0 =	sadd.s32 @!p1 $0x10238, s0;
	s20 =	simm.s32 @!p1 $0xF0;
	s2 =	sor.u32 @!p1 $0x106E8, s2  }
0xc7: {  	[tilespmem:s2], [sflag:$0x7] =	stream.indirect.gather @!p1 [hbm4b:s4+s20], $0x80, s0, s20, $0xb8;
	[tilespmem:$0x1F6E8] =	vst v63  }
0xc8: {  	p1 =	slt.u32 s18, $0x2  }
.Ltmp11:
0xc9: {  	_ = 	snop;
	(pc) =	sbr.rel @p1 .LBB3_21-.Ltmp11, $1  }
0xca: {  	_ =	sdelay $0x3  }
0xcb: {  	p1 =	sgt.s32 s19, $0x50820;
	s0 =	smov.u32 s19;
	s2 =	sshra.s32 s19, $0x1F  }
0xcc: {  	s0 =	simm.s32 @!p1 $0x50820;
	s2 =	sand.u32 s2, s19  }
0xcd: {  	s0 =	ssub.s32 s0, s2  }
0xce: {  	s0 =	sadd.s32 $0xFFFAF7E0, s0  }
0xcf: {  	s30 =	sshll.u32 s0, $0x2  }
0xd0: {  	_ =	swait.ge [sflag:s9], $0x7800;
	s2 =	ssub.s32 $0x3C0, s30  }
0xd1: {  	[sflag:s9] =	ssyncset.done $0x0;
	p1 =	sgt.s32 s0, $0xEF;
	s0 =	sshrl.u32 s2, $0x2  }
0xd2: {  	[sflag:s9] =	ssyncadd.s32 $0xFFFF8800;
	s0 =	simm.s32 @p1 $0x0  }
0xd3: {  	_ =	swait.ge [sflag:s10], s0  }
0xd4: {  	s0 =	ssub.s32 $0x0, s0;
	[sflag:s10] =	ssyncset.done $0x0  }
0xd5: {  	[sflag:s10] =	ssyncadd.s32 s0  }
0xd6: {  	v1 =	vld [tilespmem:$0xF208];
	_ =	sdelay $0x4  }
0xd7: {  	(v2sf) =	vpush v1, $0x0  }
0xd8: {  	(v2sf) =	vpush v1, $0x1  }
0xd9: {  	(v2sf) =	vpush v1, $0x2;
	_ =	sdelay $0x3  }
0xda: {  	s0 =	sadd.s32 $0xF0, s19  }
0xdb: {  	s2 =	ssub.s32 $0x50910, s19;
	p1 =	slt.s32 s7, s0  }
0xdc: {  	s0 =	smov.u32 @p1 s7;
	p1 =	sgt.s32 s2, $0x0  }
0xdd: {  	s23 =	ssub.s32 s0, s19;
	s2 =	simm.s32 @!p1 $0x0  }
0xde: {  	p1 =	slt.s32 s2, s23  }
0xdf: {  	s23 =	smov.u32 @p1 s2  }
0xe0: {  	s22 =	simm.s32 $0x1;
	p1 =	slt.s32 s23, $0x1  }
.Ltmp12:
0xe1: {  	s22 =	simm.s32 @!p0 $0x0;
	(pc) =	sbr.rel @p1 .LBB3_8-.Ltmp12, $4  }
0xe2: {  	s31 =	smul.u32 $0x3C0, s22  }
0xe3: {  	s24 =	spop (v2sf)  }
0xe4: {  	s0 =	sshrl.u32 s31, $0x2;
	s26 =	spop (v2sf)  }
0xe5: {  	s20 =	sor.u32 $0x10508, s0;
	s19 =	spop (v2sf)  }
0xe6: {  	s0 =	smin.u32 s23, $0x10  }
0xe7: {  	v1 =	vmov s0  }
0xe8: {  	p2 =	sgt.s32 s23, $0x10;
	vm1 =	vgt.u32 v1, v0  }
.Ltmp13:
0xe9: {  	_ = 	snop;
	(pc) =	sbr.rel @!p2 .LBB3_7-.Ltmp13, $2  }
0xea: {  	_ =	sdelay $0x2  }
0xeb: {  	s25 =	simm.s32 $0x10;
	s28 =	sadd.s32 $0xFFFFFFF0, s23;
	s21 =	smov.u32 s20;
	vm0 =	vmmov vm1  }
.LBB3_6:
0xec: {  	s0 =	smin.u32 s28, $0x10;
	s25 =	sadd.s32 $0x10, s25;
	v1 =	vld.msk [tilespmem:s21+$0x0 ss:$0x1], vm1  }
0xed: {  	v2 =	vmov s0;
	p2 =	slt.s32 s25, s23  }
0xee: {  	vm1 =	vgt.u32 v2, v0  }
.Ltmp14:
0xef: {  	(pc) =	sbr.rel @p2 .LBB3_6-.Ltmp14, $3  }
0xf0: {  	_ =	sdelay $0x1  }
0xf1: {  	v1 =	vshll.u32 v1, $0x4  }
0xf2: {  	s28 =	sadd.s32 $0xFFFFFFF0, s28;
	[tilespmem:s21+$0x0] =	vst.msk vm0, v1;
	s21 =	sadd.s32 $0x10, s21;
	vm0 =	vmmov vm1  }
.LBB3_7:
0xf3: {  	_ =	sdelay $0x4  }
0xf4: {  	v1 =	vld.msk [tilespmem:s21+$0x0 ss:$0x1], vm1;
	_ =	sdelay $0x4  }
0xf5: {  	v1 =	vshll.u32 v1, $0x4  }
0xf6: {  	[tilespmem:s21+$0x0] =	vst.msk vm0, v1  }
.LBB3_8:
0xf7: {  	s0 =	sand.u32 $0x1, s18  }
0xf8: {  	s0 =	smul.u32 $0xF0, s0  }
0xf9: {  	p2 =	sne.s32 s26, $0xFFFFFFFF  }
0xfa: {  	v1 =	vld.msk @!p2 [tilespmem:s0+$0x10508], $0x1;
	_ =	sdelay $0x4  }
0xfb: {  	(v2sf) =	vpush @!p2 v1, $0x0;
	_ =	sdelay $0xc  }
.Ltmp15:
0xfc: {  	_ = 	snop;
	(pc) =	sbr.rel @p1 .LBB3_19-.Ltmp15, $4  }
0xfd: {  	_ = 	snop  }
0xfe: {  	s25 =	spop @!p2 (v2sf)  }
0xff: {  	s19 =	simm.s32 @!p2 $0x0;
	s21 =	smov.u32 s25  }
0x100: {  	[sflag:s15] =	ssyncpa.u1 $0x0;
	s25 =	smov.u32 @p2 s24;
	s21 =	smov.u32 @p2 s26  }
0x101: {  	v1 =	vld.msk [tilespmem:s20+$0x0], $0x1;
	_ =	sdelay $0x4  }
0x102: {  	(v2sf) =	vpush v1, $0x0;
	_ =	sdelay $0xe  }
0x103: {  	s0 =	smul.u32 $0x1E000, s22;
	s29 =	spop (v2sf)  }
0x104: {  	s23 =	ssub.s32 $0x0, s23;
	p1 =	seq.s32 s25, s29  }
0x105: {  	s26 =	sadd.s32 $0x1, s23;
	s0 =	sshrl.u32 s0, $0x2;
	p2 =	sgt.s32 @!p1 s25, $0x0  }
0x106: {  	s22 =	sor.u32 $0x10728, s0;
	s0 =	smov.u32 s25;
	p2 =	por !p2, p1  }
0x107: {  	s0 =	simm.s32 @p2 $0x0;
	p2 =	seq.s32 s26, $0x0  }
.Ltmp16:
0x108: {  	_ = 	snop;
	(pc) =	sbr.rel @p2 .LBB3_11-.Ltmp16, $4  }
0x109: {  	_ = 	snop  }
0x10a: {  	s24 =	simm.s32 $0x0;
	s28 =	sadd.s32 $0x1, s20;
	s0 =	smin.u32 @!p1 s0, $0x270F0  }
0x10b: {  	s30 =	simm.s32 @!p1 $0x1;
	s31 =	simm.s32 @!p1 $0x7988;
	s2 =	sand.u32 @!p1 $0x3FFF8, s0  }
0x10c: {  	s30 =	smov.u32 @p1 s24;
	s0 =	sand.u32 @!p1 $0x7, s0;
	s2 =	sadd.s32 @!p1 s1, s2  }
.LBB3_10:
0x10d: {  	s8 =	smov.u32 s30  }
0x10e: {  	[tilespmem:s31], [sflag:$0x2] =	stream.linear.gather @!p1 [hbm4b:s2+s0], $0x80, $0x38;
	[tilespmem:$0x1F6E8] =	vst v63  }
0x10f: {  	s26 =	sadd.s32 $0x1, s26;
	s0 =	smov.u32 s29;
	v1 =	vld.msk [tilespmem:s28+$0x0], $0x1  }
0x110: {  	p2 =	seq.s32 s26, $0x0;
	_ =	sdelay $0x3  }
0x111: {  	(v2sf) =	vpush v1, $0x0;
	_ =	sdelay $0xe  }
0x112: {  	s29 =	spop (v2sf)  }
0x113: {  	p1 =	seq.s32 s0, s29  }
0x114: {  	p3 =	sgt.s32 @!p1 s0, $0x0;
	s2 =	sshll.u32 @!p1 s30, $0x9;
	s30 =	sadd.s32 @!p1 $0x1, s30  }
.Ltmp17:
0x115: {  	p3 =	por !p3, p1;
	s2 =	sshra.s32 @!p1 s2, $0x2;
	(pc) =	sbr.rel @!p2 .LBB3_10-.Ltmp17, $4  }
0x116: {  	s30 =	smov.u32 @p1 s8;
	s0 =	simm.s32 @p3 $0x0;
	s31 =	sadd.s32 @!p1 $0x7988, s2  }
0x117: {  	s0 =	smin.u32 @!p1 s0, $0x270F0  }
0x118: {  	s2 =	sand.u32 @!p1 $0x3FFF8, s0;
	s0 =	sand.u32 @!p1 $0x7, s0  }
0x119: {  	s28 =	sadd.s32 $0x1, s28;
	s2 =	sadd.s32 @!p1 s1, s2  }
.LBB3_11:
0x11a: {  	[tilespmem:s31], [sflag:$0x2] =	stream.linear.gather @!p1 [hbm4b:s2+s0], $0x80, $0x38;
	[tilespmem:$0x1F6E8] =	vst v63  }
.Ltmp18:
0x11b: {  	s30 =	sshll.u32 s30, $0x7;
	(pc) =	sbr.rel .LBB3_12-.Ltmp18, $4  }
0x11c: {  	s31 =	simm.s32 $0x2;
	s0 =	sand.u32 $0x3FFFFF80, s30  }
0x11d: {  	_ =	swait.ge [sflag:s31], s0  }
0x11e: {  	s0 =	ssub.s32 $0x0, s0;
	[sflag:s31] =	ssyncset.done $0x0  }
0x11f: {  	s28 =	simm.s32 $0x0;
	[sflag:s31] =	ssyncadd.s32 s0  }
.LBB3_13:
0x120: {  	v1 =	vld [tilespmem:s22+$0xFFFFFFC0];
	_ =	sdelay $0x3  }
0x121: {  	s0 =	sshra.s32 s0, $0x2  }
0x122: {  	[tilespmem:s0+$0x108] =	vst.add.f32.msk $0xffff, v1  }
0x123: {  	v1 =	vld [tilespmem:s22+$0xFFFFFFD0];
	_ =	sdelay $0x4  }
0x124: {  	[tilespmem:s0+$0x118] =	vst.add.f32.msk $0xffff, v1  }
0x125: {  	v1 =	vld [tilespmem:s22+$0xFFFFFFE0];
	_ =	sdelay $0x4  }
0x126: {  	[tilespmem:s0+$0x128] =	vst.add.f32.msk $0xffff, v1  }
0x127: {  	v1 =	vld [tilespmem:s22+$0xFFFFFFF0];
	_ =	sdelay $0x4  }
0x128: {  	[tilespmem:s0+$0x138] =	vst.add.f32.msk $0xffff, v1  }
0x129: {  	v1 =	vld [tilespmem:s22+$0x0];
	_ =	sdelay $0x4  }
0x12a: {  	[tilespmem:s0+$0x148] =	vst.add.f32.msk $0xffff, v1  }
0x12b: {  	v1 =	vld [tilespmem:s22+$0x10];
	_ =	sdelay $0x4  }
0x12c: {  	[tilespmem:s0+$0x158] =	vst.add.f32.msk $0xffff, v1  }
0x12d: {  	v1 =	vld [tilespmem:s22+$0x20];
	_ =	sdelay $0x4  }
0x12e: {  	[tilespmem:s0+$0x168] =	vst.add.f32.msk $0xffff, v1  }
0x12f: {  	v1 =	vld [tilespmem:s22+$0x30];
	_ =	sdelay $0x4  }
0x130: {  	[tilespmem:s0+$0x178] =	vst.add.f32.msk $0xffff, v1  }
.LBB3_17:
0x131: {  	s23 =	sadd.s32 $0x1, s23  }
0x132: {  	p1 =	seq.s32 s23, $0x0  }
.Ltmp19:
0x133: {  	_ = 	snop;
	(pc) =	sbr.rel @p1 .LBB3_18-.Ltmp19, $2  }
0x134: {  	_ =	sdelay $0x2  }
0x135: {  	s20 =	sadd.s32 $0x1, s20;
	s22 =	sadd.s32 $0x80, s22;
	s25 =	smov.u32 s26  }
.LBB3_12:
0x136: {  	v1 =	vld.msk [tilespmem:s20+$0x0], $0x1;
	_ =	sdelay $0x4  }
0x137: {  	(v2sf) =	vpush v1, $0x0;
	_ =	sdelay $0xe  }
0x138: {  	s26 =	spop (v2sf)  }
0x139: {  	p1 =	sne.s32 s25, s26  }
.Ltmp20:
0x13a: {  	_ = 	snop;
	(pc) =	sbr.rel @!p1 .LBB3_13-.Ltmp20, $2  }
0x13b: {  	_ =	sdelay $0x2  }
0x13c: {  	s0 =	sshll.u32 s19, $0x9  }
0x13d: {  	p1 =	seq.s32 s25, s21  }
.Ltmp21:
0x13e: {  	_ = 	snop;
	(pc) =	sbr.rel @!p1 .LBB3_15-.Ltmp21, $1  }
0x13f: {  	_ =	sdelay $0x3  }
0x140: {  	s0 =	sshra.s32 s0, $0x2  }
.Ltmp22:
0x141: {  	s0 =	sadd.s32 $0x108, s0;
	(pc) =	sbr.rel .LBB3_16-.Ltmp22, $4  }
0x142: {  	[spmem:s13] =	stream.linear.scatter [tilespmem:s0], [sflag:$0x1], $0x80, $0x38;
	[tilespmem:$0x1F6E8] =	vst v63  }
0x143: {  	_ =	swait.ge [sflag:s11], $0x80  }
0x144: {  	[sflag:s11] =	ssyncset.done $0x0  }
0x145: {  	[sflag:s11] =	ssyncadd.s32 $0xFFFFFF80  }
.LBB3_15:
0x146: {  	s2 =	sshll.u32 s24, $0x9  }
0x147: {  	s2 =	sshra.s32 s2, $0x2  }
0x148: {  	v1 =	vld [tilespmem:s2+$0x7988];
	_ =	sdelay $0x3  }
0x149: {  	s0 =	sshra.s32 s0, $0x2  }
0x14a: {  	[tilespmem:s0+$0x108] =	vst.add.f32.msk $0xffff, v1  }
0x14b: {  	v1 =	vld [tilespmem:s2+$0x7998];
	_ =	sdelay $0x4  }
0x14c: {  	[tilespmem:s0+$0x118] =	vst.add.f32.msk $0xffff, v1  }
0x14d: {  	v1 =	vld [tilespmem:s2+$0x79A8];
	_ =	sdelay $0x4  }
0x14e: {  	[tilespmem:s0+$0x128] =	vst.add.f32.msk $0xffff, v1  }
0x14f: {  	v1 =	vld [tilespmem:s2+$0x79B8];
	_ =	sdelay $0x4  }
0x150: {  	[tilespmem:s0+$0x138] =	vst.add.f32.msk $0xffff, v1  }
0x151: {  	v1 =	vld [tilespmem:s2+$0x79C8];
	_ =	sdelay $0x4  }
0x152: {  	[tilespmem:s0+$0x148] =	vst.add.f32.msk $0xffff, v1  }
0x153: {  	v1 =	vld [tilespmem:s2+$0x79D8];
	_ =	sdelay $0x4  }
0x154: {  	[tilespmem:s0+$0x158] =	vst.add.f32.msk $0xffff, v1  }
0x155: {  	v1 =	vld [tilespmem:s2+$0x79E8];
	_ =	sdelay $0x4  }
0x156: {  	[tilespmem:s0+$0x168] =	vst.add.f32.msk $0xffff, v1  }
0x157: {  	v1 =	vld [tilespmem:s2+$0x79F8];
	_ =	sdelay $0x2  }
0x158: {  	p1 =	sgt.u32 s25, $0x270F0  }
0x159: {  	s2 =	sand.u32 @!p1 $0x3FFF8, s25  }
0x15a: {  	s8 =	sadd.s32 $0x108, s0;
	[tilespmem:s0+$0x178] =	vst.add.f32.msk $0xffff, v1;
	s0 =	sadd.s32 @!p1 s1, s2;
	s2 =	sand.u32 @!p1 $0x7, s25  }
0x15b: {  	[hbm4b:s0+s2] =	stream.linear.scatter @!p1 [tilespmem:s8], [sflag:$0xA], $0x80, $0x38;
	[tilespmem:$0x1F6E8] =	vst v63  }
0x15c: {  	s0 =	simm.s32 $0x0  }
0x15d: {  	s0 =	simm.s32 @!p1 $0x200  }
0x15e: {  	s28 =	sadd.s32 s0, s28  }
.LBB3_16:
0x15f: {  	s0 =	sadd.s32 $0x1, s19  }
0x160: {  	s2 =	smulhi.u32 $0x88888889, s0;
	_ =	sdelay $0x1  }
0x161: {  	v1 =	vld [tilespmem:s22+$0xFFFFFFC0];
	s2 =	sshrl.u32 s2, $0x7  }
0x162: {  	s2 =	smul.u32 $0xF0, s2;
	_ =	sdelay $0x1  }
0x163: {  	s19 =	ssub.s32 s0, s2  }
0x164: {  	s0 =	sshll.u32 s19, $0x7  }
0x165: {  	[tilespmem:s0+$0x108] =	vst v1  }
0x166: {  	v1 =	vld [tilespmem:s22+$0xFFFFFFD0];
	_ =	sdelay $0x4  }
0x167: {  	[tilespmem:s0+$0x118] =	vst v1  }
0x168: {  	v1 =	vld [tilespmem:s22+$0xFFFFFFE0];
	_ =	sdelay $0x4  }
0x169: {  	[tilespmem:s0+$0x128] =	vst v1  }
0x16a: {  	v1 =	vld [tilespmem:s22+$0xFFFFFFF0];
	_ =	sdelay $0x4  }
0x16b: {  	[tilespmem:s0+$0x138] =	vst v1  }
0x16c: {  	v1 =	vld [tilespmem:s22+$0x0];
	_ =	sdelay $0x4  }
0x16d: {  	[tilespmem:s0+$0x148] =	vst v1  }
0x16e: {  	v1 =	vld [tilespmem:s22+$0x10];
	_ =	sdelay $0x4  }
0x16f: {  	[tilespmem:s0+$0x158] =	vst v1  }
0x170: {  	v1 =	vld [tilespmem:s22+$0x20];
	_ =	sdelay $0x4  }
0x171: {  	[tilespmem:s0+$0x168] =	vst v1  }
0x172: {  	v1 =	vld [tilespmem:s22+$0x30]  }
.Ltmp23:
0x173: {  	_ = 	snop;
	(pc) =	sbr.rel .LBB3_17-.Ltmp23, $2  }
0x174: {  	_ =	sdelay $0x2  }
0x175: {  	s24 =	sadd.s32 $0x1, s24;
	[tilespmem:s0+$0x178] =	vst v1  }
.LBB3_19:
.Ltmp24:
0x176: {  	(pc) =	sbr.rel .LBB3_20-.Ltmp24, $4  }
0x177: {  	_ = 	snop  }
0x178: {  	s0 =	simm.s32 $0x2  }
0x179: {  	_ =	swait.ge [sflag:s0], $0x0  }
0x17a: {  	s26 =	smov.u32 s25;
	[sflag:s0] =	ssyncset.done $0x0;
	s0 =	simm.s32 $0x0  }
.LBB3_22:
0x17b: {  	_ =	sfence.sel $0x180000  }
0x17c: {  	s0 =	simm.s32 $0x7;
	[bflag:$0x0] =	sbarrier.arrive $0xFFFF  }
0x17d: {  	s25 =	simm.s32 $0x8;
	[sflag:s0] =	ssyncpa.u1 $0x1  }
0x17e: {  	s26 =	simm.s32 $0x9;
	[sflag:s25] =	ssyncpa.u1 $0x1  }
0x17f: {  	s28 =	simm.s32 $0x2;
	[sflag:s26] =	ssyncpa.u1 $0x1  }
0x180: {  	[sflag:s28] =	ssyncpa.u1 $0x1  }
0x181: {  	v0 =	vld [tilespmem:$0xF208];
	_ =	sdelay $0x4  }
0x182: {  	(v2sf) =	vpush v0, $0x0  }
0x183: {  	(v2sf) =	vpush v0, $0x1;
	_ =	sdelay $0x1  }
0x184: {  	(v2sf) =	vpush v0, $0x2;
	_ =	sdelay $0xb  }
0x185: {  	s0 =	spop (v2sf)  }
0x186: {  	s2 =	spop (v2sf)  }
0x187: {  	s3 =	smov.u32 s0;
	p0 =	sne.s32 s0, s2  }
0x188: {  	s4 =	spop (v2sf);
	s3 =	simm.s32 @!p0 $0xFFFFFFFF  }
0x189: {  	v2 =	vimm.s32 $0x1;
	v3 =	vlaneseq.u32;
	p0 =	seq.s32 s4, $0xFFFFFFFF;
	v1 =	vmov s3  }
0x18a: {  	s7 =	stileid.u32;
	v0 =	vperm.xlane v0, v2;
	p1 =	sne.s32 @!p0 s0, s2;
	v1 =	vperm.xlane v1, v3  }
0x18b: {  	vm0 =	vcmask $0x3F04;
	s6 =	simm.s32 $0xF208;
	s0 =	simm.s32 @!p0 $0x1;
	p1 =	por !p1, p0  }
0x18c: {  	s3 =	sshll.u32 s7, $0x1;
	s2 =	sshll.u32 @!p0 s4, $0x9;
	s0 =	simm.s32 @p1 $0x0;
	v0 =	vsel vm0, v1, v0  }
0x18d: {  	s5 =	sor.u32 $0x1000, s3;
	s2 =	sshra.s32 @!p0 s2, $0x2;
	s0 =	sor.u32 @!p0 s0, s3;
	[tilespmem:$0xF208] =	vst v0  }
0x18e: {  	[spmem:s5] =	stream.linear.scatter [tilespmem:s6], [sflag:$0x1], $0x2, $0x38;
	[tilespmem:$0x1F6E8] =	vst v63  }
0x18f: {  	s2 =	sadd.s32 @!p0 $0x108, s2;
	s0 =	sshll.u32 @!p0 s0, $0x7  }
0x190: {  	[spmem:s0] =	stream.linear.scatter @!p0 [tilespmem:s2], [sflag:$0x1], $0x80, $0x38;
	[tilespmem:$0x1F6E8] =	vst v63  }
0x191: {  	s0 =	simm.s32 @!p0 $0x82  }
0x192: {  	s3 =	simm.s32 $0x1;
	s0 =	simm.s32 @p0 $0x2  }
0x193: {  	_ =	swait.ge [sflag:s3], s0  }
0x194: {  	s0 =	ssub.s32 $0x0, s0;
	[sflag:s3] =	ssyncset.done $0x0  }
0x195: {  	[sflag:s3] =	ssyncadd.s32 s0  }
0x196: {  	_ =	sfence.stream.spmem  }
0x197: {  	s29 =	simm.s32 $0x3;
	[bflag:$0x0] =	sbarrier.arrive $0xFFFF  }
0x198: {  	s30 =	simm.s32 $0x4;
	[sflag:s29] =	ssyncpa.u1 $0x1  }
0x199: {  	s31 =	simm.s32 $0x3C;
	[sflag:s30] =	ssyncpa.u1 $0x1  }
0x19a: {  	p0 =	sne.s32 s7, $0x0;
	[sflag:s31] =	ssyncpa.u1 $0x1  }
0x19b: {  	_ =	sfence @p0  }
0x19c: {  	[sflag:s3] =	ssyncpa.u1 @p0 $0x1  }
0x19d: {  	_ =	strace @p0 $0x90000050  }
0x19e: {  	[bflag:$0x2] =	sbarrier.arrive @p0 $0xFFFF  }
0x19f: {  	_ =	shalt @p0  }
.LBB3_23:
0x1a0: {  	_ =	sfence.stream.spmem;
	s0 =	simm.s32 $0x5  }
0x1a1: {  	s2 =	simm.s32 $0x1000;
	s3 =	simm.s32 $0xF218;
	[sflag:s0] =	ssyncpa.u1 $0x0  }
0x1a2: {  	[tilespmem:s3], [sflag:$0x5] =	stream.linear.gather [spmem:s2], $0x20, $0x38;
	[tilespmem:$0x1F6E8] =	vst v63  }
0x1a3: {  	s30 =	simm.s32 $0xF238;
	s2 =	simm.s32 $0x0  }
0x1a4: {  	[tilespmem:s30], [sflag:$0x5] =	stream.linear.gather [spmem:s2], $0x1000, $0x38;
	[tilespmem:$0x1F6E8] =	vst v63  }
.Ltmp25:
0x1a5: {  	_ = 	snop;
	(pc) =	sbr.rel .LBB3_24-.Ltmp25, $4  }
0x1a6: {  	_ =	swait.ge [sflag:s0], $0x1020  }
0x1a7: {  	[sflag:s0] =	ssyncset.done $0x0  }
0x1a8: {  	s31 =	simm.s32 $0x6;
	[sflag:s0] =	ssyncadd.s32 $0xFFFFEFE0  }
0x1a9: {  	s3 =	simm.s32 $0x0;
	[sflag:s31] =	ssyncpa.u1 $0x0  }
.LBB3_30:
0x1aa: {  	p0 =	slt.u32 s4, $0x270F1  }
0x1ab: {  	s0 =	sand.u32 @p0 $0x3FFF8, s4  }
0x1ac: {  	s4 =	sand.u32 @p0 $0x7, s4;
	s5 =	simm.s32 @p0 $0xF188;
	s0 =	sadd.s32 @p0 s1, s0  }
0x1ad: {  	[tilespmem:s5], [sflag:$0x6] =	stream.linear.gather @p0 [hbm4b:s0+s4], $0x80, $0x38;
	[tilespmem:$0x1F6E8] =	vst v63  }
0x1ae: {  	s0 =	simm.s32 @p0 $0x6  }
0x1af: {  	_ =	swait.ge @p0 [sflag:s0], $0x80  }
0x1b0: {  	[sflag:s0] =	ssyncset.done @p0 $0x0  }
0x1b1: {  	[sflag:s0] =	ssyncadd.s32 @p0 $0xFFFFFF80  }
0x1b2: {  	v1 =	vld @p0 [tilespmem:$0xF188];
	_ =	sdelay $0x2  }
0x1b3: {  	s0 =	sshll.u32 @p0 s3, $0x9  }
0x1b4: {  	s4 =	sshrl.u32 @p0 s0, $0x2  }
0x1b5: {  	[tilespmem:s4+$0xF238] =	vst.add.f32.msk @p0 $0xffff, v1  }
0x1b6: {  	v1 =	vld @p0 [tilespmem:$0xF198];
	_ =	sdelay $0x4  }
0x1b7: {  	[tilespmem:s4+$0xF248] =	vst.add.f32.msk @p0 $0xffff, v1  }
0x1b8: {  	v1 =	vld @p0 [tilespmem:$0xF1A8];
	_ =	sdelay $0x4  }
0x1b9: {  	[tilespmem:s4+$0xF258] =	vst.add.f32.msk @p0 $0xffff, v1  }
0x1ba: {  	v1 =	vld @p0 [tilespmem:$0xF1B8];
	_ =	sdelay $0x4  }
0x1bb: {  	[tilespmem:s4+$0xF268] =	vst.add.f32.msk @p0 $0xffff, v1  }
0x1bc: {  	v1 =	vld @p0 [tilespmem:$0xF1C8];
	_ =	sdelay $0x4  }
0x1bd: {  	[tilespmem:s4+$0xF278] =	vst.add.f32.msk @p0 $0xffff, v1  }
0x1be: {  	v1 =	vld @p0 [tilespmem:$0xF1D8];
	_ =	sdelay $0x4  }
0x1bf: {  	[tilespmem:s4+$0xF288] =	vst.add.f32.msk @p0 $0xffff, v1  }
0x1c0: {  	v1 =	vld @p0 [tilespmem:$0xF1E8];
	_ =	sdelay $0x4  }
0x1c1: {  	[tilespmem:s4+$0xF298] =	vst.add.f32.msk @p0 $0xffff, v1  }
0x1c2: {  	v1 =	vld @p0 [tilespmem:$0xF1F8];
	_ =	sdelay $0x3  }
0x1c3: {  	s5 =	sshll.u32 @!p0 s3, $0x9  }
0x1c4: {  	s5 =	smov.u32 @p0 s0;
	[tilespmem:s4+$0xF2A8] =	vst.add.f32.msk @p0 $0xffff, v1  }
0x1c5: {  	s0 =	sshrl.u32 s5, $0x2;
	[tilespmem:s2+$0xF218] =	vst.msk $0x1, v0  }
0x1c6: {  	v0 =	vld [tilespmem:s0+$0xF238];
	_ =	sdelay $0x2  }
0x1c7: {  	s31 =	sshll.u32 s2, $0x9  }
0x1c8: {  	s4 =	sshra.s32 s31, $0x2  }
0x1c9: {  	[tilespmem:s4+$0xF238] =	vst v0  }
0x1ca: {  	v0 =	vld [tilespmem:s0+$0xF248];
	_ =	sdelay $0x4  }
0x1cb: {  	[tilespmem:s4+$0xF248] =	vst v0  }
0x1cc: {  	v0 =	vld [tilespmem:s0+$0xF258];
	_ =	sdelay $0x4  }
0x1cd: {  	[tilespmem:s4+$0xF258] =	vst v0  }
0x1ce: {  	v0 =	vld [tilespmem:s0+$0xF268];
	_ =	sdelay $0x4  }
0x1cf: {  	[tilespmem:s4+$0xF268] =	vst v0  }
0x1d0: {  	v0 =	vld [tilespmem:s0+$0xF278];
	_ =	sdelay $0x4  }
0x1d1: {  	[tilespmem:s4+$0xF278] =	vst v0  }
0x1d2: {  	v0 =	vld [tilespmem:s0+$0xF288];
	_ =	sdelay $0x4  }
0x1d3: {  	[tilespmem:s4+$0xF288] =	vst v0  }
0x1d4: {  	v0 =	vld [tilespmem:s0+$0xF298];
	_ =	sdelay $0x4  }
0x1d5: {  	[tilespmem:s4+$0xF298] =	vst v0  }
0x1d6: {  	v0 =	vld [tilespmem:s0+$0xF2A8];
	_ =	sdelay $0x4  }
0x1d7: {  	s2 =	sadd.s32 $0x1, s2;
	[tilespmem:s4+$0xF2A8] =	vst v0  }
.LBB3_31:
0x1d8: {  	s3 =	sadd.s32 $0x1, s3  }
0x1d9: {  	p0 =	sne.s32 s3, $0x20  }
.Ltmp26:
0x1da: {  	_ = 	snop;
	(pc) =	sbr.rel @!p0 .LBB3_32-.Ltmp26, $1  }
0x1db: {  	_ =	sdelay $0x3  }
.LBB3_24:
0x1dc: {  	v0 =	vld.msk [tilespmem:s3+$0xF218], $0x1;
	_ =	sdelay $0x4  }
0x1dd: {  	(v2sf) =	vpush v0, $0x0;
	_ =	sdelay $0xe  }
0x1de: {  	s4 =	spop (v2sf)  }
0x1df: {  	p0 =	seq.s32 s4, $0xFFFFFFFF  }
.Ltmp27:
0x1e0: {  	_ = 	snop;
	(pc) =	sbr.rel @p0 .LBB3_31-.Ltmp27, $1  }
0x1e1: {  	_ =	sdelay $0x3  }
0x1e2: {  	p0 =	slt.s32 s2, $0x1  }
.Ltmp28:
0x1e3: {  	_ = 	snop;
	(pc) =	sbr.rel @p0 .LBB3_30-.Ltmp28, $1  }
0x1e4: {  	_ =	sdelay $0x3  }
0x1e5: {  	s5 =	simm.s32 $0xF218;
	p0 =	por $0x0, $0x0  }
0x1e6: {  	v1 =	vld.msk @!p0 [tilespmem:s5+$0x0], $0x1;
	_ =	sdelay $0x4  }
0x1e7: {  	(v2sf) =	vpush @!p0 v1, $0x0;
	_ =	sdelay $0xd  }
0x1e8: {  	p2 =	sne.s32 s2, $0x1  }
.Ltmp29:
0x1e9: {  	s0 =	spop @!p0 (v2sf);
	(pc) =	sbr.rel @!p2 .LBB3_28-.Ltmp29, $4  }
0x1ea: {  	p1 =	seq.s32 @!p0 s4, s0  }
0x1eb: {  	s6 =	simm.s32 $0x0;
	p1 =	por !p1, p0  }
0x1ec: {  	s0 =	simm.s32 $0xFFFFFFFF;
	s6 =	simm.s32 @p1 $0xFFFFFFFF  }
0x1ed: {  	s7 =	simm.s32 $0x1;
	s6 =	smov.u32 @p0 s0  }
.LBB3_27:
0x1ee: {  	s0 =	smov.u32 s6;
	p0 =	sne.s32 s6, $0xFFFFFFFF  }
0x1ef: {  	s5 =	sadd.s32 $0x1, s5;
	s6 =	smov.u32 s7;
	s7 =	sadd.s32 $0x1, s7  }
0x1f0: {  	p1 =	sne.s32 s2, s7;
	v1 =	vld.msk @!p0 [tilespmem:s5+$0x0], $0x1;
	_ =	sdelay $0x4  }
0x1f1: {  	(v2sf) =	vpush @!p0 v1, $0x0;
	_ =	sdelay $0xe  }
.Ltmp30:
0x1f2: {  	s8 =	spop @!p0 (v2sf);
	(pc) =	sbr.rel @p1 .LBB3_27-.Ltmp30, $4  }
0x1f3: {  	p2 =	seq.s32 @!p0 s4, s8  }
0x1f4: {  	p2 =	por !p2, p0  }
0x1f5: {  	s6 =	simm.s32 @p2 $0xFFFFFFFF  }
0x1f6: {  	s6 =	smov.u32 @p0 s0  }
.LBB3_28:
0x1f7: {  	p0 =	seq.s32 s6, $0xFFFFFFFF  }
.Ltmp31:
0x1f8: {  	_ = 	snop;
	(pc) =	sbr.rel @p0 .LBB3_30-.Ltmp31, $1  }
0x1f9: {  	_ =	sdelay $0x3  }
0x1fa: {  	s0 =	sshll.u32 s3, $0x7  }
0x1fb: {  	s0 =	sand.u32 $0x3FFFFF80, s0  }
0x1fc: {  	v0 =	vld [tilespmem:s0+$0xF238];
	_ =	sdelay $0x2  }
0x1fd: {  	s4 =	sshll.u32 s6, $0x9  }
0x1fe: {  	s4 =	sshra.s32 s4, $0x2  }
0x1ff: {  	[tilespmem:s4+$0xF238] =	vst.add.f32.msk $0xffff, v0  }
0x200: {  	v0 =	vld [tilespmem:s0+$0xF248];
	_ =	sdelay $0x4  }
0x201: {  	[tilespmem:s4+$0xF248] =	vst.add.f32.msk $0xffff, v0  }
0x202: {  	v0 =	vld [tilespmem:s0+$0xF258];
	_ =	sdelay $0x4  }
0x203: {  	[tilespmem:s4+$0xF258] =	vst.add.f32.msk $0xffff, v0  }
0x204: {  	v0 =	vld [tilespmem:s0+$0xF268];
	_ =	sdelay $0x4  }
0x205: {  	[tilespmem:s4+$0xF268] =	vst.add.f32.msk $0xffff, v0  }
0x206: {  	v0 =	vld [tilespmem:s0+$0xF278];
	_ =	sdelay $0x4  }
0x207: {  	[tilespmem:s4+$0xF278] =	vst.add.f32.msk $0xffff, v0  }
0x208: {  	v0 =	vld [tilespmem:s0+$0xF288];
	_ =	sdelay $0x4  }
0x209: {  	[tilespmem:s4+$0xF288] =	vst.add.f32.msk $0xffff, v0  }
0x20a: {  	v0 =	vld [tilespmem:s0+$0xF298];
	_ =	sdelay $0x4  }
0x20b: {  	[tilespmem:s4+$0xF298] =	vst.add.f32.msk $0xffff, v0  }
0x20c: {  	v0 =	vld [tilespmem:s0+$0xF2A8]  }
.Ltmp32:
0x20d: {  	_ = 	snop;
	(pc) =	sbr.rel .LBB3_31-.Ltmp32, $2  }
0x20e: {  	_ =	sdelay $0x2  }
0x20f: {  	[tilespmem:s4+$0xF2A8] =	vst.add.f32.msk $0xffff, v0  }
.LBB3_32:
0x210: {  	p0 =	slt.s32 s2, $0x1  }
.Ltmp33:
0x211: {  	_ = 	snop;
	(pc) =	sbr.rel @p0 .LBB3_36-.Ltmp33, $3  }
0x212: {  	_ =	sdelay $0x1  }
0x213: {  	s0 =	simm.s32 $0x6  }
0x214: {  	s3 =	simm.s32 $0x0;
	[sflag:s0] =	ssyncpa.u1 $0x1  }
0x215: {  	s0 =	simm.s32 $0xF218  }
0x216: {  	v0 =	vld.msk [tilespmem:s0+$0x0], $0x1;
	_ =	sdelay $0x4  }
0x217: {  	(v2sf) =	vpush v0, $0x0;
	_ =	sdelay $0xd  }
0x218: {  	s2 =	sadd.s32 $0xFFFFFFFF, s2  }
0x219: {  	p1 =	sne.s32 s2, $0x0;
	s0 =	spop (v2sf)  }
.Ltmp34:
0x21a: {  	p0 =	sgt.u32 s0, $0x270F0;
	(pc) =	sbr.rel @!p1 .LBB3_35-.Ltmp34, $4  }
0x21b: {  	s4 =	simm.s32 $0xF238;
	s5 =	sand.u32 @!p0 $0x3FFF8, s0  }
0x21c: {  	s6 =	simm.s32 $0x0;
	s0 =	sand.u32 @!p0 $0x7, s0;
	s5 =	sadd.s32 @!p0 s1, s5  }
0x21d: {  	[hbm4b:s5+s0] =	stream.linear.scatter @!p0 [tilespmem:s4], [sflag:$0x5], $0x80, $0x38;
	[tilespmem:$0x1F6E8] =	vst v63  }
0x21e: {  	s6 =	simm.s32 @!p0 $0x200;
	s5 =	simm.s32 $0xF219  }
.LBB3_34:
0x21f: {  	v0 =	vld.msk [tilespmem:s5+$0x0], $0x1;
	s2 =	sadd.s32 $0xFFFFFFFF, s2;
	s3 =	sadd.s32 s3, s6  }
0x220: {  	p0 =	sne.s32 s2, $0x0;
	_ =	sdelay $0x3  }
0x221: {  	(v2sf) =	vpush v0, $0x0;
	_ =	sdelay $0xe  }
.Ltmp35:
0x222: {  	s0 =	spop (v2sf);
	(pc) =	sbr.rel @p0 .LBB3_34-.Ltmp35, $4  }
0x223: {  	s6 =	simm.s32 $0x0;
	p1 =	sgt.u32 s0, $0x270F0  }
0x224: {  	s4 =	sadd.s32 $0x80, s4;
	s6 =	simm.s32 @!p1 $0x200;
	s7 =	sand.u32 @!p1 $0x3FFF8, s0  }
0x225: {  	s5 =	sadd.s32 $0x1, s5;
	s0 =	sand.u32 @!p1 $0x7, s0;
	s7 =	sadd.s32 @!p1 s1, s7  }
0x226: {  	[hbm4b:s7+s0] =	stream.linear.scatter @!p1 [tilespmem:s4], [sflag:$0x5], $0x80, $0x38;
	[tilespmem:$0x1F6E8] =	vst v63  }
.LBB3_35:
0x227: {  	s0 =	sadd.s32 s3, s6  }
0x228: {  	s3 =	sshrl.u32 s0, $0x2  }
.LBB3_36:
0x229: {  	s0 =	simm.s32 $0x5  }
0x22a: {  	_ =	swait.ge [sflag:s0], s3  }
0x22b: {  	s1 =	ssub.s32 $0x0, s3;
	[sflag:s0] =	ssyncset.done $0x0  }
0x22c: {  	[sflag:s0] =	ssyncadd.s32 s1  }
0x22d: {  	[sflag:s0] =	ssyncpa.u1 $0x1  }
0x22e: {  	s30 =	simm.s32 $0x1;
	_ =	sfence  }
0x22f: {  	[sflag:s30] =	ssyncpa.u1 $0x1  }
0x230: {  	_ =	strace $0x90000050  }
0x231: {  	[bflag:$0x2] =	sbarrier.arrive $0xFFFF  }
0x232: {  	s31 =	rddreg [dreg:$0x1]  }
0x233: {  	s0 =	sadd.s32 $0x100000, s31  }
0x234: {  	[sflag:s0] =	ssyncadd.tile.s32 $0x1;
	_ =	shalt  }
.Lfunc_end3:
_tile_overlayer_lowered:
.L_overlay_start_3:
0x235: {  	(tag) =	ssettag $0x3  }
0x236: {  	s0 =	rddreg [dreg:$0x0];
	s2 =	stileid.u32  }
0x237: {  	s1 =	rddreg [dreg:$0x1];
	p0 =	sne.s32 s2, $0x0  }
0x238: {  	s3 =	rddreg [dreg:$0x2];
	[bflag:$0x3] =	sbarrier.arrive $0xFFFF;
	s2 =	simm.s32 @!p0 $0x1C01  }
0x239: {  	[timem:s3], [sflag:s2] =	dma.local @!p0 [hbm:s0], s1  }
0x23a: {  	s0 =	simm.s32 @!p0 $0x1  }
0x23b: {  	_ =	swait.ge @!p0 [sflag:s0], s1  }
0x23c: {  	s1 =	ssub.s32 @!p0 $0x0, s1;
	[sflag:s0] =	ssyncset.done @!p0 $0x0  }
0x23d: {  	[sflag:s0] =	ssyncadd.s32 @!p0 s1  }
0x23e: {  	[bflag:$0x3] =	sbarrier.arrive $0xFFFF  }
0x23f: {  	_ =	shalt  }

</sc_bundles>
